<compile_context>
chip_gen: v7x
topology: tpu7x:2x2x1
jax: 0.10.2.dev20260603
libtpu: 0.0.44.dev20260713+nightly
codegen_flags: <defaults>
</compile_context>

<pallas_src>
import functools

import jax
import jax.numpy as jnp
from jax import lax
from jax.experimental import pallas as pl
from jax.experimental.pallas import tpu as pltpu
from jax.experimental.pallas import tpu_sc as plsc

N, E, D, DE = 10000, 320000, 128, 16
NC, NS = 2, 16
NW = NC * NS
CHUNK = 64
NCHUNK_A = 66
EA = NW * NCHUNK_A * CHUNK
EB = E - EA
NCHUNK_B = 90
NTAIL_B = EB // CHUNK - NW * NCHUNK_B
NPAD = 10240
ROWS_PER_SUB = NPAD // NS


def _proj_body(ea_ref, w_ref, b_ref, out_ref):
    out_ref[...] = (
        jnp.dot(ea_ref[...], w_ref[...], preferred_element_type=jnp.float32)
        + b_ref[...]
    )


def _edge_proj(edge_attr, w, b, ne, be):
    return pl.pallas_call(
        _proj_body,
        grid=(ne // be,),
        in_specs=[
            pl.BlockSpec((be, DE), lambda i: (i, 0)),
            pl.BlockSpec((DE, D), lambda i: (0, 0)),
            pl.BlockSpec((1, D), lambda i: (0, 0)),
        ],
        out_specs=pl.BlockSpec((be, D), lambda i: (i, 0)),
        out_shape=jax.ShapeDtypeStruct((ne, D), jnp.float32),
    )(edge_attr, w, b.reshape(1, D))


def _sc_aggregate(x, src, dst, eproj, init, nchunk, ntail):
    mesh = plsc.VectorSubcoreMesh(core_axis_name="c", subcore_axis_name="s")

    @functools.partial(
        pl.kernel,
        mesh=mesh,
        out_type=jax.ShapeDtypeStruct((NC, NPAD, D), jnp.float32),
        scratch_types=(
            [pltpu.VMEM((CHUNK,), jnp.int32)] * 2
            + [pltpu.VMEM((CHUNK,), jnp.int32)] * 3
            + [pltpu.VMEM((CHUNK, D), jnp.float32)] * 2
            + [pltpu.VMEM((CHUNK, D), jnp.float32)] * 3
            + [pltpu.VMEM_SHARED((NPAD, D), jnp.float32)]
            + [pltpu.SemaphoreType.DMA] * 13
        ),
    )
    def k(x_hbm, src_hbm, dst_hbm, ep_hbm, init_hbm, out_hbm,
          sv0, sv1, dv0, dv1, dv2, xg0, xg1, ev0, ev1, ev2, aggsh,
          gsem0, gsem1, esem0, esem1, esem2, ssem0, ssem1, ssem2,
          isem0, isem1, dsem0, dsem1, dsem2):
        sv = (sv0, sv1)
        dv = (dv0, dv1, dv2)
        xg = (xg0, xg1)
        ev = (ev0, ev1, ev2)
        gsem = (gsem0, gsem1)
        esem = (esem0, esem1, esem2)
        ssem = (ssem0, ssem1, ssem2)
        isem = (isem0, isem1)
        dsem = (dsem0, dsem1, dsem2)
        cid = lax.axis_index("c")
        sid = lax.axis_index("s")
        wid = sid * NC + cid
        pltpu.sync_copy(
            init_hbm.at[cid, pl.ds(sid * ROWS_PER_SUB, ROWS_PER_SUB)],
            aggsh.at[pl.ds(sid * ROWS_PER_SUB, ROWS_PER_SUB)],
        )
        plsc.subcore_barrier()
        ebase = wid * nchunk * CHUNK

        def src_cp(c, s2):
            return pltpu.make_async_copy(
                src_hbm.at[pl.ds(ebase + c * CHUNK, CHUNK)],
                sv[s2], isem[s2])

        def dst_cp(c, s3):
            return pltpu.make_async_copy(
                dst_hbm.at[pl.ds(ebase + c * CHUNK, CHUNK)],
                dv[s3], dsem[s3])

        def gather_cp(s2):
            return pltpu.make_async_copy(
                x_hbm.at[sv[s2]], xg[s2], gsem[s2])

        def ep_cp(c, s3):
            return pltpu.make_async_copy(
                ep_hbm.at[pl.ds(ebase + c * CHUNK, CHUNK)],
                ev[s3], esem[s3])

        def scat_cp(s3):
            return pltpu.make_async_copy(
                ev[s3], aggsh.at[dv[s3]], ssem[s3])

        def compute(s2, s3):
            xb, eb = xg[s2], ev[s3]

            @pl.loop(0, CHUNK)
            def _(i):
                for j in range(D // 16):
                    sl = pl.ds(j * 16, 16)
                    eb[i, sl] = jnp.maximum(eb[i, sl] + xb[i, sl], 0.0)

        src_cp(0, 0).start()
        dst_cp(0, 0).start()
        src_cp(1, 1).start()
        src_cp(0, 0).wait()
        gather_cp(0).start()
        ep_cp(0, 0).start()
        dst_cp(1, 1).start()

        @pl.loop(0, nchunk, step=6)
        def _(g):
            for u in range(6):
                c = g + u
                s2, s3 = u % 2, u % 3
                n2, n3 = (u + 1) % 2, (u + 1) % 3
                p3 = (u - 1) % 3

                gather_cp(s2).wait()
                ep_cp(c, s3).wait()

                @pl.when(c + 1 < nchunk)
                def _():
                    src_cp(c + 1, n2).wait()
                    gather_cp(n2).start()
                    ep_cp(c + 1, n3).start()

                    @pl.when(c >= 1)
                    def _():
                        dst_cp(c + 1, n3).start()

                @pl.when(c + 2 < nchunk)
                def _():
                    src_cp(c + 2, s2).start()

                compute(s2, s3)

                dst_cp(c, s3).wait()

                @pl.when(c >= 1)
                def _():
                    scat_cp(p3).wait()

                scat_cp(s3).start(add=True)

        scat_cp((nchunk - 1) % 3).wait()

        @pl.when(wid < ntail)
        def _():
            toff = (NW * nchunk + wid) * CHUNK

            def t_src():
                return pltpu.make_async_copy(
                    src_hbm.at[pl.ds(toff, CHUNK)], sv[0], isem[0])

            def t_dst():
                return pltpu.make_async_copy(
                    dst_hbm.at[pl.ds(toff, CHUNK)], dv[0], dsem[0])

            def t_ep():
                return pltpu.make_async_copy(
                    ep_hbm.at[pl.ds(toff, CHUNK)], ev[0], esem[0])

            t_src().start()
            t_dst().start()
            t_src().wait()
            gather_cp(0).start()
            t_ep().start()
            gather_cp(0).wait()
            t_ep().wait()
            compute(0, 0)
            t_dst().wait()
            scat_cp(0).start(add=True)
            scat_cp(0).wait()

        plsc.subcore_barrier()
        pltpu.sync_copy(
            aggsh.at[pl.ds(sid * ROWS_PER_SUB, ROWS_PER_SUB)],
            out_hbm.at[cid, pl.ds(sid * ROWS_PER_SUB, ROWS_PER_SUB)],
        )

    return k(x, src, dst, eproj, init)


def _mlp_norm_body(x_ref, p_ref, w1_ref, b1_ref, w2_ref, b2_ref,
                   gw_ref, gb_ref, gs_ref, out_ref):
    h = x_ref[...] + p_ref[0] + p_ref[1]
    a = jnp.maximum(
        jnp.dot(h, w1_ref[...], preferred_element_type=jnp.float32)
        + b1_ref[...], 0.0)
    t = (jnp.dot(a, w2_ref[...], preferred_element_type=jnp.float32)
         + b2_ref[...])
    m = jnp.mean(t, axis=0, keepdims=True)
    c = t - gs_ref[...] * m
    v = jnp.mean(c * c, axis=0, keepdims=True)
    out_ref[...] = jnp.maximum(
        gw_ref[...] * c * lax.rsqrt(v + 1e-5) + gb_ref[...], 0.0)


def _mlp_norm(x, partials, W1, b1, W2, b2, gn_weight, gn_bias, gn_mean_scale):
    return pl.pallas_call(
        _mlp_norm_body,
        out_shape=jax.ShapeDtypeStruct((N, D), jnp.float32),
    )(x, partials, W1, b1.reshape(1, D), W2, b2.reshape(1, D),
      gn_weight.reshape(1, D), gn_bias.reshape(1, D),
      gn_mean_scale.reshape(1, D))


def kernel(x, edge_index, edge_attr, lin_e_W, lin_e_b, W1, b1, W2, b2,
           gn_weight, gn_bias, gn_mean_scale):
    src = edge_index[0]
    dst = edge_index[1]
    eprojA = _edge_proj(edge_attr[:EA], lin_e_W, lin_e_b, EA, 8448)
    eprojB = _edge_proj(edge_attr[EA:], lin_e_W, lin_e_b, EB, 5776)
    zeros = jnp.zeros((NC, NPAD, D), jnp.float32)
    partA = _sc_aggregate(x, src[:EA], dst[:EA], eprojA, zeros,
                          NCHUNK_A, 0)
    partials = _sc_aggregate(x, src[EA:], dst[EA:], eprojB, partA,
                             NCHUNK_B, NTAIL_B)
    return _mlp_norm(x, partials[:, :N, :], W1, b1, W2, b2,
                     gn_weight, gn_bias, gn_mean_scale)

# --- scband reference (transcript-rebuilt; emitter-appended) ---
"""Pipeline reference for scband-gnnblock-64252710748259 (READ-ONLY COPY).

The authoritative reference and input builder live on the scoring server;
editing this copy changes nothing except your own understanding.
"""

import jax, jax.numpy as jnp
import numpy as np

N, E, D, DE = 10000, 320000, 128, 16


def setup_inputs(seed: int = 0) -> dict:
    key = jax.random.key(seed)
    ks = jax.random.split(key, 8)
    x = jax.random.normal(ks[0], (N, D), dtype=jnp.float32)
    edge_index = jax.random.randint(ks[1], (2, E), 0, N, dtype=jnp.int32)
    edge_attr = jax.random.normal(ks[2], (E, DE), dtype=jnp.float32)
    s = 0.05
    lin_e_W = jax.random.normal(ks[3], (DE, D), dtype=jnp.float32) * s
    lin_e_b = jnp.zeros((D,), dtype=jnp.float32)
    W1 = jax.random.normal(ks[4], (D, D), dtype=jnp.float32) * s
    b1 = jnp.zeros((D,), dtype=jnp.float32)
    W2 = jax.random.normal(ks[5], (D, D), dtype=jnp.float32) * s
    b2 = jnp.zeros((D,), dtype=jnp.float32)
    gn_weight = jnp.ones((D,), dtype=jnp.float32)
    gn_bias = jnp.zeros((D,), dtype=jnp.float32)
    gn_mean_scale = jnp.ones((D,), dtype=jnp.float32)
    return {"x": x, "edge_index": edge_index, "edge_attr": edge_attr,
            "lin_e_W": lin_e_W, "lin_e_b": lin_e_b,
            "W1": W1, "b1": b1, "W2": W2, "b2": b2,
            "gn_weight": gn_weight, "gn_bias": gn_bias, "gn_mean_scale": gn_mean_scale}


def reference(x, edge_index, edge_attr, lin_e_W, lin_e_b, W1, b1, W2, b2, gn_weight, gn_bias, gn_mean_scale):
    # GINEConv (eps=0, train_eps=False): out_i = MLP((1+eps)*x_i + sum_{j->i} ReLU(x_j + lin(e_ji)))
    src = edge_index[0]
    dst = edge_index[1]
    e = edge_attr @ lin_e_W + lin_e_b  # edge feature projection to node dim
    msg = jax.nn.relu(x[src] + e)
    agg = jnp.zeros_like(x).at[dst].add(msg)  # scatter-add aggregation at destination nodes
    h = x + agg
    # MLP: Linear -> ReLU -> Linear
    h = jax.nn.relu(h @ W1 + b1) @ W2 + b2
    # GraphNorm over the single graph (all nodes), per-feature
    mean = jnp.mean(h, axis=0, keepdims=True)
    centered = h - gn_mean_scale * mean
    var = jnp.mean(centered * centered, axis=0, keepdims=True)
    h = gn_weight * centered / jnp.sqrt(var + 1e-5) + gn_bias
    # ReLU; dropout is identity in eval mode
    return jax.nn.relu(h)

if __name__ == "__main__":
    import jax
    _d = setup_inputs()
    print(jax.jit(kernel)(*tuple(_d.values())))

</pallas_src>

<mosaic_0001>
#map = affine_map<(d0, d1) -> (0, 0)>
#map1 = affine_map<(d0, d1) -> (0)>
#map2 = affine_map<(d0, d1) -> (0, 0, 0)>
module attributes {stable_mosaic.version = 14 : i64} {
  func.func @k(%arg0: i32, %arg1: i32, %arg2: memref<10000x128xf32, #tpu.memory_space<hbm>>, %arg3: memref<184832xi32, #tpu.memory_space<hbm>>, %arg4: memref<184832xi32, #tpu.memory_space<hbm>>, %arg5: memref<184832x128xf32, #tpu.memory_space<hbm>>, %arg6: memref<2x10240x128xf32, #tpu.memory_space<hbm>>, %arg7: memref<2x10240x128xf32, #tpu.memory_space<hbm>>, %arg8: memref<64xi32, #tpu.memory_space<vmem>>, %arg9: memref<64xi32, #tpu.memory_space<vmem>>, %arg10: memref<64xi32, #tpu.memory_space<vmem>>, %arg11: memref<64xi32, #tpu.memory_space<vmem>>, %arg12: memref<64xi32, #tpu.memory_space<vmem>>, %arg13: memref<64x128xf32, #tpu.memory_space<vmem>>, %arg14: memref<64x128xf32, #tpu.memory_space<vmem>>, %arg15: memref<64x128xf32, #tpu.memory_space<vmem>>, %arg16: memref<64x128xf32, #tpu.memory_space<vmem>>, %arg17: memref<64x128xf32, #tpu.memory_space<vmem>>, %arg18: memref<10240x128xf32, #tpu.memory_space<vmem_shared>>, %arg19: memref<!tpu.dma_semaphore, #tpu.memory_space<semaphore_mem>>, %arg20: memref<!tpu.dma_semaphore, #tpu.memory_space<semaphore_mem>>, %arg21: memref<!tpu.dma_semaphore, #tpu.memory_space<semaphore_mem>>, %arg22: memref<!tpu.dma_semaphore, #tpu.memory_space<semaphore_mem>>, %arg23: memref<!tpu.dma_semaphore, #tpu.memory_space<semaphore_mem>>, %arg24: memref<!tpu.dma_semaphore, #tpu.memory_space<semaphore_mem>>, %arg25: memref<!tpu.dma_semaphore, #tpu.memory_space<semaphore_mem>>, %arg26: memref<!tpu.dma_semaphore, #tpu.memory_space<semaphore_mem>>, %arg27: memref<!tpu.dma_semaphore, #tpu.memory_space<semaphore_mem>>, %arg28: memref<!tpu.dma_semaphore, #tpu.memory_space<semaphore_mem>>, %arg29: memref<!tpu.dma_semaphore, #tpu.memory_space<semaphore_mem>>, %arg30: memref<!tpu.dma_semaphore, #tpu.memory_space<semaphore_mem>>, %arg31: memref<!tpu.dma_semaphore, #tpu.memory_space<semaphore_mem>>) attributes {dimension_semantics = [#tpu.dimension_semantics<core_parallel>, #tpu.dimension_semantics<subcore_parallel>], iteration_bounds = array<i64: 2, 16>, scalar_prefetch = 0 : i64, scratch_operands = 24 : i64, tpu.core_type = #tpu.core_type<sc_vector_subcore>, window_params = [{transform_indices = #map}, {transform_indices = #map1}, {transform_indices = #map1}, {transform_indices = #map}, {transform_indices = #map2}, {transform_indices = #map2}]} {
    %mul3A = arith.constant 2 : i32
    %mul3A_0 = arith.muli %arg1, %mul3A : i32
    %add3A = arith.addi %mul3A_0, %arg0 : i32
    %mul3A_1 = arith.constant 640 : i32
    %mul3A_2 = arith.muli %arg1, %mul3A_1 : i32
    %mul3A_3 = arith.constant 640 : i32
    %mul3A_4 = arith.muli %arg1, %mul3A_3 : i32
    "tpu.region"() ({
      %run_scoped3A = tpu.sem_alloc : memref<!tpu.dma_semaphore, #tpu.memory_space<semaphore_mem>>
      %dma_start3A_50 = arith.constant 0 : i32
      %dma_start3A_51 = tpu.memref_slice %arg18[%mul3A_4, %dma_start3A_50] : memref<10240x128xf32, #tpu.memory_space<vmem_shared>> -> memref<640x128xf32, #tpu.memory_space<vmem_shared>>
      %dma_start3A_52 = arith.constant 0 : i32
      %dma_start3A_53 = tpu.memref_slice %arg6[%arg0, %mul3A_2, %dma_start3A_52] : memref<2x10240x128xf32, #tpu.memory_space<hbm>> -> memref<1x640x128xf32, #tpu.memory_space<hbm>>
      %dma_start3A_54 = tpu.memref_squeeze %dma_start3A_53 : memref<1x640x128xf32, #tpu.memory_space<hbm>> -> memref<640x128xf32, #tpu.memory_space<hbm>>
      tpu.enqueue_dma source(%dma_start3A_54 : memref<640x128xf32, #tpu.memory_space<hbm>>) target(%dma_start3A_51 : memref<640x128xf32, #tpu.memory_space<vmem_shared>>) target_semaphore(%run_scoped3A : memref<!tpu.dma_semaphore, #tpu.memory_space<semaphore_mem>>)
      %dma_wait3A_55 = arith.constant 0 : i32
      %dma_wait3A_56 = tpu.memref_slice %arg18[%mul3A_4, %dma_wait3A_55] : memref<10240x128xf32, #tpu.memory_space<vmem_shared>> -> memref<640x128xf32, #tpu.memory_space<vmem_shared>>
      %dma_wait3A_57 = arith.constant 0 : i32
      %dma_wait3A_58 = tpu.memref_slice %arg6[%arg0, %mul3A_2, %dma_wait3A_57] : memref<2x10240x128xf32, #tpu.memory_space<hbm>> -> memref<1x640x128xf32, #tpu.memory_space<hbm>>
      %dma_wait3A_59 = tpu.memref_squeeze %dma_wait3A_58 : memref<1x640x128xf32, #tpu.memory_space<hbm>> -> memref<640x128xf32, #tpu.memory_space<hbm>>
      tpu.wait_dma2 semaphore(%run_scoped3A : memref<!tpu.dma_semaphore, #tpu.memory_space<semaphore_mem>>) src(%dma_wait3A_59 : memref<640x128xf32, #tpu.memory_space<hbm>>) dst(%dma_wait3A_56 : memref<640x128xf32, #tpu.memory_space<vmem_shared>>)
      tpu.yield
    }) : () -> ()
    %barrier3A = arith.constant 0 : index
    tpu.barrier barrier_id(%barrier3A)
    %mul3A_5 = arith.constant 90 : i32
    %mul3A_6 = arith.muli %add3A, %mul3A_5 : i32
    %mul3A_7 = arith.constant 64 : i32
    %mul3A_8 = arith.muli %mul3A_6, %mul3A_7 : i32
    %add3A_9 = arith.constant 0 : i32
    %add3A_10 = arith.addi %mul3A_8, %add3A_9 : i32
    %dma_start3A = tpu.memref_slice %arg3[%add3A_10] : memref<184832xi32, #tpu.memory_space<hbm>> -> memref<64xi32, #tpu.memory_space<hbm>>
    %dma_start3A_11 = tpu.memref_slice %arg3[%add3A_10] : memref<184832xi32, #tpu.memory_space<hbm>> -> memref<64xi32, #tpu.memory_space<hbm>>
    tpu.enqueue_dma source(%dma_start3A_11 : memref<64xi32, #tpu.memory_space<hbm>>) target(%arg8 : memref<64xi32, #tpu.memory_space<vmem>>) target_semaphore(%arg27 : memref<!tpu.dma_semaphore, #tpu.memory_space<semaphore_mem>>)
    %add3A_12 = arith.constant 0 : i32
    %add3A_13 = arith.addi %mul3A_8, %add3A_12 : i32
    %dma_start3A_14 = tpu.memref_slice %arg4[%add3A_13] : memref<184832xi32, #tpu.memory_space<hbm>> -> memref<64xi32, #tpu.memory_space<hbm>>
    %dma_start3A_15 = tpu.memref_slice %arg4[%add3A_13] : memref<184832xi32, #tpu.memory_space<hbm>> -> memref<64xi32, #tpu.memory_space<hbm>>
    tpu.enqueue_dma source(%dma_start3A_15 : memref<64xi32, #tpu.memory_space<hbm>>) target(%arg10 : memref<64xi32, #tpu.memory_space<vmem>>) target_semaphore(%arg29 : memref<!tpu.dma_semaphore, #tpu.memory_space<semaphore_mem>>)
    %add3A_16 = arith.constant 64 : i32
    %add3A_17 = arith.addi %mul3A_8, %add3A_16 : i32
    %dma_start3A_18 = tpu.memref_slice %arg3[%add3A_17] : memref<184832xi32, #tpu.memory_space<hbm>> -> memref<64xi32, #tpu.memory_space<hbm>>
    %dma_start3A_19 = tpu.memref_slice %arg3[%add3A_17] : memref<184832xi32, #tpu.memory_space<hbm>> -> memref<64xi32, #tpu.memory_space<hbm>>
    tpu.enqueue_dma source(%dma_start3A_19 : memref<64xi32, #tpu.memory_space<hbm>>) target(%arg9 : memref<64xi32, #tpu.memory_space<vmem>>) target_semaphore(%arg28 : memref<!tpu.dma_semaphore, #tpu.memory_space<semaphore_mem>>)
    %add3A_20 = arith.constant 0 : i32
    %add3A_21 = arith.addi %mul3A_8, %add3A_20 : i32
    %dma_wait3A = tpu.memref_slice %arg3[%add3A_21] : memref<184832xi32, #tpu.memory_space<hbm>> -> memref<64xi32, #tpu.memory_space<hbm>>
    %dma_wait3A_22 = tpu.memref_slice %arg3[%add3A_21] : memref<184832xi32, #tpu.memory_space<hbm>> -> memref<64xi32, #tpu.memory_space<hbm>>
    tpu.wait_dma2 semaphore(%arg27 : memref<!tpu.dma_semaphore, #tpu.memory_space<semaphore_mem>>) src(%dma_wait3A_22 : memref<64xi32, #tpu.memory_space<hbm>>) dst(%arg8 : memref<64xi32, #tpu.memory_space<vmem>>)
    %dma_start3A_23 = arith.constant 0 : i32
    %dma_start3A_24 = arith.constant 0 : i32
    %dma_start3A_25 = tpu.memref_slice %arg2[%dma_start3A_23, %dma_start3A_24] : memref<10000x128xf32, #tpu.memory_space<hbm>> -> memref<10000x128xf32, #tpu.memory_space<hbm>>
    tpu.enqueue_indirect_dma source(%dma_start3A_25 : memref<10000x128xf32, #tpu.memory_space<hbm>>) target(%arg13 : memref<64x128xf32, #tpu.memory_space<vmem>>) offsets(%arg8 : memref<64xi32, #tpu.memory_space<vmem>>) semaphore(%arg19 : memref<!tpu.dma_semaphore, #tpu.memory_space<semaphore_mem>>)
    %add3A_26 = arith.constant 0 : i32
    %add3A_27 = arith.addi %mul3A_8, %add3A_26 : i32
    %dma_start3A_28 = arith.constant 0 : i32
    %dma_start3A_29 = tpu.memref_slice %arg5[%add3A_27, %dma_start3A_28] : memref<184832x128xf32, #tpu.memory_space<hbm>> -> memref<64x128xf32, #tpu.memory_space<hbm>>
    %dma_start3A_30 = arith.constant 0 : i32
    %dma_start3A_31 = tpu.memref_slice %arg5[%add3A_27, %dma_start3A_30] : memref<184832x128xf32, #tpu.memory_space<hbm>> -> memref<64x128xf32, #tpu.memory_space<hbm>>
    tpu.enqueue_dma source(%dma_start3A_31 : memref<64x128xf32, #tpu.memory_space<hbm>>) target(%arg15 : memref<64x128xf32, #tpu.memory_space<vmem>>) target_semaphore(%arg21 : memref<!tpu.dma_semaphore, #tpu.memory_space<semaphore_mem>>)
    %add3A_32 = arith.constant 64 : i32
    %add3A_33 = arith.addi %mul3A_8, %add3A_32 : i32
    %dma_start3A_34 = tpu.memref_slice %arg4[%add3A_33] : memref<184832xi32, #tpu.memory_space<hbm>> -> memref<64xi32, #tpu.memory_space<hbm>>
    %dma_start3A_35 = tpu.memref_slice %arg4[%add3A_33] : memref<184832xi32, #tpu.memory_space<hbm>> -> memref<64xi32, #tpu.memory_space<hbm>>
    tpu.enqueue_dma source(%dma_start3A_35 : memref<64xi32, #tpu.memory_space<hbm>>) target(%arg11 : memref<64xi32, #tpu.memory_space<vmem>>) target_semaphore(%arg30 : memref<!tpu.dma_semaphore, #tpu.memory_space<semaphore_mem>>)
    %scan3A = arith.constant 0 : i32
    %scan3A_36 = arith.constant 15 : i32
    %scan3A_37 = arith.addi %scan3A, %scan3A_36 : i32
    %scan3A_38 = arith.constant 1 : i32
    scf.for %scan3A_50 = %scan3A to %scan3A_37 step %scan3A_38  : i32 {
      %mul3A_51 = arith.constant 6 : i32
      %mul3A_52 = arith.muli %scan3A_50, %mul3A_51 : i32
      %add3A_53 = arith.constant 0 : i32
      %add3A_54 = arith.addi %add3A_53, %mul3A_52 : i32
      %add3A_55 = arith.constant 0 : i32
      %add3A_56 = arith.addi %add3A_54, %add3A_55 : i32
      %dma_wait3A_57 = arith.constant 0 : i32
      %dma_wait3A_58 = arith.constant 0 : i32
      %dma_wait3A_59 = tpu.memref_slice %arg2[%dma_wait3A_57, %dma_wait3A_58] : memref<10000x128xf32, #tpu.memory_space<hbm>> -> memref<10000x128xf32, #tpu.memory_space<hbm>>
      tpu.wait_indirect_dma semaphore(%arg19 : memref<!tpu.dma_semaphore, #tpu.memory_space<semaphore_mem>>) src(%dma_wait3A_59 : memref<10000x128xf32, #tpu.memory_space<hbm>>) dst(%arg13 : memref<64x128xf32, #tpu.memory_space<vmem>>)
      %mul3A_60 = arith.constant 64 : i32
      %mul3A_61 = arith.muli %add3A_56, %mul3A_60 : i32
      %add3A_62 = arith.addi %mul3A_8, %mul3A_61 : i32
      %dma_wait3A_63 = arith.constant 0 : i32
      %dma_wait3A_64 = tpu.memref_slice %arg5[%add3A_62, %dma_wait3A_63] : memref<184832x128xf32, #tpu.memory_space<hbm>> -> memref<64x128xf32, #tpu.memory_space<hbm>>
      %dma_wait3A_65 = arith.constant 0 : i32
      %dma_wait3A_66 = tpu.memref_slice %arg5[%add3A_62, %dma_wait3A_65] : memref<184832x128xf32, #tpu.memory_space<hbm>> -> memref<64x128xf32, #tpu.memory_space<hbm>>
      tpu.wait_dma2 semaphore(%arg21 : memref<!tpu.dma_semaphore, #tpu.memory_space<semaphore_mem>>) src(%dma_wait3A_66 : memref<64x128xf32, #tpu.memory_space<hbm>>) dst(%arg15 : memref<64x128xf32, #tpu.memory_space<vmem>>)
      %add3A_67 = arith.constant 1 : i32
      %add3A_68 = arith.addi %add3A_56, %add3A_67 : i32
      %lt3A_69 = arith.constant 90 : i32
      %lt3A_70 = arith.cmpi slt, %add3A_68, %lt3A_69 : i32
      %convert_element_type3A_71 = arith.extui %lt3A_70 : i1 to i32
      %cond3A_72 = arith.constant 0 : i32
      %cond3A_73 = arith.cmpi ne, %convert_element_type3A_71, %cond3A_72 : i32
      scf.if %cond3A_73 {
        %add3A_318 = arith.constant 1 : i32
        %add3A_319 = arith.addi %add3A_56, %add3A_318 : i32
        %mul3A_320 = arith.constant 64 : i32
        %mul3A_321 = arith.muli %add3A_319, %mul3A_320 : i32
        %add3A_322 = arith.addi %mul3A_8, %mul3A_321 : i32
        %dma_wait3A_323 = tpu.memref_slice %arg3[%add3A_322] : memref<184832xi32, #tpu.memory_space<hbm>> -> memref<64xi32, #tpu.memory_space<hbm>>
        %dma_wait3A_324 = tpu.memref_slice %arg3[%add3A_322] : memref<184832xi32, #tpu.memory_space<hbm>> -> memref<64xi32, #tpu.memory_space<hbm>>
        tpu.wait_dma2 semaphore(%arg28 : memref<!tpu.dma_semaphore, #tpu.memory_space<semaphore_mem>>) src(%dma_wait3A_324 : memref<64xi32, #tpu.memory_space<hbm>>) dst(%arg9 : memref<64xi32, #tpu.memory_space<vmem>>)
        %dma_start3A_325 = arith.constant 0 : i32
        %dma_start3A_326 = arith.constant 0 : i32
        %dma_start3A_327 = tpu.memref_slice %arg2[%dma_start3A_325, %dma_start3A_326] : memref<10000x128xf32, #tpu.memory_space<hbm>> -> memref<10000x128xf32, #tpu.memory_space<hbm>>
        tpu.enqueue_indirect_dma source(%dma_start3A_327 : memref<10000x128xf32, #tpu.memory_space<hbm>>) target(%arg14 : memref<64x128xf32, #tpu.memory_space<vmem>>) offsets(%arg9 : memref<64xi32, #tpu.memory_space<vmem>>) semaphore(%arg20 : memref<!tpu.dma_semaphore, #tpu.memory_space<semaphore_mem>>)
        %add3A_328 = arith.constant 1 : i32
        %add3A_329 = arith.addi %add3A_56, %add3A_328 : i32
        %mul3A_330 = arith.constant 64 : i32
        %mul3A_331 = arith.muli %add3A_329, %mul3A_330 : i32
        %add3A_332 = arith.addi %mul3A_8, %mul3A_331 : i32
        %dma_start3A_333 = arith.constant 0 : i32
        %dma_start3A_334 = tpu.memref_slice %arg5[%add3A_332, %dma_start3A_333] : memref<184832x128xf32, #tpu.memory_space<hbm>> -> memref<64x128xf32, #tpu.memory_space<hbm>>
        %dma_start3A_335 = arith.constant 0 : i32
        %dma_start3A_336 = tpu.memref_slice %arg5[%add3A_332, %dma_start3A_335] : memref<184832x128xf32, #tpu.memory_space<hbm>> -> memref<64x128xf32, #tpu.memory_space<hbm>>
        tpu.enqueue_dma source(%dma_start3A_336 : memref<64x128xf32, #tpu.memory_space<hbm>>) target(%arg16 : memref<64x128xf32, #tpu.memory_space<vmem>>) target_semaphore(%arg22 : memref<!tpu.dma_semaphore, #tpu.memory_space<semaphore_mem>>)
        %ge3A_337 = arith.constant 1 : i32
        %ge3A_338 = arith.cmpi sge, %add3A_56, %ge3A_337 : i32
        %convert_element_type3A_339 = arith.extui %ge3A_338 : i1 to i32
        %cond3A_340 = arith.constant 0 : i32
        %cond3A_341 = arith.cmpi ne, %convert_element_type3A_339, %cond3A_340 : i32
        scf.if %cond3A_341 {
          %add3A_342 = arith.constant 1 : i32
          %add3A_343 = arith.addi %add3A_56, %add3A_342 : i32
          %mul3A_344 = arith.constant 64 : i32
          %mul3A_345 = arith.muli %add3A_343, %mul3A_344 : i32
          %add3A_346 = arith.addi %mul3A_8, %mul3A_345 : i32
          %dma_start3A_347 = tpu.memref_slice %arg4[%add3A_346] : memref<184832xi32, #tpu.memory_space<hbm>> -> memref<64xi32, #tpu.memory_space<hbm>>
          %dma_start3A_348 = tpu.memref_slice %arg4[%add3A_346] : memref<184832xi32, #tpu.memory_space<hbm>> -> memref<64xi32, #tpu.memory_space<hbm>>
          tpu.enqueue_dma source(%dma_start3A_348 : memref<64xi32, #tpu.memory_space<hbm>>) target(%arg11 : memref<64xi32, #tpu.memory_space<vmem>>) target_semaphore(%arg30 : memref<!tpu.dma_semaphore, #tpu.memory_space<semaphore_mem>>)
        } else {
        }
      } else {
      }
      %add3A_74 = arith.constant 2 : i32
      %add3A_75 = arith.addi %add3A_56, %add3A_74 : i32
      %lt3A_76 = arith.constant 90 : i32
      %lt3A_77 = arith.cmpi slt, %add3A_75, %lt3A_76 : i32
      %convert_element_type3A_78 = arith.extui %lt3A_77 : i1 to i32
      %cond3A_79 = arith.constant 0 : i32
      %cond3A_80 = arith.cmpi ne, %convert_element_type3A_78, %cond3A_79 : i32
      scf.if %cond3A_80 {
        %add3A_318 = arith.constant 2 : i32
        %add3A_319 = arith.addi %add3A_56, %add3A_318 : i32
        %mul3A_320 = arith.constant 64 : i32
        %mul3A_321 = arith.muli %add3A_319, %mul3A_320 : i32
        %add3A_322 = arith.addi %mul3A_8, %mul3A_321 : i32
        %dma_start3A_323 = tpu.memref_slice %arg3[%add3A_322] : memref<184832xi32, #tpu.memory_space<hbm>> -> memref<64xi32, #tpu.memory_space<hbm>>
        %dma_start3A_324 = tpu.memref_slice %arg3[%add3A_322] : memref<184832xi32, #tpu.memory_space<hbm>> -> memref<64xi32, #tpu.memory_space<hbm>>
        tpu.enqueue_dma source(%dma_start3A_324 : memref<64xi32, #tpu.memory_space<hbm>>) target(%arg8 : memref<64xi32, #tpu.memory_space<vmem>>) target_semaphore(%arg27 : memref<!tpu.dma_semaphore, #tpu.memory_space<semaphore_mem>>)
      } else {
      }
      %scan3A_81 = arith.constant 0 : i32
      %scan3A_82 = arith.constant 64 : i32
      %scan3A_83 = arith.addi %scan3A_81, %scan3A_82 : i32
      %scan3A_84 = arith.constant 1 : i32
      scf.for %scan3A_318 = %scan3A_81 to %scan3A_83 step %scan3A_84  : i32 {
        %mul3A_319 = arith.constant 1 : i32
        %mul3A_320 = arith.muli %scan3A_318, %mul3A_319 : i32
        %add3A_321 = arith.constant 0 : i32
        %add3A_322 = arith.addi %add3A_321, %mul3A_320 : i32
        %get3A = arith.index_cast %add3A_322 : i32 to index
        %get3A_323 = arith.constant 0 : index
        %get3A_324 = tpu.vector_load %arg15[%get3A, %get3A_323] {strides = array<i32>} : memref<64x128xf32, #tpu.memory_space<vmem>>, vector<1x16xf32>,
        %get3A_325 = vector.shape_cast %get3A_324 : vector<1x16xf32> to vector<16xf32>
        %get3A_326 = arith.index_cast %add3A_322 : i32 to index
        %get3A_327 = arith.constant 0 : index
        %get3A_328 = tpu.vector_load %arg13[%get3A_326, %get3A_327] {strides = array<i32>} : memref<64x128xf32, #tpu.memory_space<vmem>>, vector<1x16xf32>,
        %get3A_329 = vector.shape_cast %get3A_328 : vector<1x16xf32> to vector<16xf32>
        %add3A_330 = arith.addf %get3A_325, %get3A_329 : vector<16xf32>
        %max3A = arith.constant 0.000000e+00 : f32
        %max3A_331 = vector.broadcast %max3A : f32 to vector<16xf32>
        %max3A_332 = arith.maximumf %add3A_330, %max3A_331 : vector<16xf32>
        %swap3A = arith.index_cast %add3A_322 : i32 to index
        %swap3A_333 = arith.constant 0 : index
        %swap3A_334 = tpu.vector_load %arg15[%swap3A, %swap3A_333] {strides = array<i32>} : memref<64x128xf32, #tpu.memory_space<vmem>>, vector<1x16xf32>,
        %swap3A_335 = vector.shape_cast %swap3A_334 : vector<1x16xf32> to vector<16xf32>
        %swap3A_336 = vector.shape_cast %max3A_332 : vector<16xf32> to vector<1x16xf32>
        tpu.vector_store %arg15[%swap3A, %swap3A_333], %swap3A_336 {strides = array<i32>} : memref<64x128xf32, #tpu.memory_space<vmem>>, vector<1x16xf32>,
        %get3A_337 = arith.index_cast %add3A_322 : i32 to index
        %get3A_338 = arith.constant 16 : index
        %get3A_339 = tpu.vector_load %arg15[%get3A_337, %get3A_338] {strides = array<i32>} : memref<64x128xf32, #tpu.memory_space<vmem>>, vector<1x16xf32>,
        %get3A_340 = vector.shape_cast %get3A_339 : vector<1x16xf32> to vector<16xf32>
        %get3A_341 = arith.index_cast %add3A_322 : i32 to index
        %get3A_342 = arith.constant 16 : index
        %get3A_343 = tpu.vector_load %arg13[%get3A_341, %get3A_342] {strides = array<i32>} : memref<64x128xf32, #tpu.memory_space<vmem>>, vector<1x16xf32>,
        %get3A_344 = vector.shape_cast %get3A_343 : vector<1x16xf32> to vector<16xf32>
        %add3A_345 = arith.addf %get3A_340, %get3A_344 : vector<16xf32>
        %max3A_346 = arith.constant 0.000000e+00 : f32
        %max3A_347 = vector.broadcast %max3A_346 : f32 to vector<16xf32>
        %max3A_348 = arith.maximumf %add3A_345, %max3A_347 : vector<16xf32>
        %swap3A_349 = arith.index_cast %add3A_322 : i32 to index
        %swap3A_350 = arith.constant 16 : index
        %swap3A_351 = tpu.vector_load %arg15[%swap3A_349, %swap3A_350] {strides = array<i32>} : memref<64x128xf32, #tpu.memory_space<vmem>>, vector<1x16xf32>,
        %swap3A_352 = vector.shape_cast %swap3A_351 : vector<1x16xf32> to vector<16xf32>
        %swap3A_353 = vector.shape_cast %max3A_348 : vector<16xf32> to vector<1x16xf32>
        tpu.vector_store %arg15[%swap3A_349, %swap3A_350], %swap3A_353 {strides = array<i32>} : memref<64x128xf32, #tpu.memory_space<vmem>>, vector<1x16xf32>,
        %get3A_354 = arith.index_cast %add3A_322 : i32 to index
        %get3A_355 = arith.constant 32 : index
        %get3A_356 = tpu.vector_load %arg15[%get3A_354, %get3A_355] {strides = array<i32>} : memref<64x128xf32, #tpu.memory_space<vmem>>, vector<1x16xf32>,
        %get3A_357 = vector.shape_cast %get3A_356 : vector<1x16xf32> to vector<16xf32>
        %get3A_358 = arith.index_cast %add3A_322 : i32 to index
        %get3A_359 = arith.constant 32 : index
        %get3A_360 = tpu.vector_load %arg13[%get3A_358, %get3A_359] {strides = array<i32>} : memref<64x128xf32, #tpu.memory_space<vmem>>, vector<1x16xf32>,
        %get3A_361 = vector.shape_cast %get3A_360 : vector<1x16xf32> to vector<16xf32>
        %add3A_362 = arith.addf %get3A_357, %get3A_361 : vector<16xf32>
        %max3A_363 = arith.constant 0.000000e+00 : f32
        %max3A_364 = vector.broadcast %max3A_363 : f32 to vector<16xf32>
        %max3A_365 = arith.maximumf %add3A_362, %max3A_364 : vector<16xf32>
        %swap3A_366 = arith.index_cast %add3A_322 : i32 to index
        %swap3A_367 = arith.constant 32 : index
        %swap3A_368 = tpu.vector_load %arg15[%swap3A_366, %swap3A_367] {strides = array<i32>} : memref<64x128xf32, #tpu.memory_space<vmem>>, vector<1x16xf32>,
        %swap3A_369 = vector.shape_cast %swap3A_368 : vector<1x16xf32> to vector<16xf32>
        %swap3A_370 = vector.shape_cast %max3A_365 : vector<16xf32> to vector<1x16xf32>
        tpu.vector_store %arg15[%swap3A_366, %swap3A_367], %swap3A_370 {strides = array<i32>} : memref<64x128xf32, #tpu.memory_space<vmem>>, vector<1x16xf32>,
        %get3A_371 = arith.index_cast %add3A_322 : i32 to index
        %get3A_372 = arith.constant 48 : index
        %get3A_373 = tpu.vector_load %arg15[%get3A_371, %get3A_372] {strides = array<i32>} : memref<64x128xf32, #tpu.memory_space<vmem>>, vector<1x16xf32>,
        %get3A_374 = vector.shape_cast %get3A_373 : vector<1x16xf32> to vector<16xf32>
        %get3A_375 = arith.index_cast %add3A_322 : i32 to index
        %get3A_376 = arith.constant 48 : index
        %get3A_377 = tpu.vector_load %arg13[%get3A_375, %get3A_376] {strides = array<i32>} : memref<64x128xf32, #tpu.memory_space<vmem>>, vector<1x16xf32>,
        %get3A_378 = vector.shape_cast %get3A_377 : vector<1x16xf32> to vector<16xf32>
        %add3A_379 = arith.addf %get3A_374, %get3A_378 : vector<16xf32>
        %max3A_380 = arith.constant 0.000000e+00 : f32
        %max3A_381 = vector.broadcast %max3A_380 : f32 to vector<16xf32>
        %max3A_382 = arith.maximumf %add3A_379, %max3A_381 : vector<16xf32>
        %swap3A_383 = arith.index_cast %add3A_322 : i32 to index
        %swap3A_384 = arith.constant 48 : index
        %swap3A_385 = tpu.vector_load %arg15[%swap3A_383, %swap3A_384] {strides = array<i32>} : memref<64x128xf32, #tpu.memory_space<vmem>>, vector<1x16xf32>,
        %swap3A_386 = vector.shape_cast %swap3A_385 : vector<1x16xf32> to vector<16xf32>
        %swap3A_387 = vector.shape_cast %max3A_382 : vector<16xf32> to vector<1x16xf32>
        tpu.vector_store %arg15[%swap3A_383, %swap3A_384], %swap3A_387 {strides = array<i32>} : memref<64x128xf32, #tpu.memory_space<vmem>>, vector<1x16xf32>,
        %get3A_388 = arith.index_cast %add3A_322 : i32 to index
        %get3A_389 = arith.constant 64 : index
        %get3A_390 = tpu.vector_load %arg15[%get3A_388, %get3A_389] {strides = array<i32>} : memref<64x128xf32, #tpu.memory_space<vmem>>, vector<1x16xf32>,
        %get3A_391 = vector.shape_cast %get3A_390 : vector<1x16xf32> to vector<16xf32>
        %get3A_392 = arith.index_cast %add3A_322 : i32 to index
        %get3A_393 = arith.constant 64 : index
        %get3A_394 = tpu.vector_load %arg13[%get3A_392, %get3A_393] {strides = array<i32>} : memref<64x128xf32, #tpu.memory_space<vmem>>, vector<1x16xf32>,
        %get3A_395 = vector.shape_cast %get3A_394 : vector<1x16xf32> to vector<16xf32>
        %add3A_396 = arith.addf %get3A_391, %get3A_395 : vector<16xf32>
        %max3A_397 = arith.constant 0.000000e+00 : f32
        %max3A_398 = vector.broadcast %max3A_397 : f32 to vector<16xf32>
        %max3A_399 = arith.maximumf %add3A_396, %max3A_398 : vector<16xf32>
        %swap3A_400 = arith.index_cast %add3A_322 : i32 to index
        %swap3A_401 = arith.constant 64 : index
        %swap3A_402 = tpu.vector_load %arg15[%swap3A_400, %swap3A_401] {strides = array<i32>} : memref<64x128xf32, #tpu.memory_space<vmem>>, vector<1x16xf32>,
        %swap3A_403 = vector.shape_cast %swap3A_402 : vector<1x16xf32> to vector<16xf32>
        %swap3A_404 = vector.shape_cast %max3A_399 : vector<16xf32> to vector<1x16xf32>
        tpu.vector_store %arg15[%swap3A_400, %swap3A_401], %swap3A_404 {strides = array<i32>} : memref<64x128xf32, #tpu.memory_space<vmem>>, vector<1x16xf32>,
        %get3A_405 = arith.index_cast %add3A_322 : i32 to index
        %get3A_406 = arith.constant 80 : index
        %get3A_407 = tpu.vector_load %arg15[%get3A_405, %get3A_406] {strides = array<i32>} : memref<64x128xf32, #tpu.memory_space<vmem>>, vector<1x16xf32>,
        %get3A_408 = vector.shape_cast %get3A_407 : vector<1x16xf32> to vector<16xf32>
        %get3A_409 = arith.index_cast %add3A_322 : i32 to index
        %get3A_410 = arith.constant 80 : index
        %get3A_411 = tpu.vector_load %arg13[%get3A_409, %get3A_410] {strides = array<i32>} : memref<64x128xf32, #tpu.memory_space<vmem>>, vector<1x16xf32>,
        %get3A_412 = vector.shape_cast %get3A_411 : vector<1x16xf32> to vector<16xf32>
        %add3A_413 = arith.addf %get3A_408, %get3A_412 : vector<16xf32>
        %max3A_414 = arith.constant 0.000000e+00 : f32
        %max3A_415 = vector.broadcast %max3A_414 : f32 to vector<16xf32>
        %max3A_416 = arith.maximumf %add3A_413, %max3A_415 : vector<16xf32>
        %swap3A_417 = arith.index_cast %add3A_322 : i32 to index
        %swap3A_418 = arith.constant 80 : index
        %swap3A_419 = tpu.vector_load %arg15[%swap3A_417, %swap3A_418] {strides = array<i32>} : memref<64x128xf32, #tpu.memory_space<vmem>>, vector<1x16xf32>,
        %swap3A_420 = vector.shape_cast %swap3A_419 : vector<1x16xf32> to vector<16xf32>
        %swap3A_421 = vector.shape_cast %max3A_416 : vector<16xf32> to vector<1x16xf32>
        tpu.vector_store %arg15[%swap3A_417, %swap3A_418], %swap3A_421 {strides = array<i32>} : memref<64x128xf32, #tpu.memory_space<vmem>>, vector<1x16xf32>,
        %get3A_422 = arith.index_cast %add3A_322 : i32 to index
        %get3A_423 = arith.constant 96 : index
        %get3A_424 = tpu.vector_load %arg15[%get3A_422, %get3A_423] {strides = array<i32>} : memref<64x128xf32, #tpu.memory_space<vmem>>, vector<1x16xf32>,
        %get3A_425 = vector.shape_cast %get3A_424 : vector<1x16xf32> to vector<16xf32>
        %get3A_426 = arith.index_cast %add3A_322 : i32 to index
        %get3A_427 = arith.constant 96 : index
        %get3A_428 = tpu.vector_load %arg13[%get3A_426, %get3A_427] {strides = array<i32>} : memref<64x128xf32, #tpu.memory_space<vmem>>, vector<1x16xf32>,
        %get3A_429 = vector.shape_cast %get3A_428 : vector<1x16xf32> to vector<16xf32>
        %add3A_430 = arith.addf %get3A_425, %get3A_429 : vector<16xf32>
        %max3A_431 = arith.constant 0.000000e+00 : f32
        %max3A_432 = vector.broadcast %max3A_431 : f32 to vector<16xf32>
        %max3A_433 = arith.maximumf %add3A_430, %max3A_432 : vector<16xf32>
        %swap3A_434 = arith.index_cast %add3A_322 : i32 to index
        %swap3A_435 = arith.constant 96 : index
        %swap3A_436 = tpu.vector_load %arg15[%swap3A_434, %swap3A_435] {strides = array<i32>} : memref<64x128xf32, #tpu.memory_space<vmem>>, vector<1x16xf32>,
        %swap3A_437 = vector.shape_cast %swap3A_436 : vector<1x16xf32> to vector<16xf32>
        %swap3A_438 = vector.shape_cast %max3A_433 : vector<16xf32> to vector<1x16xf32>
        tpu.vector_store %arg15[%swap3A_434, %swap3A_435], %swap3A_438 {strides = array<i32>} : memref<64x128xf32, #tpu.memory_space<vmem>>, vector<1x16xf32>,
        %get3A_439 = arith.index_cast %add3A_322 : i32 to index
        %get3A_440 = arith.constant 112 : index
        %get3A_441 = tpu.vector_load %arg15[%get3A_439, %get3A_440] {strides = array<i32>} : memref<64x128xf32, #tpu.memory_space<vmem>>, vector<1x16xf32>,
        %get3A_442 = vector.shape_cast %get3A_441 : vector<1x16xf32> to vector<16xf32>
        %get3A_443 = arith.index_cast %add3A_322 : i32 to index
        %get3A_444 = arith.constant 112 : index
        %get3A_445 = tpu.vector_load %arg13[%get3A_443, %get3A_444] {strides = array<i32>} : memref<64x128xf32, #tpu.memory_space<vmem>>, vector<1x16xf32>,
        %get3A_446 = vector.shape_cast %get3A_445 : vector<1x16xf32> to vector<16xf32>
        %add3A_447 = arith.addf %get3A_442, %get3A_446 : vector<16xf32>
        %max3A_448 = arith.constant 0.000000e+00 : f32
        %max3A_449 = vector.broadcast %max3A_448 : f32 to vector<16xf32>
        %max3A_450 = arith.maximumf %add3A_447, %max3A_449 : vector<16xf32>
        %swap3A_451 = arith.index_cast %add3A_322 : i32 to index
        %swap3A_452 = arith.constant 112 : index
        %swap3A_453 = tpu.vector_load %arg15[%swap3A_451, %swap3A_452] {strides = array<i32>} : memref<64x128xf32, #tpu.memory_space<vmem>>, vector<1x16xf32>,
        %swap3A_454 = vector.shape_cast %swap3A_453 : vector<1x16xf32> to vector<16xf32>
        %swap3A_455 = vector.shape_cast %max3A_450 : vector<16xf32> to vector<1x16xf32>
        tpu.vector_store %arg15[%swap3A_451, %swap3A_452], %swap3A_455 {strides = array<i32>} : memref<64x128xf32, #tpu.memory_space<vmem>>, vector<1x16xf32>,
      }
      %scan3A_85 = arith.constant 64 : i32
      %mul3A_86 = arith.constant 64 : i32
      %mul3A_87 = arith.muli %add3A_56, %mul3A_86 : i32
      %add3A_88 = arith.addi %mul3A_8, %mul3A_87 : i32
      %dma_wait3A_89 = tpu.memref_slice %arg4[%add3A_88] : memref<184832xi32, #tpu.memory_space<hbm>> -> memref<64xi32, #tpu.memory_space<hbm>>
      %dma_wait3A_90 = tpu.memref_slice %arg4[%add3A_88] : memref<184832xi32, #tpu.memory_space<hbm>> -> memref<64xi32, #tpu.memory_space<hbm>>
      tpu.wait_dma2 semaphore(%arg29 : memref<!tpu.dma_semaphore, #tpu.memory_space<semaphore_mem>>) src(%dma_wait3A_90 : memref<64xi32, #tpu.memory_space<hbm>>) dst(%arg10 : memref<64xi32, #tpu.memory_space<vmem>>)
      %ge3A = arith.constant 1 : i32
      %ge3A_91 = arith.cmpi sge, %add3A_56, %ge3A : i32
      %convert_element_type3A_92 = arith.extui %ge3A_91 : i1 to i32
      %cond3A_93 = arith.constant 0 : i32
      %cond3A_94 = arith.cmpi ne, %convert_element_type3A_92, %cond3A_93 : i32
      scf.if %cond3A_94 {
        %dma_wait3A_318 = arith.constant 0 : i32
        %dma_wait3A_319 = arith.constant 0 : i32
        %dma_wait3A_320 = tpu.memref_slice %arg18[%dma_wait3A_318, %dma_wait3A_319] : memref<10240x128xf32, #tpu.memory_space<vmem_shared>> -> memref<10240x128xf32, #tpu.memory_space<vmem_shared>>
        tpu.wait_indirect_dma semaphore(%arg26 : memref<!tpu.dma_semaphore, #tpu.memory_space<semaphore_mem>>) src(%arg17 : memref<64x128xf32, #tpu.memory_space<vmem>>) dst(%dma_wait3A_320 : memref<10240x128xf32, #tpu.memory_space<vmem_shared>>)
      } else {
      }
      %dma_start3A_95 = arith.constant 0 : i32
      %dma_start3A_96 = arith.constant 0 : i32
      %dma_start3A_97 = tpu.memref_slice %arg18[%dma_start3A_95, %dma_start3A_96] : memref<10240x128xf32, #tpu.memory_space<vmem_shared>> -> memref<10240x128xf32, #tpu.memory_space<vmem_shared>>
      tpu.enqueue_indirect_dma source(%arg15 : memref<64x128xf32, #tpu.memory_space<vmem>>) target(%dma_start3A_97 : memref<10240x128xf32, #tpu.memory_space<vmem_shared>>) offsets(%arg10 : memref<64xi32, #tpu.memory_space<vmem>>) semaphore(%arg24 : memref<!tpu.dma_semaphore, #tpu.memory_space<semaphore_mem>>) {add = true}
      %add3A_98 = arith.constant 1 : i32
      %add3A_99 = arith.addi %add3A_54, %add3A_98 : i32
      %dma_wait3A_100 = arith.constant 0 : i32
      %dma_wait3A_101 = arith.constant 0 : i32
      %dma_wait3A_102 = tpu.memref_slice %arg2[%dma_wait3A_100, %dma_wait3A_101] : memref<10000x128xf32, #tpu.memory_space<hbm>> -> memref<10000x128xf32, #tpu.memory_space<hbm>>
      tpu.wait_indirect_dma semaphore(%arg20 : memref<!tpu.dma_semaphore, #tpu.memory_space<semaphore_mem>>) src(%dma_wait3A_102 : memref<10000x128xf32, #tpu.memory_space<hbm>>) dst(%arg14 : memref<64x128xf32, #tpu.memory_space<vmem>>)
      %mul3A_103 = arith.constant 64 : i32
      %mul3A_104 = arith.muli %add3A_99, %mul3A_103 : i32
      %add3A_105 = arith.addi %mul3A_8, %mul3A_104 : i32
      %dma_wait3A_106 = arith.constant 0 : i32
      %dma_wait3A_107 = tpu.memref_slice %arg5[%add3A_105, %dma_wait3A_106] : memref<184832x128xf32, #tpu.memory_space<hbm>> -> memref<64x128xf32, #tpu.memory_space<hbm>>
      %dma_wait3A_108 = arith.constant 0 : i32
      %dma_wait3A_109 = tpu.memref_slice %arg5[%add3A_105, %dma_wait3A_108] : memref<184832x128xf32, #tpu.memory_space<hbm>> -> memref<64x128xf32, #tpu.memory_space<hbm>>
      tpu.wait_dma2 semaphore(%arg22 : memref<!tpu.dma_semaphore, #tpu.memory_space<semaphore_mem>>) src(%dma_wait3A_109 : memref<64x128xf32, #tpu.memory_space<hbm>>) dst(%arg16 : memref<64x128xf32, #tpu.memory_space<vmem>>)
      %add3A_110 = arith.constant 1 : i32
      %add3A_111 = arith.addi %add3A_99, %add3A_110 : i32
      %lt3A_112 = arith.constant 90 : i32
      %lt3A_113 = arith.cmpi slt, %add3A_111, %lt3A_112 : i32
      %convert_element_type3A_114 = arith.extui %lt3A_113 : i1 to i32
      %cond3A_115 = arith.constant 0 : i32
      %cond3A_116 = arith.cmpi ne, %convert_element_type3A_114, %cond3A_115 : i32
      scf.if %cond3A_116 {
        %add3A_318 = arith.constant 1 : i32
        %add3A_319 = arith.addi %add3A_99, %add3A_318 : i32
        %mul3A_320 = arith.constant 64 : i32
        %mul3A_321 = arith.muli %add3A_319, %mul3A_320 : i32
        %add3A_322 = arith.addi %mul3A_8, %mul3A_321 : i32
        %dma_wait3A_323 = tpu.memref_slice %arg3[%add3A_322] : memref<184832xi32, #tpu.memory_space<hbm>> -> memref<64xi32, #tpu.memory_space<hbm>>
        %dma_wait3A_324 = tpu.memref_slice %arg3[%add3A_322] : memref<184832xi32, #tpu.memory_space<hbm>> -> memref<64xi32, #tpu.memory_space<hbm>>
        tpu.wait_dma2 semaphore(%arg27 : memref<!tpu.dma_semaphore, #tpu.memory_space<semaphore_mem>>) src(%dma_wait3A_324 : memref<64xi32, #tpu.memory_space<hbm>>) dst(%arg8 : memref<64xi32, #tpu.memory_space<vmem>>)
        %dma_start3A_325 = arith.constant 0 : i32
        %dma_start3A_326 = arith.constant 0 : i32
        %dma_start3A_327 = tpu.memref_slice %arg2[%dma_start3A_325, %dma_start3A_326] : memref<10000x128xf32, #tpu.memory_space<hbm>> -> memref<10000x128xf32, #tpu.memory_space<hbm>>
        tpu.enqueue_indirect_dma source(%dma_start3A_327 : memref<10000x128xf32, #tpu.memory_space<hbm>>) target(%arg13 : memref<64x128xf32, #tpu.memory_space<vmem>>) offsets(%arg8 : memref<64xi32, #tpu.memory_space<vmem>>) semaphore(%arg19 : memref<!tpu.dma_semaphore, #tpu.memory_space<semaphore_mem>>)
        %add3A_328 = arith.constant 1 : i32
        %add3A_329 = arith.addi %add3A_99, %add3A_328 : i32
        %mul3A_330 = arith.constant 64 : i32
        %mul3A_331 = arith.muli %add3A_329, %mul3A_330 : i32
        %add3A_332 = arith.addi %mul3A_8, %mul3A_331 : i32
        %dma_start3A_333 = arith.constant 0 : i32
        %dma_start3A_334 = tpu.memref_slice %arg5[%add3A_332, %dma_start3A_333] : memref<184832x128xf32, #tpu.memory_space<hbm>> -> memref<64x128xf32, #tpu.memory_space<hbm>>
        %dma_start3A_335 = arith.constant 0 : i32
        %dma_start3A_336 = tpu.memref_slice %arg5[%add3A_332, %dma_start3A_335] : memref<184832x128xf32, #tpu.memory_space<hbm>> -> memref<64x128xf32, #tpu.memory_space<hbm>>
        tpu.enqueue_dma source(%dma_start3A_336 : memref<64x128xf32, #tpu.memory_space<hbm>>) target(%arg17 : memref<64x128xf32, #tpu.memory_space<vmem>>) target_semaphore(%arg23 : memref<!tpu.dma_semaphore, #tpu.memory_space<semaphore_mem>>)
        %ge3A_337 = arith.constant 1 : i32
        %ge3A_338 = arith.cmpi sge, %add3A_99, %ge3A_337 : i32
        %convert_element_type3A_339 = arith.extui %ge3A_338 : i1 to i32
        %cond3A_340 = arith.constant 0 : i32
        %cond3A_341 = arith.cmpi ne, %convert_element_type3A_339, %cond3A_340 : i32
        scf.if %cond3A_341 {
          %add3A_342 = arith.constant 1 : i32
          %add3A_343 = arith.addi %add3A_99, %add3A_342 : i32
          %mul3A_344 = arith.constant 64 : i32
          %mul3A_345 = arith.muli %add3A_343, %mul3A_344 : i32
          %add3A_346 = arith.addi %mul3A_8, %mul3A_345 : i32
          %dma_start3A_347 = tpu.memref_slice %arg4[%add3A_346] : memref<184832xi32, #tpu.memory_space<hbm>> -> memref<64xi32, #tpu.memory_space<hbm>>
          %dma_start3A_348 = tpu.memref_slice %arg4[%add3A_346] : memref<184832xi32, #tpu.memory_space<hbm>> -> memref<64xi32, #tpu.memory_space<hbm>>
          tpu.enqueue_dma source(%dma_start3A_348 : memref<64xi32, #tpu.memory_space<hbm>>) target(%arg12 : memref<64xi32, #tpu.memory_space<vmem>>) target_semaphore(%arg31 : memref<!tpu.dma_semaphore, #tpu.memory_space<semaphore_mem>>)
        } else {
        }
      } else {
      }
      %add3A_117 = arith.constant 2 : i32
      %add3A_118 = arith.addi %add3A_99, %add3A_117 : i32
      %lt3A_119 = arith.constant 90 : i32
      %lt3A_120 = arith.cmpi slt, %add3A_118, %lt3A_119 : i32
      %convert_element_type3A_121 = arith.extui %lt3A_120 : i1 to i32
      %cond3A_122 = arith.constant 0 : i32
      %cond3A_123 = arith.cmpi ne, %convert_element_type3A_121, %cond3A_122 : i32
      scf.if %cond3A_123 {
        %add3A_318 = arith.constant 2 : i32
        %add3A_319 = arith.addi %add3A_99, %add3A_318 : i32
        %mul3A_320 = arith.constant 64 : i32
        %mul3A_321 = arith.muli %add3A_319, %mul3A_320 : i32
        %add3A_322 = arith.addi %mul3A_8, %mul3A_321 : i32
        %dma_start3A_323 = tpu.memref_slice %arg3[%add3A_322] : memref<184832xi32, #tpu.memory_space<hbm>> -> memref<64xi32, #tpu.memory_space<hbm>>
        %dma_start3A_324 = tpu.memref_slice %arg3[%add3A_322] : memref<184832xi32, #tpu.memory_space<hbm>> -> memref<64xi32, #tpu.memory_space<hbm>>
        tpu.enqueue_dma source(%dma_start3A_324 : memref<64xi32, #tpu.memory_space<hbm>>) target(%arg9 : memref<64xi32, #tpu.memory_space<vmem>>) target_semaphore(%arg28 : memref<!tpu.dma_semaphore, #tpu.memory_space<semaphore_mem>>)
      } else {
      }
      %scan3A_124 = arith.constant 0 : i32
      %scan3A_125 = arith.constant 64 : i32
      %scan3A_126 = arith.addi %scan3A_124, %scan3A_125 : i32
      %scan3A_127 = arith.constant 1 : i32
      scf.for %scan3A_318 = %scan3A_124 to %scan3A_126 step %scan3A_127  : i32 {
        %mul3A_319 = arith.constant 1 : i32
        %mul3A_320 = arith.muli %scan3A_318, %mul3A_319 : i32
        %add3A_321 = arith.constant 0 : i32
        %add3A_322 = arith.addi %add3A_321, %mul3A_320 : i32
        %get3A = arith.index_cast %add3A_322 : i32 to index
        %get3A_323 = arith.constant 0 : index
        %get3A_324 = tpu.vector_load %arg16[%get3A, %get3A_323] {strides = array<i32>} : memref<64x128xf32, #tpu.memory_space<vmem>>, vector<1x16xf32>,
        %get3A_325 = vector.shape_cast %get3A_324 : vector<1x16xf32> to vector<16xf32>
        %get3A_326 = arith.index_cast %add3A_322 : i32 to index
        %get3A_327 = arith.constant 0 : index
        %get3A_328 = tpu.vector_load %arg14[%get3A_326, %get3A_327] {strides = array<i32>} : memref<64x128xf32, #tpu.memory_space<vmem>>, vector<1x16xf32>,
        %get3A_329 = vector.shape_cast %get3A_328 : vector<1x16xf32> to vector<16xf32>
        %add3A_330 = arith.addf %get3A_325, %get3A_329 : vector<16xf32>
        %max3A = arith.constant 0.000000e+00 : f32
        %max3A_331 = vector.broadcast %max3A : f32 to vector<16xf32>
        %max3A_332 = arith.maximumf %add3A_330, %max3A_331 : vector<16xf32>
        %swap3A = arith.index_cast %add3A_322 : i32 to index
        %swap3A_333 = arith.constant 0 : index
        %swap3A_334 = tpu.vector_load %arg16[%swap3A, %swap3A_333] {strides = array<i32>} : memref<64x128xf32, #tpu.memory_space<vmem>>, vector<1x16xf32>,
        %swap3A_335 = vector.shape_cast %swap3A_334 : vector<1x16xf32> to vector<16xf32>
        %swap3A_336 = vector.shape_cast %max3A_332 : vector<16xf32> to vector<1x16xf32>
        tpu.vector_store %arg16[%swap3A, %swap3A_333], %swap3A_336 {strides = array<i32>} : memref<64x128xf32, #tpu.memory_space<vmem>>, vector<1x16xf32>,
        %get3A_337 = arith.index_cast %add3A_322 : i32 to index
        %get3A_338 = arith.constant 16 : index
        %get3A_339 = tpu.vector_load %arg16[%get3A_337, %get3A_338] {strides = array<i32>} : memref<64x128xf32, #tpu.memory_space<vmem>>, vector<1x16xf32>,
        %get3A_340 = vector.shape_cast %get3A_339 : vector<1x16xf32> to vector<16xf32>
        %get3A_341 = arith.index_cast %add3A_322 : i32 to index
        %get3A_342 = arith.constant 16 : index
        %get3A_343 = tpu.vector_load %arg14[%get3A_341, %get3A_342] {strides = array<i32>} : memref<64x128xf32, #tpu.memory_space<vmem>>, vector<1x16xf32>,
        %get3A_344 = vector.shape_cast %get3A_343 : vector<1x16xf32> to vector<16xf32>
        %add3A_345 = arith.addf %get3A_340, %get3A_344 : vector<16xf32>
        %max3A_346 = arith.constant 0.000000e+00 : f32
        %max3A_347 = vector.broadcast %max3A_346 : f32 to vector<16xf32>
        %max3A_348 = arith.maximumf %add3A_345, %max3A_347 : vector<16xf32>
        %swap3A_349 = arith.index_cast %add3A_322 : i32 to index
        %swap3A_350 = arith.constant 16 : index
        %swap3A_351 = tpu.vector_load %arg16[%swap3A_349, %swap3A_350] {strides = array<i32>} : memref<64x128xf32, #tpu.memory_space<vmem>>, vector<1x16xf32>,
        %swap3A_352 = vector.shape_cast %swap3A_351 : vector<1x16xf32> to vector<16xf32>
        %swap3A_353 = vector.shape_cast %max3A_348 : vector<16xf32> to vector<1x16xf32>
        tpu.vector_store %arg16[%swap3A_349, %swap3A_350], %swap3A_353 {strides = array<i32>} : memref<64x128xf32, #tpu.memory_space<vmem>>, vector<1x16xf32>,
        %get3A_354 = arith.index_cast %add3A_322 : i32 to index
        %get3A_355 = arith.constant 32 : index
        %get3A_356 = tpu.vector_load %arg16[%get3A_354, %get3A_355] {strides = array<i32>} : memref<64x128xf32, #tpu.memory_space<vmem>>, vector<1x16xf32>,
        %get3A_357 = vector.shape_cast %get3A_356 : vector<1x16xf32> to vector<16xf32>
        %get3A_358 = arith.index_cast %add3A_322 : i32 to index
        %get3A_359 = arith.constant 32 : index
        %get3A_360 = tpu.vector_load %arg14[%get3A_358, %get3A_359] {strides = array<i32>} : memref<64x128xf32, #tpu.memory_space<vmem>>, vector<1x16xf32>,
        %get3A_361 = vector.shape_cast %get3A_360 : vector<1x16xf32> to vector<16xf32>
        %add3A_362 = arith.addf %get3A_357, %get3A_361 : vector<16xf32>
        %max3A_363 = arith.constant 0.000000e+00 : f32
        %max3A_364 = vector.broadcast %max3A_363 : f32 to vector<16xf32>
        %max3A_365 = arith.maximumf %add3A_362, %max3A_364 : vector<16xf32>
        %swap3A_366 = arith.index_cast %add3A_322 : i32 to index
        %swap3A_367 = arith.constant 32 : index
        %swap3A_368 = tpu.vector_load %arg16[%swap3A_366, %swap3A_367] {strides = array<i32>} : memref<64x128xf32, #tpu.memory_space<vmem>>, vector<1x16xf32>,
        %swap3A_369 = vector.shape_cast %swap3A_368 : vector<1x16xf32> to vector<16xf32>
        %swap3A_370 = vector.shape_cast %max3A_365 : vector<16xf32> to vector<1x16xf32>
        tpu.vector_store %arg16[%swap3A_366, %swap3A_367], %swap3A_370 {strides = array<i32>} : memref<64x128xf32, #tpu.memory_space<vmem>>, vector<1x16xf32>,
        %get3A_371 = arith.index_cast %add3A_322 : i32 to index
        %get3A_372 = arith.constant 48 : index
        %get3A_373 = tpu.vector_load %arg16[%get3A_371, %get3A_372] {strides = array<i32>} : memref<64x128xf32, #tpu.memory_space<vmem>>, vector<1x16xf32>,
        %get3A_374 = vector.shape_cast %get3A_373 : vector<1x16xf32> to vector<16xf32>
        %get3A_375 = arith.index_cast %add3A_322 : i32 to index
        %get3A_376 = arith.constant 48 : index
        %get3A_377 = tpu.vector_load %arg14[%get3A_375, %get3A_376] {strides = array<i32>} : memref<64x128xf32, #tpu.memory_space<vmem>>, vector<1x16xf32>,
        %get3A_378 = vector.shape_cast %get3A_377 : vector<1x16xf32> to vector<16xf32>
        %add3A_379 = arith.addf %get3A_374, %get3A_378 : vector<16xf32>
        %max3A_380 = arith.constant 0.000000e+00 : f32
        %max3A_381 = vector.broadcast %max3A_380 : f32 to vector<16xf32>
        %max3A_382 = arith.maximumf %add3A_379, %max3A_381 : vector<16xf32>
        %swap3A_383 = arith.index_cast %add3A_322 : i32 to index
        %swap3A_384 = arith.constant 48 : index
        %swap3A_385 = tpu.vector_load %arg16[%swap3A_383, %swap3A_384] {strides = array<i32>} : memref<64x128xf32, #tpu.memory_space<vmem>>, vector<1x16xf32>,
        %swap3A_386 = vector.shape_cast %swap3A_385 : vector<1x16xf32> to vector<16xf32>
        %swap3A_387 = vector.shape_cast %max3A_382 : vector<16xf32> to vector<1x16xf32>
        tpu.vector_store %arg16[%swap3A_383, %swap3A_384], %swap3A_387 {strides = array<i32>} : memref<64x128xf32, #tpu.memory_space<vmem>>, vector<1x16xf32>,
        %get3A_388 = arith.index_cast %add3A_322 : i32 to index
        %get3A_389 = arith.constant 64 : index
        %get3A_390 = tpu.vector_load %arg16[%get3A_388, %get3A_389] {strides = array<i32>} : memref<64x128xf32, #tpu.memory_space<vmem>>, vector<1x16xf32>,
        %get3A_391 = vector.shape_cast %get3A_390 : vector<1x16xf32> to vector<16xf32>
        %get3A_392 = arith.index_cast %add3A_322 : i32 to index
        %get3A_393 = arith.constant 64 : index
        %get3A_394 = tpu.vector_load %arg14[%get3A_392, %get3A_393] {strides = array<i32>} : memref<64x128xf32, #tpu.memory_space<vmem>>, vector<1x16xf32>,
        %get3A_395 = vector.shape_cast %get3A_394 : vector<1x16xf32> to vector<16xf32>
        %add3A_396 = arith.addf %get3A_391, %get3A_395 : vector<16xf32>
        %max3A_397 = arith.constant 0.000000e+00 : f32
        %max3A_398 = vector.broadcast %max3A_397 : f32 to vector<16xf32>
        %max3A_399 = arith.maximumf %add3A_396, %max3A_398 : vector<16xf32>
        %swap3A_400 = arith.index_cast %add3A_322 : i32 to index
        %swap3A_401 = arith.constant 64 : index
        %swap3A_402 = tpu.vector_load %arg16[%swap3A_400, %swap3A_401] {strides = array<i32>} : memref<64x128xf32, #tpu.memory_space<vmem>>, vector<1x16xf32>,
        %swap3A_403 = vector.shape_cast %swap3A_402 : vector<1x16xf32> to vector<16xf32>
        %swap3A_404 = vector.shape_cast %max3A_399 : vector<16xf32> to vector<1x16xf32>
        tpu.vector_store %arg16[%swap3A_400, %swap3A_401], %swap3A_404 {strides = array<i32>} : memref<64x128xf32, #tpu.memory_space<vmem>>, vector<1x16xf32>,
        %get3A_405 = arith.index_cast %add3A_322 : i32 to index
        %get3A_406 = arith.constant 80 : index
        %get3A_407 = tpu.vector_load %arg16[%get3A_405, %get3A_406] {strides = array<i32>} : memref<64x128xf32, #tpu.memory_space<vmem>>, vector<1x16xf32>,
        %get3A_408 = vector.shape_cast %get3A_407 : vector<1x16xf32> to vector<16xf32>
        %get3A_409 = arith.index_cast %add3A_322 : i32 to index
        %get3A_410 = arith.constant 80 : index
        %get3A_411 = tpu.vector_load %arg14[%get3A_409, %get3A_410] {strides = array<i32>} : memref<64x128xf32, #tpu.memory_space<vmem>>, vector<1x16xf32>,
        %get3A_412 = vector.shape_cast %get3A_411 : vector<1x16xf32> to vector<16xf32>
        %add3A_413 = arith.addf %get3A_408, %get3A_412 : vector<16xf32>
        %max3A_414 = arith.constant 0.000000e+00 : f32
        %max3A_415 = vector.broadcast %max3A_414 : f32 to vector<16xf32>
        %max3A_416 = arith.maximumf %add3A_413, %max3A_415 : vector<16xf32>
        %swap3A_417 = arith.index_cast %add3A_322 : i32 to index
        %swap3A_418 = arith.constant 80 : index
        %swap3A_419 = tpu.vector_load %arg16[%swap3A_417, %swap3A_418] {strides = array<i32>} : memref<64x128xf32, #tpu.memory_space<vmem>>, vector<1x16xf32>,
        %swap3A_420 = vector.shape_cast %swap3A_419 : vector<1x16xf32> to vector<16xf32>
        %swap3A_421 = vector.shape_cast %max3A_416 : vector<16xf32> to vector<1x16xf32>
        tpu.vector_store %arg16[%swap3A_417, %swap3A_418], %swap3A_421 {strides = array<i32>} : memref<64x128xf32, #tpu.memory_space<vmem>>, vector<1x16xf32>,
        %get3A_422 = arith.index_cast %add3A_322 : i32 to index
        %get3A_423 = arith.constant 96 : index
        %get3A_424 = tpu.vector_load %arg16[%get3A_422, %get3A_423] {strides = array<i32>} : memref<64x128xf32, #tpu.memory_space<vmem>>, vector<1x16xf32>,
        %get3A_425 = vector.shape_cast %get3A_424 : vector<1x16xf32> to vector<16xf32>
        %get3A_426 = arith.index_cast %add3A_322 : i32 to index
        %get3A_427 = arith.constant 96 : index
        %get3A_428 = tpu.vector_load %arg14[%get3A_426, %get3A_427] {strides = array<i32>} : memref<64x128xf32, #tpu.memory_space<vmem>>, vector<1x16xf32>,
        %get3A_429 = vector.shape_cast %get3A_428 : vector<1x16xf32> to vector<16xf32>
        %add3A_430 = arith.addf %get3A_425, %get3A_429 : vector<16xf32>
        %max3A_431 = arith.constant 0.000000e+00 : f32
        %max3A_432 = vector.broadcast %max3A_431 : f32 to vector<16xf32>
        %max3A_433 = arith.maximumf %add3A_430, %max3A_432 : vector<16xf32>
        %swap3A_434 = arith.index_cast %add3A_322 : i32 to index
        %swap3A_435 = arith.constant 96 : index
        %swap3A_436 = tpu.vector_load %arg16[%swap3A_434, %swap3A_435] {strides = array<i32>} : memref<64x128xf32, #tpu.memory_space<vmem>>, vector<1x16xf32>,
        %swap3A_437 = vector.shape_cast %swap3A_436 : vector<1x16xf32> to vector<16xf32>
        %swap3A_438 = vector.shape_cast %max3A_433 : vector<16xf32> to vector<1x16xf32>
        tpu.vector_store %arg16[%swap3A_434, %swap3A_435], %swap3A_438 {strides = array<i32>} : memref<64x128xf32, #tpu.memory_space<vmem>>, vector<1x16xf32>,
        %get3A_439 = arith.index_cast %add3A_322 : i32 to index
        %get3A_440 = arith.constant 112 : index
        %get3A_441 = tpu.vector_load %arg16[%get3A_439, %get3A_440] {strides = array<i32>} : memref<64x128xf32, #tpu.memory_space<vmem>>, vector<1x16xf32>,
        %get3A_442 = vector.shape_cast %get3A_441 : vector<1x16xf32> to vector<16xf32>
        %get3A_443 = arith.index_cast %add3A_322 : i32 to index
        %get3A_444 = arith.constant 112 : index
        %get3A_445 = tpu.vector_load %arg14[%get3A_443, %get3A_444] {strides = array<i32>} : memref<64x128xf32, #tpu.memory_space<vmem>>, vector<1x16xf32>,
        %get3A_446 = vector.shape_cast %get3A_445 : vector<1x16xf32> to vector<16xf32>
        %add3A_447 = arith.addf %get3A_442, %get3A_446 : vector<16xf32>
        %max3A_448 = arith.constant 0.000000e+00 : f32
        %max3A_449 = vector.broadcast %max3A_448 : f32 to vector<16xf32>
        %max3A_450 = arith.maximumf %add3A_447, %max3A_449 : vector<16xf32>
        %swap3A_451 = arith.index_cast %add3A_322 : i32 to index
        %swap3A_452 = arith.constant 112 : index
        %swap3A_453 = tpu.vector_load %arg16[%swap3A_451, %swap3A_452] {strides = array<i32>} : memref<64x128xf32, #tpu.memory_space<vmem>>, vector<1x16xf32>,
        %swap3A_454 = vector.shape_cast %swap3A_453 : vector<1x16xf32> to vector<16xf32>
        %swap3A_455 = vector.shape_cast %max3A_450 : vector<16xf32> to vector<1x16xf32>
        tpu.vector_store %arg16[%swap3A_451, %swap3A_452], %swap3A_455 {strides = array<i32>} : memref<64x128xf32, #tpu.memory_space<vmem>>, vector<1x16xf32>,
      }
      %scan3A_128 = arith.constant 64 : i32
      %mul3A_129 = arith.constant 64 : i32
      %mul3A_130 = arith.muli %add3A_99, %mul3A_129 : i32
      %add3A_131 = arith.addi %mul3A_8, %mul3A_130 : i32
      %dma_wait3A_132 = tpu.memref_slice %arg4[%add3A_131] : memref<184832xi32, #tpu.memory_space<hbm>> -> memref<64xi32, #tpu.memory_space<hbm>>
      %dma_wait3A_133 = tpu.memref_slice %arg4[%add3A_131] : memref<184832xi32, #tpu.memory_space<hbm>> -> memref<64xi32, #tpu.memory_space<hbm>>
      tpu.wait_dma2 semaphore(%arg30 : memref<!tpu.dma_semaphore, #tpu.memory_space<semaphore_mem>>) src(%dma_wait3A_133 : memref<64xi32, #tpu.memory_space<hbm>>) dst(%arg11 : memref<64xi32, #tpu.memory_space<vmem>>)
      %ge3A_134 = arith.constant 1 : i32
      %ge3A_135 = arith.cmpi sge, %add3A_99, %ge3A_134 : i32
      %convert_element_type3A_136 = arith.extui %ge3A_135 : i1 to i32
      %cond3A_137 = arith.constant 0 : i32
      %cond3A_138 = arith.cmpi ne, %convert_element_type3A_136, %cond3A_137 : i32
      scf.if %cond3A_138 {
        %dma_wait3A_318 = arith.constant 0 : i32
        %dma_wait3A_319 = arith.constant 0 : i32
        %dma_wait3A_320 = tpu.memref_slice %arg18[%dma_wait3A_318, %dma_wait3A_319] : memref<10240x128xf32, #tpu.memory_space<vmem_shared>> -> memref<10240x128xf32, #tpu.memory_space<vmem_shared>>
        tpu.wait_indirect_dma semaphore(%arg24 : memref<!tpu.dma_semaphore, #tpu.memory_space<semaphore_mem>>) src(%arg15 : memref<64x128xf32, #tpu.memory_space<vmem>>) dst(%dma_wait3A_320 : memref<10240x128xf32, #tpu.memory_space<vmem_shared>>)
      } else {
      }
      %dma_start3A_139 = arith.constant 0 : i32
      %dma_start3A_140 = arith.constant 0 : i32
      %dma_start3A_141 = tpu.memref_slice %arg18[%dma_start3A_139, %dma_start3A_140] : memref<10240x128xf32, #tpu.memory_space<vmem_shared>> -> memref<10240x128xf32, #tpu.memory_space<vmem_shared>>
      tpu.enqueue_indirect_dma source(%arg16 : memref<64x128xf32, #tpu.memory_space<vmem>>) target(%dma_start3A_141 : memref<10240x128xf32, #tpu.memory_space<vmem_shared>>) offsets(%arg11 : memref<64xi32, #tpu.memory_space<vmem>>) semaphore(%arg25 : memref<!tpu.dma_semaphore, #tpu.memory_space<semaphore_mem>>) {add = true}
      %add3A_142 = arith.constant 2 : i32
      %add3A_143 = arith.addi %add3A_54, %add3A_142 : i32
      %dma_wait3A_144 = arith.constant 0 : i32
      %dma_wait3A_145 = arith.constant 0 : i32
      %dma_wait3A_146 = tpu.memref_slice %arg2[%dma_wait3A_144, %dma_wait3A_145] : memref<10000x128xf32, #tpu.memory_space<hbm>> -> memref<10000x128xf32, #tpu.memory_space<hbm>>
      tpu.wait_indirect_dma semaphore(%arg19 : memref<!tpu.dma_semaphore, #tpu.memory_space<semaphore_mem>>) src(%dma_wait3A_146 : memref<10000x128xf32, #tpu.memory_space<hbm>>) dst(%arg13 : memref<64x128xf32, #tpu.memory_space<vmem>>)
      %mul3A_147 = arith.constant 64 : i32
      %mul3A_148 = arith.muli %add3A_143, %mul3A_147 : i32
      %add3A_149 = arith.addi %mul3A_8, %mul3A_148 : i32
      %dma_wait3A_150 = arith.constant 0 : i32
      %dma_wait3A_151 = tpu.memref_slice %arg5[%add3A_149, %dma_wait3A_150] : memref<184832x128xf32, #tpu.memory_space<hbm>> -> memref<64x128xf32, #tpu.memory_space<hbm>>
      %dma_wait3A_152 = arith.constant 0 : i32
      %dma_wait3A_153 = tpu.memref_slice %arg5[%add3A_149, %dma_wait3A_152] : memref<184832x128xf32, #tpu.memory_space<hbm>> -> memref<64x128xf32, #tpu.memory_space<hbm>>
      tpu.wait_dma2 semaphore(%arg23 : memref<!tpu.dma_semaphore, #tpu.memory_space<semaphore_mem>>) src(%dma_wait3A_153 : memref<64x128xf32, #tpu.memory_space<hbm>>) dst(%arg17 : memref<64x128xf32, #tpu.memory_space<vmem>>)
      %add3A_154 = arith.constant 1 : i32
      %add3A_155 = arith.addi %add3A_143, %add3A_154 : i32
      %lt3A_156 = arith.constant 90 : i32
      %lt3A_157 = arith.cmpi slt, %add3A_155, %lt3A_156 : i32
      %convert_element_type3A_158 = arith.extui %lt3A_157 : i1 to i32
      %cond3A_159 = arith.constant 0 : i32
      %cond3A_160 = arith.cmpi ne, %convert_element_type3A_158, %cond3A_159 : i32
      scf.if %cond3A_160 {
        %add3A_318 = arith.constant 1 : i32
        %add3A_319 = arith.addi %add3A_143, %add3A_318 : i32
        %mul3A_320 = arith.constant 64 : i32
        %mul3A_321 = arith.muli %add3A_319, %mul3A_320 : i32
        %add3A_322 = arith.addi %mul3A_8, %mul3A_321 : i32
        %dma_wait3A_323 = tpu.memref_slice %arg3[%add3A_322] : memref<184832xi32, #tpu.memory_space<hbm>> -> memref<64xi32, #tpu.memory_space<hbm>>
        %dma_wait3A_324 = tpu.memref_slice %arg3[%add3A_322] : memref<184832xi32, #tpu.memory_space<hbm>> -> memref<64xi32, #tpu.memory_space<hbm>>
        tpu.wait_dma2 semaphore(%arg28 : memref<!tpu.dma_semaphore, #tpu.memory_space<semaphore_mem>>) src(%dma_wait3A_324 : memref<64xi32, #tpu.memory_space<hbm>>) dst(%arg9 : memref<64xi32, #tpu.memory_space<vmem>>)
        %dma_start3A_325 = arith.constant 0 : i32
        %dma_start3A_326 = arith.constant 0 : i32
        %dma_start3A_327 = tpu.memref_slice %arg2[%dma_start3A_325, %dma_start3A_326] : memref<10000x128xf32, #tpu.memory_space<hbm>> -> memref<10000x128xf32, #tpu.memory_space<hbm>>
        tpu.enqueue_indirect_dma source(%dma_start3A_327 : memref<10000x128xf32, #tpu.memory_space<hbm>>) target(%arg14 : memref<64x128xf32, #tpu.memory_space<vmem>>) offsets(%arg9 : memref<64xi32, #tpu.memory_space<vmem>>) semaphore(%arg20 : memref<!tpu.dma_semaphore, #tpu.memory_space<semaphore_mem>>)
        %add3A_328 = arith.constant 1 : i32
        %add3A_329 = arith.addi %add3A_143, %add3A_328 : i32
        %mul3A_330 = arith.constant 64 : i32
        %mul3A_331 = arith.muli %add3A_329, %mul3A_330 : i32
        %add3A_332 = arith.addi %mul3A_8, %mul3A_331 : i32
        %dma_start3A_333 = arith.constant 0 : i32
        %dma_start3A_334 = tpu.memref_slice %arg5[%add3A_332, %dma_start3A_333] : memref<184832x128xf32, #tpu.memory_space<hbm>> -> memref<64x128xf32, #tpu.memory_space<hbm>>
        %dma_start3A_335 = arith.constant 0 : i32
        %dma_start3A_336 = tpu.memref_slice %arg5[%add3A_332, %dma_start3A_335] : memref<184832x128xf32, #tpu.memory_space<hbm>> -> memref<64x128xf32, #tpu.memory_space<hbm>>
        tpu.enqueue_dma source(%dma_start3A_336 : memref<64x128xf32, #tpu.memory_space<hbm>>) target(%arg15 : memref<64x128xf32, #tpu.memory_space<vmem>>) target_semaphore(%arg21 : memref<!tpu.dma_semaphore, #tpu.memory_space<semaphore_mem>>)
        %ge3A_337 = arith.constant 1 : i32
        %ge3A_338 = arith.cmpi sge, %add3A_143, %ge3A_337 : i32
        %convert_element_type3A_339 = arith.extui %ge3A_338 : i1 to i32
        %cond3A_340 = arith.constant 0 : i32
        %cond3A_341 = arith.cmpi ne, %convert_element_type3A_339, %cond3A_340 : i32
        scf.if %cond3A_341 {
          %add3A_342 = arith.constant 1 : i32
          %add3A_343 = arith.addi %add3A_143, %add3A_342 : i32
          %mul3A_344 = arith.constant 64 : i32
          %mul3A_345 = arith.muli %add3A_343, %mul3A_344 : i32
          %add3A_346 = arith.addi %mul3A_8, %mul3A_345 : i32
          %dma_start3A_347 = tpu.memref_slice %arg4[%add3A_346] : memref<184832xi32, #tpu.memory_space<hbm>> -> memref<64xi32, #tpu.memory_space<hbm>>
          %dma_start3A_348 = tpu.memref_slice %arg4[%add3A_346] : memref<184832xi32, #tpu.memory_space<hbm>> -> memref<64xi32, #tpu.memory_space<hbm>>
          tpu.enqueue_dma source(%dma_start3A_348 : memref<64xi32, #tpu.memory_space<hbm>>) target(%arg10 : memref<64xi32, #tpu.memory_space<vmem>>) target_semaphore(%arg29 : memref<!tpu.dma_semaphore, #tpu.memory_space<semaphore_mem>>)
        } else {
        }
      } else {
      }
      %add3A_161 = arith.constant 2 : i32
      %add3A_162 = arith.addi %add3A_143, %add3A_161 : i32
      %lt3A_163 = arith.constant 90 : i32
      %lt3A_164 = arith.cmpi slt, %add3A_162, %lt3A_163 : i32
      %convert_element_type3A_165 = arith.extui %lt3A_164 : i1 to i32
      %cond3A_166 = arith.constant 0 : i32
      %cond3A_167 = arith.cmpi ne, %convert_element_type3A_165, %cond3A_166 : i32
      scf.if %cond3A_167 {
        %add3A_318 = arith.constant 2 : i32
        %add3A_319 = arith.addi %add3A_143, %add3A_318 : i32
        %mul3A_320 = arith.constant 64 : i32
        %mul3A_321 = arith.muli %add3A_319, %mul3A_320 : i32
        %add3A_322 = arith.addi %mul3A_8, %mul3A_321 : i32
        %dma_start3A_323 = tpu.memref_slice %arg3[%add3A_322] : memref<184832xi32, #tpu.memory_space<hbm>> -> memref<64xi32, #tpu.memory_space<hbm>>
        %dma_start3A_324 = tpu.memref_slice %arg3[%add3A_322] : memref<184832xi32, #tpu.memory_space<hbm>> -> memref<64xi32, #tpu.memory_space<hbm>>
        tpu.enqueue_dma source(%dma_start3A_324 : memref<64xi32, #tpu.memory_space<hbm>>) target(%arg8 : memref<64xi32, #tpu.memory_space<vmem>>) target_semaphore(%arg27 : memref<!tpu.dma_semaphore, #tpu.memory_space<semaphore_mem>>)
      } else {
      }
      %scan3A_168 = arith.constant 0 : i32
      %scan3A_169 = arith.constant 64 : i32
      %scan3A_170 = arith.addi %scan3A_168, %scan3A_169 : i32
      %scan3A_171 = arith.constant 1 : i32
      scf.for %scan3A_318 = %scan3A_168 to %scan3A_170 step %scan3A_171  : i32 {
        %mul3A_319 = arith.constant 1 : i32
        %mul3A_320 = arith.muli %scan3A_318, %mul3A_319 : i32
        %add3A_321 = arith.constant 0 : i32
        %add3A_322 = arith.addi %add3A_321, %mul3A_320 : i32
        %get3A = arith.index_cast %add3A_322 : i32 to index
        %get3A_323 = arith.constant 0 : index
        %get3A_324 = tpu.vector_load %arg17[%get3A, %get3A_323] {strides = array<i32>} : memref<64x128xf32, #tpu.memory_space<vmem>>, vector<1x16xf32>,
        %get3A_325 = vector.shape_cast %get3A_324 : vector<1x16xf32> to vector<16xf32>
        %get3A_326 = arith.index_cast %add3A_322 : i32 to index
        %get3A_327 = arith.constant 0 : index
        %get3A_328 = tpu.vector_load %arg13[%get3A_326, %get3A_327] {strides = array<i32>} : memref<64x128xf32, #tpu.memory_space<vmem>>, vector<1x16xf32>,
        %get3A_329 = vector.shape_cast %get3A_328 : vector<1x16xf32> to vector<16xf32>
        %add3A_330 = arith.addf %get3A_325, %get3A_329 : vector<16xf32>
        %max3A = arith.constant 0.000000e+00 : f32
        %max3A_331 = vector.broadcast %max3A : f32 to vector<16xf32>
        %max3A_332 = arith.maximumf %add3A_330, %max3A_331 : vector<16xf32>
        %swap3A = arith.index_cast %add3A_322 : i32 to index
        %swap3A_333 = arith.constant 0 : index
        %swap3A_334 = tpu.vector_load %arg17[%swap3A, %swap3A_333] {strides = array<i32>} : memref<64x128xf32, #tpu.memory_space<vmem>>, vector<1x16xf32>,
        %swap3A_335 = vector.shape_cast %swap3A_334 : vector<1x16xf32> to vector<16xf32>
        %swap3A_336 = vector.shape_cast %max3A_332 : vector<16xf32> to vector<1x16xf32>
        tpu.vector_store %arg17[%swap3A, %swap3A_333], %swap3A_336 {strides = array<i32>} : memref<64x128xf32, #tpu.memory_space<vmem>>, vector<1x16xf32>,
        %get3A_337 = arith.index_cast %add3A_322 : i32 to index
        %get3A_338 = arith.constant 16 : index
        %get3A_339 = tpu.vector_load %arg17[%get3A_337, %get3A_338] {strides = array<i32>} : memref<64x128xf32, #tpu.memory_space<vmem>>, vector<1x16xf32>,
        %get3A_340 = vector.shape_cast %get3A_339 : vector<1x16xf32> to vector<16xf32>
        %get3A_341 = arith.index_cast %add3A_322 : i32 to index
        %get3A_342 = arith.constant 16 : index
        %get3A_343 = tpu.vector_load %arg13[%get3A_341, %get3A_342] {strides = array<i32>} : memref<64x128xf32, #tpu.memory_space<vmem>>, vector<1x16xf32>,
        %get3A_344 = vector.shape_cast %get3A_343 : vector<1x16xf32> to vector<16xf32>
        %add3A_345 = arith.addf %get3A_340, %get3A_344 : vector<16xf32>
        %max3A_346 = arith.constant 0.000000e+00 : f32
        %max3A_347 = vector.broadcast %max3A_346 : f32 to vector<16xf32>
        %max3A_348 = arith.maximumf %add3A_345, %max3A_347 : vector<16xf32>
        %swap3A_349 = arith.index_cast %add3A_322 : i32 to index
        %swap3A_350 = arith.constant 16 : index
        %swap3A_351 = tpu.vector_load %arg17[%swap3A_349, %swap3A_350] {strides = array<i32>} : memref<64x128xf32, #tpu.memory_space<vmem>>, vector<1x16xf32>,
        %swap3A_352 = vector.shape_cast %swap3A_351 : vector<1x16xf32> to vector<16xf32>
        %swap3A_353 = vector.shape_cast %max3A_348 : vector<16xf32> to vector<1x16xf32>
        tpu.vector_store %arg17[%swap3A_349, %swap3A_350], %swap3A_353 {strides = array<i32>} : memref<64x128xf32, #tpu.memory_space<vmem>>, vector<1x16xf32>,
        %get3A_354 = arith.index_cast %add3A_322 : i32 to index
        %get3A_355 = arith.constant 32 : index
        %get3A_356 = tpu.vector_load %arg17[%get3A_354, %get3A_355] {strides = array<i32>} : memref<64x128xf32, #tpu.memory_space<vmem>>, vector<1x16xf32>,
        %get3A_357 = vector.shape_cast %get3A_356 : vector<1x16xf32> to vector<16xf32>
        %get3A_358 = arith.index_cast %add3A_322 : i32 to index
        %get3A_359 = arith.constant 32 : index
        %get3A_360 = tpu.vector_load %arg13[%get3A_358, %get3A_359] {strides = array<i32>} : memref<64x128xf32, #tpu.memory_space<vmem>>, vector<1x16xf32>,
        %get3A_361 = vector.shape_cast %get3A_360 : vector<1x16xf32> to vector<16xf32>
        %add3A_362 = arith.addf %get3A_357, %get3A_361 : vector<16xf32>
        %max3A_363 = arith.constant 0.000000e+00 : f32
        %max3A_364 = vector.broadcast %max3A_363 : f32 to vector<16xf32>
        %max3A_365 = arith.maximumf %add3A_362, %max3A_364 : vector<16xf32>
        %swap3A_366 = arith.index_cast %add3A_322 : i32 to index
        %swap3A_367 = arith.constant 32 : index
        %swap3A_368 = tpu.vector_load %arg17[%swap3A_366, %swap3A_367] {strides = array<i32>} : memref<64x128xf32, #tpu.memory_space<vmem>>, vector<1x16xf32>,
        %swap3A_369 = vector.shape_cast %swap3A_368 : vector<1x16xf32> to vector<16xf32>
        %swap3A_370 = vector.shape_cast %max3A_365 : vector<16xf32> to vector<1x16xf32>
        tpu.vector_store %arg17[%swap3A_366, %swap3A_367], %swap3A_370 {strides = array<i32>} : memref<64x128xf32, #tpu.memory_space<vmem>>, vector<1x16xf32>,
        %get3A_371 = arith.index_cast %add3A_322 : i32 to index
        %get3A_372 = arith.constant 48 : index
        %get3A_373 = tpu.vector_load %arg17[%get3A_371, %get3A_372] {strides = array<i32>} : memref<64x128xf32, #tpu.memory_space<vmem>>, vector<1x16xf32>,
        %get3A_374 = vector.shape_cast %get3A_373 : vector<1x16xf32> to vector<16xf32>
        %get3A_375 = arith.index_cast %add3A_322 : i32 to index
        %get3A_376 = arith.constant 48 : index
        %get3A_377 = tpu.vector_load %arg13[%get3A_375, %get3A_376] {strides = array<i32>} : memref<64x128xf32, #tpu.memory_space<vmem>>, vector<1x16xf32>,
        %get3A_378 = vector.shape_cast %get3A_377 : vector<1x16xf32> to vector<16xf32>
        %add3A_379 = arith.addf %get3A_374, %get3A_378 : vector<16xf32>
        %max3A_380 = arith.constant 0.000000e+00 : f32
        %max3A_381 = vector.broadcast %max3A_380 : f32 to vector<16xf32>
        %max3A_382 = arith.maximumf %add3A_379, %max3A_381 : vector<16xf32>
        %swap3A_383 = arith.index_cast %add3A_322 : i32 to index
        %swap3A_384 = arith.constant 48 : index
        %swap3A_385 = tpu.vector_load %arg17[%swap3A_383, %swap3A_384] {strides = array<i32>} : memref<64x128xf32, #tpu.memory_space<vmem>>, vector<1x16xf32>,
        %swap3A_386 = vector.shape_cast %swap3A_385 : vector<1x16xf32> to vector<16xf32>
        %swap3A_387 = vector.shape_cast %max3A_382 : vector<16xf32> to vector<1x16xf32>
        tpu.vector_store %arg17[%swap3A_383, %swap3A_384], %swap3A_387 {strides = array<i32>} : memref<64x128xf32, #tpu.memory_space<vmem>>, vector<1x16xf32>,
        %get3A_388 = arith.index_cast %add3A_322 : i32 to index
        %get3A_389 = arith.constant 64 : index
        %get3A_390 = tpu.vector_load %arg17[%get3A_388, %get3A_389] {strides = array<i32>} : memref<64x128xf32, #tpu.memory_space<vmem>>, vector<1x16xf32>,
        %get3A_391 = vector.shape_cast %get3A_390 : vector<1x16xf32> to vector<16xf32>
        %get3A_392 = arith.index_cast %add3A_322 : i32 to index
        %get3A_393 = arith.constant 64 : index
        %get3A_394 = tpu.vector_load %arg13[%get3A_392, %get3A_393] {strides = array<i32>} : memref<64x128xf32, #tpu.memory_space<vmem>>, vector<1x16xf32>,
        %get3A_395 = vector.shape_cast %get3A_394 : vector<1x16xf32> to vector<16xf32>
        %add3A_396 = arith.addf %get3A_391, %get3A_395 : vector<16xf32>
        %max3A_397 = arith.constant 0.000000e+00 : f32
        %max3A_398 = vector.broadcast %max3A_397 : f32 to vector<16xf32>
        %max3A_399 = arith.maximumf %add3A_396, %max3A_398 : vector<16xf32>
        %swap3A_400 = arith.index_cast %add3A_322 : i32 to index
        %swap3A_401 = arith.constant 64 : index
        %swap3A_402 = tpu.vector_load %arg17[%swap3A_400, %swap3A_401] {strides = array<i32>} : memref<64x128xf32, #tpu.memory_space<vmem>>, vector<1x16xf32>,
        %swap3A_403 = vector.shape_cast %swap3A_402 : vector<1x16xf32> to vector<16xf32>
        %swap3A_404 = vector.shape_cast %max3A_399 : vector<16xf32> to vector<1x16xf32>
        tpu.vector_store %arg17[%swap3A_400, %swap3A_401], %swap3A_404 {strides = array<i32>} : memref<64x128xf32, #tpu.memory_space<vmem>>, vector<1x16xf32>,
        %get3A_405 = arith.index_cast %add3A_322 : i32 to index
        %get3A_406 = arith.constant 80 : index
        %get3A_407 = tpu.vector_load %arg17[%get3A_405, %get3A_406] {strides = array<i32>} : memref<64x128xf32, #tpu.memory_space<vmem>>, vector<1x16xf32>,
        %get3A_408 = vector.shape_cast %get3A_407 : vector<1x16xf32> to vector<16xf32>
        %get3A_409 = arith.index_cast %add3A_322 : i32 to index
        %get3A_410 = arith.constant 80 : index
        %get3A_411 = tpu.vector_load %arg13[%get3A_409, %get3A_410] {strides = array<i32>} : memref<64x128xf32, #tpu.memory_space<vmem>>, vector<1x16xf32>,
        %get3A_412 = vector.shape_cast %get3A_411 : vector<1x16xf32> to vector<16xf32>
        %add3A_413 = arith.addf %get3A_408, %get3A_412 : vector<16xf32>
        %max3A_414 = arith.constant 0.000000e+00 : f32
        %max3A_415 = vector.broadcast %max3A_414 : f32 to vector<16xf32>
        %max3A_416 = arith.maximumf %add3A_413, %max3A_415 : vector<16xf32>
        %swap3A_417 = arith.index_cast %add3A_322 : i32 to index
        %swap3A_418 = arith.constant 80 : index
        %swap3A_419 = tpu.vector_load %arg17[%swap3A_417, %swap3A_418] {strides = array<i32>} : memref<64x128xf32, #tpu.memory_space<vmem>>, vector<1x16xf32>,
        %swap3A_420 = vector.shape_cast %swap3A_419 : vector<1x16xf32> to vector<16xf32>
        %swap3A_421 = vector.shape_cast %max3A_416 : vector<16xf32> to vector<1x16xf32>
        tpu.vector_store %arg17[%swap3A_417, %swap3A_418], %swap3A_421 {strides = array<i32>} : memref<64x128xf32, #tpu.memory_space<vmem>>, vector<1x16xf32>,
        %get3A_422 = arith.index_cast %add3A_322 : i32 to index
        %get3A_423 = arith.constant 96 : index
        %get3A_424 = tpu.vector_load %arg17[%get3A_422, %get3A_423] {strides = array<i32>} : memref<64x128xf32, #tpu.memory_space<vmem>>, vector<1x16xf32>,
        %get3A_425 = vector.shape_cast %get3A_424 : vector<1x16xf32> to vector<16xf32>
        %get3A_426 = arith.index_cast %add3A_322 : i32 to index
        %get3A_427 = arith.constant 96 : index
        %get3A_428 = tpu.vector_load %arg13[%get3A_426, %get3A_427] {strides = array<i32>} : memref<64x128xf32, #tpu.memory_space<vmem>>, vector<1x16xf32>,
        %get3A_429 = vector.shape_cast %get3A_428 : vector<1x16xf32> to vector<16xf32>
        %add3A_430 = arith.addf %get3A_425, %get3A_429 : vector<16xf32>
        %max3A_431 = arith.constant 0.000000e+00 : f32
        %max3A_432 = vector.broadcast %max3A_431 : f32 to vector<16xf32>
        %max3A_433 = arith.maximumf %add3A_430, %max3A_432 : vector<16xf32>
        %swap3A_434 = arith.index_cast %add3A_322 : i32 to index
        %swap3A_435 = arith.constant 96 : index
        %swap3A_436 = tpu.vector_load %arg17[%swap3A_434, %swap3A_435] {strides = array<i32>} : memref<64x128xf32, #tpu.memory_space<vmem>>, vector<1x16xf32>,
        %swap3A_437 = vector.shape_cast %swap3A_436 : vector<1x16xf32> to vector<16xf32>
        %swap3A_438 = vector.shape_cast %max3A_433 : vector<16xf32> to vector<1x16xf32>
        tpu.vector_store %arg17[%swap3A_434, %swap3A_435], %swap3A_438 {strides = array<i32>} : memref<64x128xf32, #tpu.memory_space<vmem>>, vector<1x16xf32>,
        %get3A_439 = arith.index_cast %add3A_322 : i32 to index
        %get3A_440 = arith.constant 112 : index
        %get3A_441 = tpu.vector_load %arg17[%get3A_439, %get3A_440] {strides = array<i32>} : memref<64x128xf32, #tpu.memory_space<vmem>>, vector<1x16xf32>,
        %get3A_442 = vector.shape_cast %get3A_441 : vector<1x16xf32> to vector<16xf32>
        %get3A_443 = arith.index_cast %add3A_322 : i32 to index
        %get3A_444 = arith.constant 112 : index
        %get3A_445 = tpu.vector_load %arg13[%get3A_443, %get3A_444] {strides = array<i32>} : memref<64x128xf32, #tpu.memory_space<vmem>>, vector<1x16xf32>,
        %get3A_446 = vector.shape_cast %get3A_445 : vector<1x16xf32> to vector<16xf32>
        %add3A_447 = arith.addf %get3A_442, %get3A_446 : vector<16xf32>
        %max3A_448 = arith.constant 0.000000e+00 : f32
        %max3A_449 = vector.broadcast %max3A_448 : f32 to vector<16xf32>
        %max3A_450 = arith.maximumf %add3A_447, %max3A_449 : vector<16xf32>
        %swap3A_451 = arith.index_cast %add3A_322 : i32 to index
        %swap3A_452 = arith.constant 112 : index
        %swap3A_453 = tpu.vector_load %arg17[%swap3A_451, %swap3A_452] {strides = array<i32>} : memref<64x128xf32, #tpu.memory_space<vmem>>, vector<1x16xf32>,
        %swap3A_454 = vector.shape_cast %swap3A_453 : vector<1x16xf32> to vector<16xf32>
        %swap3A_455 = vector.shape_cast %max3A_450 : vector<16xf32> to vector<1x16xf32>
        tpu.vector_store %arg17[%swap3A_451, %swap3A_452], %swap3A_455 {strides = array<i32>} : memref<64x128xf32, #tpu.memory_space<vmem>>, vector<1x16xf32>,
      }
      %scan3A_172 = arith.constant 64 : i32
      %mul3A_173 = arith.constant 64 : i32
      %mul3A_174 = arith.muli %add3A_143, %mul3A_173 : i32
      %add3A_175 = arith.addi %mul3A_8, %mul3A_174 : i32
      %dma_wait3A_176 = tpu.memref_slice %arg4[%add3A_175] : memref<184832xi32, #tpu.memory_space<hbm>> -> memref<64xi32, #tpu.memory_space<hbm>>
      %dma_wait3A_177 = tpu.memref_slice %arg4[%add3A_175] : memref<184832xi32, #tpu.memory_space<hbm>> -> memref<64xi32, #tpu.memory_space<hbm>>
      tpu.wait_dma2 semaphore(%arg31 : memref<!tpu.dma_semaphore, #tpu.memory_space<semaphore_mem>>) src(%dma_wait3A_177 : memref<64xi32, #tpu.memory_space<hbm>>) dst(%arg12 : memref<64xi32, #tpu.memory_space<vmem>>)
      %ge3A_178 = arith.constant 1 : i32
      %ge3A_179 = arith.cmpi sge, %add3A_143, %ge3A_178 : i32
      %convert_element_type3A_180 = arith.extui %ge3A_179 : i1 to i32
      %cond3A_181 = arith.constant 0 : i32
      %cond3A_182 = arith.cmpi ne, %convert_element_type3A_180, %cond3A_181 : i32
      scf.if %cond3A_182 {
        %dma_wait3A_318 = arith.constant 0 : i32
        %dma_wait3A_319 = arith.constant 0 : i32
        %dma_wait3A_320 = tpu.memref_slice %arg18[%dma_wait3A_318, %dma_wait3A_319] : memref<10240x128xf32, #tpu.memory_space<vmem_shared>> -> memref<10240x128xf32, #tpu.memory_space<vmem_shared>>
        tpu.wait_indirect_dma semaphore(%arg25 : memref<!tpu.dma_semaphore, #tpu.memory_space<semaphore_mem>>) src(%arg16 : memref<64x128xf32, #tpu.memory_space<vmem>>) dst(%dma_wait3A_320 : memref<10240x128xf32, #tpu.memory_space<vmem_shared>>)
      } else {
      }
      %dma_start3A_183 = arith.constant 0 : i32
      %dma_start3A_184 = arith.constant 0 : i32
      %dma_start3A_185 = tpu.memref_slice %arg18[%dma_start3A_183, %dma_start3A_184] : memref<10240x128xf32, #tpu.memory_space<vmem_shared>> -> memref<10240x128xf32, #tpu.memory_space<vmem_shared>>
      tpu.enqueue_indirect_dma source(%arg17 : memref<64x128xf32, #tpu.memory_space<vmem>>) target(%dma_start3A_185 : memref<10240x128xf32, #tpu.memory_space<vmem_shared>>) offsets(%arg12 : memref<64xi32, #tpu.memory_space<vmem>>) semaphore(%arg26 : memref<!tpu.dma_semaphore, #tpu.memory_space<semaphore_mem>>) {add = true}
      %add3A_186 = arith.constant 3 : i32
      %add3A_187 = arith.addi %add3A_54, %add3A_186 : i32
      %dma_wait3A_188 = arith.constant 0 : i32
      %dma_wait3A_189 = arith.constant 0 : i32
      %dma_wait3A_190 = tpu.memref_slice %arg2[%dma_wait3A_188, %dma_wait3A_189] : memref<10000x128xf32, #tpu.memory_space<hbm>> -> memref<10000x128xf32, #tpu.memory_space<hbm>>
      tpu.wait_indirect_dma semaphore(%arg20 : memref<!tpu.dma_semaphore, #tpu.memory_space<semaphore_mem>>) src(%dma_wait3A_190 : memref<10000x128xf32, #tpu.memory_space<hbm>>) dst(%arg14 : memref<64x128xf32, #tpu.memory_space<vmem>>)
      %mul3A_191 = arith.constant 64 : i32
      %mul3A_192 = arith.muli %add3A_187, %mul3A_191 : i32
      %add3A_193 = arith.addi %mul3A_8, %mul3A_192 : i32
      %dma_wait3A_194 = arith.constant 0 : i32
      %dma_wait3A_195 = tpu.memref_slice %arg5[%add3A_193, %dma_wait3A_194] : memref<184832x128xf32, #tpu.memory_space<hbm>> -> memref<64x128xf32, #tpu.memory_space<hbm>>
      %dma_wait3A_196 = arith.constant 0 : i32
      %dma_wait3A_197 = tpu.memref_slice %arg5[%add3A_193, %dma_wait3A_196] : memref<184832x128xf32, #tpu.memory_space<hbm>> -> memref<64x128xf32, #tpu.memory_space<hbm>>
      tpu.wait_dma2 semaphore(%arg21 : memref<!tpu.dma_semaphore, #tpu.memory_space<semaphore_mem>>) src(%dma_wait3A_197 : memref<64x128xf32, #tpu.memory_space<hbm>>) dst(%arg15 : memref<64x128xf32, #tpu.memory_space<vmem>>)
      %add3A_198 = arith.constant 1 : i32
      %add3A_199 = arith.addi %add3A_187, %add3A_198 : i32
      %lt3A_200 = arith.constant 90 : i32
      %lt3A_201 = arith.cmpi slt, %add3A_199, %lt3A_200 : i32
      %convert_element_type3A_202 = arith.extui %lt3A_201 : i1 to i32
      %cond3A_203 = arith.constant 0 : i32
      %cond3A_204 = arith.cmpi ne, %convert_element_type3A_202, %cond3A_203 : i32
      scf.if %cond3A_204 {
        %add3A_318 = arith.constant 1 : i32
        %add3A_319 = arith.addi %add3A_187, %add3A_318 : i32
        %mul3A_320 = arith.constant 64 : i32
        %mul3A_321 = arith.muli %add3A_319, %mul3A_320 : i32
        %add3A_322 = arith.addi %mul3A_8, %mul3A_321 : i32
        %dma_wait3A_323 = tpu.memref_slice %arg3[%add3A_322] : memref<184832xi32, #tpu.memory_space<hbm>> -> memref<64xi32, #tpu.memory_space<hbm>>
        %dma_wait3A_324 = tpu.memref_slice %arg3[%add3A_322] : memref<184832xi32, #tpu.memory_space<hbm>> -> memref<64xi32, #tpu.memory_space<hbm>>
        tpu.wait_dma2 semaphore(%arg27 : memref<!tpu.dma_semaphore, #tpu.memory_space<semaphore_mem>>) src(%dma_wait3A_324 : memref<64xi32, #tpu.memory_space<hbm>>) dst(%arg8 : memref<64xi32, #tpu.memory_space<vmem>>)
        %dma_start3A_325 = arith.constant 0 : i32
        %dma_start3A_326 = arith.constant 0 : i32
        %dma_start3A_327 = tpu.memref_slice %arg2[%dma_start3A_325, %dma_start3A_326] : memref<10000x128xf32, #tpu.memory_space<hbm>> -> memref<10000x128xf32, #tpu.memory_space<hbm>>
        tpu.enqueue_indirect_dma source(%dma_start3A_327 : memref<10000x128xf32, #tpu.memory_space<hbm>>) target(%arg13 : memref<64x128xf32, #tpu.memory_space<vmem>>) offsets(%arg8 : memref<64xi32, #tpu.memory_space<vmem>>) semaphore(%arg19 : memref<!tpu.dma_semaphore, #tpu.memory_space<semaphore_mem>>)
        %add3A_328 = arith.constant 1 : i32
        %add3A_329 = arith.addi %add3A_187, %add3A_328 : i32
        %mul3A_330 = arith.constant 64 : i32
        %mul3A_331 = arith.muli %add3A_329, %mul3A_330 : i32
        %add3A_332 = arith.addi %mul3A_8, %mul3A_331 : i32
        %dma_start3A_333 = arith.constant 0 : i32
        %dma_start3A_334 = tpu.memref_slice %arg5[%add3A_332, %dma_start3A_333] : memref<184832x128xf32, #tpu.memory_space<hbm>> -> memref<64x128xf32, #tpu.memory_space<hbm>>
        %dma_start3A_335 = arith.constant 0 : i32
        %dma_start3A_336 = tpu.memref_slice %arg5[%add3A_332, %dma_start3A_335] : memref<184832x128xf32, #tpu.memory_space<hbm>> -> memref<64x128xf32, #tpu.memory_space<hbm>>
        tpu.enqueue_dma source(%dma_start3A_336 : memref<64x128xf32, #tpu.memory_space<hbm>>) target(%arg16 : memref<64x128xf32, #tpu.memory_space<vmem>>) target_semaphore(%arg22 : memref<!tpu.dma_semaphore, #tpu.memory_space<semaphore_mem>>)
        %ge3A_337 = arith.constant 1 : i32
        %ge3A_338 = arith.cmpi sge, %add3A_187, %ge3A_337 : i32
        %convert_element_type3A_339 = arith.extui %ge3A_338 : i1 to i32
        %cond3A_340 = arith.constant 0 : i32
        %cond3A_341 = arith.cmpi ne, %convert_element_type3A_339, %cond3A_340 : i32
        scf.if %cond3A_341 {
          %add3A_342 = arith.constant 1 : i32
          %add3A_343 = arith.addi %add3A_187, %add3A_342 : i32
          %mul3A_344 = arith.constant 64 : i32
          %mul3A_345 = arith.muli %add3A_343, %mul3A_344 : i32
          %add3A_346 = arith.addi %mul3A_8, %mul3A_345 : i32
          %dma_start3A_347 = tpu.memref_slice %arg4[%add3A_346] : memref<184832xi32, #tpu.memory_space<hbm>> -> memref<64xi32, #tpu.memory_space<hbm>>
          %dma_start3A_348 = tpu.memref_slice %arg4[%add3A_346] : memref<184832xi32, #tpu.memory_space<hbm>> -> memref<64xi32, #tpu.memory_space<hbm>>
          tpu.enqueue_dma source(%dma_start3A_348 : memref<64xi32, #tpu.memory_space<hbm>>) target(%arg11 : memref<64xi32, #tpu.memory_space<vmem>>) target_semaphore(%arg30 : memref<!tpu.dma_semaphore, #tpu.memory_space<semaphore_mem>>)
        } else {
        }
      } else {
      }
      %add3A_205 = arith.constant 2 : i32
      %add3A_206 = arith.addi %add3A_187, %add3A_205 : i32
      %lt3A_207 = arith.constant 90 : i32
      %lt3A_208 = arith.cmpi slt, %add3A_206, %lt3A_207 : i32
      %convert_element_type3A_209 = arith.extui %lt3A_208 : i1 to i32
      %cond3A_210 = arith.constant 0 : i32
      %cond3A_211 = arith.cmpi ne, %convert_element_type3A_209, %cond3A_210 : i32
      scf.if %cond3A_211 {
        %add3A_318 = arith.constant 2 : i32
        %add3A_319 = arith.addi %add3A_187, %add3A_318 : i32
        %mul3A_320 = arith.constant 64 : i32
        %mul3A_321 = arith.muli %add3A_319, %mul3A_320 : i32
        %add3A_322 = arith.addi %mul3A_8, %mul3A_321 : i32
        %dma_start3A_323 = tpu.memref_slice %arg3[%add3A_322] : memref<184832xi32, #tpu.memory_space<hbm>> -> memref<64xi32, #tpu.memory_space<hbm>>
        %dma_start3A_324 = tpu.memref_slice %arg3[%add3A_322] : memref<184832xi32, #tpu.memory_space<hbm>> -> memref<64xi32, #tpu.memory_space<hbm>>
        tpu.enqueue_dma source(%dma_start3A_324 : memref<64xi32, #tpu.memory_space<hbm>>) target(%arg9 : memref<64xi32, #tpu.memory_space<vmem>>) target_semaphore(%arg28 : memref<!tpu.dma_semaphore, #tpu.memory_space<semaphore_mem>>)
      } else {
      }
      %scan3A_212 = arith.constant 0 : i32
      %scan3A_213 = arith.constant 64 : i32
      %scan3A_214 = arith.addi %scan3A_212, %scan3A_213 : i32
      %scan3A_215 = arith.constant 1 : i32
      scf.for %scan3A_318 = %scan3A_212 to %scan3A_214 step %scan3A_215  : i32 {
        %mul3A_319 = arith.constant 1 : i32
        %mul3A_320 = arith.muli %scan3A_318, %mul3A_319 : i32
        %add3A_321 = arith.constant 0 : i32
        %add3A_322 = arith.addi %add3A_321, %mul3A_320 : i32
        %get3A = arith.index_cast %add3A_322 : i32 to index
        %get3A_323 = arith.constant 0 : index
        %get3A_324 = tpu.vector_load %arg15[%get3A, %get3A_323] {strides = array<i32>} : memref<64x128xf32, #tpu.memory_space<vmem>>, vector<1x16xf32>,
        %get3A_325 = vector.shape_cast %get3A_324 : vector<1x16xf32> to vector<16xf32>
        %get3A_326 = arith.index_cast %add3A_322 : i32 to index
        %get3A_327 = arith.constant 0 : index
        %get3A_328 = tpu.vector_load %arg14[%get3A_326, %get3A_327] {strides = array<i32>} : memref<64x128xf32, #tpu.memory_space<vmem>>, vector<1x16xf32>,
        %get3A_329 = vector.shape_cast %get3A_328 : vector<1x16xf32> to vector<16xf32>
        %add3A_330 = arith.addf %get3A_325, %get3A_329 : vector<16xf32>
        %max3A = arith.constant 0.000000e+00 : f32
        %max3A_331 = vector.broadcast %max3A : f32 to vector<16xf32>
        %max3A_332 = arith.maximumf %add3A_330, %max3A_331 : vector<16xf32>
        %swap3A = arith.index_cast %add3A_322 : i32 to index
        %swap3A_333 = arith.constant 0 : index
        %swap3A_334 = tpu.vector_load %arg15[%swap3A, %swap3A_333] {strides = array<i32>} : memref<64x128xf32, #tpu.memory_space<vmem>>, vector<1x16xf32>,
        %swap3A_335 = vector.shape_cast %swap3A_334 : vector<1x16xf32> to vector<16xf32>
        %swap3A_336 = vector.shape_cast %max3A_332 : vector<16xf32> to vector<1x16xf32>
        tpu.vector_store %arg15[%swap3A, %swap3A_333], %swap3A_336 {strides = array<i32>} : memref<64x128xf32, #tpu.memory_space<vmem>>, vector<1x16xf32>,
        %get3A_337 = arith.index_cast %add3A_322 : i32 to index
        %get3A_338 = arith.constant 16 : index
        %get3A_339 = tpu.vector_load %arg15[%get3A_337, %get3A_338] {strides = array<i32>} : memref<64x128xf32, #tpu.memory_space<vmem>>, vector<1x16xf32>,
        %get3A_340 = vector.shape_cast %get3A_339 : vector<1x16xf32> to vector<16xf32>
        %get3A_341 = arith.index_cast %add3A_322 : i32 to index
        %get3A_342 = arith.constant 16 : index
        %get3A_343 = tpu.vector_load %arg14[%get3A_341, %get3A_342] {strides = array<i32>} : memref<64x128xf32, #tpu.memory_space<vmem>>, vector<1x16xf32>,
        %get3A_344 = vector.shape_cast %get3A_343 : vector<1x16xf32> to vector<16xf32>
        %add3A_345 = arith.addf %get3A_340, %get3A_344 : vector<16xf32>
        %max3A_346 = arith.constant 0.000000e+00 : f32
        %max3A_347 = vector.broadcast %max3A_346 : f32 to vector<16xf32>
        %max3A_348 = arith.maximumf %add3A_345, %max3A_347 : vector<16xf32>
        %swap3A_349 = arith.index_cast %add3A_322 : i32 to index
        %swap3A_350 = arith.constant 16 : index
        %swap3A_351 = tpu.vector_load %arg15[%swap3A_349, %swap3A_350] {strides = array<i32>} : memref<64x128xf32, #tpu.memory_space<vmem>>, vector<1x16xf32>,
        %swap3A_352 = vector.shape_cast %swap3A_351 : vector<1x16xf32> to vector<16xf32>
        %swap3A_353 = vector.shape_cast %max3A_348 : vector<16xf32> to vector<1x16xf32>
        tpu.vector_store %arg15[%swap3A_349, %swap3A_350], %swap3A_353 {strides = array<i32>} : memref<64x128xf32, #tpu.memory_space<vmem>>, vector<1x16xf32>,
        %get3A_354 = arith.index_cast %add3A_322 : i32 to index
        %get3A_355 = arith.constant 32 : index
        %get3A_356 = tpu.vector_load %arg15[%get3A_354, %get3A_355] {strides = array<i32>} : memref<64x128xf32, #tpu.memory_space<vmem>>, vector<1x16xf32>,
        %get3A_357 = vector.shape_cast %get3A_356 : vector<1x16xf32> to vector<16xf32>
        %get3A_358 = arith.index_cast %add3A_322 : i32 to index
        %get3A_359 = arith.constant 32 : index
        %get3A_360 = tpu.vector_load %arg14[%get3A_358, %get3A_359] {strides = array<i32>} : memref<64x128xf32, #tpu.memory_space<vmem>>, vector<1x16xf32>,
        %get3A_361 = vector.shape_cast %get3A_360 : vector<1x16xf32> to vector<16xf32>
        %add3A_362 = arith.addf %get3A_357, %get3A_361 : vector<16xf32>
        %max3A_363 = arith.constant 0.000000e+00 : f32
        %max3A_364 = vector.broadcast %max3A_363 : f32 to vector<16xf32>
        %max3A_365 = arith.maximumf %add3A_362, %max3A_364 : vector<16xf32>
        %swap3A_366 = arith.index_cast %add3A_322 : i32 to index
        %swap3A_367 = arith.constant 32 : index
        %swap3A_368 = tpu.vector_load %arg15[%swap3A_366, %swap3A_367] {strides = array<i32>} : memref<64x128xf32, #tpu.memory_space<vmem>>, vector<1x16xf32>,
        %swap3A_369 = vector.shape_cast %swap3A_368 : vector<1x16xf32> to vector<16xf32>
        %swap3A_370 = vector.shape_cast %max3A_365 : vector<16xf32> to vector<1x16xf32>
        tpu.vector_store %arg15[%swap3A_366, %swap3A_367], %swap3A_370 {strides = array<i32>} : memref<64x128xf32, #tpu.memory_space<vmem>>, vector<1x16xf32>,
        %get3A_371 = arith.index_cast %add3A_322 : i32 to index
        %get3A_372 = arith.constant 48 : index
        %get3A_373 = tpu.vector_load %arg15[%get3A_371, %get3A_372] {strides = array<i32>} : memref<64x128xf32, #tpu.memory_space<vmem>>, vector<1x16xf32>,
        %get3A_374 = vector.shape_cast %get3A_373 : vector<1x16xf32> to vector<16xf32>
        %get3A_375 = arith.index_cast %add3A_322 : i32 to index
        %get3A_376 = arith.constant 48 : index
        %get3A_377 = tpu.vector_load %arg14[%get3A_375, %get3A_376] {strides = array<i32>} : memref<64x128xf32, #tpu.memory_space<vmem>>, vector<1x16xf32>,
        %get3A_378 = vector.shape_cast %get3A_377 : vector<1x16xf32> to vector<16xf32>
        %add3A_379 = arith.addf %get3A_374, %get3A_378 : vector<16xf32>
        %max3A_380 = arith.constant 0.000000e+00 : f32
        %max3A_381 = vector.broadcast %max3A_380 : f32 to vector<16xf32>
        %max3A_382 = arith.maximumf %add3A_379, %max3A_381 : vector<16xf32>
        %swap3A_383 = arith.index_cast %add3A_322 : i32 to index
        %swap3A_384 = arith.constant 48 : index
        %swap3A_385 = tpu.vector_load %arg15[%swap3A_383, %swap3A_384] {strides = array<i32>} : memref<64x128xf32, #tpu.memory_space<vmem>>, vector<1x16xf32>,
        %swap3A_386 = vector.shape_cast %swap3A_385 : vector<1x16xf32> to vector<16xf32>
        %swap3A_387 = vector.shape_cast %max3A_382 : vector<16xf32> to vector<1x16xf32>
        tpu.vector_store %arg15[%swap3A_383, %swap3A_384], %swap3A_387 {strides = array<i32>} : memref<64x128xf32, #tpu.memory_space<vmem>>, vector<1x16xf32>,
        %get3A_388 = arith.index_cast %add3A_322 : i32 to index
        %get3A_389 = arith.constant 64 : index
        %get3A_390 = tpu.vector_load %arg15[%get3A_388, %get3A_389] {strides = array<i32>} : memref<64x128xf32, #tpu.memory_space<vmem>>, vector<1x16xf32>,
        %get3A_391 = vector.shape_cast %get3A_390 : vector<1x16xf32> to vector<16xf32>
        %get3A_392 = arith.index_cast %add3A_322 : i32 to index
        %get3A_393 = arith.constant 64 : index
        %get3A_394 = tpu.vector_load %arg14[%get3A_392, %get3A_393] {strides = array<i32>} : memref<64x128xf32, #tpu.memory_space<vmem>>, vector<1x16xf32>,
        %get3A_395 = vector.shape_cast %get3A_394 : vector<1x16xf32> to vector<16xf32>
        %add3A_396 = arith.addf %get3A_391, %get3A_395 : vector<16xf32>
        %max3A_397 = arith.constant 0.000000e+00 : f32
        %max3A_398 = vector.broadcast %max3A_397 : f32 to vector<16xf32>
        %max3A_399 = arith.maximumf %add3A_396, %max3A_398 : vector<16xf32>
        %swap3A_400 = arith.index_cast %add3A_322 : i32 to index
        %swap3A_401 = arith.constant 64 : index
        %swap3A_402 = tpu.vector_load %arg15[%swap3A_400, %swap3A_401] {strides = array<i32>} : memref<64x128xf32, #tpu.memory_space<vmem>>, vector<1x16xf32>,
        %swap3A_403 = vector.shape_cast %swap3A_402 : vector<1x16xf32> to vector<16xf32>
        %swap3A_404 = vector.shape_cast %max3A_399 : vector<16xf32> to vector<1x16xf32>
        tpu.vector_store %arg15[%swap3A_400, %swap3A_401], %swap3A_404 {strides = array<i32>} : memref<64x128xf32, #tpu.memory_space<vmem>>, vector<1x16xf32>,
        %get3A_405 = arith.index_cast %add3A_322 : i32 to index
        %get3A_406 = arith.constant 80 : index
        %get3A_407 = tpu.vector_load %arg15[%get3A_405, %get3A_406] {strides = array<i32>} : memref<64x128xf32, #tpu.memory_space<vmem>>, vector<1x16xf32>,
        %get3A_408 = vector.shape_cast %get3A_407 : vector<1x16xf32> to vector<16xf32>
        %get3A_409 = arith.index_cast %add3A_322 : i32 to index
        %get3A_410 = arith.constant 80 : index
        %get3A_411 = tpu.vector_load %arg14[%get3A_409, %get3A_410] {strides = array<i32>} : memref<64x128xf32, #tpu.memory_space<vmem>>, vector<1x16xf32>,
        %get3A_412 = vector.shape_cast %get3A_411 : vector<1x16xf32> to vector<16xf32>
        %add3A_413 = arith.addf %get3A_408, %get3A_412 : vector<16xf32>
        %max3A_414 = arith.constant 0.000000e+00 : f32
        %max3A_415 = vector.broadcast %max3A_414 : f32 to vector<16xf32>
        %max3A_416 = arith.maximumf %add3A_413, %max3A_415 : vector<16xf32>
        %swap3A_417 = arith.index_cast %add3A_322 : i32 to index
        %swap3A_418 = arith.constant 80 : index
        %swap3A_419 = tpu.vector_load %arg15[%swap3A_417, %swap3A_418] {strides = array<i32>} : memref<64x128xf32, #tpu.memory_space<vmem>>, vector<1x16xf32>,
        %swap3A_420 = vector.shape_cast %swap3A_419 : vector<1x16xf32> to vector<16xf32>
        %swap3A_421 = vector.shape_cast %max3A_416 : vector<16xf32> to vector<1x16xf32>
        tpu.vector_store %arg15[%swap3A_417, %swap3A_418], %swap3A_421 {strides = array<i32>} : memref<64x128xf32, #tpu.memory_space<vmem>>, vector<1x16xf32>,
        %get3A_422 = arith.index_cast %add3A_322 : i32 to index
        %get3A_423 = arith.constant 96 : index
        %get3A_424 = tpu.vector_load %arg15[%get3A_422, %get3A_423] {strides = array<i32>} : memref<64x128xf32, #tpu.memory_space<vmem>>, vector<1x16xf32>,
        %get3A_425 = vector.shape_cast %get3A_424 : vector<1x16xf32> to vector<16xf32>
        %get3A_426 = arith.index_cast %add3A_322 : i32 to index
        %get3A_427 = arith.constant 96 : index
        %get3A_428 = tpu.vector_load %arg14[%get3A_426, %get3A_427] {strides = array<i32>} : memref<64x128xf32, #tpu.memory_space<vmem>>, vector<1x16xf32>,
        %get3A_429 = vector.shape_cast %get3A_428 : vector<1x16xf32> to vector<16xf32>
        %add3A_430 = arith.addf %get3A_425, %get3A_429 : vector<16xf32>
        %max3A_431 = arith.constant 0.000000e+00 : f32
        %max3A_432 = vector.broadcast %max3A_431 : f32 to vector<16xf32>
        %max3A_433 = arith.maximumf %add3A_430, %max3A_432 : vector<16xf32>
        %swap3A_434 = arith.index_cast %add3A_322 : i32 to index
        %swap3A_435 = arith.constant 96 : index
        %swap3A_436 = tpu.vector_load %arg15[%swap3A_434, %swap3A_435] {strides = array<i32>} : memref<64x128xf32, #tpu.memory_space<vmem>>, vector<1x16xf32>,
        %swap3A_437 = vector.shape_cast %swap3A_436 : vector<1x16xf32> to vector<16xf32>
        %swap3A_438 = vector.shape_cast %max3A_433 : vector<16xf32> to vector<1x16xf32>
        tpu.vector_store %arg15[%swap3A_434, %swap3A_435], %swap3A_438 {strides = array<i32>} : memref<64x128xf32, #tpu.memory_space<vmem>>, vector<1x16xf32>,
        %get3A_439 = arith.index_cast %add3A_322 : i32 to index
        %get3A_440 = arith.constant 112 : index
        %get3A_441 = tpu.vector_load %arg15[%get3A_439, %get3A_440] {strides = array<i32>} : memref<64x128xf32, #tpu.memory_space<vmem>>, vector<1x16xf32>,
        %get3A_442 = vector.shape_cast %get3A_441 : vector<1x16xf32> to vector<16xf32>
        %get3A_443 = arith.index_cast %add3A_322 : i32 to index
        %get3A_444 = arith.constant 112 : index
        %get3A_445 = tpu.vector_load %arg14[%get3A_443, %get3A_444] {strides = array<i32>} : memref<64x128xf32, #tpu.memory_space<vmem>>, vector<1x16xf32>,
        %get3A_446 = vector.shape_cast %get3A_445 : vector<1x16xf32> to vector<16xf32>
        %add3A_447 = arith.addf %get3A_442, %get3A_446 : vector<16xf32>
        %max3A_448 = arith.constant 0.000000e+00 : f32
        %max3A_449 = vector.broadcast %max3A_448 : f32 to vector<16xf32>
        %max3A_450 = arith.maximumf %add3A_447, %max3A_449 : vector<16xf32>
        %swap3A_451 = arith.index_cast %add3A_322 : i32 to index
        %swap3A_452 = arith.constant 112 : index
        %swap3A_453 = tpu.vector_load %arg15[%swap3A_451, %swap3A_452] {strides = array<i32>} : memref<64x128xf32, #tpu.memory_space<vmem>>, vector<1x16xf32>,
        %swap3A_454 = vector.shape_cast %swap3A_453 : vector<1x16xf32> to vector<16xf32>
        %swap3A_455 = vector.shape_cast %max3A_450 : vector<16xf32> to vector<1x16xf32>
        tpu.vector_store %arg15[%swap3A_451, %swap3A_452], %swap3A_455 {strides = array<i32>} : memref<64x128xf32, #tpu.memory_space<vmem>>, vector<1x16xf32>,
      }
      %scan3A_216 = arith.constant 64 : i32
      %mul3A_217 = arith.constant 64 : i32
      %mul3A_218 = arith.muli %add3A_187, %mul3A_217 : i32
      %add3A_219 = arith.addi %mul3A_8, %mul3A_218 : i32
      %dma_wait3A_220 = tpu.memref_slice %arg4[%add3A_219] : memref<184832xi32, #tpu.memory_space<hbm>> -> memref<64xi32, #tpu.memory_space<hbm>>
      %dma_wait3A_221 = tpu.memref_slice %arg4[%add3A_219] : memref<184832xi32, #tpu.memory_space<hbm>> -> memref<64xi32, #tpu.memory_space<hbm>>
      tpu.wait_dma2 semaphore(%arg29 : memref<!tpu.dma_semaphore, #tpu.memory_space<semaphore_mem>>) src(%dma_wait3A_221 : memref<64xi32, #tpu.memory_space<hbm>>) dst(%arg10 : memref<64xi32, #tpu.memory_space<vmem>>)
      %ge3A_222 = arith.constant 1 : i32
      %ge3A_223 = arith.cmpi sge, %add3A_187, %ge3A_222 : i32
      %convert_element_type3A_224 = arith.extui %ge3A_223 : i1 to i32
      %cond3A_225 = arith.constant 0 : i32
      %cond3A_226 = arith.cmpi ne, %convert_element_type3A_224, %cond3A_225 : i32
      scf.if %cond3A_226 {
        %dma_wait3A_318 = arith.constant 0 : i32
        %dma_wait3A_319 = arith.constant 0 : i32
        %dma_wait3A_320 = tpu.memref_slice %arg18[%dma_wait3A_318, %dma_wait3A_319] : memref<10240x128xf32, #tpu.memory_space<vmem_shared>> -> memref<10240x128xf32, #tpu.memory_space<vmem_shared>>
        tpu.wait_indirect_dma semaphore(%arg26 : memref<!tpu.dma_semaphore, #tpu.memory_space<semaphore_mem>>) src(%arg17 : memref<64x128xf32, #tpu.memory_space<vmem>>) dst(%dma_wait3A_320 : memref<10240x128xf32, #tpu.memory_space<vmem_shared>>)
      } else {
      }
      %dma_start3A_227 = arith.constant 0 : i32
      %dma_start3A_228 = arith.constant 0 : i32
      %dma_start3A_229 = tpu.memref_slice %arg18[%dma_start3A_227, %dma_start3A_228] : memref<10240x128xf32, #tpu.memory_space<vmem_shared>> -> memref<10240x128xf32, #tpu.memory_space<vmem_shared>>
      tpu.enqueue_indirect_dma source(%arg15 : memref<64x128xf32, #tpu.memory_space<vmem>>) target(%dma_start3A_229 : memref<10240x128xf32, #tpu.memory_space<vmem_shared>>) offsets(%arg10 : memref<64xi32, #tpu.memory_space<vmem>>) semaphore(%arg24 : memref<!tpu.dma_semaphore, #tpu.memory_space<semaphore_mem>>) {add = true}
      %add3A_230 = arith.constant 4 : i32
      %add3A_231 = arith.addi %add3A_54, %add3A_230 : i32
      %dma_wait3A_232 = arith.constant 0 : i32
      %dma_wait3A_233 = arith.constant 0 : i32
      %dma_wait3A_234 = tpu.memref_slice %arg2[%dma_wait3A_232, %dma_wait3A_233] : memref<10000x128xf32, #tpu.memory_space<hbm>> -> memref<10000x128xf32, #tpu.memory_space<hbm>>
      tpu.wait_indirect_dma semaphore(%arg19 : memref<!tpu.dma_semaphore, #tpu.memory_space<semaphore_mem>>) src(%dma_wait3A_234 : memref<10000x128xf32, #tpu.memory_space<hbm>>) dst(%arg13 : memref<64x128xf32, #tpu.memory_space<vmem>>)
      %mul3A_235 = arith.constant 64 : i32
      %mul3A_236 = arith.muli %add3A_231, %mul3A_235 : i32
      %add3A_237 = arith.addi %mul3A_8, %mul3A_236 : i32
      %dma_wait3A_238 = arith.constant 0 : i32
      %dma_wait3A_239 = tpu.memref_slice %arg5[%add3A_237, %dma_wait3A_238] : memref<184832x128xf32, #tpu.memory_space<hbm>> -> memref<64x128xf32, #tpu.memory_space<hbm>>
      %dma_wait3A_240 = arith.constant 0 : i32
      %dma_wait3A_241 = tpu.memref_slice %arg5[%add3A_237, %dma_wait3A_240] : memref<184832x128xf32, #tpu.memory_space<hbm>> -> memref<64x128xf32, #tpu.memory_space<hbm>>
      tpu.wait_dma2 semaphore(%arg22 : memref<!tpu.dma_semaphore, #tpu.memory_space<semaphore_mem>>) src(%dma_wait3A_241 : memref<64x128xf32, #tpu.memory_space<hbm>>) dst(%arg16 : memref<64x128xf32, #tpu.memory_space<vmem>>)
      %add3A_242 = arith.constant 1 : i32
      %add3A_243 = arith.addi %add3A_231, %add3A_242 : i32
      %lt3A_244 = arith.constant 90 : i32
      %lt3A_245 = arith.cmpi slt, %add3A_243, %lt3A_244 : i32
      %convert_element_type3A_246 = arith.extui %lt3A_245 : i1 to i32
      %cond3A_247 = arith.constant 0 : i32
      %cond3A_248 = arith.cmpi ne, %convert_element_type3A_246, %cond3A_247 : i32
      scf.if %cond3A_248 {
        %add3A_318 = arith.constant 1 : i32
        %add3A_319 = arith.addi %add3A_231, %add3A_318 : i32
        %mul3A_320 = arith.constant 64 : i32
        %mul3A_321 = arith.muli %add3A_319, %mul3A_320 : i32
        %add3A_322 = arith.addi %mul3A_8, %mul3A_321 : i32
        %dma_wait3A_323 = tpu.memref_slice %arg3[%add3A_322] : memref<184832xi32, #tpu.memory_space<hbm>> -> memref<64xi32, #tpu.memory_space<hbm>>
        %dma_wait3A_324 = tpu.memref_slice %arg3[%add3A_322] : memref<184832xi32, #tpu.memory_space<hbm>> -> memref<64xi32, #tpu.memory_space<hbm>>
        tpu.wait_dma2 semaphore(%arg28 : memref<!tpu.dma_semaphore, #tpu.memory_space<semaphore_mem>>) src(%dma_wait3A_324 : memref<64xi32, #tpu.memory_space<hbm>>) dst(%arg9 : memref<64xi32, #tpu.memory_space<vmem>>)
        %dma_start3A_325 = arith.constant 0 : i32
        %dma_start3A_326 = arith.constant 0 : i32
        %dma_start3A_327 = tpu.memref_slice %arg2[%dma_start3A_325, %dma_start3A_326] : memref<10000x128xf32, #tpu.memory_space<hbm>> -> memref<10000x128xf32, #tpu.memory_space<hbm>>
        tpu.enqueue_indirect_dma source(%dma_start3A_327 : memref<10000x128xf32, #tpu.memory_space<hbm>>) target(%arg14 : memref<64x128xf32, #tpu.memory_space<vmem>>) offsets(%arg9 : memref<64xi32, #tpu.memory_space<vmem>>) semaphore(%arg20 : memref<!tpu.dma_semaphore, #tpu.memory_space<semaphore_mem>>)
        %add3A_328 = arith.constant 1 : i32
        %add3A_329 = arith.addi %add3A_231, %add3A_328 : i32
        %mul3A_330 = arith.constant 64 : i32
        %mul3A_331 = arith.muli %add3A_329, %mul3A_330 : i32
        %add3A_332 = arith.addi %mul3A_8, %mul3A_331 : i32
        %dma_start3A_333 = arith.constant 0 : i32
        %dma_start3A_334 = tpu.memref_slice %arg5[%add3A_332, %dma_start3A_333] : memref<184832x128xf32, #tpu.memory_space<hbm>> -> memref<64x128xf32, #tpu.memory_space<hbm>>
        %dma_start3A_335 = arith.constant 0 : i32
        %dma_start3A_336 = tpu.memref_slice %arg5[%add3A_332, %dma_start3A_335] : memref<184832x128xf32, #tpu.memory_space<hbm>> -> memref<64x128xf32, #tpu.memory_space<hbm>>
        tpu.enqueue_dma source(%dma_start3A_336 : memref<64x128xf32, #tpu.memory_space<hbm>>) target(%arg17 : memref<64x128xf32, #tpu.memory_space<vmem>>) target_semaphore(%arg23 : memref<!tpu.dma_semaphore, #tpu.memory_space<semaphore_mem>>)
        %ge3A_337 = arith.constant 1 : i32
        %ge3A_338 = arith.cmpi sge, %add3A_231, %ge3A_337 : i32
        %convert_element_type3A_339 = arith.extui %ge3A_338 : i1 to i32
        %cond3A_340 = arith.constant 0 : i32
        %cond3A_341 = arith.cmpi ne, %convert_element_type3A_339, %cond3A_340 : i32
        scf.if %cond3A_341 {
          %add3A_342 = arith.constant 1 : i32
          %add3A_343 = arith.addi %add3A_231, %add3A_342 : i32
          %mul3A_344 = arith.constant 64 : i32
          %mul3A_345 = arith.muli %add3A_343, %mul3A_344 : i32
          %add3A_346 = arith.addi %mul3A_8, %mul3A_345 : i32
          %dma_start3A_347 = tpu.memref_slice %arg4[%add3A_346] : memref<184832xi32, #tpu.memory_space<hbm>> -> memref<64xi32, #tpu.memory_space<hbm>>
          %dma_start3A_348 = tpu.memref_slice %arg4[%add3A_346] : memref<184832xi32, #tpu.memory_space<hbm>> -> memref<64xi32, #tpu.memory_space<hbm>>
          tpu.enqueue_dma source(%dma_start3A_348 : memref<64xi32, #tpu.memory_space<hbm>>) target(%arg12 : memref<64xi32, #tpu.memory_space<vmem>>) target_semaphore(%arg31 : memref<!tpu.dma_semaphore, #tpu.memory_space<semaphore_mem>>)
        } else {
        }
      } else {
      }
      %add3A_249 = arith.constant 2 : i32
      %add3A_250 = arith.addi %add3A_231, %add3A_249 : i32
      %lt3A_251 = arith.constant 90 : i32
      %lt3A_252 = arith.cmpi slt, %add3A_250, %lt3A_251 : i32
      %convert_element_type3A_253 = arith.extui %lt3A_252 : i1 to i32
      %cond3A_254 = arith.constant 0 : i32
      %cond3A_255 = arith.cmpi ne, %convert_element_type3A_253, %cond3A_254 : i32
      scf.if %cond3A_255 {
        %add3A_318 = arith.constant 2 : i32
        %add3A_319 = arith.addi %add3A_231, %add3A_318 : i32
        %mul3A_320 = arith.constant 64 : i32
        %mul3A_321 = arith.muli %add3A_319, %mul3A_320 : i32
        %add3A_322 = arith.addi %mul3A_8, %mul3A_321 : i32
        %dma_start3A_323 = tpu.memref_slice %arg3[%add3A_322] : memref<184832xi32, #tpu.memory_space<hbm>> -> memref<64xi32, #tpu.memory_space<hbm>>
        %dma_start3A_324 = tpu.memref_slice %arg3[%add3A_322] : memref<184832xi32, #tpu.memory_space<hbm>> -> memref<64xi32, #tpu.memory_space<hbm>>
        tpu.enqueue_dma source(%dma_start3A_324 : memref<64xi32, #tpu.memory_space<hbm>>) target(%arg8 : memref<64xi32, #tpu.memory_space<vmem>>) target_semaphore(%arg27 : memref<!tpu.dma_semaphore, #tpu.memory_space<semaphore_mem>>)
      } else {
      }
      %scan3A_256 = arith.constant 0 : i32
      %scan3A_257 = arith.constant 64 : i32
      %scan3A_258 = arith.addi %scan3A_256, %scan3A_257 : i32
      %scan3A_259 = arith.constant 1 : i32
      scf.for %scan3A_318 = %scan3A_256 to %scan3A_258 step %scan3A_259  : i32 {
        %mul3A_319 = arith.constant 1 : i32
        %mul3A_320 = arith.muli %scan3A_318, %mul3A_319 : i32
        %add3A_321 = arith.constant 0 : i32
        %add3A_322 = arith.addi %add3A_321, %mul3A_320 : i32
        %get3A = arith.index_cast %add3A_322 : i32 to index
        %get3A_323 = arith.constant 0 : index
        %get3A_324 = tpu.vector_load %arg16[%get3A, %get3A_323] {strides = array<i32>} : memref<64x128xf32, #tpu.memory_space<vmem>>, vector<1x16xf32>,
        %get3A_325 = vector.shape_cast %get3A_324 : vector<1x16xf32> to vector<16xf32>
        %get3A_326 = arith.index_cast %add3A_322 : i32 to index
        %get3A_327 = arith.constant 0 : index
        %get3A_328 = tpu.vector_load %arg13[%get3A_326, %get3A_327] {strides = array<i32>} : memref<64x128xf32, #tpu.memory_space<vmem>>, vector<1x16xf32>,
        %get3A_329 = vector.shape_cast %get3A_328 : vector<1x16xf32> to vector<16xf32>
        %add3A_330 = arith.addf %get3A_325, %get3A_329 : vector<16xf32>
        %max3A = arith.constant 0.000000e+00 : f32
        %max3A_331 = vector.broadcast %max3A : f32 to vector<16xf32>
        %max3A_332 = arith.maximumf %add3A_330, %max3A_331 : vector<16xf32>
        %swap3A = arith.index_cast %add3A_322 : i32 to index
        %swap3A_333 = arith.constant 0 : index
        %swap3A_334 = tpu.vector_load %arg16[%swap3A, %swap3A_333] {strides = array<i32>} : memref<64x128xf32, #tpu.memory_space<vmem>>, vector<1x16xf32>,
        %swap3A_335 = vector.shape_cast %swap3A_334 : vector<1x16xf32> to vector<16xf32>
        %swap3A_336 = vector.shape_cast %max3A_332 : vector<16xf32> to vector<1x16xf32>
        tpu.vector_store %arg16[%swap3A, %swap3A_333], %swap3A_336 {strides = array<i32>} : memref<64x128xf32, #tpu.memory_space<vmem>>, vector<1x16xf32>,
        %get3A_337 = arith.index_cast %add3A_322 : i32 to index
        %get3A_338 = arith.constant 16 : index
        %get3A_339 = tpu.vector_load %arg16[%get3A_337, %get3A_338] {strides = array<i32>} : memref<64x128xf32, #tpu.memory_space<vmem>>, vector<1x16xf32>,
        %get3A_340 = vector.shape_cast %get3A_339 : vector<1x16xf32> to vector<16xf32>
        %get3A_341 = arith.index_cast %add3A_322 : i32 to index
        %get3A_342 = arith.constant 16 : index
        %get3A_343 = tpu.vector_load %arg13[%get3A_341, %get3A_342] {strides = array<i32>} : memref<64x128xf32, #tpu.memory_space<vmem>>, vector<1x16xf32>,
        %get3A_344 = vector.shape_cast %get3A_343 : vector<1x16xf32> to vector<16xf32>
        %add3A_345 = arith.addf %get3A_340, %get3A_344 : vector<16xf32>
        %max3A_346 = arith.constant 0.000000e+00 : f32
        %max3A_347 = vector.broadcast %max3A_346 : f32 to vector<16xf32>
        %max3A_348 = arith.maximumf %add3A_345, %max3A_347 : vector<16xf32>
        %swap3A_349 = arith.index_cast %add3A_322 : i32 to index
        %swap3A_350 = arith.constant 16 : index
        %swap3A_351 = tpu.vector_load %arg16[%swap3A_349, %swap3A_350] {strides = array<i32>} : memref<64x128xf32, #tpu.memory_space<vmem>>, vector<1x16xf32>,
        %swap3A_352 = vector.shape_cast %swap3A_351 : vector<1x16xf32> to vector<16xf32>
        %swap3A_353 = vector.shape_cast %max3A_348 : vector<16xf32> to vector<1x16xf32>
        tpu.vector_store %arg16[%swap3A_349, %swap3A_350], %swap3A_353 {strides = array<i32>} : memref<64x128xf32, #tpu.memory_space<vmem>>, vector<1x16xf32>,
        %get3A_354 = arith.index_cast %add3A_322 : i32 to index
        %get3A_355 = arith.constant 32 : index
        %get3A_356 = tpu.vector_load %arg16[%get3A_354, %get3A_355] {strides = array<i32>} : memref<64x128xf32, #tpu.memory_space<vmem>>, vector<1x16xf32>,
        %get3A_357 = vector.shape_cast %get3A_356 : vector<1x16xf32> to vector<16xf32>
        %get3A_358 = arith.index_cast %add3A_322 : i32 to index
        %get3A_359 = arith.constant 32 : index
        %get3A_360 = tpu.vector_load %arg13[%get3A_358, %get3A_359] {strides = array<i32>} : memref<64x128xf32, #tpu.memory_space<vmem>>, vector<1x16xf32>,
        %get3A_361 = vector.shape_cast %get3A_360 : vector<1x16xf32> to vector<16xf32>
        %add3A_362 = arith.addf %get3A_357, %get3A_361 : vector<16xf32>
        %max3A_363 = arith.constant 0.000000e+00 : f32
        %max3A_364 = vector.broadcast %max3A_363 : f32 to vector<16xf32>
        %max3A_365 = arith.maximumf %add3A_362, %max3A_364 : vector<16xf32>
        %swap3A_366 = arith.index_cast %add3A_322 : i32 to index
        %swap3A_367 = arith.constant 32 : index
        %swap3A_368 = tpu.vector_load %arg16[%swap3A_366, %swap3A_367] {strides = array<i32>} : memref<64x128xf32, #tpu.memory_space<vmem>>, vector<1x16xf32>,
        %swap3A_369 = vector.shape_cast %swap3A_368 : vector<1x16xf32> to vector<16xf32>
        %swap3A_370 = vector.shape_cast %max3A_365 : vector<16xf32> to vector<1x16xf32>
        tpu.vector_store %arg16[%swap3A_366, %swap3A_367], %swap3A_370 {strides = array<i32>} : memref<64x128xf32, #tpu.memory_space<vmem>>, vector<1x16xf32>,
        %get3A_371 = arith.index_cast %add3A_322 : i32 to index
        %get3A_372 = arith.constant 48 : index
        %get3A_373 = tpu.vector_load %arg16[%get3A_371, %get3A_372] {strides = array<i32>} : memref<64x128xf32, #tpu.memory_space<vmem>>, vector<1x16xf32>,
        %get3A_374 = vector.shape_cast %get3A_373 : vector<1x16xf32> to vector<16xf32>
        %get3A_375 = arith.index_cast %add3A_322 : i32 to index
        %get3A_376 = arith.constant 48 : index
        %get3A_377 = tpu.vector_load %arg13[%get3A_375, %get3A_376] {strides = array<i32>} : memref<64x128xf32, #tpu.memory_space<vmem>>, vector<1x16xf32>,
        %get3A_378 = vector.shape_cast %get3A_377 : vector<1x16xf32> to vector<16xf32>
        %add3A_379 = arith.addf %get3A_374, %get3A_378 : vector<16xf32>
        %max3A_380 = arith.constant 0.000000e+00 : f32
        %max3A_381 = vector.broadcast %max3A_380 : f32 to vector<16xf32>
        %max3A_382 = arith.maximumf %add3A_379, %max3A_381 : vector<16xf32>
        %swap3A_383 = arith.index_cast %add3A_322 : i32 to index
        %swap3A_384 = arith.constant 48 : index
        %swap3A_385 = tpu.vector_load %arg16[%swap3A_383, %swap3A_384] {strides = array<i32>} : memref<64x128xf32, #tpu.memory_space<vmem>>, vector<1x16xf32>,
        %swap3A_386 = vector.shape_cast %swap3A_385 : vector<1x16xf32> to vector<16xf32>
        %swap3A_387 = vector.shape_cast %max3A_382 : vector<16xf32> to vector<1x16xf32>
        tpu.vector_store %arg16[%swap3A_383, %swap3A_384], %swap3A_387 {strides = array<i32>} : memref<64x128xf32, #tpu.memory_space<vmem>>, vector<1x16xf32>,
        %get3A_388 = arith.index_cast %add3A_322 : i32 to index
        %get3A_389 = arith.constant 64 : index
        %get3A_390 = tpu.vector_load %arg16[%get3A_388, %get3A_389] {strides = array<i32>} : memref<64x128xf32, #tpu.memory_space<vmem>>, vector<1x16xf32>,
        %get3A_391 = vector.shape_cast %get3A_390 : vector<1x16xf32> to vector<16xf32>
        %get3A_392 = arith.index_cast %add3A_322 : i32 to index
        %get3A_393 = arith.constant 64 : index
        %get3A_394 = tpu.vector_load %arg13[%get3A_392, %get3A_393] {strides = array<i32>} : memref<64x128xf32, #tpu.memory_space<vmem>>, vector<1x16xf32>,
        %get3A_395 = vector.shape_cast %get3A_394 : vector<1x16xf32> to vector<16xf32>
        %add3A_396 = arith.addf %get3A_391, %get3A_395 : vector<16xf32>
        %max3A_397 = arith.constant 0.000000e+00 : f32
        %max3A_398 = vector.broadcast %max3A_397 : f32 to vector<16xf32>
        %max3A_399 = arith.maximumf %add3A_396, %max3A_398 : vector<16xf32>
        %swap3A_400 = arith.index_cast %add3A_322 : i32 to index
        %swap3A_401 = arith.constant 64 : index
        %swap3A_402 = tpu.vector_load %arg16[%swap3A_400, %swap3A_401] {strides = array<i32>} : memref<64x128xf32, #tpu.memory_space<vmem>>, vector<1x16xf32>,
        %swap3A_403 = vector.shape_cast %swap3A_402 : vector<1x16xf32> to vector<16xf32>
        %swap3A_404 = vector.shape_cast %max3A_399 : vector<16xf32> to vector<1x16xf32>
        tpu.vector_store %arg16[%swap3A_400, %swap3A_401], %swap3A_404 {strides = array<i32>} : memref<64x128xf32, #tpu.memory_space<vmem>>, vector<1x16xf32>,
        %get3A_405 = arith.index_cast %add3A_322 : i32 to index
        %get3A_406 = arith.constant 80 : index
        %get3A_407 = tpu.vector_load %arg16[%get3A_405, %get3A_406] {strides = array<i32>} : memref<64x128xf32, #tpu.memory_space<vmem>>, vector<1x16xf32>,
        %get3A_408 = vector.shape_cast %get3A_407 : vector<1x16xf32> to vector<16xf32>
        %get3A_409 = arith.index_cast %add3A_322 : i32 to index
        %get3A_410 = arith.constant 80 : index
        %get3A_411 = tpu.vector_load %arg13[%get3A_409, %get3A_410] {strides = array<i32>} : memref<64x128xf32, #tpu.memory_space<vmem>>, vector<1x16xf32>,
        %get3A_412 = vector.shape_cast %get3A_411 : vector<1x16xf32> to vector<16xf32>
        %add3A_413 = arith.addf %get3A_408, %get3A_412 : vector<16xf32>
        %max3A_414 = arith.constant 0.000000e+00 : f32
        %max3A_415 = vector.broadcast %max3A_414 : f32 to vector<16xf32>
        %max3A_416 = arith.maximumf %add3A_413, %max3A_415 : vector<16xf32>
        %swap3A_417 = arith.index_cast %add3A_322 : i32 to index
        %swap3A_418 = arith.constant 80 : index
        %swap3A_419 = tpu.vector_load %arg16[%swap3A_417, %swap3A_418] {strides = array<i32>} : memref<64x128xf32, #tpu.memory_space<vmem>>, vector<1x16xf32>,
        %swap3A_420 = vector.shape_cast %swap3A_419 : vector<1x16xf32> to vector<16xf32>
        %swap3A_421 = vector.shape_cast %max3A_416 : vector<16xf32> to vector<1x16xf32>
        tpu.vector_store %arg16[%swap3A_417, %swap3A_418], %swap3A_421 {strides = array<i32>} : memref<64x128xf32, #tpu.memory_space<vmem>>, vector<1x16xf32>,
        %get3A_422 = arith.index_cast %add3A_322 : i32 to index
        %get3A_423 = arith.constant 96 : index
        %get3A_424 = tpu.vector_load %arg16[%get3A_422, %get3A_423] {strides = array<i32>} : memref<64x128xf32, #tpu.memory_space<vmem>>, vector<1x16xf32>,
        %get3A_425 = vector.shape_cast %get3A_424 : vector<1x16xf32> to vector<16xf32>
        %get3A_426 = arith.index_cast %add3A_322 : i32 to index
        %get3A_427 = arith.constant 96 : index
        %get3A_428 = tpu.vector_load %arg13[%get3A_426, %get3A_427] {strides = array<i32>} : memref<64x128xf32, #tpu.memory_space<vmem>>, vector<1x16xf32>,
        %get3A_429 = vector.shape_cast %get3A_428 : vector<1x16xf32> to vector<16xf32>
        %add3A_430 = arith.addf %get3A_425, %get3A_429 : vector<16xf32>
        %max3A_431 = arith.constant 0.000000e+00 : f32
        %max3A_432 = vector.broadcast %max3A_431 : f32 to vector<16xf32>
        %max3A_433 = arith.maximumf %add3A_430, %max3A_432 : vector<16xf32>
        %swap3A_434 = arith.index_cast %add3A_322 : i32 to index
        %swap3A_435 = arith.constant 96 : index
        %swap3A_436 = tpu.vector_load %arg16[%swap3A_434, %swap3A_435] {strides = array<i32>} : memref<64x128xf32, #tpu.memory_space<vmem>>, vector<1x16xf32>,
        %swap3A_437 = vector.shape_cast %swap3A_436 : vector<1x16xf32> to vector<16xf32>
        %swap3A_438 = vector.shape_cast %max3A_433 : vector<16xf32> to vector<1x16xf32>
        tpu.vector_store %arg16[%swap3A_434, %swap3A_435], %swap3A_438 {strides = array<i32>} : memref<64x128xf32, #tpu.memory_space<vmem>>, vector<1x16xf32>,
        %get3A_439 = arith.index_cast %add3A_322 : i32 to index
        %get3A_440 = arith.constant 112 : index
        %get3A_441 = tpu.vector_load %arg16[%get3A_439, %get3A_440] {strides = array<i32>} : memref<64x128xf32, #tpu.memory_space<vmem>>, vector<1x16xf32>,
        %get3A_442 = vector.shape_cast %get3A_441 : vector<1x16xf32> to vector<16xf32>
        %get3A_443 = arith.index_cast %add3A_322 : i32 to index
        %get3A_444 = arith.constant 112 : index
        %get3A_445 = tpu.vector_load %arg13[%get3A_443, %get3A_444] {strides = array<i32>} : memref<64x128xf32, #tpu.memory_space<vmem>>, vector<1x16xf32>,
        %get3A_446 = vector.shape_cast %get3A_445 : vector<1x16xf32> to vector<16xf32>
        %add3A_447 = arith.addf %get3A_442, %get3A_446 : vector<16xf32>
        %max3A_448 = arith.constant 0.000000e+00 : f32
        %max3A_449 = vector.broadcast %max3A_448 : f32 to vector<16xf32>
        %max3A_450 = arith.maximumf %add3A_447, %max3A_449 : vector<16xf32>
        %swap3A_451 = arith.index_cast %add3A_322 : i32 to index
        %swap3A_452 = arith.constant 112 : index
        %swap3A_453 = tpu.vector_load %arg16[%swap3A_451, %swap3A_452] {strides = array<i32>} : memref<64x128xf32, #tpu.memory_space<vmem>>, vector<1x16xf32>,
        %swap3A_454 = vector.shape_cast %swap3A_453 : vector<1x16xf32> to vector<16xf32>
        %swap3A_455 = vector.shape_cast %max3A_450 : vector<16xf32> to vector<1x16xf32>
        tpu.vector_store %arg16[%swap3A_451, %swap3A_452], %swap3A_455 {strides = array<i32>} : memref<64x128xf32, #tpu.memory_space<vmem>>, vector<1x16xf32>,
      }
      %scan3A_260 = arith.constant 64 : i32
      %mul3A_261 = arith.constant 64 : i32
      %mul3A_262 = arith.muli %add3A_231, %mul3A_261 : i32
      %add3A_263 = arith.addi %mul3A_8, %mul3A_262 : i32
      %dma_wait3A_264 = tpu.memref_slice %arg4[%add3A_263] : memref<184832xi32, #tpu.memory_space<hbm>> -> memref<64xi32, #tpu.memory_space<hbm>>
      %dma_wait3A_265 = tpu.memref_slice %arg4[%add3A_263] : memref<184832xi32, #tpu.memory_space<hbm>> -> memref<64xi32, #tpu.memory_space<hbm>>
      tpu.wait_dma2 semaphore(%arg30 : memref<!tpu.dma_semaphore, #tpu.memory_space<semaphore_mem>>) src(%dma_wait3A_265 : memref<64xi32, #tpu.memory_space<hbm>>) dst(%arg11 : memref<64xi32, #tpu.memory_space<vmem>>)
      %ge3A_266 = arith.constant 1 : i32
      %ge3A_267 = arith.cmpi sge, %add3A_231, %ge3A_266 : i32
      %convert_element_type3A_268 = arith.extui %ge3A_267 : i1 to i32
      %cond3A_269 = arith.constant 0 : i32
      %cond3A_270 = arith.cmpi ne, %convert_element_type3A_268, %cond3A_269 : i32
      scf.if %cond3A_270 {
        %dma_wait3A_318 = arith.constant 0 : i32
        %dma_wait3A_319 = arith.constant 0 : i32
        %dma_wait3A_320 = tpu.memref_slice %arg18[%dma_wait3A_318, %dma_wait3A_319] : memref<10240x128xf32, #tpu.memory_space<vmem_shared>> -> memref<10240x128xf32, #tpu.memory_space<vmem_shared>>
        tpu.wait_indirect_dma semaphore(%arg24 : memref<!tpu.dma_semaphore, #tpu.memory_space<semaphore_mem>>) src(%arg15 : memref<64x128xf32, #tpu.memory_space<vmem>>) dst(%dma_wait3A_320 : memref<10240x128xf32, #tpu.memory_space<vmem_shared>>)
      } else {
      }
      %dma_start3A_271 = arith.constant 0 : i32
      %dma_start3A_272 = arith.constant 0 : i32
      %dma_start3A_273 = tpu.memref_slice %arg18[%dma_start3A_271, %dma_start3A_272] : memref<10240x128xf32, #tpu.memory_space<vmem_shared>> -> memref<10240x128xf32, #tpu.memory_space<vmem_shared>>
      tpu.enqueue_indirect_dma source(%arg16 : memref<64x128xf32, #tpu.memory_space<vmem>>) target(%dma_start3A_273 : memref<10240x128xf32, #tpu.memory_space<vmem_shared>>) offsets(%arg11 : memref<64xi32, #tpu.memory_space<vmem>>) semaphore(%arg25 : memref<!tpu.dma_semaphore, #tpu.memory_space<semaphore_mem>>) {add = true}
      %add3A_274 = arith.constant 5 : i32
      %add3A_275 = arith.addi %add3A_54, %add3A_274 : i32
      %dma_wait3A_276 = arith.constant 0 : i32
      %dma_wait3A_277 = arith.constant 0 : i32
      %dma_wait3A_278 = tpu.memref_slice %arg2[%dma_wait3A_276, %dma_wait3A_277] : memref<10000x128xf32, #tpu.memory_space<hbm>> -> memref<10000x128xf32, #tpu.memory_space<hbm>>
      tpu.wait_indirect_dma semaphore(%arg20 : memref<!tpu.dma_semaphore, #tpu.memory_space<semaphore_mem>>) src(%dma_wait3A_278 : memref<10000x128xf32, #tpu.memory_space<hbm>>) dst(%arg14 : memref<64x128xf32, #tpu.memory_space<vmem>>)
      %mul3A_279 = arith.constant 64 : i32
      %mul3A_280 = arith.muli %add3A_275, %mul3A_279 : i32
      %add3A_281 = arith.addi %mul3A_8, %mul3A_280 : i32
      %dma_wait3A_282 = arith.constant 0 : i32
      %dma_wait3A_283 = tpu.memref_slice %arg5[%add3A_281, %dma_wait3A_282] : memref<184832x128xf32, #tpu.memory_space<hbm>> -> memref<64x128xf32, #tpu.memory_space<hbm>>
      %dma_wait3A_284 = arith.constant 0 : i32
      %dma_wait3A_285 = tpu.memref_slice %arg5[%add3A_281, %dma_wait3A_284] : memref<184832x128xf32, #tpu.memory_space<hbm>> -> memref<64x128xf32, #tpu.memory_space<hbm>>
      tpu.wait_dma2 semaphore(%arg23 : memref<!tpu.dma_semaphore, #tpu.memory_space<semaphore_mem>>) src(%dma_wait3A_285 : memref<64x128xf32, #tpu.memory_space<hbm>>) dst(%arg17 : memref<64x128xf32, #tpu.memory_space<vmem>>)
      %add3A_286 = arith.constant 1 : i32
      %add3A_287 = arith.addi %add3A_275, %add3A_286 : i32
      %lt3A_288 = arith.constant 90 : i32
      %lt3A_289 = arith.cmpi slt, %add3A_287, %lt3A_288 : i32
      %convert_element_type3A_290 = arith.extui %lt3A_289 : i1 to i32
      %cond3A_291 = arith.constant 0 : i32
      %cond3A_292 = arith.cmpi ne, %convert_element_type3A_290, %cond3A_291 : i32
      scf.if %cond3A_292 {
        %add3A_318 = arith.constant 1 : i32
        %add3A_319 = arith.addi %add3A_275, %add3A_318 : i32
        %mul3A_320 = arith.constant 64 : i32
        %mul3A_321 = arith.muli %add3A_319, %mul3A_320 : i32
        %add3A_322 = arith.addi %mul3A_8, %mul3A_321 : i32
        %dma_wait3A_323 = tpu.memref_slice %arg3[%add3A_322] : memref<184832xi32, #tpu.memory_space<hbm>> -> memref<64xi32, #tpu.memory_space<hbm>>
        %dma_wait3A_324 = tpu.memref_slice %arg3[%add3A_322] : memref<184832xi32, #tpu.memory_space<hbm>> -> memref<64xi32, #tpu.memory_space<hbm>>
        tpu.wait_dma2 semaphore(%arg27 : memref<!tpu.dma_semaphore, #tpu.memory_space<semaphore_mem>>) src(%dma_wait3A_324 : memref<64xi32, #tpu.memory_space<hbm>>) dst(%arg8 : memref<64xi32, #tpu.memory_space<vmem>>)
        %dma_start3A_325 = arith.constant 0 : i32
        %dma_start3A_326 = arith.constant 0 : i32
        %dma_start3A_327 = tpu.memref_slice %arg2[%dma_start3A_325, %dma_start3A_326] : memref<10000x128xf32, #tpu.memory_space<hbm>> -> memref<10000x128xf32, #tpu.memory_space<hbm>>
        tpu.enqueue_indirect_dma source(%dma_start3A_327 : memref<10000x128xf32, #tpu.memory_space<hbm>>) target(%arg13 : memref<64x128xf32, #tpu.memory_space<vmem>>) offsets(%arg8 : memref<64xi32, #tpu.memory_space<vmem>>) semaphore(%arg19 : memref<!tpu.dma_semaphore, #tpu.memory_space<semaphore_mem>>)
        %add3A_328 = arith.constant 1 : i32
        %add3A_329 = arith.addi %add3A_275, %add3A_328 : i32
        %mul3A_330 = arith.constant 64 : i32
        %mul3A_331 = arith.muli %add3A_329, %mul3A_330 : i32
        %add3A_332 = arith.addi %mul3A_8, %mul3A_331 : i32
        %dma_start3A_333 = arith.constant 0 : i32
        %dma_start3A_334 = tpu.memref_slice %arg5[%add3A_332, %dma_start3A_333] : memref<184832x128xf32, #tpu.memory_space<hbm>> -> memref<64x128xf32, #tpu.memory_space<hbm>>
        %dma_start3A_335 = arith.constant 0 : i32
        %dma_start3A_336 = tpu.memref_slice %arg5[%add3A_332, %dma_start3A_335] : memref<184832x128xf32, #tpu.memory_space<hbm>> -> memref<64x128xf32, #tpu.memory_space<hbm>>
        tpu.enqueue_dma source(%dma_start3A_336 : memref<64x128xf32, #tpu.memory_space<hbm>>) target(%arg15 : memref<64x128xf32, #tpu.memory_space<vmem>>) target_semaphore(%arg21 : memref<!tpu.dma_semaphore, #tpu.memory_space<semaphore_mem>>)
        %ge3A_337 = arith.constant 1 : i32
        %ge3A_338 = arith.cmpi sge, %add3A_275, %ge3A_337 : i32
        %convert_element_type3A_339 = arith.extui %ge3A_338 : i1 to i32
        %cond3A_340 = arith.constant 0 : i32
        %cond3A_341 = arith.cmpi ne, %convert_element_type3A_339, %cond3A_340 : i32
        scf.if %cond3A_341 {
          %add3A_342 = arith.constant 1 : i32
          %add3A_343 = arith.addi %add3A_275, %add3A_342 : i32
          %mul3A_344 = arith.constant 64 : i32
          %mul3A_345 = arith.muli %add3A_343, %mul3A_344 : i32
          %add3A_346 = arith.addi %mul3A_8, %mul3A_345 : i32
          %dma_start3A_347 = tpu.memref_slice %arg4[%add3A_346] : memref<184832xi32, #tpu.memory_space<hbm>> -> memref<64xi32, #tpu.memory_space<hbm>>
          %dma_start3A_348 = tpu.memref_slice %arg4[%add3A_346] : memref<184832xi32, #tpu.memory_space<hbm>> -> memref<64xi32, #tpu.memory_space<hbm>>
          tpu.enqueue_dma source(%dma_start3A_348 : memref<64xi32, #tpu.memory_space<hbm>>) target(%arg10 : memref<64xi32, #tpu.memory_space<vmem>>) target_semaphore(%arg29 : memref<!tpu.dma_semaphore, #tpu.memory_space<semaphore_mem>>)
        } else {
        }
      } else {
      }
      %add3A_293 = arith.constant 2 : i32
      %add3A_294 = arith.addi %add3A_275, %add3A_293 : i32
      %lt3A_295 = arith.constant 90 : i32
      %lt3A_296 = arith.cmpi slt, %add3A_294, %lt3A_295 : i32
      %convert_element_type3A_297 = arith.extui %lt3A_296 : i1 to i32
      %cond3A_298 = arith.constant 0 : i32
      %cond3A_299 = arith.cmpi ne, %convert_element_type3A_297, %cond3A_298 : i32
      scf.if %cond3A_299 {
        %add3A_318 = arith.constant 2 : i32
        %add3A_319 = arith.addi %add3A_275, %add3A_318 : i32
        %mul3A_320 = arith.constant 64 : i32
        %mul3A_321 = arith.muli %add3A_319, %mul3A_320 : i32
        %add3A_322 = arith.addi %mul3A_8, %mul3A_321 : i32
        %dma_start3A_323 = tpu.memref_slice %arg3[%add3A_322] : memref<184832xi32, #tpu.memory_space<hbm>> -> memref<64xi32, #tpu.memory_space<hbm>>
        %dma_start3A_324 = tpu.memref_slice %arg3[%add3A_322] : memref<184832xi32, #tpu.memory_space<hbm>> -> memref<64xi32, #tpu.memory_space<hbm>>
        tpu.enqueue_dma source(%dma_start3A_324 : memref<64xi32, #tpu.memory_space<hbm>>) target(%arg9 : memref<64xi32, #tpu.memory_space<vmem>>) target_semaphore(%arg28 : memref<!tpu.dma_semaphore, #tpu.memory_space<semaphore_mem>>)
      } else {
      }
      %scan3A_300 = arith.constant 0 : i32
      %scan3A_301 = arith.constant 64 : i32
      %scan3A_302 = arith.addi %scan3A_300, %scan3A_301 : i32
      %scan3A_303 = arith.constant 1 : i32
      scf.for %scan3A_318 = %scan3A_300 to %scan3A_302 step %scan3A_303  : i32 {
        %mul3A_319 = arith.constant 1 : i32
        %mul3A_320 = arith.muli %scan3A_318, %mul3A_319 : i32
        %add3A_321 = arith.constant 0 : i32
        %add3A_322 = arith.addi %add3A_321, %mul3A_320 : i32
        %get3A = arith.index_cast %add3A_322 : i32 to index
        %get3A_323 = arith.constant 0 : index
        %get3A_324 = tpu.vector_load %arg17[%get3A, %get3A_323] {strides = array<i32>} : memref<64x128xf32, #tpu.memory_space<vmem>>, vector<1x16xf32>,
        %get3A_325 = vector.shape_cast %get3A_324 : vector<1x16xf32> to vector<16xf32>
        %get3A_326 = arith.index_cast %add3A_322 : i32 to index
        %get3A_327 = arith.constant 0 : index
        %get3A_328 = tpu.vector_load %arg14[%get3A_326, %get3A_327] {strides = array<i32>} : memref<64x128xf32, #tpu.memory_space<vmem>>, vector<1x16xf32>,
        %get3A_329 = vector.shape_cast %get3A_328 : vector<1x16xf32> to vector<16xf32>
        %add3A_330 = arith.addf %get3A_325, %get3A_329 : vector<16xf32>
        %max3A = arith.constant 0.000000e+00 : f32
        %max3A_331 = vector.broadcast %max3A : f32 to vector<16xf32>
        %max3A_332 = arith.maximumf %add3A_330, %max3A_331 : vector<16xf32>
        %swap3A = arith.index_cast %add3A_322 : i32 to index
        %swap3A_333 = arith.constant 0 : index
        %swap3A_334 = tpu.vector_load %arg17[%swap3A, %swap3A_333] {strides = array<i32>} : memref<64x128xf32, #tpu.memory_space<vmem>>, vector<1x16xf32>,
        %swap3A_335 = vector.shape_cast %swap3A_334 : vector<1x16xf32> to vector<16xf32>
        %swap3A_336 = vector.shape_cast %max3A_332 : vector<16xf32> to vector<1x16xf32>
        tpu.vector_store %arg17[%swap3A, %swap3A_333], %swap3A_336 {strides = array<i32>} : memref<64x128xf32, #tpu.memory_space<vmem>>, vector<1x16xf32>,
        %get3A_337 = arith.index_cast %add3A_322 : i32 to index
        %get3A_338 = arith.constant 16 : index
        %get3A_339 = tpu.vector_load %arg17[%get3A_337, %get3A_338] {strides = array<i32>} : memref<64x128xf32, #tpu.memory_space<vmem>>, vector<1x16xf32>,
        %get3A_340 = vector.shape_cast %get3A_339 : vector<1x16xf32> to vector<16xf32>
        %get3A_341 = arith.index_cast %add3A_322 : i32 to index
        %get3A_342 = arith.constant 16 : index
        %get3A_343 = tpu.vector_load %arg14[%get3A_341, %get3A_342] {strides = array<i32>} : memref<64x128xf32, #tpu.memory_space<vmem>>, vector<1x16xf32>,
        %get3A_344 = vector.shape_cast %get3A_343 : vector<1x16xf32> to vector<16xf32>
        %add3A_345 = arith.addf %get3A_340, %get3A_344 : vector<16xf32>
        %max3A_346 = arith.constant 0.000000e+00 : f32
        %max3A_347 = vector.broadcast %max3A_346 : f32 to vector<16xf32>
        %max3A_348 = arith.maximumf %add3A_345, %max3A_347 : vector<16xf32>
        %swap3A_349 = arith.index_cast %add3A_322 : i32 to index
        %swap3A_350 = arith.constant 16 : index
        %swap3A_351 = tpu.vector_load %arg17[%swap3A_349, %swap3A_350] {strides = array<i32>} : memref<64x128xf32, #tpu.memory_space<vmem>>, vector<1x16xf32>,
        %swap3A_352 = vector.shape_cast %swap3A_351 : vector<1x16xf32> to vector<16xf32>
        %swap3A_353 = vector.shape_cast %max3A_348 : vector<16xf32> to vector<1x16xf32>
        tpu.vector_store %arg17[%swap3A_349, %swap3A_350], %swap3A_353 {strides = array<i32>} : memref<64x128xf32, #tpu.memory_space<vmem>>, vector<1x16xf32>,
        %get3A_354 = arith.index_cast %add3A_322 : i32 to index
        %get3A_355 = arith.constant 32 : index
        %get3A_356 = tpu.vector_load %arg17[%get3A_354, %get3A_355] {strides = array<i32>} : memref<64x128xf32, #tpu.memory_space<vmem>>, vector<1x16xf32>,
        %get3A_357 = vector.shape_cast %get3A_356 : vector<1x16xf32> to vector<16xf32>
        %get3A_358 = arith.index_cast %add3A_322 : i32 to index
        %get3A_359 = arith.constant 32 : index
        %get3A_360 = tpu.vector_load %arg14[%get3A_358, %get3A_359] {strides = array<i32>} : memref<64x128xf32, #tpu.memory_space<vmem>>, vector<1x16xf32>,
        %get3A_361 = vector.shape_cast %get3A_360 : vector<1x16xf32> to vector<16xf32>
        %add3A_362 = arith.addf %get3A_357, %get3A_361 : vector<16xf32>
        %max3A_363 = arith.constant 0.000000e+00 : f32
        %max3A_364 = vector.broadcast %max3A_363 : f32 to vector<16xf32>
        %max3A_365 = arith.maximumf %add3A_362, %max3A_364 : vector<16xf32>
        %swap3A_366 = arith.index_cast %add3A_322 : i32 to index
        %swap3A_367 = arith.constant 32 : index
        %swap3A_368 = tpu.vector_load %arg17[%swap3A_366, %swap3A_367] {strides = array<i32>} : memref<64x128xf32, #tpu.memory_space<vmem>>, vector<1x16xf32>,
        %swap3A_369 = vector.shape_cast %swap3A_368 : vector<1x16xf32> to vector<16xf32>
        %swap3A_370 = vector.shape_cast %max3A_365 : vector<16xf32> to vector<1x16xf32>
        tpu.vector_store %arg17[%swap3A_366, %swap3A_367], %swap3A_370 {strides = array<i32>} : memref<64x128xf32, #tpu.memory_space<vmem>>, vector<1x16xf32>,
        %get3A_371 = arith.index_cast %add3A_322 : i32 to index
        %get3A_372 = arith.constant 48 : index
        %get3A_373 = tpu.vector_load %arg17[%get3A_371, %get3A_372] {strides = array<i32>} : memref<64x128xf32, #tpu.memory_space<vmem>>, vector<1x16xf32>,
        %get3A_374 = vector.shape_cast %get3A_373 : vector<1x16xf32> to vector<16xf32>
        %get3A_375 = arith.index_cast %add3A_322 : i32 to index
        %get3A_376 = arith.constant 48 : index
        %get3A_377 = tpu.vector_load %arg14[%get3A_375, %get3A_376] {strides = array<i32>} : memref<64x128xf32, #tpu.memory_space<vmem>>, vector<1x16xf32>,
        %get3A_378 = vector.shape_cast %get3A_377 : vector<1x16xf32> to vector<16xf32>
        %add3A_379 = arith.addf %get3A_374, %get3A_378 : vector<16xf32>
        %max3A_380 = arith.constant 0.000000e+00 : f32
        %max3A_381 = vector.broadcast %max3A_380 : f32 to vector<16xf32>
        %max3A_382 = arith.maximumf %add3A_379, %max3A_381 : vector<16xf32>
        %swap3A_383 = arith.index_cast %add3A_322 : i32 to index
        %swap3A_384 = arith.constant 48 : index
        %swap3A_385 = tpu.vector_load %arg17[%swap3A_383, %swap3A_384] {strides = array<i32>} : memref<64x128xf32, #tpu.memory_space<vmem>>, vector<1x16xf32>,
        %swap3A_386 = vector.shape_cast %swap3A_385 : vector<1x16xf32> to vector<16xf32>
        %swap3A_387 = vector.shape_cast %max3A_382 : vector<16xf32> to vector<1x16xf32>
        tpu.vector_store %arg17[%swap3A_383, %swap3A_384], %swap3A_387 {strides = array<i32>} : memref<64x128xf32, #tpu.memory_space<vmem>>, vector<1x16xf32>,
        %get3A_388 = arith.index_cast %add3A_322 : i32 to index
        %get3A_389 = arith.constant 64 : index
        %get3A_390 = tpu.vector_load %arg17[%get3A_388, %get3A_389] {strides = array<i32>} : memref<64x128xf32, #tpu.memory_space<vmem>>, vector<1x16xf32>,
        %get3A_391 = vector.shape_cast %get3A_390 : vector<1x16xf32> to vector<16xf32>
        %get3A_392 = arith.index_cast %add3A_322 : i32 to index
        %get3A_393 = arith.constant 64 : index
        %get3A_394 = tpu.vector_load %arg14[%get3A_392, %get3A_393] {strides = array<i32>} : memref<64x128xf32, #tpu.memory_space<vmem>>, vector<1x16xf32>,
        %get3A_395 = vector.shape_cast %get3A_394 : vector<1x16xf32> to vector<16xf32>
        %add3A_396 = arith.addf %get3A_391, %get3A_395 : vector<16xf32>
        %max3A_397 = arith.constant 0.000000e+00 : f32
        %max3A_398 = vector.broadcast %max3A_397 : f32 to vector<16xf32>
        %max3A_399 = arith.maximumf %add3A_396, %max3A_398 : vector<16xf32>
        %swap3A_400 = arith.index_cast %add3A_322 : i32 to index
        %swap3A_401 = arith.constant 64 : index
        %swap3A_402 = tpu.vector_load %arg17[%swap3A_400, %swap3A_401] {strides = array<i32>} : memref<64x128xf32, #tpu.memory_space<vmem>>, vector<1x16xf32>,
        %swap3A_403 = vector.shape_cast %swap3A_402 : vector<1x16xf32> to vector<16xf32>
        %swap3A_404 = vector.shape_cast %max3A_399 : vector<16xf32> to vector<1x16xf32>
        tpu.vector_store %arg17[%swap3A_400, %swap3A_401], %swap3A_404 {strides = array<i32>} : memref<64x128xf32, #tpu.memory_space<vmem>>, vector<1x16xf32>,
        %get3A_405 = arith.index_cast %add3A_322 : i32 to index
        %get3A_406 = arith.constant 80 : index
        %get3A_407 = tpu.vector_load %arg17[%get3A_405, %get3A_406] {strides = array<i32>} : memref<64x128xf32, #tpu.memory_space<vmem>>, vector<1x16xf32>,
        %get3A_408 = vector.shape_cast %get3A_407 : vector<1x16xf32> to vector<16xf32>
        %get3A_409 = arith.index_cast %add3A_322 : i32 to index
        %get3A_410 = arith.constant 80 : index
        %get3A_411 = tpu.vector_load %arg14[%get3A_409, %get3A_410] {strides = array<i32>} : memref<64x128xf32, #tpu.memory_space<vmem>>, vector<1x16xf32>,
        %get3A_412 = vector.shape_cast %get3A_411 : vector<1x16xf32> to vector<16xf32>
        %add3A_413 = arith.addf %get3A_408, %get3A_412 : vector<16xf32>
        %max3A_414 = arith.constant 0.000000e+00 : f32
        %max3A_415 = vector.broadcast %max3A_414 : f32 to vector<16xf32>
        %max3A_416 = arith.maximumf %add3A_413, %max3A_415 : vector<16xf32>
        %swap3A_417 = arith.index_cast %add3A_322 : i32 to index
        %swap3A_418 = arith.constant 80 : index
        %swap3A_419 = tpu.vector_load %arg17[%swap3A_417, %swap3A_418] {strides = array<i32>} : memref<64x128xf32, #tpu.memory_space<vmem>>, vector<1x16xf32>,
        %swap3A_420 = vector.shape_cast %swap3A_419 : vector<1x16xf32> to vector<16xf32>
        %swap3A_421 = vector.shape_cast %max3A_416 : vector<16xf32> to vector<1x16xf32>
        tpu.vector_store %arg17[%swap3A_417, %swap3A_418], %swap3A_421 {strides = array<i32>} : memref<64x128xf32, #tpu.memory_space<vmem>>, vector<1x16xf32>,
        %get3A_422 = arith.index_cast %add3A_322 : i32 to index
        %get3A_423 = arith.constant 96 : index
        %get3A_424 = tpu.vector_load %arg17[%get3A_422, %get3A_423] {strides = array<i32>} : memref<64x128xf32, #tpu.memory_space<vmem>>, vector<1x16xf32>,
        %get3A_425 = vector.shape_cast %get3A_424 : vector<1x16xf32> to vector<16xf32>
        %get3A_426 = arith.index_cast %add3A_322 : i32 to index
        %get3A_427 = arith.constant 96 : index
        %get3A_428 = tpu.vector_load %arg14[%get3A_426, %get3A_427] {strides = array<i32>} : memref<64x128xf32, #tpu.memory_space<vmem>>, vector<1x16xf32>,
        %get3A_429 = vector.shape_cast %get3A_428 : vector<1x16xf32> to vector<16xf32>
        %add3A_430 = arith.addf %get3A_425, %get3A_429 : vector<16xf32>
        %max3A_431 = arith.constant 0.000000e+00 : f32
        %max3A_432 = vector.broadcast %max3A_431 : f32 to vector<16xf32>
        %max3A_433 = arith.maximumf %add3A_430, %max3A_432 : vector<16xf32>
        %swap3A_434 = arith.index_cast %add3A_322 : i32 to index
        %swap3A_435 = arith.constant 96 : index
        %swap3A_436 = tpu.vector_load %arg17[%swap3A_434, %swap3A_435] {strides = array<i32>} : memref<64x128xf32, #tpu.memory_space<vmem>>, vector<1x16xf32>,
        %swap3A_437 = vector.shape_cast %swap3A_436 : vector<1x16xf32> to vector<16xf32>
        %swap3A_438 = vector.shape_cast %max3A_433 : vector<16xf32> to vector<1x16xf32>
        tpu.vector_store %arg17[%swap3A_434, %swap3A_435], %swap3A_438 {strides = array<i32>} : memref<64x128xf32, #tpu.memory_space<vmem>>, vector<1x16xf32>,
        %get3A_439 = arith.index_cast %add3A_322 : i32 to index
        %get3A_440 = arith.constant 112 : index
        %get3A_441 = tpu.vector_load %arg17[%get3A_439, %get3A_440] {strides = array<i32>} : memref<64x128xf32, #tpu.memory_space<vmem>>, vector<1x16xf32>,
        %get3A_442 = vector.shape_cast %get3A_441 : vector<1x16xf32> to vector<16xf32>
        %get3A_443 = arith.index_cast %add3A_322 : i32 to index
        %get3A_444 = arith.constant 112 : index
        %get3A_445 = tpu.vector_load %arg14[%get3A_443, %get3A_444] {strides = array<i32>} : memref<64x128xf32, #tpu.memory_space<vmem>>, vector<1x16xf32>,
        %get3A_446 = vector.shape_cast %get3A_445 : vector<1x16xf32> to vector<16xf32>
        %add3A_447 = arith.addf %get3A_442, %get3A_446 : vector<16xf32>
        %max3A_448 = arith.constant 0.000000e+00 : f32
        %max3A_449 = vector.broadcast %max3A_448 : f32 to vector<16xf32>
        %max3A_450 = arith.maximumf %add3A_447, %max3A_449 : vector<16xf32>
        %swap3A_451 = arith.index_cast %add3A_322 : i32 to index
        %swap3A_452 = arith.constant 112 : index
        %swap3A_453 = tpu.vector_load %arg17[%swap3A_451, %swap3A_452] {strides = array<i32>} : memref<64x128xf32, #tpu.memory_space<vmem>>, vector<1x16xf32>,
        %swap3A_454 = vector.shape_cast %swap3A_453 : vector<1x16xf32> to vector<16xf32>
        %swap3A_455 = vector.shape_cast %max3A_450 : vector<16xf32> to vector<1x16xf32>
        tpu.vector_store %arg17[%swap3A_451, %swap3A_452], %swap3A_455 {strides = array<i32>} : memref<64x128xf32, #tpu.memory_space<vmem>>, vector<1x16xf32>,
      }
      %scan3A_304 = arith.constant 64 : i32
      %mul3A_305 = arith.constant 64 : i32
      %mul3A_306 = arith.muli %add3A_275, %mul3A_305 : i32
      %add3A_307 = arith.addi %mul3A_8, %mul3A_306 : i32
      %dma_wait3A_308 = tpu.memref_slice %arg4[%add3A_307] : memref<184832xi32, #tpu.memory_space<hbm>> -> memref<64xi32, #tpu.memory_space<hbm>>
      %dma_wait3A_309 = tpu.memref_slice %arg4[%add3A_307] : memref<184832xi32, #tpu.memory_space<hbm>> -> memref<64xi32, #tpu.memory_space<hbm>>
      tpu.wait_dma2 semaphore(%arg31 : memref<!tpu.dma_semaphore, #tpu.memory_space<semaphore_mem>>) src(%dma_wait3A_309 : memref<64xi32, #tpu.memory_space<hbm>>) dst(%arg12 : memref<64xi32, #tpu.memory_space<vmem>>)
      %ge3A_310 = arith.constant 1 : i32
      %ge3A_311 = arith.cmpi sge, %add3A_275, %ge3A_310 : i32
      %convert_element_type3A_312 = arith.extui %ge3A_311 : i1 to i32
      %cond3A_313 = arith.constant 0 : i32
      %cond3A_314 = arith.cmpi ne, %convert_element_type3A_312, %cond3A_313 : i32
      scf.if %cond3A_314 {
        %dma_wait3A_318 = arith.constant 0 : i32
        %dma_wait3A_319 = arith.constant 0 : i32
        %dma_wait3A_320 = tpu.memref_slice %arg18[%dma_wait3A_318, %dma_wait3A_319] : memref<10240x128xf32, #tpu.memory_space<vmem_shared>> -> memref<10240x128xf32, #tpu.memory_space<vmem_shared>>
        tpu.wait_indirect_dma semaphore(%arg25 : memref<!tpu.dma_semaphore, #tpu.memory_space<semaphore_mem>>) src(%arg16 : memref<64x128xf32, #tpu.memory_space<vmem>>) dst(%dma_wait3A_320 : memref<10240x128xf32, #tpu.memory_space<vmem_shared>>)
      } else {
      }
      %dma_start3A_315 = arith.constant 0 : i32
      %dma_start3A_316 = arith.constant 0 : i32
      %dma_start3A_317 = tpu.memref_slice %arg18[%dma_start3A_315, %dma_start3A_316] : memref<10240x128xf32, #tpu.memory_space<vmem_shared>> -> memref<10240x128xf32, #tpu.memory_space<vmem_shared>>
      tpu.enqueue_indirect_dma source(%arg17 : memref<64x128xf32, #tpu.memory_space<vmem>>) target(%dma_start3A_317 : memref<10240x128xf32, #tpu.memory_space<vmem_shared>>) offsets(%arg12 : memref<64xi32, #tpu.memory_space<vmem>>) semaphore(%arg26 : memref<!tpu.dma_semaphore, #tpu.memory_space<semaphore_mem>>) {add = true}
    }
    %scan3A_39 = arith.constant 15 : i32
    %dma_wait3A_40 = arith.constant 0 : i32
    %dma_wait3A_41 = arith.constant 0 : i32
    %dma_wait3A_42 = tpu.memref_slice %arg18[%dma_wait3A_40, %dma_wait3A_41] : memref<10240x128xf32, #tpu.memory_space<vmem_shared>> -> memref<10240x128xf32, #tpu.memory_space<vmem_shared>>
    tpu.wait_indirect_dma semaphore(%arg26 : memref<!tpu.dma_semaphore, #tpu.memory_space<semaphore_mem>>) src(%arg17 : memref<64x128xf32, #tpu.memory_space<vmem>>) dst(%dma_wait3A_42 : memref<10240x128xf32, #tpu.memory_space<vmem_shared>>)
    %lt3A = arith.constant 8 : i32
    %lt3A_43 = arith.cmpi slt, %add3A, %lt3A : i32
    %convert_element_type3A = arith.extui %lt3A_43 : i1 to i32
    %cond3A = arith.constant 0 : i32
    %cond3A_44 = arith.cmpi ne, %convert_element_type3A, %cond3A : i32
    scf.if %cond3A_44 {
      %add3A_50 = arith.constant 2880 : i32
      %add3A_51 = arith.addi %add3A_50, %add3A : i32
      %mul3A_52 = arith.constant 64 : i32
      %mul3A_53 = arith.muli %add3A_51, %mul3A_52 : i32
      %dma_start3A_54 = tpu.memref_slice %arg3[%mul3A_53] : memref<184832xi32, #tpu.memory_space<hbm>> -> memref<64xi32, #tpu.memory_space<hbm>>
      %dma_start3A_55 = tpu.memref_slice %arg3[%mul3A_53] : memref<184832xi32, #tpu.memory_space<hbm>> -> memref<64xi32, #tpu.memory_space<hbm>>
      tpu.enqueue_dma source(%dma_start3A_55 : memref<64xi32, #tpu.memory_space<hbm>>) target(%arg8 : memref<64xi32, #tpu.memory_space<vmem>>) target_semaphore(%arg27 : memref<!tpu.dma_semaphore, #tpu.memory_space<semaphore_mem>>)
      %dma_start3A_56 = tpu.memref_slice %arg4[%mul3A_53] : memref<184832xi32, #tpu.memory_space<hbm>> -> memref<64xi32, #tpu.memory_space<hbm>>
      %dma_start3A_57 = tpu.memref_slice %arg4[%mul3A_53] : memref<184832xi32, #tpu.memory_space<hbm>> -> memref<64xi32, #tpu.memory_space<hbm>>
      tpu.enqueue_dma source(%dma_start3A_57 : memref<64xi32, #tpu.memory_space<hbm>>) target(%arg10 : memref<64xi32, #tpu.memory_space<vmem>>) target_semaphore(%arg29 : memref<!tpu.dma_semaphore, #tpu.memory_space<semaphore_mem>>)
      %dma_wait3A_58 = tpu.memref_slice %arg3[%mul3A_53] : memref<184832xi32, #tpu.memory_space<hbm>> -> memref<64xi32, #tpu.memory_space<hbm>>
      %dma_wait3A_59 = tpu.memref_slice %arg3[%mul3A_53] : memref<184832xi32, #tpu.memory_space<hbm>> -> memref<64xi32, #tpu.memory_space<hbm>>
      tpu.wait_dma2 semaphore(%arg27 : memref<!tpu.dma_semaphore, #tpu.memory_space<semaphore_mem>>) src(%dma_wait3A_59 : memref<64xi32, #tpu.memory_space<hbm>>) dst(%arg8 : memref<64xi32, #tpu.memory_space<vmem>>)
      %dma_start3A_60 = arith.constant 0 : i32
      %dma_start3A_61 = arith.constant 0 : i32
      %dma_start3A_62 = tpu.memref_slice %arg2[%dma_start3A_60, %dma_start3A_61] : memref<10000x128xf32, #tpu.memory_space<hbm>> -> memref<10000x128xf32, #tpu.memory_space<hbm>>
      tpu.enqueue_indirect_dma source(%dma_start3A_62 : memref<10000x128xf32, #tpu.memory_space<hbm>>) target(%arg13 : memref<64x128xf32, #tpu.memory_space<vmem>>) offsets(%arg8 : memref<64xi32, #tpu.memory_space<vmem>>) semaphore(%arg19 : memref<!tpu.dma_semaphore, #tpu.memory_space<semaphore_mem>>)
      %dma_start3A_63 = arith.constant 0 : i32
      %dma_start3A_64 = tpu.memref_slice %arg5[%mul3A_53, %dma_start3A_63] : memref<184832x128xf32, #tpu.memory_space<hbm>> -> memref<64x128xf32, #tpu.memory_space<hbm>>
      %dma_start3A_65 = arith.constant 0 : i32
      %dma_start3A_66 = tpu.memref_slice %arg5[%mul3A_53, %dma_start3A_65] : memref<184832x128xf32, #tpu.memory_space<hbm>> -> memref<64x128xf32, #tpu.memory_space<hbm>>
      tpu.enqueue_dma source(%dma_start3A_66 : memref<64x128xf32, #tpu.memory_space<hbm>>) target(%arg15 : memref<64x128xf32, #tpu.memory_space<vmem>>) target_semaphore(%arg21 : memref<!tpu.dma_semaphore, #tpu.memory_space<semaphore_mem>>)
      %dma_wait3A_67 = arith.constant 0 : i32
      %dma_wait3A_68 = arith.constant 0 : i32
      %dma_wait3A_69 = tpu.memref_slice %arg2[%dma_wait3A_67, %dma_wait3A_68] : memref<10000x128xf32, #tpu.memory_space<hbm>> -> memref<10000x128xf32, #tpu.memory_space<hbm>>
      tpu.wait_indirect_dma semaphore(%arg19 : memref<!tpu.dma_semaphore, #tpu.memory_space<semaphore_mem>>) src(%dma_wait3A_69 : memref<10000x128xf32, #tpu.memory_space<hbm>>) dst(%arg13 : memref<64x128xf32, #tpu.memory_space<vmem>>)
      %dma_wait3A_70 = arith.constant 0 : i32
      %dma_wait3A_71 = tpu.memref_slice %arg5[%mul3A_53, %dma_wait3A_70] : memref<184832x128xf32, #tpu.memory_space<hbm>> -> memref<64x128xf32, #tpu.memory_space<hbm>>
      %dma_wait3A_72 = arith.constant 0 : i32
      %dma_wait3A_73 = tpu.memref_slice %arg5[%mul3A_53, %dma_wait3A_72] : memref<184832x128xf32, #tpu.memory_space<hbm>> -> memref<64x128xf32, #tpu.memory_space<hbm>>
      tpu.wait_dma2 semaphore(%arg21 : memref<!tpu.dma_semaphore, #tpu.memory_space<semaphore_mem>>) src(%dma_wait3A_73 : memref<64x128xf32, #tpu.memory_space<hbm>>) dst(%arg15 : memref<64x128xf32, #tpu.memory_space<vmem>>)
      %scan3A_74 = arith.constant 0 : i32
      %scan3A_75 = arith.constant 64 : i32
      %scan3A_76 = arith.addi %scan3A_74, %scan3A_75 : i32
      %scan3A_77 = arith.constant 1 : i32
      scf.for %scan3A_87 = %scan3A_74 to %scan3A_76 step %scan3A_77  : i32 {
        %mul3A_88 = arith.constant 1 : i32
        %mul3A_89 = arith.muli %scan3A_87, %mul3A_88 : i32
        %add3A_90 = arith.constant 0 : i32
        %add3A_91 = arith.addi %add3A_90, %mul3A_89 : i32
        %get3A = arith.index_cast %add3A_91 : i32 to index
        %get3A_92 = arith.constant 0 : index
        %get3A_93 = tpu.vector_load %arg15[%get3A, %get3A_92] {strides = array<i32>} : memref<64x128xf32, #tpu.memory_space<vmem>>, vector<1x16xf32>,
        %get3A_94 = vector.shape_cast %get3A_93 : vector<1x16xf32> to vector<16xf32>
        %get3A_95 = arith.index_cast %add3A_91 : i32 to index
        %get3A_96 = arith.constant 0 : index
        %get3A_97 = tpu.vector_load %arg13[%get3A_95, %get3A_96] {strides = array<i32>} : memref<64x128xf32, #tpu.memory_space<vmem>>, vector<1x16xf32>,
        %get3A_98 = vector.shape_cast %get3A_97 : vector<1x16xf32> to vector<16xf32>
        %add3A_99 = arith.addf %get3A_94, %get3A_98 : vector<16xf32>
        %max3A = arith.constant 0.000000e+00 : f32
        %max3A_100 = vector.broadcast %max3A : f32 to vector<16xf32>
        %max3A_101 = arith.maximumf %add3A_99, %max3A_100 : vector<16xf32>
        %swap3A = arith.index_cast %add3A_91 : i32 to index
        %swap3A_102 = arith.constant 0 : index
        %swap3A_103 = tpu.vector_load %arg15[%swap3A, %swap3A_102] {strides = array<i32>} : memref<64x128xf32, #tpu.memory_space<vmem>>, vector<1x16xf32>,
        %swap3A_104 = vector.shape_cast %swap3A_103 : vector<1x16xf32> to vector<16xf32>
        %swap3A_105 = vector.shape_cast %max3A_101 : vector<16xf32> to vector<1x16xf32>
        tpu.vector_store %arg15[%swap3A, %swap3A_102], %swap3A_105 {strides = array<i32>} : memref<64x128xf32, #tpu.memory_space<vmem>>, vector<1x16xf32>,
        %get3A_106 = arith.index_cast %add3A_91 : i32 to index
        %get3A_107 = arith.constant 16 : index
        %get3A_108 = tpu.vector_load %arg15[%get3A_106, %get3A_107] {strides = array<i32>} : memref<64x128xf32, #tpu.memory_space<vmem>>, vector<1x16xf32>,
        %get3A_109 = vector.shape_cast %get3A_108 : vector<1x16xf32> to vector<16xf32>
        %get3A_110 = arith.index_cast %add3A_91 : i32 to index
        %get3A_111 = arith.constant 16 : index
        %get3A_112 = tpu.vector_load %arg13[%get3A_110, %get3A_111] {strides = array<i32>} : memref<64x128xf32, #tpu.memory_space<vmem>>, vector<1x16xf32>,
        %get3A_113 = vector.shape_cast %get3A_112 : vector<1x16xf32> to vector<16xf32>
        %add3A_114 = arith.addf %get3A_109, %get3A_113 : vector<16xf32>
        %max3A_115 = arith.constant 0.000000e+00 : f32
        %max3A_116 = vector.broadcast %max3A_115 : f32 to vector<16xf32>
        %max3A_117 = arith.maximumf %add3A_114, %max3A_116 : vector<16xf32>
        %swap3A_118 = arith.index_cast %add3A_91 : i32 to index
        %swap3A_119 = arith.constant 16 : index
        %swap3A_120 = tpu.vector_load %arg15[%swap3A_118, %swap3A_119] {strides = array<i32>} : memref<64x128xf32, #tpu.memory_space<vmem>>, vector<1x16xf32>,
        %swap3A_121 = vector.shape_cast %swap3A_120 : vector<1x16xf32> to vector<16xf32>
        %swap3A_122 = vector.shape_cast %max3A_117 : vector<16xf32> to vector<1x16xf32>
        tpu.vector_store %arg15[%swap3A_118, %swap3A_119], %swap3A_122 {strides = array<i32>} : memref<64x128xf32, #tpu.memory_space<vmem>>, vector<1x16xf32>,
        %get3A_123 = arith.index_cast %add3A_91 : i32 to index
        %get3A_124 = arith.constant 32 : index
        %get3A_125 = tpu.vector_load %arg15[%get3A_123, %get3A_124] {strides = array<i32>} : memref<64x128xf32, #tpu.memory_space<vmem>>, vector<1x16xf32>,
        %get3A_126 = vector.shape_cast %get3A_125 : vector<1x16xf32> to vector<16xf32>
        %get3A_127 = arith.index_cast %add3A_91 : i32 to index
        %get3A_128 = arith.constant 32 : index
        %get3A_129 = tpu.vector_load %arg13[%get3A_127, %get3A_128] {strides = array<i32>} : memref<64x128xf32, #tpu.memory_space<vmem>>, vector<1x16xf32>,
        %get3A_130 = vector.shape_cast %get3A_129 : vector<1x16xf32> to vector<16xf32>
        %add3A_131 = arith.addf %get3A_126, %get3A_130 : vector<16xf32>
        %max3A_132 = arith.constant 0.000000e+00 : f32
        %max3A_133 = vector.broadcast %max3A_132 : f32 to vector<16xf32>
        %max3A_134 = arith.maximumf %add3A_131, %max3A_133 : vector<16xf32>
        %swap3A_135 = arith.index_cast %add3A_91 : i32 to index
        %swap3A_136 = arith.constant 32 : index
        %swap3A_137 = tpu.vector_load %arg15[%swap3A_135, %swap3A_136] {strides = array<i32>} : memref<64x128xf32, #tpu.memory_space<vmem>>, vector<1x16xf32>,
        %swap3A_138 = vector.shape_cast %swap3A_137 : vector<1x16xf32> to vector<16xf32>
        %swap3A_139 = vector.shape_cast %max3A_134 : vector<16xf32> to vector<1x16xf32>
        tpu.vector_store %arg15[%swap3A_135, %swap3A_136], %swap3A_139 {strides = array<i32>} : memref<64x128xf32, #tpu.memory_space<vmem>>, vector<1x16xf32>,
        %get3A_140 = arith.index_cast %add3A_91 : i32 to index
        %get3A_141 = arith.constant 48 : index
        %get3A_142 = tpu.vector_load %arg15[%get3A_140, %get3A_141] {strides = array<i32>} : memref<64x128xf32, #tpu.memory_space<vmem>>, vector<1x16xf32>,
        %get3A_143 = vector.shape_cast %get3A_142 : vector<1x16xf32> to vector<16xf32>
        %get3A_144 = arith.index_cast %add3A_91 : i32 to index
        %get3A_145 = arith.constant 48 : index
        %get3A_146 = tpu.vector_load %arg13[%get3A_144, %get3A_145] {strides = array<i32>} : memref<64x128xf32, #tpu.memory_space<vmem>>, vector<1x16xf32>,
        %get3A_147 = vector.shape_cast %get3A_146 : vector<1x16xf32> to vector<16xf32>
        %add3A_148 = arith.addf %get3A_143, %get3A_147 : vector<16xf32>
        %max3A_149 = arith.constant 0.000000e+00 : f32
        %max3A_150 = vector.broadcast %max3A_149 : f32 to vector<16xf32>
        %max3A_151 = arith.maximumf %add3A_148, %max3A_150 : vector<16xf32>
        %swap3A_152 = arith.index_cast %add3A_91 : i32 to index
        %swap3A_153 = arith.constant 48 : index
        %swap3A_154 = tpu.vector_load %arg15[%swap3A_152, %swap3A_153] {strides = array<i32>} : memref<64x128xf32, #tpu.memory_space<vmem>>, vector<1x16xf32>,
        %swap3A_155 = vector.shape_cast %swap3A_154 : vector<1x16xf32> to vector<16xf32>
        %swap3A_156 = vector.shape_cast %max3A_151 : vector<16xf32> to vector<1x16xf32>
        tpu.vector_store %arg15[%swap3A_152, %swap3A_153], %swap3A_156 {strides = array<i32>} : memref<64x128xf32, #tpu.memory_space<vmem>>, vector<1x16xf32>,
        %get3A_157 = arith.index_cast %add3A_91 : i32 to index
        %get3A_158 = arith.constant 64 : index
        %get3A_159 = tpu.vector_load %arg15[%get3A_157, %get3A_158] {strides = array<i32>} : memref<64x128xf32, #tpu.memory_space<vmem>>, vector<1x16xf32>,
        %get3A_160 = vector.shape_cast %get3A_159 : vector<1x16xf32> to vector<16xf32>
        %get3A_161 = arith.index_cast %add3A_91 : i32 to index
        %get3A_162 = arith.constant 64 : index
        %get3A_163 = tpu.vector_load %arg13[%get3A_161, %get3A_162] {strides = array<i32>} : memref<64x128xf32, #tpu.memory_space<vmem>>, vector<1x16xf32>,
        %get3A_164 = vector.shape_cast %get3A_163 : vector<1x16xf32> to vector<16xf32>
        %add3A_165 = arith.addf %get3A_160, %get3A_164 : vector<16xf32>
        %max3A_166 = arith.constant 0.000000e+00 : f32
        %max3A_167 = vector.broadcast %max3A_166 : f32 to vector<16xf32>
        %max3A_168 = arith.maximumf %add3A_165, %max3A_167 : vector<16xf32>
        %swap3A_169 = arith.index_cast %add3A_91 : i32 to index
        %swap3A_170 = arith.constant 64 : index
        %swap3A_171 = tpu.vector_load %arg15[%swap3A_169, %swap3A_170] {strides = array<i32>} : memref<64x128xf32, #tpu.memory_space<vmem>>, vector<1x16xf32>,
        %swap3A_172 = vector.shape_cast %swap3A_171 : vector<1x16xf32> to vector<16xf32>
        %swap3A_173 = vector.shape_cast %max3A_168 : vector<16xf32> to vector<1x16xf32>
        tpu.vector_store %arg15[%swap3A_169, %swap3A_170], %swap3A_173 {strides = array<i32>} : memref<64x128xf32, #tpu.memory_space<vmem>>, vector<1x16xf32>,
        %get3A_174 = arith.index_cast %add3A_91 : i32 to index
        %get3A_175 = arith.constant 80 : index
        %get3A_176 = tpu.vector_load %arg15[%get3A_174, %get3A_175] {strides = array<i32>} : memref<64x128xf32, #tpu.memory_space<vmem>>, vector<1x16xf32>,
        %get3A_177 = vector.shape_cast %get3A_176 : vector<1x16xf32> to vector<16xf32>
        %get3A_178 = arith.index_cast %add3A_91 : i32 to index
        %get3A_179 = arith.constant 80 : index
        %get3A_180 = tpu.vector_load %arg13[%get3A_178, %get3A_179] {strides = array<i32>} : memref<64x128xf32, #tpu.memory_space<vmem>>, vector<1x16xf32>,
        %get3A_181 = vector.shape_cast %get3A_180 : vector<1x16xf32> to vector<16xf32>
        %add3A_182 = arith.addf %get3A_177, %get3A_181 : vector<16xf32>
        %max3A_183 = arith.constant 0.000000e+00 : f32
        %max3A_184 = vector.broadcast %max3A_183 : f32 to vector<16xf32>
        %max3A_185 = arith.maximumf %add3A_182, %max3A_184 : vector<16xf32>
        %swap3A_186 = arith.index_cast %add3A_91 : i32 to index
        %swap3A_187 = arith.constant 80 : index
        %swap3A_188 = tpu.vector_load %arg15[%swap3A_186, %swap3A_187] {strides = array<i32>} : memref<64x128xf32, #tpu.memory_space<vmem>>, vector<1x16xf32>,
        %swap3A_189 = vector.shape_cast %swap3A_188 : vector<1x16xf32> to vector<16xf32>
        %swap3A_190 = vector.shape_cast %max3A_185 : vector<16xf32> to vector<1x16xf32>
        tpu.vector_store %arg15[%swap3A_186, %swap3A_187], %swap3A_190 {strides = array<i32>} : memref<64x128xf32, #tpu.memory_space<vmem>>, vector<1x16xf32>,
        %get3A_191 = arith.index_cast %add3A_91 : i32 to index
        %get3A_192 = arith.constant 96 : index
        %get3A_193 = tpu.vector_load %arg15[%get3A_191, %get3A_192] {strides = array<i32>} : memref<64x128xf32, #tpu.memory_space<vmem>>, vector<1x16xf32>,
        %get3A_194 = vector.shape_cast %get3A_193 : vector<1x16xf32> to vector<16xf32>
        %get3A_195 = arith.index_cast %add3A_91 : i32 to index
        %get3A_196 = arith.constant 96 : index
        %get3A_197 = tpu.vector_load %arg13[%get3A_195, %get3A_196] {strides = array<i32>} : memref<64x128xf32, #tpu.memory_space<vmem>>, vector<1x16xf32>,
        %get3A_198 = vector.shape_cast %get3A_197 : vector<1x16xf32> to vector<16xf32>
        %add3A_199 = arith.addf %get3A_194, %get3A_198 : vector<16xf32>
        %max3A_200 = arith.constant 0.000000e+00 : f32
        %max3A_201 = vector.broadcast %max3A_200 : f32 to vector<16xf32>
        %max3A_202 = arith.maximumf %add3A_199, %max3A_201 : vector<16xf32>
        %swap3A_203 = arith.index_cast %add3A_91 : i32 to index
        %swap3A_204 = arith.constant 96 : index
        %swap3A_205 = tpu.vector_load %arg15[%swap3A_203, %swap3A_204] {strides = array<i32>} : memref<64x128xf32, #tpu.memory_space<vmem>>, vector<1x16xf32>,
        %swap3A_206 = vector.shape_cast %swap3A_205 : vector<1x16xf32> to vector<16xf32>
        %swap3A_207 = vector.shape_cast %max3A_202 : vector<16xf32> to vector<1x16xf32>
        tpu.vector_store %arg15[%swap3A_203, %swap3A_204], %swap3A_207 {strides = array<i32>} : memref<64x128xf32, #tpu.memory_space<vmem>>, vector<1x16xf32>,
        %get3A_208 = arith.index_cast %add3A_91 : i32 to index
        %get3A_209 = arith.constant 112 : index
        %get3A_210 = tpu.vector_load %arg15[%get3A_208, %get3A_209] {strides = array<i32>} : memref<64x128xf32, #tpu.memory_space<vmem>>, vector<1x16xf32>,
        %get3A_211 = vector.shape_cast %get3A_210 : vector<1x16xf32> to vector<16xf32>
        %get3A_212 = arith.index_cast %add3A_91 : i32 to index
        %get3A_213 = arith.constant 112 : index
        %get3A_214 = tpu.vector_load %arg13[%get3A_212, %get3A_213] {strides = array<i32>} : memref<64x128xf32, #tpu.memory_space<vmem>>, vector<1x16xf32>,
        %get3A_215 = vector.shape_cast %get3A_214 : vector<1x16xf32> to vector<16xf32>
        %add3A_216 = arith.addf %get3A_211, %get3A_215 : vector<16xf32>
        %max3A_217 = arith.constant 0.000000e+00 : f32
        %max3A_218 = vector.broadcast %max3A_217 : f32 to vector<16xf32>
        %max3A_219 = arith.maximumf %add3A_216, %max3A_218 : vector<16xf32>
        %swap3A_220 = arith.index_cast %add3A_91 : i32 to index
        %swap3A_221 = arith.constant 112 : index
        %swap3A_222 = tpu.vector_load %arg15[%swap3A_220, %swap3A_221] {strides = array<i32>} : memref<64x128xf32, #tpu.memory_space<vmem>>, vector<1x16xf32>,
        %swap3A_223 = vector.shape_cast %swap3A_222 : vector<1x16xf32> to vector<16xf32>
        %swap3A_224 = vector.shape_cast %max3A_219 : vector<16xf32> to vector<1x16xf32>
        tpu.vector_store %arg15[%swap3A_220, %swap3A_221], %swap3A_224 {strides = array<i32>} : memref<64x128xf32, #tpu.memory_space<vmem>>, vector<1x16xf32>,
      }
      %scan3A_78 = arith.constant 64 : i32
      %dma_wait3A_79 = tpu.memref_slice %arg4[%mul3A_53] : memref<184832xi32, #tpu.memory_space<hbm>> -> memref<64xi32, #tpu.memory_space<hbm>>
      %dma_wait3A_80 = tpu.memref_slice %arg4[%mul3A_53] : memref<184832xi32, #tpu.memory_space<hbm>> -> memref<64xi32, #tpu.memory_space<hbm>>
      tpu.wait_dma2 semaphore(%arg29 : memref<!tpu.dma_semaphore, #tpu.memory_space<semaphore_mem>>) src(%dma_wait3A_80 : memref<64xi32, #tpu.memory_space<hbm>>) dst(%arg10 : memref<64xi32, #tpu.memory_space<vmem>>)
      %dma_start3A_81 = arith.constant 0 : i32
      %dma_start3A_82 = arith.constant 0 : i32
      %dma_start3A_83 = tpu.memref_slice %arg18[%dma_start3A_81, %dma_start3A_82] : memref<10240x128xf32, #tpu.memory_space<vmem_shared>> -> memref<10240x128xf32, #tpu.memory_space<vmem_shared>>
      tpu.enqueue_indirect_dma source(%arg15 : memref<64x128xf32, #tpu.memory_space<vmem>>) target(%dma_start3A_83 : memref<10240x128xf32, #tpu.memory_space<vmem_shared>>) offsets(%arg10 : memref<64xi32, #tpu.memory_space<vmem>>) semaphore(%arg24 : memref<!tpu.dma_semaphore, #tpu.memory_space<semaphore_mem>>) {add = true}
      %dma_wait3A_84 = arith.constant 0 : i32
      %dma_wait3A_85 = arith.constant 0 : i32
      %dma_wait3A_86 = tpu.memref_slice %arg18[%dma_wait3A_84, %dma_wait3A_85] : memref<10240x128xf32, #tpu.memory_space<vmem_shared>> -> memref<10240x128xf32, #tpu.memory_space<vmem_shared>>
      tpu.wait_indirect_dma semaphore(%arg24 : memref<!tpu.dma_semaphore, #tpu.memory_space<semaphore_mem>>) src(%arg15 : memref<64x128xf32, #tpu.memory_space<vmem>>) dst(%dma_wait3A_86 : memref<10240x128xf32, #tpu.memory_space<vmem_shared>>)
    } else {
    }
    %barrier3A_45 = arith.constant 0 : index
    tpu.barrier barrier_id(%barrier3A_45)
    %mul3A_46 = arith.constant 640 : i32
    %mul3A_47 = arith.muli %arg1, %mul3A_46 : i32
    %mul3A_48 = arith.constant 640 : i32
    %mul3A_49 = arith.muli %arg1, %mul3A_48 : i32
    "tpu.region"() ({
      %run_scoped3A = tpu.sem_alloc : memref<!tpu.dma_semaphore, #tpu.memory_space<semaphore_mem>>
      %dma_start3A_50 = arith.constant 0 : i32
      %dma_start3A_51 = tpu.memref_slice %arg7[%arg0, %mul3A_49, %dma_start3A_50] : memref<2x10240x128xf32, #tpu.memory_space<hbm>> -> memref<1x640x128xf32, #tpu.memory_space<hbm>>
      %dma_start3A_52 = tpu.memref_squeeze %dma_start3A_51 : memref<1x640x128xf32, #tpu.memory_space<hbm>> -> memref<640x128xf32, #tpu.memory_space<hbm>>
      %dma_start3A_53 = arith.constant 0 : i32
      %dma_start3A_54 = tpu.memref_slice %arg18[%mul3A_47, %dma_start3A_53] : memref<10240x128xf32, #tpu.memory_space<vmem_shared>> -> memref<640x128xf32, #tpu.memory_space<vmem_shared>>
      tpu.enqueue_dma source(%dma_start3A_54 : memref<640x128xf32, #tpu.memory_space<vmem_shared>>) target(%dma_start3A_52 : memref<640x128xf32, #tpu.memory_space<hbm>>) target_semaphore(%run_scoped3A : memref<!tpu.dma_semaphore, #tpu.memory_space<semaphore_mem>>)
      %dma_wait3A_55 = arith.constant 0 : i32
      %dma_wait3A_56 = tpu.memref_slice %arg7[%arg0, %mul3A_49, %dma_wait3A_55] : memref<2x10240x128xf32, #tpu.memory_space<hbm>> -> memref<1x640x128xf32, #tpu.memory_space<hbm>>
      %dma_wait3A_57 = tpu.memref_squeeze %dma_wait3A_56 : memref<1x640x128xf32, #tpu.memory_space<hbm>> -> memref<640x128xf32, #tpu.memory_space<hbm>>
      %dma_wait3A_58 = arith.constant 0 : i32
      %dma_wait3A_59 = tpu.memref_slice %arg18[%mul3A_47, %dma_wait3A_58] : memref<10240x128xf32, #tpu.memory_space<vmem_shared>> -> memref<640x128xf32, #tpu.memory_space<vmem_shared>>
      tpu.wait_dma2 semaphore(%run_scoped3A : memref<!tpu.dma_semaphore, #tpu.memory_space<semaphore_mem>>) src(%dma_wait3A_59 : memref<640x128xf32, #tpu.memory_space<vmem_shared>>) dst(%dma_wait3A_57 : memref<640x128xf32, #tpu.memory_space<hbm>>)
      tpu.yield
    }) : () -> ()
    return
  }
}

#map = affine_map<(d0, d1) -> (0, 0)>
#map1 = affine_map<(d0, d1) -> (0)>
#map2 = affine_map<(d0, d1) -> (0, 0, 0)>
module attributes {stable_mosaic.version = 14 : i64} {
  func.func @k(%arg0: i32, %arg1: i32, %arg2: memref<10000x128xf32, #tpu.memory_space<hbm>>, %arg3: memref<135168xi32, #tpu.memory_space<hbm>>, %arg4: memref<135168xi32, #tpu.memory_space<hbm>>, %arg5: memref<135168x128xf32, #tpu.memory_space<hbm>>, %arg6: memref<2x10240x128xf32, #tpu.memory_space<hbm>>, %arg7: memref<2x10240x128xf32, #tpu.memory_space<hbm>>, %arg8: memref<64xi32, #tpu.memory_space<vmem>>, %arg9: memref<64xi32, #tpu.memory_space<vmem>>, %arg10: memref<64xi32, #tpu.memory_space<vmem>>, %arg11: memref<64xi32, #tpu.memory_space<vmem>>, %arg12: memref<64xi32, #tpu.memory_space<vmem>>, %arg13: memref<64x128xf32, #tpu.memory_space<vmem>>, %arg14: memref<64x128xf32, #tpu.memory_space<vmem>>, %arg15: memref<64x128xf32, #tpu.memory_space<vmem>>, %arg16: memref<64x128xf32, #tpu.memory_space<vmem>>, %arg17: memref<64x128xf32, #tpu.memory_space<vmem>>, %arg18: memref<10240x128xf32, #tpu.memory_space<vmem_shared>>, %arg19: memref<!tpu.dma_semaphore, #tpu.memory_space<semaphore_mem>>, %arg20: memref<!tpu.dma_semaphore, #tpu.memory_space<semaphore_mem>>, %arg21: memref<!tpu.dma_semaphore, #tpu.memory_space<semaphore_mem>>, %arg22: memref<!tpu.dma_semaphore, #tpu.memory_space<semaphore_mem>>, %arg23: memref<!tpu.dma_semaphore, #tpu.memory_space<semaphore_mem>>, %arg24: memref<!tpu.dma_semaphore, #tpu.memory_space<semaphore_mem>>, %arg25: memref<!tpu.dma_semaphore, #tpu.memory_space<semaphore_mem>>, %arg26: memref<!tpu.dma_semaphore, #tpu.memory_space<semaphore_mem>>, %arg27: memref<!tpu.dma_semaphore, #tpu.memory_space<semaphore_mem>>, %arg28: memref<!tpu.dma_semaphore, #tpu.memory_space<semaphore_mem>>, %arg29: memref<!tpu.dma_semaphore, #tpu.memory_space<semaphore_mem>>, %arg30: memref<!tpu.dma_semaphore, #tpu.memory_space<semaphore_mem>>, %arg31: memref<!tpu.dma_semaphore, #tpu.memory_space<semaphore_mem>>) attributes {dimension_semantics = [#tpu.dimension_semantics<core_parallel>, #tpu.dimension_semantics<subcore_parallel>], iteration_bounds = array<i64: 2, 16>, scalar_prefetch = 0 : i64, scratch_operands = 24 : i64, tpu.core_type = #tpu.core_type<sc_vector_subcore>, window_params = [{transform_indices = #map}, {transform_indices = #map1}, {transform_indices = #map1}, {transform_indices = #map}, {transform_indices = #map2}, {transform_indices = #map2}]} {
    %mul3A = arith.constant 2 : i32
    %mul3A_0 = arith.muli %arg1, %mul3A : i32
    %add3A = arith.addi %mul3A_0, %arg0 : i32
    %mul3A_1 = arith.constant 640 : i32
    %mul3A_2 = arith.muli %arg1, %mul3A_1 : i32
    %mul3A_3 = arith.constant 640 : i32
    %mul3A_4 = arith.muli %arg1, %mul3A_3 : i32
    "tpu.region"() ({
      %run_scoped3A = tpu.sem_alloc : memref<!tpu.dma_semaphore, #tpu.memory_space<semaphore_mem>>
      %dma_start3A_50 = arith.constant 0 : i32
      %dma_start3A_51 = tpu.memref_slice %arg18[%mul3A_4, %dma_start3A_50] : memref<10240x128xf32, #tpu.memory_space<vmem_shared>> -> memref<640x128xf32, #tpu.memory_space<vmem_shared>>
      %dma_start3A_52 = arith.constant 0 : i32
      %dma_start3A_53 = tpu.memref_slice %arg6[%arg0, %mul3A_2, %dma_start3A_52] : memref<2x10240x128xf32, #tpu.memory_space<hbm>> -> memref<1x640x128xf32, #tpu.memory_space<hbm>>
      %dma_start3A_54 = tpu.memref_squeeze %dma_start3A_53 : memref<1x640x128xf32, #tpu.memory_space<hbm>> -> memref<640x128xf32, #tpu.memory_space<hbm>>
      tpu.enqueue_dma source(%dma_start3A_54 : memref<640x128xf32, #tpu.memory_space<hbm>>) target(%dma_start3A_51 : memref<640x128xf32, #tpu.memory_space<vmem_shared>>) target_semaphore(%run_scoped3A : memref<!tpu.dma_semaphore, #tpu.memory_space<semaphore_mem>>)
      %dma_wait3A_55 = arith.constant 0 : i32
      %dma_wait3A_56 = tpu.memref_slice %arg18[%mul3A_4, %dma_wait3A_55] : memref<10240x128xf32, #tpu.memory_space<vmem_shared>> -> memref<640x128xf32, #tpu.memory_space<vmem_shared>>
      %dma_wait3A_57 = arith.constant 0 : i32
      %dma_wait3A_58 = tpu.memref_slice %arg6[%arg0, %mul3A_2, %dma_wait3A_57] : memref<2x10240x128xf32, #tpu.memory_space<hbm>> -> memref<1x640x128xf32, #tpu.memory_space<hbm>>
      %dma_wait3A_59 = tpu.memref_squeeze %dma_wait3A_58 : memref<1x640x128xf32, #tpu.memory_space<hbm>> -> memref<640x128xf32, #tpu.memory_space<hbm>>
      tpu.wait_dma2 semaphore(%run_scoped3A : memref<!tpu.dma_semaphore, #tpu.memory_space<semaphore_mem>>) src(%dma_wait3A_59 : memref<640x128xf32, #tpu.memory_space<hbm>>) dst(%dma_wait3A_56 : memref<640x128xf32, #tpu.memory_space<vmem_shared>>)
      tpu.yield
    }) : () -> ()
    %barrier3A = arith.constant 0 : index
    tpu.barrier barrier_id(%barrier3A)
    %mul3A_5 = arith.constant 66 : i32
    %mul3A_6 = arith.muli %add3A, %mul3A_5 : i32
    %mul3A_7 = arith.constant 64 : i32
    %mul3A_8 = arith.muli %mul3A_6, %mul3A_7 : i32
    %add3A_9 = arith.constant 0 : i32
    %add3A_10 = arith.addi %mul3A_8, %add3A_9 : i32
    %dma_start3A = tpu.memref_slice %arg3[%add3A_10] : memref<135168xi32, #tpu.memory_space<hbm>> -> memref<64xi32, #tpu.memory_space<hbm>>
    %dma_start3A_11 = tpu.memref_slice %arg3[%add3A_10] : memref<135168xi32, #tpu.memory_space<hbm>> -> memref<64xi32, #tpu.memory_space<hbm>>
    tpu.enqueue_dma source(%dma_start3A_11 : memref<64xi32, #tpu.memory_space<hbm>>) target(%arg8 : memref<64xi32, #tpu.memory_space<vmem>>) target_semaphore(%arg27 : memref<!tpu.dma_semaphore, #tpu.memory_space<semaphore_mem>>)
    %add3A_12 = arith.constant 0 : i32
    %add3A_13 = arith.addi %mul3A_8, %add3A_12 : i32
    %dma_start3A_14 = tpu.memref_slice %arg4[%add3A_13] : memref<135168xi32, #tpu.memory_space<hbm>> -> memref<64xi32, #tpu.memory_space<hbm>>
    %dma_start3A_15 = tpu.memref_slice %arg4[%add3A_13] : memref<135168xi32, #tpu.memory_space<hbm>> -> memref<64xi32, #tpu.memory_space<hbm>>
    tpu.enqueue_dma source(%dma_start3A_15 : memref<64xi32, #tpu.memory_space<hbm>>) target(%arg10 : memref<64xi32, #tpu.memory_space<vmem>>) target_semaphore(%arg29 : memref<!tpu.dma_semaphore, #tpu.memory_space<semaphore_mem>>)
    %add3A_16 = arith.constant 64 : i32
    %add3A_17 = arith.addi %mul3A_8, %add3A_16 : i32
    %dma_start3A_18 = tpu.memref_slice %arg3[%add3A_17] : memref<135168xi32, #tpu.memory_space<hbm>> -> memref<64xi32, #tpu.memory_space<hbm>>
    %dma_start3A_19 = tpu.memref_slice %arg3[%add3A_17] : memref<135168xi32, #tpu.memory_space<hbm>> -> memref<64xi32, #tpu.memory_space<hbm>>
    tpu.enqueue_dma source(%dma_start3A_19 : memref<64xi32, #tpu.memory_space<hbm>>) target(%arg9 : memref<64xi32, #tpu.memory_space<vmem>>) target_semaphore(%arg28 : memref<!tpu.dma_semaphore, #tpu.memory_space<semaphore_mem>>)
    %add3A_20 = arith.constant 0 : i32
    %add3A_21 = arith.addi %mul3A_8, %add3A_20 : i32
    %dma_wait3A = tpu.memref_slice %arg3[%add3A_21] : memref<135168xi32, #tpu.memory_space<hbm>> -> memref<64xi32, #tpu.memory_space<hbm>>
    %dma_wait3A_22 = tpu.memref_slice %arg3[%add3A_21] : memref<135168xi32, #tpu.memory_space<hbm>> -> memref<64xi32, #tpu.memory_space<hbm>>
    tpu.wait_dma2 semaphore(%arg27 : memref<!tpu.dma_semaphore, #tpu.memory_space<semaphore_mem>>) src(%dma_wait3A_22 : memref<64xi32, #tpu.memory_space<hbm>>) dst(%arg8 : memref<64xi32, #tpu.memory_space<vmem>>)
    %dma_start3A_23 = arith.constant 0 : i32
    %dma_start3A_24 = arith.constant 0 : i32
    %dma_start3A_25 = tpu.memref_slice %arg2[%dma_start3A_23, %dma_start3A_24] : memref<10000x128xf32, #tpu.memory_space<hbm>> -> memref<10000x128xf32, #tpu.memory_space<hbm>>
    tpu.enqueue_indirect_dma source(%dma_start3A_25 : memref<10000x128xf32, #tpu.memory_space<hbm>>) target(%arg13 : memref<64x128xf32, #tpu.memory_space<vmem>>) offsets(%arg8 : memref<64xi32, #tpu.memory_space<vmem>>) semaphore(%arg19 : memref<!tpu.dma_semaphore, #tpu.memory_space<semaphore_mem>>)
    %add3A_26 = arith.constant 0 : i32
    %add3A_27 = arith.addi %mul3A_8, %add3A_26 : i32
    %dma_start3A_28 = arith.constant 0 : i32
    %dma_start3A_29 = tpu.memref_slice %arg5[%add3A_27, %dma_start3A_28] : memref<135168x128xf32, #tpu.memory_space<hbm>> -> memref<64x128xf32, #tpu.memory_space<hbm>>
    %dma_start3A_30 = arith.constant 0 : i32
    %dma_start3A_31 = tpu.memref_slice %arg5[%add3A_27, %dma_start3A_30] : memref<135168x128xf32, #tpu.memory_space<hbm>> -> memref<64x128xf32, #tpu.memory_space<hbm>>
    tpu.enqueue_dma source(%dma_start3A_31 : memref<64x128xf32, #tpu.memory_space<hbm>>) target(%arg15 : memref<64x128xf32, #tpu.memory_space<vmem>>) target_semaphore(%arg21 : memref<!tpu.dma_semaphore, #tpu.memory_space<semaphore_mem>>)
    %add3A_32 = arith.constant 64 : i32
    %add3A_33 = arith.addi %mul3A_8, %add3A_32 : i32
    %dma_start3A_34 = tpu.memref_slice %arg4[%add3A_33] : memref<135168xi32, #tpu.memory_space<hbm>> -> memref<64xi32, #tpu.memory_space<hbm>>
    %dma_start3A_35 = tpu.memref_slice %arg4[%add3A_33] : memref<135168xi32, #tpu.memory_space<hbm>> -> memref<64xi32, #tpu.memory_space<hbm>>
    tpu.enqueue_dma source(%dma_start3A_35 : memref<64xi32, #tpu.memory_space<hbm>>) target(%arg11 : memref<64xi32, #tpu.memory_space<vmem>>) target_semaphore(%arg30 : memref<!tpu.dma_semaphore, #tpu.memory_space<semaphore_mem>>)
    %scan3A = arith.constant 0 : i32
    %scan3A_36 = arith.constant 11 : i32
    %scan3A_37 = arith.addi %scan3A, %scan3A_36 : i32
    %scan3A_38 = arith.constant 1 : i32
    scf.for %scan3A_50 = %scan3A to %scan3A_37 step %scan3A_38  : i32 {
      %mul3A_51 = arith.constant 6 : i32
      %mul3A_52 = arith.muli %scan3A_50, %mul3A_51 : i32
      %add3A_53 = arith.constant 0 : i32
      %add3A_54 = arith.addi %add3A_53, %mul3A_52 : i32
      %add3A_55 = arith.constant 0 : i32
      %add3A_56 = arith.addi %add3A_54, %add3A_55 : i32
      %dma_wait3A_57 = arith.constant 0 : i32
      %dma_wait3A_58 = arith.constant 0 : i32
      %dma_wait3A_59 = tpu.memref_slice %arg2[%dma_wait3A_57, %dma_wait3A_58] : memref<10000x128xf32, #tpu.memory_space<hbm>> -> memref<10000x128xf32, #tpu.memory_space<hbm>>
      tpu.wait_indirect_dma semaphore(%arg19 : memref<!tpu.dma_semaphore, #tpu.memory_space<semaphore_mem>>) src(%dma_wait3A_59 : memref<10000x128xf32, #tpu.memory_space<hbm>>) dst(%arg13 : memref<64x128xf32, #tpu.memory_space<vmem>>)
      %mul3A_60 = arith.constant 64 : i32
      %mul3A_61 = arith.muli %add3A_56, %mul3A_60 : i32
      %add3A_62 = arith.addi %mul3A_8, %mul3A_61 : i32
      %dma_wait3A_63 = arith.constant 0 : i32
      %dma_wait3A_64 = tpu.memref_slice %arg5[%add3A_62, %dma_wait3A_63] : memref<135168x128xf32, #tpu.memory_space<hbm>> -> memref<64x128xf32, #tpu.memory_space<hbm>>
      %dma_wait3A_65 = arith.constant 0 : i32
      %dma_wait3A_66 = tpu.memref_slice %arg5[%add3A_62, %dma_wait3A_65] : memref<135168x128xf32, #tpu.memory_space<hbm>> -> memref<64x128xf32, #tpu.memory_space<hbm>>
      tpu.wait_dma2 semaphore(%arg21 : memref<!tpu.dma_semaphore, #tpu.memory_space<semaphore_mem>>) src(%dma_wait3A_66 : memref<64x128xf32, #tpu.memory_space<hbm>>) dst(%arg15 : memref<64x128xf32, #tpu.memory_space<vmem>>)
      %add3A_67 = arith.constant 1 : i32
      %add3A_68 = arith.addi %add3A_56, %add3A_67 : i32
      %lt3A_69 = arith.constant 66 : i32
      %lt3A_70 = arith.cmpi slt, %add3A_68, %lt3A_69 : i32
      %convert_element_type3A_71 = arith.extui %lt3A_70 : i1 to i32
      %cond3A_72 = arith.constant 0 : i32
      %cond3A_73 = arith.cmpi ne, %convert_element_type3A_71, %cond3A_72 : i32
      scf.if %cond3A_73 {
        %add3A_318 = arith.constant 1 : i32
        %add3A_319 = arith.addi %add3A_56, %add3A_318 : i32
        %mul3A_320 = arith.constant 64 : i32
        %mul3A_321 = arith.muli %add3A_319, %mul3A_320 : i32
        %add3A_322 = arith.addi %mul3A_8, %mul3A_321 : i32
        %dma_wait3A_323 = tpu.memref_slice %arg3[%add3A_322] : memref<135168xi32, #tpu.memory_space<hbm>> -> memref<64xi32, #tpu.memory_space<hbm>>
        %dma_wait3A_324 = tpu.memref_slice %arg3[%add3A_322] : memref<135168xi32, #tpu.memory_space<hbm>> -> memref<64xi32, #tpu.memory_space<hbm>>
        tpu.wait_dma2 semaphore(%arg28 : memref<!tpu.dma_semaphore, #tpu.memory_space<semaphore_mem>>) src(%dma_wait3A_324 : memref<64xi32, #tpu.memory_space<hbm>>) dst(%arg9 : memref<64xi32, #tpu.memory_space<vmem>>)
        %dma_start3A_325 = arith.constant 0 : i32
        %dma_start3A_326 = arith.constant 0 : i32
        %dma_start3A_327 = tpu.memref_slice %arg2[%dma_start3A_325, %dma_start3A_326] : memref<10000x128xf32, #tpu.memory_space<hbm>> -> memref<10000x128xf32, #tpu.memory_space<hbm>>
        tpu.enqueue_indirect_dma source(%dma_start3A_327 : memref<10000x128xf32, #tpu.memory_space<hbm>>) target(%arg14 : memref<64x128xf32, #tpu.memory_space<vmem>>) offsets(%arg9 : memref<64xi32, #tpu.memory_space<vmem>>) semaphore(%arg20 : memref<!tpu.dma_semaphore, #tpu.memory_space<semaphore_mem>>)
        %add3A_328 = arith.constant 1 : i32
        %add3A_329 = arith.addi %add3A_56, %add3A_328 : i32
        %mul3A_330 = arith.constant 64 : i32
        %mul3A_331 = arith.muli %add3A_329, %mul3A_330 : i32
        %add3A_332 = arith.addi %mul3A_8, %mul3A_331 : i32
        %dma_start3A_333 = arith.constant 0 : i32
        %dma_start3A_334 = tpu.memref_slice %arg5[%add3A_332, %dma_start3A_333] : memref<135168x128xf32, #tpu.memory_space<hbm>> -> memref<64x128xf32, #tpu.memory_space<hbm>>
        %dma_start3A_335 = arith.constant 0 : i32
        %dma_start3A_336 = tpu.memref_slice %arg5[%add3A_332, %dma_start3A_335] : memref<135168x128xf32, #tpu.memory_space<hbm>> -> memref<64x128xf32, #tpu.memory_space<hbm>>
        tpu.enqueue_dma source(%dma_start3A_336 : memref<64x128xf32, #tpu.memory_space<hbm>>) target(%arg16 : memref<64x128xf32, #tpu.memory_space<vmem>>) target_semaphore(%arg22 : memref<!tpu.dma_semaphore, #tpu.memory_space<semaphore_mem>>)
        %ge3A_337 = arith.constant 1 : i32
        %ge3A_338 = arith.cmpi sge, %add3A_56, %ge3A_337 : i32
        %convert_element_type3A_339 = arith.extui %ge3A_338 : i1 to i32
        %cond3A_340 = arith.constant 0 : i32
        %cond3A_341 = arith.cmpi ne, %convert_element_type3A_339, %cond3A_340 : i32
        scf.if %cond3A_341 {
          %add3A_342 = arith.constant 1 : i32
          %add3A_343 = arith.addi %add3A_56, %add3A_342 : i32
          %mul3A_344 = arith.constant 64 : i32
          %mul3A_345 = arith.muli %add3A_343, %mul3A_344 : i32
          %add3A_346 = arith.addi %mul3A_8, %mul3A_345 : i32
          %dma_start3A_347 = tpu.memref_slice %arg4[%add3A_346] : memref<135168xi32, #tpu.memory_space<hbm>> -> memref<64xi32, #tpu.memory_space<hbm>>
          %dma_start3A_348 = tpu.memref_slice %arg4[%add3A_346] : memref<135168xi32, #tpu.memory_space<hbm>> -> memref<64xi32, #tpu.memory_space<hbm>>
          tpu.enqueue_dma source(%dma_start3A_348 : memref<64xi32, #tpu.memory_space<hbm>>) target(%arg11 : memref<64xi32, #tpu.memory_space<vmem>>) target_semaphore(%arg30 : memref<!tpu.dma_semaphore, #tpu.memory_space<semaphore_mem>>)
        } else {
        }
      } else {
      }
      %add3A_74 = arith.constant 2 : i32
      %add3A_75 = arith.addi %add3A_56, %add3A_74 : i32
      %lt3A_76 = arith.constant 66 : i32
      %lt3A_77 = arith.cmpi slt, %add3A_75, %lt3A_76 : i32
      %convert_element_type3A_78 = arith.extui %lt3A_77 : i1 to i32
      %cond3A_79 = arith.constant 0 : i32
      %cond3A_80 = arith.cmpi ne, %convert_element_type3A_78, %cond3A_79 : i32
      scf.if %cond3A_80 {
        %add3A_318 = arith.constant 2 : i32
        %add3A_319 = arith.addi %add3A_56, %add3A_318 : i32
        %mul3A_320 = arith.constant 64 : i32
        %mul3A_321 = arith.muli %add3A_319, %mul3A_320 : i32
        %add3A_322 = arith.addi %mul3A_8, %mul3A_321 : i32
        %dma_start3A_323 = tpu.memref_slice %arg3[%add3A_322] : memref<135168xi32, #tpu.memory_space<hbm>> -> memref<64xi32, #tpu.memory_space<hbm>>
        %dma_start3A_324 = tpu.memref_slice %arg3[%add3A_322] : memref<135168xi32, #tpu.memory_space<hbm>> -> memref<64xi32, #tpu.memory_space<hbm>>
        tpu.enqueue_dma source(%dma_start3A_324 : memref<64xi32, #tpu.memory_space<hbm>>) target(%arg8 : memref<64xi32, #tpu.memory_space<vmem>>) target_semaphore(%arg27 : memref<!tpu.dma_semaphore, #tpu.memory_space<semaphore_mem>>)
      } else {
      }
      %scan3A_81 = arith.constant 0 : i32
      %scan3A_82 = arith.constant 64 : i32
      %scan3A_83 = arith.addi %scan3A_81, %scan3A_82 : i32
      %scan3A_84 = arith.constant 1 : i32
      scf.for %scan3A_318 = %scan3A_81 to %scan3A_83 step %scan3A_84  : i32 {
        %mul3A_319 = arith.constant 1 : i32
        %mul3A_320 = arith.muli %scan3A_318, %mul3A_319 : i32
        %add3A_321 = arith.constant 0 : i32
        %add3A_322 = arith.addi %add3A_321, %mul3A_320 : i32
        %get3A = arith.index_cast %add3A_322 : i32 to index
        %get3A_323 = arith.constant 0 : index
        %get3A_324 = tpu.vector_load %arg15[%get3A, %get3A_323] {strides = array<i32>} : memref<64x128xf32, #tpu.memory_space<vmem>>, vector<1x16xf32>,
        %get3A_325 = vector.shape_cast %get3A_324 : vector<1x16xf32> to vector<16xf32>
        %get3A_326 = arith.index_cast %add3A_322 : i32 to index
        %get3A_327 = arith.constant 0 : index
        %get3A_328 = tpu.vector_load %arg13[%get3A_326, %get3A_327] {strides = array<i32>} : memref<64x128xf32, #tpu.memory_space<vmem>>, vector<1x16xf32>,
        %get3A_329 = vector.shape_cast %get3A_328 : vector<1x16xf32> to vector<16xf32>
        %add3A_330 = arith.addf %get3A_325, %get3A_329 : vector<16xf32>
        %max3A = arith.constant 0.000000e+00 : f32
        %max3A_331 = vector.broadcast %max3A : f32 to vector<16xf32>
        %max3A_332 = arith.maximumf %add3A_330, %max3A_331 : vector<16xf32>
        %swap3A = arith.index_cast %add3A_322 : i32 to index
        %swap3A_333 = arith.constant 0 : index
        %swap3A_334 = tpu.vector_load %arg15[%swap3A, %swap3A_333] {strides = array<i32>} : memref<64x128xf32, #tpu.memory_space<vmem>>, vector<1x16xf32>,
        %swap3A_335 = vector.shape_cast %swap3A_334 : vector<1x16xf32> to vector<16xf32>
        %swap3A_336 = vector.shape_cast %max3A_332 : vector<16xf32> to vector<1x16xf32>
        tpu.vector_store %arg15[%swap3A, %swap3A_333], %swap3A_336 {strides = array<i32>} : memref<64x128xf32, #tpu.memory_space<vmem>>, vector<1x16xf32>,
        %get3A_337 = arith.index_cast %add3A_322 : i32 to index
        %get3A_338 = arith.constant 16 : index
        %get3A_339 = tpu.vector_load %arg15[%get3A_337, %get3A_338] {strides = array<i32>} : memref<64x128xf32, #tpu.memory_space<vmem>>, vector<1x16xf32>,
        %get3A_340 = vector.shape_cast %get3A_339 : vector<1x16xf32> to vector<16xf32>
        %get3A_341 = arith.index_cast %add3A_322 : i32 to index
        %get3A_342 = arith.constant 16 : index
        %get3A_343 = tpu.vector_load %arg13[%get3A_341, %get3A_342] {strides = array<i32>} : memref<64x128xf32, #tpu.memory_space<vmem>>, vector<1x16xf32>,
        %get3A_344 = vector.shape_cast %get3A_343 : vector<1x16xf32> to vector<16xf32>
        %add3A_345 = arith.addf %get3A_340, %get3A_344 : vector<16xf32>
        %max3A_346 = arith.constant 0.000000e+00 : f32
        %max3A_347 = vector.broadcast %max3A_346 : f32 to vector<16xf32>
        %max3A_348 = arith.maximumf %add3A_345, %max3A_347 : vector<16xf32>
        %swap3A_349 = arith.index_cast %add3A_322 : i32 to index
        %swap3A_350 = arith.constant 16 : index
        %swap3A_351 = tpu.vector_load %arg15[%swap3A_349, %swap3A_350] {strides = array<i32>} : memref<64x128xf32, #tpu.memory_space<vmem>>, vector<1x16xf32>,
        %swap3A_352 = vector.shape_cast %swap3A_351 : vector<1x16xf32> to vector<16xf32>
        %swap3A_353 = vector.shape_cast %max3A_348 : vector<16xf32> to vector<1x16xf32>
        tpu.vector_store %arg15[%swap3A_349, %swap3A_350], %swap3A_353 {strides = array<i32>} : memref<64x128xf32, #tpu.memory_space<vmem>>, vector<1x16xf32>,
        %get3A_354 = arith.index_cast %add3A_322 : i32 to index
        %get3A_355 = arith.constant 32 : index
        %get3A_356 = tpu.vector_load %arg15[%get3A_354, %get3A_355] {strides = array<i32>} : memref<64x128xf32, #tpu.memory_space<vmem>>, vector<1x16xf32>,
        %get3A_357 = vector.shape_cast %get3A_356 : vector<1x16xf32> to vector<16xf32>
        %get3A_358 = arith.index_cast %add3A_322 : i32 to index
        %get3A_359 = arith.constant 32 : index
        %get3A_360 = tpu.vector_load %arg13[%get3A_358, %get3A_359] {strides = array<i32>} : memref<64x128xf32, #tpu.memory_space<vmem>>, vector<1x16xf32>,
        %get3A_361 = vector.shape_cast %get3A_360 : vector<1x16xf32> to vector<16xf32>
        %add3A_362 = arith.addf %get3A_357, %get3A_361 : vector<16xf32>
        %max3A_363 = arith.constant 0.000000e+00 : f32
        %max3A_364 = vector.broadcast %max3A_363 : f32 to vector<16xf32>
        %max3A_365 = arith.maximumf %add3A_362, %max3A_364 : vector<16xf32>
        %swap3A_366 = arith.index_cast %add3A_322 : i32 to index
        %swap3A_367 = arith.constant 32 : index
        %swap3A_368 = tpu.vector_load %arg15[%swap3A_366, %swap3A_367] {strides = array<i32>} : memref<64x128xf32, #tpu.memory_space<vmem>>, vector<1x16xf32>,
        %swap3A_369 = vector.shape_cast %swap3A_368 : vector<1x16xf32> to vector<16xf32>
        %swap3A_370 = vector.shape_cast %max3A_365 : vector<16xf32> to vector<1x16xf32>
        tpu.vector_store %arg15[%swap3A_366, %swap3A_367], %swap3A_370 {strides = array<i32>} : memref<64x128xf32, #tpu.memory_space<vmem>>, vector<1x16xf32>,
        %get3A_371 = arith.index_cast %add3A_322 : i32 to index
        %get3A_372 = arith.constant 48 : index
        %get3A_373 = tpu.vector_load %arg15[%get3A_371, %get3A_372] {strides = array<i32>} : memref<64x128xf32, #tpu.memory_space<vmem>>, vector<1x16xf32>,
        %get3A_374 = vector.shape_cast %get3A_373 : vector<1x16xf32> to vector<16xf32>
        %get3A_375 = arith.index_cast %add3A_322 : i32 to index
        %get3A_376 = arith.constant 48 : index
        %get3A_377 = tpu.vector_load %arg13[%get3A_375, %get3A_376] {strides = array<i32>} : memref<64x128xf32, #tpu.memory_space<vmem>>, vector<1x16xf32>,
        %get3A_378 = vector.shape_cast %get3A_377 : vector<1x16xf32> to vector<16xf32>
        %add3A_379 = arith.addf %get3A_374, %get3A_378 : vector<16xf32>
        %max3A_380 = arith.constant 0.000000e+00 : f32
        %max3A_381 = vector.broadcast %max3A_380 : f32 to vector<16xf32>
        %max3A_382 = arith.maximumf %add3A_379, %max3A_381 : vector<16xf32>
        %swap3A_383 = arith.index_cast %add3A_322 : i32 to index
        %swap3A_384 = arith.constant 48 : index
        %swap3A_385 = tpu.vector_load %arg15[%swap3A_383, %swap3A_384] {strides = array<i32>} : memref<64x128xf32, #tpu.memory_space<vmem>>, vector<1x16xf32>,
        %swap3A_386 = vector.shape_cast %swap3A_385 : vector<1x16xf32> to vector<16xf32>
        %swap3A_387 = vector.shape_cast %max3A_382 : vector<16xf32> to vector<1x16xf32>
        tpu.vector_store %arg15[%swap3A_383, %swap3A_384], %swap3A_387 {strides = array<i32>} : memref<64x128xf32, #tpu.memory_space<vmem>>, vector<1x16xf32>,
        %get3A_388 = arith.index_cast %add3A_322 : i32 to index
        %get3A_389 = arith.constant 64 : index
        %get3A_390 = tpu.vector_load %arg15[%get3A_388, %get3A_389] {strides = array<i32>} : memref<64x128xf32, #tpu.memory_space<vmem>>, vector<1x16xf32>,
        %get3A_391 = vector.shape_cast %get3A_390 : vector<1x16xf32> to vector<16xf32>
        %get3A_392 = arith.index_cast %add3A_322 : i32 to index
        %get3A_393 = arith.constant 64 : index
        %get3A_394 = tpu.vector_load %arg13[%get3A_392, %get3A_393] {strides = array<i32>} : memref<64x128xf32, #tpu.memory_space<vmem>>, vector<1x16xf32>,
        %get3A_395 = vector.shape_cast %get3A_394 : vector<1x16xf32> to vector<16xf32>
        %add3A_396 = arith.addf %get3A_391, %get3A_395 : vector<16xf32>
        %max3A_397 = arith.constant 0.000000e+00 : f32
        %max3A_398 = vector.broadcast %max3A_397 : f32 to vector<16xf32>
        %max3A_399 = arith.maximumf %add3A_396, %max3A_398 : vector<16xf32>
        %swap3A_400 = arith.index_cast %add3A_322 : i32 to index
        %swap3A_401 = arith.constant 64 : index
        %swap3A_402 = tpu.vector_load %arg15[%swap3A_400, %swap3A_401] {strides = array<i32>} : memref<64x128xf32, #tpu.memory_space<vmem>>, vector<1x16xf32>,
        %swap3A_403 = vector.shape_cast %swap3A_402 : vector<1x16xf32> to vector<16xf32>
        %swap3A_404 = vector.shape_cast %max3A_399 : vector<16xf32> to vector<1x16xf32>
        tpu.vector_store %arg15[%swap3A_400, %swap3A_401], %swap3A_404 {strides = array<i32>} : memref<64x128xf32, #tpu.memory_space<vmem>>, vector<1x16xf32>,
        %get3A_405 = arith.index_cast %add3A_322 : i32 to index
        %get3A_406 = arith.constant 80 : index
        %get3A_407 = tpu.vector_load %arg15[%get3A_405, %get3A_406] {strides = array<i32>} : memref<64x128xf32, #tpu.memory_space<vmem>>, vector<1x16xf32>,
        %get3A_408 = vector.shape_cast %get3A_407 : vector<1x16xf32> to vector<16xf32>
        %get3A_409 = arith.index_cast %add3A_322 : i32 to index
        %get3A_410 = arith.constant 80 : index
        %get3A_411 = tpu.vector_load %arg13[%get3A_409, %get3A_410] {strides = array<i32>} : memref<64x128xf32, #tpu.memory_space<vmem>>, vector<1x16xf32>,
        %get3A_412 = vector.shape_cast %get3A_411 : vector<1x16xf32> to vector<16xf32>
        %add3A_413 = arith.addf %get3A_408, %get3A_412 : vector<16xf32>
        %max3A_414 = arith.constant 0.000000e+00 : f32
        %max3A_415 = vector.broadcast %max3A_414 : f32 to vector<16xf32>
        %max3A_416 = arith.maximumf %add3A_413, %max3A_415 : vector<16xf32>
        %swap3A_417 = arith.index_cast %add3A_322 : i32 to index
        %swap3A_418 = arith.constant 80 : index
        %swap3A_419 = tpu.vector_load %arg15[%swap3A_417, %swap3A_418] {strides = array<i32>} : memref<64x128xf32, #tpu.memory_space<vmem>>, vector<1x16xf32>,
        %swap3A_420 = vector.shape_cast %swap3A_419 : vector<1x16xf32> to vector<16xf32>
        %swap3A_421 = vector.shape_cast %max3A_416 : vector<16xf32> to vector<1x16xf32>
        tpu.vector_store %arg15[%swap3A_417, %swap3A_418], %swap3A_421 {strides = array<i32>} : memref<64x128xf32, #tpu.memory_space<vmem>>, vector<1x16xf32>,
        %get3A_422 = arith.index_cast %add3A_322 : i32 to index
        %get3A_423 = arith.constant 96 : index
        %get3A_424 = tpu.vector_load %arg15[%get3A_422, %get3A_423] {strides = array<i32>} : memref<64x128xf32, #tpu.memory_space<vmem>>, vector<1x16xf32>,
        %get3A_425 = vector.shape_cast %get3A_424 : vector<1x16xf32> to vector<16xf32>
        %get3A_426 = arith.index_cast %add3A_322 : i32 to index
        %get3A_427 = arith.constant 96 : index
        %get3A_428 = tpu.vector_load %arg13[%get3A_426, %get3A_427] {strides = array<i32>} : memref<64x128xf32, #tpu.memory_space<vmem>>, vector<1x16xf32>,
        %get3A_429 = vector.shape_cast %get3A_428 : vector<1x16xf32> to vector<16xf32>
        %add3A_430 = arith.addf %get3A_425, %get3A_429 : vector<16xf32>
        %max3A_431 = arith.constant 0.000000e+00 : f32
        %max3A_432 = vector.broadcast %max3A_431 : f32 to vector<16xf32>
        %max3A_433 = arith.maximumf %add3A_430, %max3A_432 : vector<16xf32>
        %swap3A_434 = arith.index_cast %add3A_322 : i32 to index
        %swap3A_435 = arith.constant 96 : index
        %swap3A_436 = tpu.vector_load %arg15[%swap3A_434, %swap3A_435] {strides = array<i32>} : memref<64x128xf32, #tpu.memory_space<vmem>>, vector<1x16xf32>,
        %swap3A_437 = vector.shape_cast %swap3A_436 : vector<1x16xf32> to vector<16xf32>
        %swap3A_438 = vector.shape_cast %max3A_433 : vector<16xf32> to vector<1x16xf32>
        tpu.vector_store %arg15[%swap3A_434, %swap3A_435], %swap3A_438 {strides = array<i32>} : memref<64x128xf32, #tpu.memory_space<vmem>>, vector<1x16xf32>,
        %get3A_439 = arith.index_cast %add3A_322 : i32 to index
        %get3A_440 = arith.constant 112 : index
        %get3A_441 = tpu.vector_load %arg15[%get3A_439, %get3A_440] {strides = array<i32>} : memref<64x128xf32, #tpu.memory_space<vmem>>, vector<1x16xf32>,
        %get3A_442 = vector.shape_cast %get3A_441 : vector<1x16xf32> to vector<16xf32>
        %get3A_443 = arith.index_cast %add3A_322 : i32 to index
        %get3A_444 = arith.constant 112 : index
        %get3A_445 = tpu.vector_load %arg13[%get3A_443, %get3A_444] {strides = array<i32>} : memref<64x128xf32, #tpu.memory_space<vmem>>, vector<1x16xf32>,
        %get3A_446 = vector.shape_cast %get3A_445 : vector<1x16xf32> to vector<16xf32>
        %add3A_447 = arith.addf %get3A_442, %get3A_446 : vector<16xf32>
        %max3A_448 = arith.constant 0.000000e+00 : f32
        %max3A_449 = vector.broadcast %max3A_448 : f32 to vector<16xf32>
        %max3A_450 = arith.maximumf %add3A_447, %max3A_449 : vector<16xf32>
        %swap3A_451 = arith.index_cast %add3A_322 : i32 to index
        %swap3A_452 = arith.constant 112 : index
        %swap3A_453 = tpu.vector_load %arg15[%swap3A_451, %swap3A_452] {strides = array<i32>} : memref<64x128xf32, #tpu.memory_space<vmem>>, vector<1x16xf32>,
        %swap3A_454 = vector.shape_cast %swap3A_453 : vector<1x16xf32> to vector<16xf32>
        %swap3A_455 = vector.shape_cast %max3A_450 : vector<16xf32> to vector<1x16xf32>
        tpu.vector_store %arg15[%swap3A_451, %swap3A_452], %swap3A_455 {strides = array<i32>} : memref<64x128xf32, #tpu.memory_space<vmem>>, vector<1x16xf32>,
      }
      %scan3A_85 = arith.constant 64 : i32
      %mul3A_86 = arith.constant 64 : i32
      %mul3A_87 = arith.muli %add3A_56, %mul3A_86 : i32
      %add3A_88 = arith.addi %mul3A_8, %mul3A_87 : i32
      %dma_wait3A_89 = tpu.memref_slice %arg4[%add3A_88] : memref<135168xi32, #tpu.memory_space<hbm>> -> memref<64xi32, #tpu.memory_space<hbm>>
      %dma_wait3A_90 = tpu.memref_slice %arg4[%add3A_88] : memref<135168xi32, #tpu.memory_space<hbm>> -> memref<64xi32, #tpu.memory_space<hbm>>
      tpu.wait_dma2 semaphore(%arg29 : memref<!tpu.dma_semaphore, #tpu.memory_space<semaphore_mem>>) src(%dma_wait3A_90 : memref<64xi32, #tpu.memory_space<hbm>>) dst(%arg10 : memref<64xi32, #tpu.memory_space<vmem>>)
      %ge3A = arith.constant 1 : i32
      %ge3A_91 = arith.cmpi sge, %add3A_56, %ge3A : i32
      %convert_element_type3A_92 = arith.extui %ge3A_91 : i1 to i32
      %cond3A_93 = arith.constant 0 : i32
      %cond3A_94 = arith.cmpi ne, %convert_element_type3A_92, %cond3A_93 : i32
      scf.if %cond3A_94 {
        %dma_wait3A_318 = arith.constant 0 : i32
        %dma_wait3A_319 = arith.constant 0 : i32
        %dma_wait3A_320 = tpu.memref_slice %arg18[%dma_wait3A_318, %dma_wait3A_319] : memref<10240x128xf32, #tpu.memory_space<vmem_shared>> -> memref<10240x128xf32, #tpu.memory_space<vmem_shared>>
        tpu.wait_indirect_dma semaphore(%arg26 : memref<!tpu.dma_semaphore, #tpu.memory_space<semaphore_mem>>) src(%arg17 : memref<64x128xf32, #tpu.memory_space<vmem>>) dst(%dma_wait3A_320 : memref<10240x128xf32, #tpu.memory_space<vmem_shared>>)
      } else {
      }
      %dma_start3A_95 = arith.constant 0 : i32
      %dma_start3A_96 = arith.constant 0 : i32
      %dma_start3A_97 = tpu.memref_slice %arg18[%dma_start3A_95, %dma_start3A_96] : memref<10240x128xf32, #tpu.memory_space<vmem_shared>> -> memref<10240x128xf32, #tpu.memory_space<vmem_shared>>
      tpu.enqueue_indirect_dma source(%arg15 : memref<64x128xf32, #tpu.memory_space<vmem>>) target(%dma_start3A_97 : memref<10240x128xf32, #tpu.memory_space<vmem_shared>>) offsets(%arg10 : memref<64xi32, #tpu.memory_space<vmem>>) semaphore(%arg24 : memref<!tpu.dma_semaphore, #tpu.memory_space<semaphore_mem>>) {add = true}
      %add3A_98 = arith.constant 1 : i32
      %add3A_99 = arith.addi %add3A_54, %add3A_98 : i32
      %dma_wait3A_100 = arith.constant 0 : i32
      %dma_wait3A_101 = arith.constant 0 : i32
      %dma_wait3A_102 = tpu.memref_slice %arg2[%dma_wait3A_100, %dma_wait3A_101] : memref<10000x128xf32, #tpu.memory_space<hbm>> -> memref<10000x128xf32, #tpu.memory_space<hbm>>
      tpu.wait_indirect_dma semaphore(%arg20 : memref<!tpu.dma_semaphore, #tpu.memory_space<semaphore_mem>>) src(%dma_wait3A_102 : memref<10000x128xf32, #tpu.memory_space<hbm>>) dst(%arg14 : memref<64x128xf32, #tpu.memory_space<vmem>>)
      %mul3A_103 = arith.constant 64 : i32
      %mul3A_104 = arith.muli %add3A_99, %mul3A_103 : i32
      %add3A_105 = arith.addi %mul3A_8, %mul3A_104 : i32
      %dma_wait3A_106 = arith.constant 0 : i32
      %dma_wait3A_107 = tpu.memref_slice %arg5[%add3A_105, %dma_wait3A_106] : memref<135168x128xf32, #tpu.memory_space<hbm>> -> memref<64x128xf32, #tpu.memory_space<hbm>>
      %dma_wait3A_108 = arith.constant 0 : i32
      %dma_wait3A_109 = tpu.memref_slice %arg5[%add3A_105, %dma_wait3A_108] : memref<135168x128xf32, #tpu.memory_space<hbm>> -> memref<64x128xf32, #tpu.memory_space<hbm>>
      tpu.wait_dma2 semaphore(%arg22 : memref<!tpu.dma_semaphore, #tpu.memory_space<semaphore_mem>>) src(%dma_wait3A_109 : memref<64x128xf32, #tpu.memory_space<hbm>>) dst(%arg16 : memref<64x128xf32, #tpu.memory_space<vmem>>)
      %add3A_110 = arith.constant 1 : i32
      %add3A_111 = arith.addi %add3A_99, %add3A_110 : i32
      %lt3A_112 = arith.constant 66 : i32
      %lt3A_113 = arith.cmpi slt, %add3A_111, %lt3A_112 : i32
      %convert_element_type3A_114 = arith.extui %lt3A_113 : i1 to i32
      %cond3A_115 = arith.constant 0 : i32
      %cond3A_116 = arith.cmpi ne, %convert_element_type3A_114, %cond3A_115 : i32
      scf.if %cond3A_116 {
        %add3A_318 = arith.constant 1 : i32
        %add3A_319 = arith.addi %add3A_99, %add3A_318 : i32
        %mul3A_320 = arith.constant 64 : i32
        %mul3A_321 = arith.muli %add3A_319, %mul3A_320 : i32
        %add3A_322 = arith.addi %mul3A_8, %mul3A_321 : i32
        %dma_wait3A_323 = tpu.memref_slice %arg3[%add3A_322] : memref<135168xi32, #tpu.memory_space<hbm>> -> memref<64xi32, #tpu.memory_space<hbm>>
        %dma_wait3A_324 = tpu.memref_slice %arg3[%add3A_322] : memref<135168xi32, #tpu.memory_space<hbm>> -> memref<64xi32, #tpu.memory_space<hbm>>
        tpu.wait_dma2 semaphore(%arg27 : memref<!tpu.dma_semaphore, #tpu.memory_space<semaphore_mem>>) src(%dma_wait3A_324 : memref<64xi32, #tpu.memory_space<hbm>>) dst(%arg8 : memref<64xi32, #tpu.memory_space<vmem>>)
        %dma_start3A_325 = arith.constant 0 : i32
        %dma_start3A_326 = arith.constant 0 : i32
        %dma_start3A_327 = tpu.memref_slice %arg2[%dma_start3A_325, %dma_start3A_326] : memref<10000x128xf32, #tpu.memory_space<hbm>> -> memref<10000x128xf32, #tpu.memory_space<hbm>>
        tpu.enqueue_indirect_dma source(%dma_start3A_327 : memref<10000x128xf32, #tpu.memory_space<hbm>>) target(%arg13 : memref<64x128xf32, #tpu.memory_space<vmem>>) offsets(%arg8 : memref<64xi32, #tpu.memory_space<vmem>>) semaphore(%arg19 : memref<!tpu.dma_semaphore, #tpu.memory_space<semaphore_mem>>)
        %add3A_328 = arith.constant 1 : i32
        %add3A_329 = arith.addi %add3A_99, %add3A_328 : i32
        %mul3A_330 = arith.constant 64 : i32
        %mul3A_331 = arith.muli %add3A_329, %mul3A_330 : i32
        %add3A_332 = arith.addi %mul3A_8, %mul3A_331 : i32
        %dma_start3A_333 = arith.constant 0 : i32
        %dma_start3A_334 = tpu.memref_slice %arg5[%add3A_332, %dma_start3A_333] : memref<135168x128xf32, #tpu.memory_space<hbm>> -> memref<64x128xf32, #tpu.memory_space<hbm>>
        %dma_start3A_335 = arith.constant 0 : i32
        %dma_start3A_336 = tpu.memref_slice %arg5[%add3A_332, %dma_start3A_335] : memref<135168x128xf32, #tpu.memory_space<hbm>> -> memref<64x128xf32, #tpu.memory_space<hbm>>
        tpu.enqueue_dma source(%dma_start3A_336 : memref<64x128xf32, #tpu.memory_space<hbm>>) target(%arg17 : memref<64x128xf32, #tpu.memory_space<vmem>>) target_semaphore(%arg23 : memref<!tpu.dma_semaphore, #tpu.memory_space<semaphore_mem>>)
        %ge3A_337 = arith.constant 1 : i32
        %ge3A_338 = arith.cmpi sge, %add3A_99, %ge3A_337 : i32
        %convert_element_type3A_339 = arith.extui %ge3A_338 : i1 to i32
        %cond3A_340 = arith.constant 0 : i32
        %cond3A_341 = arith.cmpi ne, %convert_element_type3A_339, %cond3A_340 : i32
        scf.if %cond3A_341 {
          %add3A_342 = arith.constant 1 : i32
          %add3A_343 = arith.addi %add3A_99, %add3A_342 : i32
          %mul3A_344 = arith.constant 64 : i32
          %mul3A_345 = arith.muli %add3A_343, %mul3A_344 : i32
          %add3A_346 = arith.addi %mul3A_8, %mul3A_345 : i32
          %dma_start3A_347 = tpu.memref_slice %arg4[%add3A_346] : memref<135168xi32, #tpu.memory_space<hbm>> -> memref<64xi32, #tpu.memory_space<hbm>>
          %dma_start3A_348 = tpu.memref_slice %arg4[%add3A_346] : memref<135168xi32, #tpu.memory_space<hbm>> -> memref<64xi32, #tpu.memory_space<hbm>>
          tpu.enqueue_dma source(%dma_start3A_348 : memref<64xi32, #tpu.memory_space<hbm>>) target(%arg12 : memref<64xi32, #tpu.memory_space<vmem>>) target_semaphore(%arg31 : memref<!tpu.dma_semaphore, #tpu.memory_space<semaphore_mem>>)
        } else {
        }
      } else {
      }
      %add3A_117 = arith.constant 2 : i32
      %add3A_118 = arith.addi %add3A_99, %add3A_117 : i32
      %lt3A_119 = arith.constant 66 : i32
      %lt3A_120 = arith.cmpi slt, %add3A_118, %lt3A_119 : i32
      %convert_element_type3A_121 = arith.extui %lt3A_120 : i1 to i32
      %cond3A_122 = arith.constant 0 : i32
      %cond3A_123 = arith.cmpi ne, %convert_element_type3A_121, %cond3A_122 : i32
      scf.if %cond3A_123 {
        %add3A_318 = arith.constant 2 : i32
        %add3A_319 = arith.addi %add3A_99, %add3A_318 : i32
        %mul3A_320 = arith.constant 64 : i32
        %mul3A_321 = arith.muli %add3A_319, %mul3A_320 : i32
        %add3A_322 = arith.addi %mul3A_8, %mul3A_321 : i32
        %dma_start3A_323 = tpu.memref_slice %arg3[%add3A_322] : memref<135168xi32, #tpu.memory_space<hbm>> -> memref<64xi32, #tpu.memory_space<hbm>>
        %dma_start3A_324 = tpu.memref_slice %arg3[%add3A_322] : memref<135168xi32, #tpu.memory_space<hbm>> -> memref<64xi32, #tpu.memory_space<hbm>>
        tpu.enqueue_dma source(%dma_start3A_324 : memref<64xi32, #tpu.memory_space<hbm>>) target(%arg9 : memref<64xi32, #tpu.memory_space<vmem>>) target_semaphore(%arg28 : memref<!tpu.dma_semaphore, #tpu.memory_space<semaphore_mem>>)
      } else {
      }
      %scan3A_124 = arith.constant 0 : i32
      %scan3A_125 = arith.constant 64 : i32
      %scan3A_126 = arith.addi %scan3A_124, %scan3A_125 : i32
      %scan3A_127 = arith.constant 1 : i32
      scf.for %scan3A_318 = %scan3A_124 to %scan3A_126 step %scan3A_127  : i32 {
        %mul3A_319 = arith.constant 1 : i32
        %mul3A_320 = arith.muli %scan3A_318, %mul3A_319 : i32
        %add3A_321 = arith.constant 0 : i32
        %add3A_322 = arith.addi %add3A_321, %mul3A_320 : i32
        %get3A = arith.index_cast %add3A_322 : i32 to index
        %get3A_323 = arith.constant 0 : index
        %get3A_324 = tpu.vector_load %arg16[%get3A, %get3A_323] {strides = array<i32>} : memref<64x128xf32, #tpu.memory_space<vmem>>, vector<1x16xf32>,
        %get3A_325 = vector.shape_cast %get3A_324 : vector<1x16xf32> to vector<16xf32>
        %get3A_326 = arith.index_cast %add3A_322 : i32 to index
        %get3A_327 = arith.constant 0 : index
        %get3A_328 = tpu.vector_load %arg14[%get3A_326, %get3A_327] {strides = array<i32>} : memref<64x128xf32, #tpu.memory_space<vmem>>, vector<1x16xf32>,
        %get3A_329 = vector.shape_cast %get3A_328 : vector<1x16xf32> to vector<16xf32>
        %add3A_330 = arith.addf %get3A_325, %get3A_329 : vector<16xf32>
        %max3A = arith.constant 0.000000e+00 : f32
        %max3A_331 = vector.broadcast %max3A : f32 to vector<16xf32>
        %max3A_332 = arith.maximumf %add3A_330, %max3A_331 : vector<16xf32>
        %swap3A = arith.index_cast %add3A_322 : i32 to index
        %swap3A_333 = arith.constant 0 : index
        %swap3A_334 = tpu.vector_load %arg16[%swap3A, %swap3A_333] {strides = array<i32>} : memref<64x128xf32, #tpu.memory_space<vmem>>, vector<1x16xf32>,
        %swap3A_335 = vector.shape_cast %swap3A_334 : vector<1x16xf32> to vector<16xf32>
        %swap3A_336 = vector.shape_cast %max3A_332 : vector<16xf32> to vector<1x16xf32>
        tpu.vector_store %arg16[%swap3A, %swap3A_333], %swap3A_336 {strides = array<i32>} : memref<64x128xf32, #tpu.memory_space<vmem>>, vector<1x16xf32>,
        %get3A_337 = arith.index_cast %add3A_322 : i32 to index
        %get3A_338 = arith.constant 16 : index
        %get3A_339 = tpu.vector_load %arg16[%get3A_337, %get3A_338] {strides = array<i32>} : memref<64x128xf32, #tpu.memory_space<vmem>>, vector<1x16xf32>,
        %get3A_340 = vector.shape_cast %get3A_339 : vector<1x16xf32> to vector<16xf32>
        %get3A_341 = arith.index_cast %add3A_322 : i32 to index
        %get3A_342 = arith.constant 16 : index
        %get3A_343 = tpu.vector_load %arg14[%get3A_341, %get3A_342] {strides = array<i32>} : memref<64x128xf32, #tpu.memory_space<vmem>>, vector<1x16xf32>,
        %get3A_344 = vector.shape_cast %get3A_343 : vector<1x16xf32> to vector<16xf32>
        %add3A_345 = arith.addf %get3A_340, %get3A_344 : vector<16xf32>
        %max3A_346 = arith.constant 0.000000e+00 : f32
        %max3A_347 = vector.broadcast %max3A_346 : f32 to vector<16xf32>
        %max3A_348 = arith.maximumf %add3A_345, %max3A_347 : vector<16xf32>
        %swap3A_349 = arith.index_cast %add3A_322 : i32 to index
        %swap3A_350 = arith.constant 16 : index
        %swap3A_351 = tpu.vector_load %arg16[%swap3A_349, %swap3A_350] {strides = array<i32>} : memref<64x128xf32, #tpu.memory_space<vmem>>, vector<1x16xf32>,
        %swap3A_352 = vector.shape_cast %swap3A_351 : vector<1x16xf32> to vector<16xf32>
        %swap3A_353 = vector.shape_cast %max3A_348 : vector<16xf32> to vector<1x16xf32>
        tpu.vector_store %arg16[%swap3A_349, %swap3A_350], %swap3A_353 {strides = array<i32>} : memref<64x128xf32, #tpu.memory_space<vmem>>, vector<1x16xf32>,
        %get3A_354 = arith.index_cast %add3A_322 : i32 to index
        %get3A_355 = arith.constant 32 : index
        %get3A_356 = tpu.vector_load %arg16[%get3A_354, %get3A_355] {strides = array<i32>} : memref<64x128xf32, #tpu.memory_space<vmem>>, vector<1x16xf32>,
        %get3A_357 = vector.shape_cast %get3A_356 : vector<1x16xf32> to vector<16xf32>
        %get3A_358 = arith.index_cast %add3A_322 : i32 to index
        %get3A_359 = arith.constant 32 : index
        %get3A_360 = tpu.vector_load %arg14[%get3A_358, %get3A_359] {strides = array<i32>} : memref<64x128xf32, #tpu.memory_space<vmem>>, vector<1x16xf32>,
        %get3A_361 = vector.shape_cast %get3A_360 : vector<1x16xf32> to vector<16xf32>
        %add3A_362 = arith.addf %get3A_357, %get3A_361 : vector<16xf32>
        %max3A_363 = arith.constant 0.000000e+00 : f32
        %max3A_364 = vector.broadcast %max3A_363 : f32 to vector<16xf32>
        %max3A_365 = arith.maximumf %add3A_362, %max3A_364 : vector<16xf32>
        %swap3A_366 = arith.index_cast %add3A_322 : i32 to index
        %swap3A_367 = arith.constant 32 : index
        %swap3A_368 = tpu.vector_load %arg16[%swap3A_366, %swap3A_367] {strides = array<i32>} : memref<64x128xf32, #tpu.memory_space<vmem>>, vector<1x16xf32>,
        %swap3A_369 = vector.shape_cast %swap3A_368 : vector<1x16xf32> to vector<16xf32>
        %swap3A_370 = vector.shape_cast %max3A_365 : vector<16xf32> to vector<1x16xf32>
        tpu.vector_store %arg16[%swap3A_366, %swap3A_367], %swap3A_370 {strides = array<i32>} : memref<64x128xf32, #tpu.memory_space<vmem>>, vector<1x16xf32>,
        %get3A_371 = arith.index_cast %add3A_322 : i32 to index
        %get3A_372 = arith.constant 48 : index
        %get3A_373 = tpu.vector_load %arg16[%get3A_371, %get3A_372] {strides = array<i32>} : memref<64x128xf32, #tpu.memory_space<vmem>>, vector<1x16xf32>,
        %get3A_374 = vector.shape_cast %get3A_373 : vector<1x16xf32> to vector<16xf32>
        %get3A_375 = arith.index_cast %add3A_322 : i32 to index
        %get3A_376 = arith.constant 48 : index
        %get3A_377 = tpu.vector_load %arg14[%get3A_375, %get3A_376] {strides = array<i32>} : memref<64x128xf32, #tpu.memory_space<vmem>>, vector<1x16xf32>,
        %get3A_378 = vector.shape_cast %get3A_377 : vector<1x16xf32> to vector<16xf32>
        %add3A_379 = arith.addf %get3A_374, %get3A_378 : vector<16xf32>
        %max3A_380 = arith.constant 0.000000e+00 : f32
        %max3A_381 = vector.broadcast %max3A_380 : f32 to vector<16xf32>
        %max3A_382 = arith.maximumf %add3A_379, %max3A_381 : vector<16xf32>
        %swap3A_383 = arith.index_cast %add3A_322 : i32 to index
        %swap3A_384 = arith.constant 48 : index
        %swap3A_385 = tpu.vector_load %arg16[%swap3A_383, %swap3A_384] {strides = array<i32>} : memref<64x128xf32, #tpu.memory_space<vmem>>, vector<1x16xf32>,
        %swap3A_386 = vector.shape_cast %swap3A_385 : vector<1x16xf32> to vector<16xf32>
        %swap3A_387 = vector.shape_cast %max3A_382 : vector<16xf32> to vector<1x16xf32>
        tpu.vector_store %arg16[%swap3A_383, %swap3A_384], %swap3A_387 {strides = array<i32>} : memref<64x128xf32, #tpu.memory_space<vmem>>, vector<1x16xf32>,
        %get3A_388 = arith.index_cast %add3A_322 : i32 to index
        %get3A_389 = arith.constant 64 : index
        %get3A_390 = tpu.vector_load %arg16[%get3A_388, %get3A_389] {strides = array<i32>} : memref<64x128xf32, #tpu.memory_space<vmem>>, vector<1x16xf32>,
        %get3A_391 = vector.shape_cast %get3A_390 : vector<1x16xf32> to vector<16xf32>
        %get3A_392 = arith.index_cast %add3A_322 : i32 to index
        %get3A_393 = arith.constant 64 : index
        %get3A_394 = tpu.vector_load %arg14[%get3A_392, %get3A_393] {strides = array<i32>} : memref<64x128xf32, #tpu.memory_space<vmem>>, vector<1x16xf32>,
        %get3A_395 = vector.shape_cast %get3A_394 : vector<1x16xf32> to vector<16xf32>
        %add3A_396 = arith.addf %get3A_391, %get3A_395 : vector<16xf32>
        %max3A_397 = arith.constant 0.000000e+00 : f32
        %max3A_398 = vector.broadcast %max3A_397 : f32 to vector<16xf32>
        %max3A_399 = arith.maximumf %add3A_396, %max3A_398 : vector<16xf32>
        %swap3A_400 = arith.index_cast %add3A_322 : i32 to index
        %swap3A_401 = arith.constant 64 : index
        %swap3A_402 = tpu.vector_load %arg16[%swap3A_400, %swap3A_401] {strides = array<i32>} : memref<64x128xf32, #tpu.memory_space<vmem>>, vector<1x16xf32>,
        %swap3A_403 = vector.shape_cast %swap3A_402 : vector<1x16xf32> to vector<16xf32>
        %swap3A_404 = vector.shape_cast %max3A_399 : vector<16xf32> to vector<1x16xf32>
        tpu.vector_store %arg16[%swap3A_400, %swap3A_401], %swap3A_404 {strides = array<i32>} : memref<64x128xf32, #tpu.memory_space<vmem>>, vector<1x16xf32>,
        %get3A_405 = arith.index_cast %add3A_322 : i32 to index
        %get3A_406 = arith.constant 80 : index
        %get3A_407 = tpu.vector_load %arg16[%get3A_405, %get3A_406] {strides = array<i32>} : memref<64x128xf32, #tpu.memory_space<vmem>>, vector<1x16xf32>,
        %get3A_408 = vector.shape_cast %get3A_407 : vector<1x16xf32> to vector<16xf32>
        %get3A_409 = arith.index_cast %add3A_322 : i32 to index
        %get3A_410 = arith.constant 80 : index
        %get3A_411 = tpu.vector_load %arg14[%get3A_409, %get3A_410] {strides = array<i32>} : memref<64x128xf32, #tpu.memory_space<vmem>>, vector<1x16xf32>,
        %get3A_412 = vector.shape_cast %get3A_411 : vector<1x16xf32> to vector<16xf32>
        %add3A_413 = arith.addf %get3A_408, %get3A_412 : vector<16xf32>
        %max3A_414 = arith.constant 0.000000e+00 : f32
        %max3A_415 = vector.broadcast %max3A_414 : f32 to vector<16xf32>
        %max3A_416 = arith.maximumf %add3A_413, %max3A_415 : vector<16xf32>
        %swap3A_417 = arith.index_cast %add3A_322 : i32 to index
        %swap3A_418 = arith.constant 80 : index
        %swap3A_419 = tpu.vector_load %arg16[%swap3A_417, %swap3A_418] {strides = array<i32>} : memref<64x128xf32, #tpu.memory_space<vmem>>, vector<1x16xf32>,
        %swap3A_420 = vector.shape_cast %swap3A_419 : vector<1x16xf32> to vector<16xf32>
        %swap3A_421 = vector.shape_cast %max3A_416 : vector<16xf32> to vector<1x16xf32>
        tpu.vector_store %arg16[%swap3A_417, %swap3A_418], %swap3A_421 {strides = array<i32>} : memref<64x128xf32, #tpu.memory_space<vmem>>, vector<1x16xf32>,
        %get3A_422 = arith.index_cast %add3A_322 : i32 to index
        %get3A_423 = arith.constant 96 : index
        %get3A_424 = tpu.vector_load %arg16[%get3A_422, %get3A_423] {strides = array<i32>} : memref<64x128xf32, #tpu.memory_space<vmem>>, vector<1x16xf32>,
        %get3A_425 = vector.shape_cast %get3A_424 : vector<1x16xf32> to vector<16xf32>
        %get3A_426 = arith.index_cast %add3A_322 : i32 to index
        %get3A_427 = arith.constant 96 : index
        %get3A_428 = tpu.vector_load %arg14[%get3A_426, %get3A_427] {strides = array<i32>} : memref<64x128xf32, #tpu.memory_space<vmem>>, vector<1x16xf32>,
        %get3A_429 = vector.shape_cast %get3A_428 : vector<1x16xf32> to vector<16xf32>
        %add3A_430 = arith.addf %get3A_425, %get3A_429 : vector<16xf32>
        %max3A_431 = arith.constant 0.000000e+00 : f32
        %max3A_432 = vector.broadcast %max3A_431 : f32 to vector<16xf32>
        %max3A_433 = arith.maximumf %add3A_430, %max3A_432 : vector<16xf32>
        %swap3A_434 = arith.index_cast %add3A_322 : i32 to index
        %swap3A_435 = arith.constant 96 : index
        %swap3A_436 = tpu.vector_load %arg16[%swap3A_434, %swap3A_435] {strides = array<i32>} : memref<64x128xf32, #tpu.memory_space<vmem>>, vector<1x16xf32>,
        %swap3A_437 = vector.shape_cast %swap3A_436 : vector<1x16xf32> to vector<16xf32>
        %swap3A_438 = vector.shape_cast %max3A_433 : vector<16xf32> to vector<1x16xf32>
        tpu.vector_store %arg16[%swap3A_434, %swap3A_435], %swap3A_438 {strides = array<i32>} : memref<64x128xf32, #tpu.memory_space<vmem>>, vector<1x16xf32>,
        %get3A_439 = arith.index_cast %add3A_322 : i32 to index
        %get3A_440 = arith.constant 112 : index
        %get3A_441 = tpu.vector_load %arg16[%get3A_439, %get3A_440] {strides = array<i32>} : memref<64x128xf32, #tpu.memory_space<vmem>>, vector<1x16xf32>,
        %get3A_442 = vector.shape_cast %get3A_441 : vector<1x16xf32> to vector<16xf32>
        %get3A_443 = arith.index_cast %add3A_322 : i32 to index
        %get3A_444 = arith.constant 112 : index
        %get3A_445 = tpu.vector_load %arg14[%get3A_443, %get3A_444] {strides = array<i32>} : memref<64x128xf32, #tpu.memory_space<vmem>>, vector<1x16xf32>,
        %get3A_446 = vector.shape_cast %get3A_445 : vector<1x16xf32> to vector<16xf32>
        %add3A_447 = arith.addf %get3A_442, %get3A_446 : vector<16xf32>
        %max3A_448 = arith.constant 0.000000e+00 : f32
        %max3A_449 = vector.broadcast %max3A_448 : f32 to vector<16xf32>
        %max3A_450 = arith.maximumf %add3A_447, %max3A_449 : vector<16xf32>
        %swap3A_451 = arith.index_cast %add3A_322 : i32 to index
        %swap3A_452 = arith.constant 112 : index
        %swap3A_453 = tpu.vector_load %arg16[%swap3A_451, %swap3A_452] {strides = array<i32>} : memref<64x128xf32, #tpu.memory_space<vmem>>, vector<1x16xf32>,
        %swap3A_454 = vector.shape_cast %swap3A_453 : vector<1x16xf32> to vector<16xf32>
        %swap3A_455 = vector.shape_cast %max3A_450 : vector<16xf32> to vector<1x16xf32>
        tpu.vector_store %arg16[%swap3A_451, %swap3A_452], %swap3A_455 {strides = array<i32>} : memref<64x128xf32, #tpu.memory_space<vmem>>, vector<1x16xf32>,
      }
      %scan3A_128 = arith.constant 64 : i32
      %mul3A_129 = arith.constant 64 : i32
      %mul3A_130 = arith.muli %add3A_99, %mul3A_129 : i32
      %add3A_131 = arith.addi %mul3A_8, %mul3A_130 : i32
      %dma_wait3A_132 = tpu.memref_slice %arg4[%add3A_131] : memref<135168xi32, #tpu.memory_space<hbm>> -> memref<64xi32, #tpu.memory_space<hbm>>
      %dma_wait3A_133 = tpu.memref_slice %arg4[%add3A_131] : memref<135168xi32, #tpu.memory_space<hbm>> -> memref<64xi32, #tpu.memory_space<hbm>>
      tpu.wait_dma2 semaphore(%arg30 : memref<!tpu.dma_semaphore, #tpu.memory_space<semaphore_mem>>) src(%dma_wait3A_133 : memref<64xi32, #tpu.memory_space<hbm>>) dst(%arg11 : memref<64xi32, #tpu.memory_space<vmem>>)
      %ge3A_134 = arith.constant 1 : i32
      %ge3A_135 = arith.cmpi sge, %add3A_99, %ge3A_134 : i32
      %convert_element_type3A_136 = arith.extui %ge3A_135 : i1 to i32
      %cond3A_137 = arith.constant 0 : i32
      %cond3A_138 = arith.cmpi ne, %convert_element_type3A_136, %cond3A_137 : i32
      scf.if %cond3A_138 {
        %dma_wait3A_318 = arith.constant 0 : i32
        %dma_wait3A_319 = arith.constant 0 : i32
        %dma_wait3A_320 = tpu.memref_slice %arg18[%dma_wait3A_318, %dma_wait3A_319] : memref<10240x128xf32, #tpu.memory_space<vmem_shared>> -> memref<10240x128xf32, #tpu.memory_space<vmem_shared>>
        tpu.wait_indirect_dma semaphore(%arg24 : memref<!tpu.dma_semaphore, #tpu.memory_space<semaphore_mem>>) src(%arg15 : memref<64x128xf32, #tpu.memory_space<vmem>>) dst(%dma_wait3A_320 : memref<10240x128xf32, #tpu.memory_space<vmem_shared>>)
      } else {
      }
      %dma_start3A_139 = arith.constant 0 : i32
      %dma_start3A_140 = arith.constant 0 : i32
      %dma_start3A_141 = tpu.memref_slice %arg18[%dma_start3A_139, %dma_start3A_140] : memref<10240x128xf32, #tpu.memory_space<vmem_shared>> -> memref<10240x128xf32, #tpu.memory_space<vmem_shared>>
      tpu.enqueue_indirect_dma source(%arg16 : memref<64x128xf32, #tpu.memory_space<vmem>>) target(%dma_start3A_141 : memref<10240x128xf32, #tpu.memory_space<vmem_shared>>) offsets(%arg11 : memref<64xi32, #tpu.memory_space<vmem>>) semaphore(%arg25 : memref<!tpu.dma_semaphore, #tpu.memory_space<semaphore_mem>>) {add = true}
      %add3A_142 = arith.constant 2 : i32
      %add3A_143 = arith.addi %add3A_54, %add3A_142 : i32
      %dma_wait3A_144 = arith.constant 0 : i32
      %dma_wait3A_145 = arith.constant 0 : i32
      %dma_wait3A_146 = tpu.memref_slice %arg2[%dma_wait3A_144, %dma_wait3A_145] : memref<10000x128xf32, #tpu.memory_space<hbm>> -> memref<10000x128xf32, #tpu.memory_space<hbm>>
      tpu.wait_indirect_dma semaphore(%arg19 : memref<!tpu.dma_semaphore, #tpu.memory_space<semaphore_mem>>) src(%dma_wait3A_146 : memref<10000x128xf32, #tpu.memory_space<hbm>>) dst(%arg13 : memref<64x128xf32, #tpu.memory_space<vmem>>)
      %mul3A_147 = arith.constant 64 : i32
      %mul3A_148 = arith.muli %add3A_143, %mul3A_147 : i32
      %add3A_149 = arith.addi %mul3A_8, %mul3A_148 : i32
      %dma_wait3A_150 = arith.constant 0 : i32
      %dma_wait3A_151 = tpu.memref_slice %arg5[%add3A_149, %dma_wait3A_150] : memref<135168x128xf32, #tpu.memory_space<hbm>> -> memref<64x128xf32, #tpu.memory_space<hbm>>
      %dma_wait3A_152 = arith.constant 0 : i32
      %dma_wait3A_153 = tpu.memref_slice %arg5[%add3A_149, %dma_wait3A_152] : memref<135168x128xf32, #tpu.memory_space<hbm>> -> memref<64x128xf32, #tpu.memory_space<hbm>>
      tpu.wait_dma2 semaphore(%arg23 : memref<!tpu.dma_semaphore, #tpu.memory_space<semaphore_mem>>) src(%dma_wait3A_153 : memref<64x128xf32, #tpu.memory_space<hbm>>) dst(%arg17 : memref<64x128xf32, #tpu.memory_space<vmem>>)
      %add3A_154 = arith.constant 1 : i32
      %add3A_155 = arith.addi %add3A_143, %add3A_154 : i32
      %lt3A_156 = arith.constant 66 : i32
      %lt3A_157 = arith.cmpi slt, %add3A_155, %lt3A_156 : i32
      %convert_element_type3A_158 = arith.extui %lt3A_157 : i1 to i32
      %cond3A_159 = arith.constant 0 : i32
      %cond3A_160 = arith.cmpi ne, %convert_element_type3A_158, %cond3A_159 : i32
      scf.if %cond3A_160 {
        %add3A_318 = arith.constant 1 : i32
        %add3A_319 = arith.addi %add3A_143, %add3A_318 : i32
        %mul3A_320 = arith.constant 64 : i32
        %mul3A_321 = arith.muli %add3A_319, %mul3A_320 : i32
        %add3A_322 = arith.addi %mul3A_8, %mul3A_321 : i32
        %dma_wait3A_323 = tpu.memref_slice %arg3[%add3A_322] : memref<135168xi32, #tpu.memory_space<hbm>> -> memref<64xi32, #tpu.memory_space<hbm>>
        %dma_wait3A_324 = tpu.memref_slice %arg3[%add3A_322] : memref<135168xi32, #tpu.memory_space<hbm>> -> memref<64xi32, #tpu.memory_space<hbm>>
        tpu.wait_dma2 semaphore(%arg28 : memref<!tpu.dma_semaphore, #tpu.memory_space<semaphore_mem>>) src(%dma_wait3A_324 : memref<64xi32, #tpu.memory_space<hbm>>) dst(%arg9 : memref<64xi32, #tpu.memory_space<vmem>>)
        %dma_start3A_325 = arith.constant 0 : i32
        %dma_start3A_326 = arith.constant 0 : i32
        %dma_start3A_327 = tpu.memref_slice %arg2[%dma_start3A_325, %dma_start3A_326] : memref<10000x128xf32, #tpu.memory_space<hbm>> -> memref<10000x128xf32, #tpu.memory_space<hbm>>
        tpu.enqueue_indirect_dma source(%dma_start3A_327 : memref<10000x128xf32, #tpu.memory_space<hbm>>) target(%arg14 : memref<64x128xf32, #tpu.memory_space<vmem>>) offsets(%arg9 : memref<64xi32, #tpu.memory_space<vmem>>) semaphore(%arg20 : memref<!tpu.dma_semaphore, #tpu.memory_space<semaphore_mem>>)
        %add3A_328 = arith.constant 1 : i32
        %add3A_329 = arith.addi %add3A_143, %add3A_328 : i32
        %mul3A_330 = arith.constant 64 : i32
        %mul3A_331 = arith.muli %add3A_329, %mul3A_330 : i32
        %add3A_332 = arith.addi %mul3A_8, %mul3A_331 : i32
        %dma_start3A_333 = arith.constant 0 : i32
        %dma_start3A_334 = tpu.memref_slice %arg5[%add3A_332, %dma_start3A_333] : memref<135168x128xf32, #tpu.memory_space<hbm>> -> memref<64x128xf32, #tpu.memory_space<hbm>>
        %dma_start3A_335 = arith.constant 0 : i32
        %dma_start3A_336 = tpu.memref_slice %arg5[%add3A_332, %dma_start3A_335] : memref<135168x128xf32, #tpu.memory_space<hbm>> -> memref<64x128xf32, #tpu.memory_space<hbm>>
        tpu.enqueue_dma source(%dma_start3A_336 : memref<64x128xf32, #tpu.memory_space<hbm>>) target(%arg15 : memref<64x128xf32, #tpu.memory_space<vmem>>) target_semaphore(%arg21 : memref<!tpu.dma_semaphore, #tpu.memory_space<semaphore_mem>>)
        %ge3A_337 = arith.constant 1 : i32
        %ge3A_338 = arith.cmpi sge, %add3A_143, %ge3A_337 : i32
        %convert_element_type3A_339 = arith.extui %ge3A_338 : i1 to i32
        %cond3A_340 = arith.constant 0 : i32
        %cond3A_341 = arith.cmpi ne, %convert_element_type3A_339, %cond3A_340 : i32
        scf.if %cond3A_341 {
          %add3A_342 = arith.constant 1 : i32
          %add3A_343 = arith.addi %add3A_143, %add3A_342 : i32
          %mul3A_344 = arith.constant 64 : i32
          %mul3A_345 = arith.muli %add3A_343, %mul3A_344 : i32
          %add3A_346 = arith.addi %mul3A_8, %mul3A_345 : i32
          %dma_start3A_347 = tpu.memref_slice %arg4[%add3A_346] : memref<135168xi32, #tpu.memory_space<hbm>> -> memref<64xi32, #tpu.memory_space<hbm>>
          %dma_start3A_348 = tpu.memref_slice %arg4[%add3A_346] : memref<135168xi32, #tpu.memory_space<hbm>> -> memref<64xi32, #tpu.memory_space<hbm>>
          tpu.enqueue_dma source(%dma_start3A_348 : memref<64xi32, #tpu.memory_space<hbm>>) target(%arg10 : memref<64xi32, #tpu.memory_space<vmem>>) target_semaphore(%arg29 : memref<!tpu.dma_semaphore, #tpu.memory_space<semaphore_mem>>)
        } else {
        }
      } else {
      }
      %add3A_161 = arith.constant 2 : i32
      %add3A_162 = arith.addi %add3A_143, %add3A_161 : i32
      %lt3A_163 = arith.constant 66 : i32
      %lt3A_164 = arith.cmpi slt, %add3A_162, %lt3A_163 : i32
      %convert_element_type3A_165 = arith.extui %lt3A_164 : i1 to i32
      %cond3A_166 = arith.constant 0 : i32
      %cond3A_167 = arith.cmpi ne, %convert_element_type3A_165, %cond3A_166 : i32
      scf.if %cond3A_167 {
        %add3A_318 = arith.constant 2 : i32
        %add3A_319 = arith.addi %add3A_143, %add3A_318 : i32
        %mul3A_320 = arith.constant 64 : i32
        %mul3A_321 = arith.muli %add3A_319, %mul3A_320 : i32
        %add3A_322 = arith.addi %mul3A_8, %mul3A_321 : i32
        %dma_start3A_323 = tpu.memref_slice %arg3[%add3A_322] : memref<135168xi32, #tpu.memory_space<hbm>> -> memref<64xi32, #tpu.memory_space<hbm>>
        %dma_start3A_324 = tpu.memref_slice %arg3[%add3A_322] : memref<135168xi32, #tpu.memory_space<hbm>> -> memref<64xi32, #tpu.memory_space<hbm>>
        tpu.enqueue_dma source(%dma_start3A_324 : memref<64xi32, #tpu.memory_space<hbm>>) target(%arg8 : memref<64xi32, #tpu.memory_space<vmem>>) target_semaphore(%arg27 : memref<!tpu.dma_semaphore, #tpu.memory_space<semaphore_mem>>)
      } else {
      }
      %scan3A_168 = arith.constant 0 : i32
      %scan3A_169 = arith.constant 64 : i32
      %scan3A_170 = arith.addi %scan3A_168, %scan3A_169 : i32
      %scan3A_171 = arith.constant 1 : i32
      scf.for %scan3A_318 = %scan3A_168 to %scan3A_170 step %scan3A_171  : i32 {
        %mul3A_319 = arith.constant 1 : i32
        %mul3A_320 = arith.muli %scan3A_318, %mul3A_319 : i32
        %add3A_321 = arith.constant 0 : i32
        %add3A_322 = arith.addi %add3A_321, %mul3A_320 : i32
        %get3A = arith.index_cast %add3A_322 : i32 to index
        %get3A_323 = arith.constant 0 : index
        %get3A_324 = tpu.vector_load %arg17[%get3A, %get3A_323] {strides = array<i32>} : memref<64x128xf32, #tpu.memory_space<vmem>>, vector<1x16xf32>,
        %get3A_325 = vector.shape_cast %get3A_324 : vector<1x16xf32> to vector<16xf32>
        %get3A_326 = arith.index_cast %add3A_322 : i32 to index
        %get3A_327 = arith.constant 0 : index
        %get3A_328 = tpu.vector_load %arg13[%get3A_326, %get3A_327] {strides = array<i32>} : memref<64x128xf32, #tpu.memory_space<vmem>>, vector<1x16xf32>,
        %get3A_329 = vector.shape_cast %get3A_328 : vector<1x16xf32> to vector<16xf32>
        %add3A_330 = arith.addf %get3A_325, %get3A_329 : vector<16xf32>
        %max3A = arith.constant 0.000000e+00 : f32
        %max3A_331 = vector.broadcast %max3A : f32 to vector<16xf32>
        %max3A_332 = arith.maximumf %add3A_330, %max3A_331 : vector<16xf32>
        %swap3A = arith.index_cast %add3A_322 : i32 to index
        %swap3A_333 = arith.constant 0 : index
        %swap3A_334 = tpu.vector_load %arg17[%swap3A, %swap3A_333] {strides = array<i32>} : memref<64x128xf32, #tpu.memory_space<vmem>>, vector<1x16xf32>,
        %swap3A_335 = vector.shape_cast %swap3A_334 : vector<1x16xf32> to vector<16xf32>
        %swap3A_336 = vector.shape_cast %max3A_332 : vector<16xf32> to vector<1x16xf32>
        tpu.vector_store %arg17[%swap3A, %swap3A_333], %swap3A_336 {strides = array<i32>} : memref<64x128xf32, #tpu.memory_space<vmem>>, vector<1x16xf32>,
        %get3A_337 = arith.index_cast %add3A_322 : i32 to index
        %get3A_338 = arith.constant 16 : index
        %get3A_339 = tpu.vector_load %arg17[%get3A_337, %get3A_338] {strides = array<i32>} : memref<64x128xf32, #tpu.memory_space<vmem>>, vector<1x16xf32>,
        %get3A_340 = vector.shape_cast %get3A_339 : vector<1x16xf32> to vector<16xf32>
        %get3A_341 = arith.index_cast %add3A_322 : i32 to index
        %get3A_342 = arith.constant 16 : index
        %get3A_343 = tpu.vector_load %arg13[%get3A_341, %get3A_342] {strides = array<i32>} : memref<64x128xf32, #tpu.memory_space<vmem>>, vector<1x16xf32>,
        %get3A_344 = vector.shape_cast %get3A_343 : vector<1x16xf32> to vector<16xf32>
        %add3A_345 = arith.addf %get3A_340, %get3A_344 : vector<16xf32>
        %max3A_346 = arith.constant 0.000000e+00 : f32
        %max3A_347 = vector.broadcast %max3A_346 : f32 to vector<16xf32>
        %max3A_348 = arith.maximumf %add3A_345, %max3A_347 : vector<16xf32>
        %swap3A_349 = arith.index_cast %add3A_322 : i32 to index
        %swap3A_350 = arith.constant 16 : index
        %swap3A_351 = tpu.vector_load %arg17[%swap3A_349, %swap3A_350] {strides = array<i32>} : memref<64x128xf32, #tpu.memory_space<vmem>>, vector<1x16xf32>,
        %swap3A_352 = vector.shape_cast %swap3A_351 : vector<1x16xf32> to vector<16xf32>
        %swap3A_353 = vector.shape_cast %max3A_348 : vector<16xf32> to vector<1x16xf32>
        tpu.vector_store %arg17[%swap3A_349, %swap3A_350], %swap3A_353 {strides = array<i32>} : memref<64x128xf32, #tpu.memory_space<vmem>>, vector<1x16xf32>,
        %get3A_354 = arith.index_cast %add3A_322 : i32 to index
        %get3A_355 = arith.constant 32 : index
        %get3A_356 = tpu.vector_load %arg17[%get3A_354, %get3A_355] {strides = array<i32>} : memref<64x128xf32, #tpu.memory_space<vmem>>, vector<1x16xf32>,
        %get3A_357 = vector.shape_cast %get3A_356 : vector<1x16xf32> to vector<16xf32>
        %get3A_358 = arith.index_cast %add3A_322 : i32 to index
        %get3A_359 = arith.constant 32 : index
        %get3A_360 = tpu.vector_load %arg13[%get3A_358, %get3A_359] {strides = array<i32>} : memref<64x128xf32, #tpu.memory_space<vmem>>, vector<1x16xf32>,
        %get3A_361 = vector.shape_cast %get3A_360 : vector<1x16xf32> to vector<16xf32>
        %add3A_362 = arith.addf %get3A_357, %get3A_361 : vector<16xf32>
        %max3A_363 = arith.constant 0.000000e+00 : f32
        %max3A_364 = vector.broadcast %max3A_363 : f32 to vector<16xf32>
        %max3A_365 = arith.maximumf %add3A_362, %max3A_364 : vector<16xf32>
        %swap3A_366 = arith.index_cast %add3A_322 : i32 to index
        %swap3A_367 = arith.constant 32 : index
        %swap3A_368 = tpu.vector_load %arg17[%swap3A_366, %swap3A_367] {strides = array<i32>} : memref<64x128xf32, #tpu.memory_space<vmem>>, vector<1x16xf32>,
        %swap3A_369 = vector.shape_cast %swap3A_368 : vector<1x16xf32> to vector<16xf32>
        %swap3A_370 = vector.shape_cast %max3A_365 : vector<16xf32> to vector<1x16xf32>
        tpu.vector_store %arg17[%swap3A_366, %swap3A_367], %swap3A_370 {strides = array<i32>} : memref<64x128xf32, #tpu.memory_space<vmem>>, vector<1x16xf32>,
        %get3A_371 = arith.index_cast %add3A_322 : i32 to index
        %get3A_372 = arith.constant 48 : index
        %get3A_373 = tpu.vector_load %arg17[%get3A_371, %get3A_372] {strides = array<i32>} : memref<64x128xf32, #tpu.memory_space<vmem>>, vector<1x16xf32>,
        %get3A_374 = vector.shape_cast %get3A_373 : vector<1x16xf32> to vector<16xf32>
        %get3A_375 = arith.index_cast %add3A_322 : i32 to index
        %get3A_376 = arith.constant 48 : index
        %get3A_377 = tpu.vector_load %arg13[%get3A_375, %get3A_376] {strides = array<i32>} : memref<64x128xf32, #tpu.memory_space<vmem>>, vector<1x16xf32>,
        %get3A_378 = vector.shape_cast %get3A_377 : vector<1x16xf32> to vector<16xf32>
        %add3A_379 = arith.addf %get3A_374, %get3A_378 : vector<16xf32>
        %max3A_380 = arith.constant 0.000000e+00 : f32
        %max3A_381 = vector.broadcast %max3A_380 : f32 to vector<16xf32>
        %max3A_382 = arith.maximumf %add3A_379, %max3A_381 : vector<16xf32>
        %swap3A_383 = arith.index_cast %add3A_322 : i32 to index
        %swap3A_384 = arith.constant 48 : index
        %swap3A_385 = tpu.vector_load %arg17[%swap3A_383, %swap3A_384] {strides = array<i32>} : memref<64x128xf32, #tpu.memory_space<vmem>>, vector<1x16xf32>,
        %swap3A_386 = vector.shape_cast %swap3A_385 : vector<1x16xf32> to vector<16xf32>
        %swap3A_387 = vector.shape_cast %max3A_382 : vector<16xf32> to vector<1x16xf32>
        tpu.vector_store %arg17[%swap3A_383, %swap3A_384], %swap3A_387 {strides = array<i32>} : memref<64x128xf32, #tpu.memory_space<vmem>>, vector<1x16xf32>,
        %get3A_388 = arith.index_cast %add3A_322 : i32 to index
        %get3A_389 = arith.constant 64 : index
        %get3A_390 = tpu.vector_load %arg17[%get3A_388, %get3A_389] {strides = array<i32>} : memref<64x128xf32, #tpu.memory_space<vmem>>, vector<1x16xf32>,
        %get3A_391 = vector.shape_cast %get3A_390 : vector<1x16xf32> to vector<16xf32>
        %get3A_392 = arith.index_cast %add3A_322 : i32 to index
        %get3A_393 = arith.constant 64 : index
        %get3A_394 = tpu.vector_load %arg13[%get3A_392, %get3A_393] {strides = array<i32>} : memref<64x128xf32, #tpu.memory_space<vmem>>, vector<1x16xf32>,
        %get3A_395 = vector.shape_cast %get3A_394 : vector<1x16xf32> to vector<16xf32>
        %add3A_396 = arith.addf %get3A_391, %get3A_395 : vector<16xf32>
        %max3A_397 = arith.constant 0.000000e+00 : f32
        %max3A_398 = vector.broadcast %max3A_397 : f32 to vector<16xf32>
        %max3A_399 = arith.maximumf %add3A_396, %max3A_398 : vector<16xf32>
        %swap3A_400 = arith.index_cast %add3A_322 : i32 to index
        %swap3A_401 = arith.constant 64 : index
        %swap3A_402 = tpu.vector_load %arg17[%swap3A_400, %swap3A_401] {strides = array<i32>} : memref<64x128xf32, #tpu.memory_space<vmem>>, vector<1x16xf32>,
        %swap3A_403 = vector.shape_cast %swap3A_402 : vector<1x16xf32> to vector<16xf32>
        %swap3A_404 = vector.shape_cast %max3A_399 : vector<16xf32> to vector<1x16xf32>
        tpu.vector_store %arg17[%swap3A_400, %swap3A_401], %swap3A_404 {strides = array<i32>} : memref<64x128xf32, #tpu.memory_space<vmem>>, vector<1x16xf32>,
        %get3A_405 = arith.index_cast %add3A_322 : i32 to index
        %get3A_406 = arith.constant 80 : index
        %get3A_407 = tpu.vector_load %arg17[%get3A_405, %get3A_406] {strides = array<i32>} : memref<64x128xf32, #tpu.memory_space<vmem>>, vector<1x16xf32>,
        %get3A_408 = vector.shape_cast %get3A_407 : vector<1x16xf32> to vector<16xf32>
        %get3A_409 = arith.index_cast %add3A_322 : i32 to index
        %get3A_410 = arith.constant 80 : index
        %get3A_411 = tpu.vector_load %arg13[%get3A_409, %get3A_410] {strides = array<i32>} : memref<64x128xf32, #tpu.memory_space<vmem>>, vector<1x16xf32>,
        %get3A_412 = vector.shape_cast %get3A_411 : vector<1x16xf32> to vector<16xf32>
        %add3A_413 = arith.addf %get3A_408, %get3A_412 : vector<16xf32>
        %max3A_414 = arith.constant 0.000000e+00 : f32
        %max3A_415 = vector.broadcast %max3A_414 : f32 to vector<16xf32>
        %max3A_416 = arith.maximumf %add3A_413, %max3A_415 : vector<16xf32>
        %swap3A_417 = arith.index_cast %add3A_322 : i32 to index
        %swap3A_418 = arith.constant 80 : index
        %swap3A_419 = tpu.vector_load %arg17[%swap3A_417, %swap3A_418] {strides = array<i32>} : memref<64x128xf32, #tpu.memory_space<vmem>>, vector<1x16xf32>,
        %swap3A_420 = vector.shape_cast %swap3A_419 : vector<1x16xf32> to vector<16xf32>
        %swap3A_421 = vector.shape_cast %max3A_416 : vector<16xf32> to vector<1x16xf32>
        tpu.vector_store %arg17[%swap3A_417, %swap3A_418], %swap3A_421 {strides = array<i32>} : memref<64x128xf32, #tpu.memory_space<vmem>>, vector<1x16xf32>,
        %get3A_422 = arith.index_cast %add3A_322 : i32 to index
        %get3A_423 = arith.constant 96 : index
        %get3A_424 = tpu.vector_load %arg17[%get3A_422, %get3A_423] {strides = array<i32>} : memref<64x128xf32, #tpu.memory_space<vmem>>, vector<1x16xf32>,
        %get3A_425 = vector.shape_cast %get3A_424 : vector<1x16xf32> to vector<16xf32>
        %get3A_426 = arith.index_cast %add3A_322 : i32 to index
        %get3A_427 = arith.constant 96 : index
        %get3A_428 = tpu.vector_load %arg13[%get3A_426, %get3A_427] {strides = array<i32>} : memref<64x128xf32, #tpu.memory_space<vmem>>, vector<1x16xf32>,
        %get3A_429 = vector.shape_cast %get3A_428 : vector<1x16xf32> to vector<16xf32>
        %add3A_430 = arith.addf %get3A_425, %get3A_429 : vector<16xf32>
        %max3A_431 = arith.constant 0.000000e+00 : f32
        %max3A_432 = vector.broadcast %max3A_431 : f32 to vector<16xf32>
        %max3A_433 = arith.maximumf %add3A_430, %max3A_432 : vector<16xf32>
        %swap3A_434 = arith.index_cast %add3A_322 : i32 to index
        %swap3A_435 = arith.constant 96 : index
        %swap3A_436 = tpu.vector_load %arg17[%swap3A_434, %swap3A_435] {strides = array<i32>} : memref<64x128xf32, #tpu.memory_space<vmem>>, vector<1x16xf32>,
        %swap3A_437 = vector.shape_cast %swap3A_436 : vector<1x16xf32> to vector<16xf32>
        %swap3A_438 = vector.shape_cast %max3A_433 : vector<16xf32> to vector<1x16xf32>
        tpu.vector_store %arg17[%swap3A_434, %swap3A_435], %swap3A_438 {strides = array<i32>} : memref<64x128xf32, #tpu.memory_space<vmem>>, vector<1x16xf32>,
        %get3A_439 = arith.index_cast %add3A_322 : i32 to index
        %get3A_440 = arith.constant 112 : index
        %get3A_441 = tpu.vector_load %arg17[%get3A_439, %get3A_440] {strides = array<i32>} : memref<64x128xf32, #tpu.memory_space<vmem>>, vector<1x16xf32>,
        %get3A_442 = vector.shape_cast %get3A_441 : vector<1x16xf32> to vector<16xf32>
        %get3A_443 = arith.index_cast %add3A_322 : i32 to index
        %get3A_444 = arith.constant 112 : index
        %get3A_445 = tpu.vector_load %arg13[%get3A_443, %get3A_444] {strides = array<i32>} : memref<64x128xf32, #tpu.memory_space<vmem>>, vector<1x16xf32>,
        %get3A_446 = vector.shape_cast %get3A_445 : vector<1x16xf32> to vector<16xf32>
        %add3A_447 = arith.addf %get3A_442, %get3A_446 : vector<16xf32>
        %max3A_448 = arith.constant 0.000000e+00 : f32
        %max3A_449 = vector.broadcast %max3A_448 : f32 to vector<16xf32>
        %max3A_450 = arith.maximumf %add3A_447, %max3A_449 : vector<16xf32>
        %swap3A_451 = arith.index_cast %add3A_322 : i32 to index
        %swap3A_452 = arith.constant 112 : index
        %swap3A_453 = tpu.vector_load %arg17[%swap3A_451, %swap3A_452] {strides = array<i32>} : memref<64x128xf32, #tpu.memory_space<vmem>>, vector<1x16xf32>,
        %swap3A_454 = vector.shape_cast %swap3A_453 : vector<1x16xf32> to vector<16xf32>
        %swap3A_455 = vector.shape_cast %max3A_450 : vector<16xf32> to vector<1x16xf32>
        tpu.vector_store %arg17[%swap3A_451, %swap3A_452], %swap3A_455 {strides = array<i32>} : memref<64x128xf32, #tpu.memory_space<vmem>>, vector<1x16xf32>,
      }
      %scan3A_172 = arith.constant 64 : i32
      %mul3A_173 = arith.constant 64 : i32
      %mul3A_174 = arith.muli %add3A_143, %mul3A_173 : i32
      %add3A_175 = arith.addi %mul3A_8, %mul3A_174 : i32
      %dma_wait3A_176 = tpu.memref_slice %arg4[%add3A_175] : memref<135168xi32, #tpu.memory_space<hbm>> -> memref<64xi32, #tpu.memory_space<hbm>>
      %dma_wait3A_177 = tpu.memref_slice %arg4[%add3A_175] : memref<135168xi32, #tpu.memory_space<hbm>> -> memref<64xi32, #tpu.memory_space<hbm>>
      tpu.wait_dma2 semaphore(%arg31 : memref<!tpu.dma_semaphore, #tpu.memory_space<semaphore_mem>>) src(%dma_wait3A_177 : memref<64xi32, #tpu.memory_space<hbm>>) dst(%arg12 : memref<64xi32, #tpu.memory_space<vmem>>)
      %ge3A_178 = arith.constant 1 : i32
      %ge3A_179 = arith.cmpi sge, %add3A_143, %ge3A_178 : i32
      %convert_element_type3A_180 = arith.extui %ge3A_179 : i1 to i32
      %cond3A_181 = arith.constant 0 : i32
      %cond3A_182 = arith.cmpi ne, %convert_element_type3A_180, %cond3A_181 : i32
      scf.if %cond3A_182 {
        %dma_wait3A_318 = arith.constant 0 : i32
        %dma_wait3A_319 = arith.constant 0 : i32
        %dma_wait3A_320 = tpu.memref_slice %arg18[%dma_wait3A_318, %dma_wait3A_319] : memref<10240x128xf32, #tpu.memory_space<vmem_shared>> -> memref<10240x128xf32, #tpu.memory_space<vmem_shared>>
        tpu.wait_indirect_dma semaphore(%arg25 : memref<!tpu.dma_semaphore, #tpu.memory_space<semaphore_mem>>) src(%arg16 : memref<64x128xf32, #tpu.memory_space<vmem>>) dst(%dma_wait3A_320 : memref<10240x128xf32, #tpu.memory_space<vmem_shared>>)
      } else {
      }
      %dma_start3A_183 = arith.constant 0 : i32
      %dma_start3A_184 = arith.constant 0 : i32
      %dma_start3A_185 = tpu.memref_slice %arg18[%dma_start3A_183, %dma_start3A_184] : memref<10240x128xf32, #tpu.memory_space<vmem_shared>> -> memref<10240x128xf32, #tpu.memory_space<vmem_shared>>
      tpu.enqueue_indirect_dma source(%arg17 : memref<64x128xf32, #tpu.memory_space<vmem>>) target(%dma_start3A_185 : memref<10240x128xf32, #tpu.memory_space<vmem_shared>>) offsets(%arg12 : memref<64xi32, #tpu.memory_space<vmem>>) semaphore(%arg26 : memref<!tpu.dma_semaphore, #tpu.memory_space<semaphore_mem>>) {add = true}
      %add3A_186 = arith.constant 3 : i32
      %add3A_187 = arith.addi %add3A_54, %add3A_186 : i32
      %dma_wait3A_188 = arith.constant 0 : i32
      %dma_wait3A_189 = arith.constant 0 : i32
      %dma_wait3A_190 = tpu.memref_slice %arg2[%dma_wait3A_188, %dma_wait3A_189] : memref<10000x128xf32, #tpu.memory_space<hbm>> -> memref<10000x128xf32, #tpu.memory_space<hbm>>
      tpu.wait_indirect_dma semaphore(%arg20 : memref<!tpu.dma_semaphore, #tpu.memory_space<semaphore_mem>>) src(%dma_wait3A_190 : memref<10000x128xf32, #tpu.memory_space<hbm>>) dst(%arg14 : memref<64x128xf32, #tpu.memory_space<vmem>>)
      %mul3A_191 = arith.constant 64 : i32
      %mul3A_192 = arith.muli %add3A_187, %mul3A_191 : i32
      %add3A_193 = arith.addi %mul3A_8, %mul3A_192 : i32
      %dma_wait3A_194 = arith.constant 0 : i32
      %dma_wait3A_195 = tpu.memref_slice %arg5[%add3A_193, %dma_wait3A_194] : memref<135168x128xf32, #tpu.memory_space<hbm>> -> memref<64x128xf32, #tpu.memory_space<hbm>>
      %dma_wait3A_196 = arith.constant 0 : i32
      %dma_wait3A_197 = tpu.memref_slice %arg5[%add3A_193, %dma_wait3A_196] : memref<135168x128xf32, #tpu.memory_space<hbm>> -> memref<64x128xf32, #tpu.memory_space<hbm>>
      tpu.wait_dma2 semaphore(%arg21 : memref<!tpu.dma_semaphore, #tpu.memory_space<semaphore_mem>>) src(%dma_wait3A_197 : memref<64x128xf32, #tpu.memory_space<hbm>>) dst(%arg15 : memref<64x128xf32, #tpu.memory_space<vmem>>)
      %add3A_198 = arith.constant 1 : i32
      %add3A_199 = arith.addi %add3A_187, %add3A_198 : i32
      %lt3A_200 = arith.constant 66 : i32
      %lt3A_201 = arith.cmpi slt, %add3A_199, %lt3A_200 : i32
      %convert_element_type3A_202 = arith.extui %lt3A_201 : i1 to i32
      %cond3A_203 = arith.constant 0 : i32
      %cond3A_204 = arith.cmpi ne, %convert_element_type3A_202, %cond3A_203 : i32
      scf.if %cond3A_204 {
        %add3A_318 = arith.constant 1 : i32
        %add3A_319 = arith.addi %add3A_187, %add3A_318 : i32
        %mul3A_320 = arith.constant 64 : i32
        %mul3A_321 = arith.muli %add3A_319, %mul3A_320 : i32
        %add3A_322 = arith.addi %mul3A_8, %mul3A_321 : i32
        %dma_wait3A_323 = tpu.memref_slice %arg3[%add3A_322] : memref<135168xi32, #tpu.memory_space<hbm>> -> memref<64xi32, #tpu.memory_space<hbm>>
        %dma_wait3A_324 = tpu.memref_slice %arg3[%add3A_322] : memref<135168xi32, #tpu.memory_space<hbm>> -> memref<64xi32, #tpu.memory_space<hbm>>
        tpu.wait_dma2 semaphore(%arg27 : memref<!tpu.dma_semaphore, #tpu.memory_space<semaphore_mem>>) src(%dma_wait3A_324 : memref<64xi32, #tpu.memory_space<hbm>>) dst(%arg8 : memref<64xi32, #tpu.memory_space<vmem>>)
        %dma_start3A_325 = arith.constant 0 : i32
        %dma_start3A_326 = arith.constant 0 : i32
        %dma_start3A_327 = tpu.memref_slice %arg2[%dma_start3A_325, %dma_start3A_326] : memref<10000x128xf32, #tpu.memory_space<hbm>> -> memref<10000x128xf32, #tpu.memory_space<hbm>>
        tpu.enqueue_indirect_dma source(%dma_start3A_327 : memref<10000x128xf32, #tpu.memory_space<hbm>>) target(%arg13 : memref<64x128xf32, #tpu.memory_space<vmem>>) offsets(%arg8 : memref<64xi32, #tpu.memory_space<vmem>>) semaphore(%arg19 : memref<!tpu.dma_semaphore, #tpu.memory_space<semaphore_mem>>)
        %add3A_328 = arith.constant 1 : i32
        %add3A_329 = arith.addi %add3A_187, %add3A_328 : i32
        %mul3A_330 = arith.constant 64 : i32
        %mul3A_331 = arith.muli %add3A_329, %mul3A_330 : i32
        %add3A_332 = arith.addi %mul3A_8, %mul3A_331 : i32
        %dma_start3A_333 = arith.constant 0 : i32
        %dma_start3A_334 = tpu.memref_slice %arg5[%add3A_332, %dma_start3A_333] : memref<135168x128xf32, #tpu.memory_space<hbm>> -> memref<64x128xf32, #tpu.memory_space<hbm>>
        %dma_start3A_335 = arith.constant 0 : i32
        %dma_start3A_336 = tpu.memref_slice %arg5[%add3A_332, %dma_start3A_335] : memref<135168x128xf32, #tpu.memory_space<hbm>> -> memref<64x128xf32, #tpu.memory_space<hbm>>
        tpu.enqueue_dma source(%dma_start3A_336 : memref<64x128xf32, #tpu.memory_space<hbm>>) target(%arg16 : memref<64x128xf32, #tpu.memory_space<vmem>>) target_semaphore(%arg22 : memref<!tpu.dma_semaphore, #tpu.memory_space<semaphore_mem>>)
        %ge3A_337 = arith.constant 1 : i32
        %ge3A_338 = arith.cmpi sge, %add3A_187, %ge3A_337 : i32
        %convert_element_type3A_339 = arith.extui %ge3A_338 : i1 to i32
        %cond3A_340 = arith.constant 0 : i32
        %cond3A_341 = arith.cmpi ne, %convert_element_type3A_339, %cond3A_340 : i32
        scf.if %cond3A_341 {
          %add3A_342 = arith.constant 1 : i32
          %add3A_343 = arith.addi %add3A_187, %add3A_342 : i32
          %mul3A_344 = arith.constant 64 : i32
          %mul3A_345 = arith.muli %add3A_343, %mul3A_344 : i32
          %add3A_346 = arith.addi %mul3A_8, %mul3A_345 : i32
          %dma_start3A_347 = tpu.memref_slice %arg4[%add3A_346] : memref<135168xi32, #tpu.memory_space<hbm>> -> memref<64xi32, #tpu.memory_space<hbm>>
          %dma_start3A_348 = tpu.memref_slice %arg4[%add3A_346] : memref<135168xi32, #tpu.memory_space<hbm>> -> memref<64xi32, #tpu.memory_space<hbm>>
          tpu.enqueue_dma source(%dma_start3A_348 : memref<64xi32, #tpu.memory_space<hbm>>) target(%arg11 : memref<64xi32, #tpu.memory_space<vmem>>) target_semaphore(%arg30 : memref<!tpu.dma_semaphore, #tpu.memory_space<semaphore_mem>>)
        } else {
        }
      } else {
      }
      %add3A_205 = arith.constant 2 : i32
      %add3A_206 = arith.addi %add3A_187, %add3A_205 : i32
      %lt3A_207 = arith.constant 66 : i32
      %lt3A_208 = arith.cmpi slt, %add3A_206, %lt3A_207 : i32
      %convert_element_type3A_209 = arith.extui %lt3A_208 : i1 to i32
      %cond3A_210 = arith.constant 0 : i32
      %cond3A_211 = arith.cmpi ne, %convert_element_type3A_209, %cond3A_210 : i32
      scf.if %cond3A_211 {
        %add3A_318 = arith.constant 2 : i32
        %add3A_319 = arith.addi %add3A_187, %add3A_318 : i32
        %mul3A_320 = arith.constant 64 : i32
        %mul3A_321 = arith.muli %add3A_319, %mul3A_320 : i32
        %add3A_322 = arith.addi %mul3A_8, %mul3A_321 : i32
        %dma_start3A_323 = tpu.memref_slice %arg3[%add3A_322] : memref<135168xi32, #tpu.memory_space<hbm>> -> memref<64xi32, #tpu.memory_space<hbm>>
        %dma_start3A_324 = tpu.memref_slice %arg3[%add3A_322] : memref<135168xi32, #tpu.memory_space<hbm>> -> memref<64xi32, #tpu.memory_space<hbm>>
        tpu.enqueue_dma source(%dma_start3A_324 : memref<64xi32, #tpu.memory_space<hbm>>) target(%arg9 : memref<64xi32, #tpu.memory_space<vmem>>) target_semaphore(%arg28 : memref<!tpu.dma_semaphore, #tpu.memory_space<semaphore_mem>>)
      } else {
      }
      %scan3A_212 = arith.constant 0 : i32
      %scan3A_213 = arith.constant 64 : i32
      %scan3A_214 = arith.addi %scan3A_212, %scan3A_213 : i32
      %scan3A_215 = arith.constant 1 : i32
      scf.for %scan3A_318 = %scan3A_212 to %scan3A_214 step %scan3A_215  : i32 {
        %mul3A_319 = arith.constant 1 : i32
        %mul3A_320 = arith.muli %scan3A_318, %mul3A_319 : i32
        %add3A_321 = arith.constant 0 : i32
        %add3A_322 = arith.addi %add3A_321, %mul3A_320 : i32
        %get3A = arith.index_cast %add3A_322 : i32 to index
        %get3A_323 = arith.constant 0 : index
        %get3A_324 = tpu.vector_load %arg15[%get3A, %get3A_323] {strides = array<i32>} : memref<64x128xf32, #tpu.memory_space<vmem>>, vector<1x16xf32>,
        %get3A_325 = vector.shape_cast %get3A_324 : vector<1x16xf32> to vector<16xf32>
        %get3A_326 = arith.index_cast %add3A_322 : i32 to index
        %get3A_327 = arith.constant 0 : index
        %get3A_328 = tpu.vector_load %arg14[%get3A_326, %get3A_327] {strides = array<i32>} : memref<64x128xf32, #tpu.memory_space<vmem>>, vector<1x16xf32>,
        %get3A_329 = vector.shape_cast %get3A_328 : vector<1x16xf32> to vector<16xf32>
        %add3A_330 = arith.addf %get3A_325, %get3A_329 : vector<16xf32>
        %max3A = arith.constant 0.000000e+00 : f32
        %max3A_331 = vector.broadcast %max3A : f32 to vector<16xf32>
        %max3A_332 = arith.maximumf %add3A_330, %max3A_331 : vector<16xf32>
        %swap3A = arith.index_cast %add3A_322 : i32 to index
        %swap3A_333 = arith.constant 0 : index
        %swap3A_334 = tpu.vector_load %arg15[%swap3A, %swap3A_333] {strides = array<i32>} : memref<64x128xf32, #tpu.memory_space<vmem>>, vector<1x16xf32>,
        %swap3A_335 = vector.shape_cast %swap3A_334 : vector<1x16xf32> to vector<16xf32>
        %swap3A_336 = vector.shape_cast %max3A_332 : vector<16xf32> to vector<1x16xf32>
        tpu.vector_store %arg15[%swap3A, %swap3A_333], %swap3A_336 {strides = array<i32>} : memref<64x128xf32, #tpu.memory_space<vmem>>, vector<1x16xf32>,
        %get3A_337 = arith.index_cast %add3A_322 : i32 to index
        %get3A_338 = arith.constant 16 : index
        %get3A_339 = tpu.vector_load %arg15[%get3A_337, %get3A_338] {strides = array<i32>} : memref<64x128xf32, #tpu.memory_space<vmem>>, vector<1x16xf32>,
        %get3A_340 = vector.shape_cast %get3A_339 : vector<1x16xf32> to vector<16xf32>
        %get3A_341 = arith.index_cast %add3A_322 : i32 to index
        %get3A_342 = arith.constant 16 : index
        %get3A_343 = tpu.vector_load %arg14[%get3A_341, %get3A_342] {strides = array<i32>} : memref<64x128xf32, #tpu.memory_space<vmem>>, vector<1x16xf32>,
        %get3A_344 = vector.shape_cast %get3A_343 : vector<1x16xf32> to vector<16xf32>
        %add3A_345 = arith.addf %get3A_340, %get3A_344 : vector<16xf32>
        %max3A_346 = arith.constant 0.000000e+00 : f32
        %max3A_347 = vector.broadcast %max3A_346 : f32 to vector<16xf32>
        %max3A_348 = arith.maximumf %add3A_345, %max3A_347 : vector<16xf32>
        %swap3A_349 = arith.index_cast %add3A_322 : i32 to index
        %swap3A_350 = arith.constant 16 : index
        %swap3A_351 = tpu.vector_load %arg15[%swap3A_349, %swap3A_350] {strides = array<i32>} : memref<64x128xf32, #tpu.memory_space<vmem>>, vector<1x16xf32>,
        %swap3A_352 = vector.shape_cast %swap3A_351 : vector<1x16xf32> to vector<16xf32>
        %swap3A_353 = vector.shape_cast %max3A_348 : vector<16xf32> to vector<1x16xf32>
        tpu.vector_store %arg15[%swap3A_349, %swap3A_350], %swap3A_353 {strides = array<i32>} : memref<64x128xf32, #tpu.memory_space<vmem>>, vector<1x16xf32>,
        %get3A_354 = arith.index_cast %add3A_322 : i32 to index
        %get3A_355 = arith.constant 32 : index
        %get3A_356 = tpu.vector_load %arg15[%get3A_354, %get3A_355] {strides = array<i32>} : memref<64x128xf32, #tpu.memory_space<vmem>>, vector<1x16xf32>,
        %get3A_357 = vector.shape_cast %get3A_356 : vector<1x16xf32> to vector<16xf32>
        %get3A_358 = arith.index_cast %add3A_322 : i32 to index
        %get3A_359 = arith.constant 32 : index
        %get3A_360 = tpu.vector_load %arg14[%get3A_358, %get3A_359] {strides = array<i32>} : memref<64x128xf32, #tpu.memory_space<vmem>>, vector<1x16xf32>,
        %get3A_361 = vector.shape_cast %get3A_360 : vector<1x16xf32> to vector<16xf32>
        %add3A_362 = arith.addf %get3A_357, %get3A_361 : vector<16xf32>
        %max3A_363 = arith.constant 0.000000e+00 : f32
        %max3A_364 = vector.broadcast %max3A_363 : f32 to vector<16xf32>
        %max3A_365 = arith.maximumf %add3A_362, %max3A_364 : vector<16xf32>
        %swap3A_366 = arith.index_cast %add3A_322 : i32 to index
        %swap3A_367 = arith.constant 32 : index
        %swap3A_368 = tpu.vector_load %arg15[%swap3A_366, %swap3A_367] {strides = array<i32>} : memref<64x128xf32, #tpu.memory_space<vmem>>, vector<1x16xf32>,
        %swap3A_369 = vector.shape_cast %swap3A_368 : vector<1x16xf32> to vector<16xf32>
        %swap3A_370 = vector.shape_cast %max3A_365 : vector<16xf32> to vector<1x16xf32>
        tpu.vector_store %arg15[%swap3A_366, %swap3A_367], %swap3A_370 {strides = array<i32>} : memref<64x128xf32, #tpu.memory_space<vmem>>, vector<1x16xf32>,
        %get3A_371 = arith.index_cast %add3A_322 : i32 to index
        %get3A_372 = arith.constant 48 : index
        %get3A_373 = tpu.vector_load %arg15[%get3A_371, %get3A_372] {strides = array<i32>} : memref<64x128xf32, #tpu.memory_space<vmem>>, vector<1x16xf32>,
        %get3A_374 = vector.shape_cast %get3A_373 : vector<1x16xf32> to vector<16xf32>
        %get3A_375 = arith.index_cast %add3A_322 : i32 to index
        %get3A_376 = arith.constant 48 : index
        %get3A_377 = tpu.vector_load %arg14[%get3A_375, %get3A_376] {strides = array<i32>} : memref<64x128xf32, #tpu.memory_space<vmem>>, vector<1x16xf32>,
        %get3A_378 = vector.shape_cast %get3A_377 : vector<1x16xf32> to vector<16xf32>
        %add3A_379 = arith.addf %get3A_374, %get3A_378 : vector<16xf32>
        %max3A_380 = arith.constant 0.000000e+00 : f32
        %max3A_381 = vector.broadcast %max3A_380 : f32 to vector<16xf32>
        %max3A_382 = arith.maximumf %add3A_379, %max3A_381 : vector<16xf32>
        %swap3A_383 = arith.index_cast %add3A_322 : i32 to index
        %swap3A_384 = arith.constant 48 : index
        %swap3A_385 = tpu.vector_load %arg15[%swap3A_383, %swap3A_384] {strides = array<i32>} : memref<64x128xf32, #tpu.memory_space<vmem>>, vector<1x16xf32>,
        %swap3A_386 = vector.shape_cast %swap3A_385 : vector<1x16xf32> to vector<16xf32>
        %swap3A_387 = vector.shape_cast %max3A_382 : vector<16xf32> to vector<1x16xf32>
        tpu.vector_store %arg15[%swap3A_383, %swap3A_384], %swap3A_387 {strides = array<i32>} : memref<64x128xf32, #tpu.memory_space<vmem>>, vector<1x16xf32>,
        %get3A_388 = arith.index_cast %add3A_322 : i32 to index
        %get3A_389 = arith.constant 64 : index
        %get3A_390 = tpu.vector_load %arg15[%get3A_388, %get3A_389] {strides = array<i32>} : memref<64x128xf32, #tpu.memory_space<vmem>>, vector<1x16xf32>,
        %get3A_391 = vector.shape_cast %get3A_390 : vector<1x16xf32> to vector<16xf32>
        %get3A_392 = arith.index_cast %add3A_322 : i32 to index
        %get3A_393 = arith.constant 64 : index
        %get3A_394 = tpu.vector_load %arg14[%get3A_392, %get3A_393] {strides = array<i32>} : memref<64x128xf32, #tpu.memory_space<vmem>>, vector<1x16xf32>,
        %get3A_395 = vector.shape_cast %get3A_394 : vector<1x16xf32> to vector<16xf32>
        %add3A_396 = arith.addf %get3A_391, %get3A_395 : vector<16xf32>
        %max3A_397 = arith.constant 0.000000e+00 : f32
        %max3A_398 = vector.broadcast %max3A_397 : f32 to vector<16xf32>
        %max3A_399 = arith.maximumf %add3A_396, %max3A_398 : vector<16xf32>
        %swap3A_400 = arith.index_cast %add3A_322 : i32 to index
        %swap3A_401 = arith.constant 64 : index
        %swap3A_402 = tpu.vector_load %arg15[%swap3A_400, %swap3A_401] {strides = array<i32>} : memref<64x128xf32, #tpu.memory_space<vmem>>, vector<1x16xf32>,
        %swap3A_403 = vector.shape_cast %swap3A_402 : vector<1x16xf32> to vector<16xf32>
        %swap3A_404 = vector.shape_cast %max3A_399 : vector<16xf32> to vector<1x16xf32>
        tpu.vector_store %arg15[%swap3A_400, %swap3A_401], %swap3A_404 {strides = array<i32>} : memref<64x128xf32, #tpu.memory_space<vmem>>, vector<1x16xf32>,
        %get3A_405 = arith.index_cast %add3A_322 : i32 to index
        %get3A_406 = arith.constant 80 : index
        %get3A_407 = tpu.vector_load %arg15[%get3A_405, %get3A_406] {strides = array<i32>} : memref<64x128xf32, #tpu.memory_space<vmem>>, vector<1x16xf32>,
        %get3A_408 = vector.shape_cast %get3A_407 : vector<1x16xf32> to vector<16xf32>
        %get3A_409 = arith.index_cast %add3A_322 : i32 to index
        %get3A_410 = arith.constant 80 : index
        %get3A_411 = tpu.vector_load %arg14[%get3A_409, %get3A_410] {strides = array<i32>} : memref<64x128xf32, #tpu.memory_space<vmem>>, vector<1x16xf32>,
        %get3A_412 = vector.shape_cast %get3A_411 : vector<1x16xf32> to vector<16xf32>
        %add3A_413 = arith.addf %get3A_408, %get3A_412 : vector<16xf32>
        %max3A_414 = arith.constant 0.000000e+00 : f32
        %max3A_415 = vector.broadcast %max3A_414 : f32 to vector<16xf32>
        %max3A_416 = arith.maximumf %add3A_413, %max3A_415 : vector<16xf32>
        %swap3A_417 = arith.index_cast %add3A_322 : i32 to index
        %swap3A_418 = arith.constant 80 : index
        %swap3A_419 = tpu.vector_load %arg15[%swap3A_417, %swap3A_418] {strides = array<i32>} : memref<64x128xf32, #tpu.memory_space<vmem>>, vector<1x16xf32>,
        %swap3A_420 = vector.shape_cast %swap3A_419 : vector<1x16xf32> to vector<16xf32>
        %swap3A_421 = vector.shape_cast %max3A_416 : vector<16xf32> to vector<1x16xf32>
        tpu.vector_store %arg15[%swap3A_417, %swap3A_418], %swap3A_421 {strides = array<i32>} : memref<64x128xf32, #tpu.memory_space<vmem>>, vector<1x16xf32>,
        %get3A_422 = arith.index_cast %add3A_322 : i32 to index
        %get3A_423 = arith.constant 96 : index
        %get3A_424 = tpu.vector_load %arg15[%get3A_422, %get3A_423] {strides = array<i32>} : memref<64x128xf32, #tpu.memory_space<vmem>>, vector<1x16xf32>,
        %get3A_425 = vector.shape_cast %get3A_424 : vector<1x16xf32> to vector<16xf32>
        %get3A_426 = arith.index_cast %add3A_322 : i32 to index
        %get3A_427 = arith.constant 96 : index
        %get3A_428 = tpu.vector_load %arg14[%get3A_426, %get3A_427] {strides = array<i32>} : memref<64x128xf32, #tpu.memory_space<vmem>>, vector<1x16xf32>,
        %get3A_429 = vector.shape_cast %get3A_428 : vector<1x16xf32> to vector<16xf32>
        %add3A_430 = arith.addf %get3A_425, %get3A_429 : vector<16xf32>
        %max3A_431 = arith.constant 0.000000e+00 : f32
        %max3A_432 = vector.broadcast %max3A_431 : f32 to vector<16xf32>
        %max3A_433 = arith.maximumf %add3A_430, %max3A_432 : vector<16xf32>
        %swap3A_434 = arith.index_cast %add3A_322 : i32 to index
        %swap3A_435 = arith.constant 96 : index
        %swap3A_436 = tpu.vector_load %arg15[%swap3A_434, %swap3A_435] {strides = array<i32>} : memref<64x128xf32, #tpu.memory_space<vmem>>, vector<1x16xf32>,
        %swap3A_437 = vector.shape_cast %swap3A_436 : vector<1x16xf32> to vector<16xf32>
        %swap3A_438 = vector.shape_cast %max3A_433 : vector<16xf32> to vector<1x16xf32>
        tpu.vector_store %arg15[%swap3A_434, %swap3A_435], %swap3A_438 {strides = array<i32>} : memref<64x128xf32, #tpu.memory_space<vmem>>, vector<1x16xf32>,
        %get3A_439 = arith.index_cast %add3A_322 : i32 to index
        %get3A_440 = arith.constant 112 : index
        %get3A_441 = tpu.vector_load %arg15[%get3A_439, %get3A_440] {strides = array<i32>} : memref<64x128xf32, #tpu.memory_space<vmem>>, vector<1x16xf32>,
        %get3A_442 = vector.shape_cast %get3A_441 : vector<1x16xf32> to vector<16xf32>
        %get3A_443 = arith.index_cast %add3A_322 : i32 to index
        %get3A_444 = arith.constant 112 : index
        %get3A_445 = tpu.vector_load %arg14[%get3A_443, %get3A_444] {strides = array<i32>} : memref<64x128xf32, #tpu.memory_space<vmem>>, vector<1x16xf32>,
        %get3A_446 = vector.shape_cast %get3A_445 : vector<1x16xf32> to vector<16xf32>
        %add3A_447 = arith.addf %get3A_442, %get3A_446 : vector<16xf32>
        %max3A_448 = arith.constant 0.000000e+00 : f32
        %max3A_449 = vector.broadcast %max3A_448 : f32 to vector<16xf32>
        %max3A_450 = arith.maximumf %add3A_447, %max3A_449 : vector<16xf32>
        %swap3A_451 = arith.index_cast %add3A_322 : i32 to index
        %swap3A_452 = arith.constant 112 : index
        %swap3A_453 = tpu.vector_load %arg15[%swap3A_451, %swap3A_452] {strides = array<i32>} : memref<64x128xf32, #tpu.memory_space<vmem>>, vector<1x16xf32>,
        %swap3A_454 = vector.shape_cast %swap3A_453 : vector<1x16xf32> to vector<16xf32>
        %swap3A_455 = vector.shape_cast %max3A_450 : vector<16xf32> to vector<1x16xf32>
        tpu.vector_store %arg15[%swap3A_451, %swap3A_452], %swap3A_455 {strides = array<i32>} : memref<64x128xf32, #tpu.memory_space<vmem>>, vector<1x16xf32>,
      }
      %scan3A_216 = arith.constant 64 : i32
      %mul3A_217 = arith.constant 64 : i32
      %mul3A_218 = arith.muli %add3A_187, %mul3A_217 : i32
      %add3A_219 = arith.addi %mul3A_8, %mul3A_218 : i32
      %dma_wait3A_220 = tpu.memref_slice %arg4[%add3A_219] : memref<135168xi32, #tpu.memory_space<hbm>> -> memref<64xi32, #tpu.memory_space<hbm>>
      %dma_wait3A_221 = tpu.memref_slice %arg4[%add3A_219] : memref<135168xi32, #tpu.memory_space<hbm>> -> memref<64xi32, #tpu.memory_space<hbm>>
      tpu.wait_dma2 semaphore(%arg29 : memref<!tpu.dma_semaphore, #tpu.memory_space<semaphore_mem>>) src(%dma_wait3A_221 : memref<64xi32, #tpu.memory_space<hbm>>) dst(%arg10 : memref<64xi32, #tpu.memory_space<vmem>>)
      %ge3A_222 = arith.constant 1 : i32
      %ge3A_223 = arith.cmpi sge, %add3A_187, %ge3A_222 : i32
      %convert_element_type3A_224 = arith.extui %ge3A_223 : i1 to i32
      %cond3A_225 = arith.constant 0 : i32
      %cond3A_226 = arith.cmpi ne, %convert_element_type3A_224, %cond3A_225 : i32
      scf.if %cond3A_226 {
        %dma_wait3A_318 = arith.constant 0 : i32
        %dma_wait3A_319 = arith.constant 0 : i32
        %dma_wait3A_320 = tpu.memref_slice %arg18[%dma_wait3A_318, %dma_wait3A_319] : memref<10240x128xf32, #tpu.memory_space<vmem_shared>> -> memref<10240x128xf32, #tpu.memory_space<vmem_shared>>
        tpu.wait_indirect_dma semaphore(%arg26 : memref<!tpu.dma_semaphore, #tpu.memory_space<semaphore_mem>>) src(%arg17 : memref<64x128xf32, #tpu.memory_space<vmem>>) dst(%dma_wait3A_320 : memref<10240x128xf32, #tpu.memory_space<vmem_shared>>)
      } else {
      }
      %dma_start3A_227 = arith.constant 0 : i32
      %dma_start3A_228 = arith.constant 0 : i32
      %dma_start3A_229 = tpu.memref_slice %arg18[%dma_start3A_227, %dma_start3A_228] : memref<10240x128xf32, #tpu.memory_space<vmem_shared>> -> memref<10240x128xf32, #tpu.memory_space<vmem_shared>>
      tpu.enqueue_indirect_dma source(%arg15 : memref<64x128xf32, #tpu.memory_space<vmem>>) target(%dma_start3A_229 : memref<10240x128xf32, #tpu.memory_space<vmem_shared>>) offsets(%arg10 : memref<64xi32, #tpu.memory_space<vmem>>) semaphore(%arg24 : memref<!tpu.dma_semaphore, #tpu.memory_space<semaphore_mem>>) {add = true}
      %add3A_230 = arith.constant 4 : i32
      %add3A_231 = arith.addi %add3A_54, %add3A_230 : i32
      %dma_wait3A_232 = arith.constant 0 : i32
      %dma_wait3A_233 = arith.constant 0 : i32
      %dma_wait3A_234 = tpu.memref_slice %arg2[%dma_wait3A_232, %dma_wait3A_233] : memref<10000x128xf32, #tpu.memory_space<hbm>> -> memref<10000x128xf32, #tpu.memory_space<hbm>>
      tpu.wait_indirect_dma semaphore(%arg19 : memref<!tpu.dma_semaphore, #tpu.memory_space<semaphore_mem>>) src(%dma_wait3A_234 : memref<10000x128xf32, #tpu.memory_space<hbm>>) dst(%arg13 : memref<64x128xf32, #tpu.memory_space<vmem>>)
      %mul3A_235 = arith.constant 64 : i32
      %mul3A_236 = arith.muli %add3A_231, %mul3A_235 : i32
      %add3A_237 = arith.addi %mul3A_8, %mul3A_236 : i32
      %dma_wait3A_238 = arith.constant 0 : i32
      %dma_wait3A_239 = tpu.memref_slice %arg5[%add3A_237, %dma_wait3A_238] : memref<135168x128xf32, #tpu.memory_space<hbm>> -> memref<64x128xf32, #tpu.memory_space<hbm>>
      %dma_wait3A_240 = arith.constant 0 : i32
      %dma_wait3A_241 = tpu.memref_slice %arg5[%add3A_237, %dma_wait3A_240] : memref<135168x128xf32, #tpu.memory_space<hbm>> -> memref<64x128xf32, #tpu.memory_space<hbm>>
      tpu.wait_dma2 semaphore(%arg22 : memref<!tpu.dma_semaphore, #tpu.memory_space<semaphore_mem>>) src(%dma_wait3A_241 : memref<64x128xf32, #tpu.memory_space<hbm>>) dst(%arg16 : memref<64x128xf32, #tpu.memory_space<vmem>>)
      %add3A_242 = arith.constant 1 : i32
      %add3A_243 = arith.addi %add3A_231, %add3A_242 : i32
      %lt3A_244 = arith.constant 66 : i32
      %lt3A_245 = arith.cmpi slt, %add3A_243, %lt3A_244 : i32
      %convert_element_type3A_246 = arith.extui %lt3A_245 : i1 to i32
      %cond3A_247 = arith.constant 0 : i32
      %cond3A_248 = arith.cmpi ne, %convert_element_type3A_246, %cond3A_247 : i32
      scf.if %cond3A_248 {
        %add3A_318 = arith.constant 1 : i32
        %add3A_319 = arith.addi %add3A_231, %add3A_318 : i32
        %mul3A_320 = arith.constant 64 : i32
        %mul3A_321 = arith.muli %add3A_319, %mul3A_320 : i32
        %add3A_322 = arith.addi %mul3A_8, %mul3A_321 : i32
        %dma_wait3A_323 = tpu.memref_slice %arg3[%add3A_322] : memref<135168xi32, #tpu.memory_space<hbm>> -> memref<64xi32, #tpu.memory_space<hbm>>
        %dma_wait3A_324 = tpu.memref_slice %arg3[%add3A_322] : memref<135168xi32, #tpu.memory_space<hbm>> -> memref<64xi32, #tpu.memory_space<hbm>>
        tpu.wait_dma2 semaphore(%arg28 : memref<!tpu.dma_semaphore, #tpu.memory_space<semaphore_mem>>) src(%dma_wait3A_324 : memref<64xi32, #tpu.memory_space<hbm>>) dst(%arg9 : memref<64xi32, #tpu.memory_space<vmem>>)
        %dma_start3A_325 = arith.constant 0 : i32
        %dma_start3A_326 = arith.constant 0 : i32
        %dma_start3A_327 = tpu.memref_slice %arg2[%dma_start3A_325, %dma_start3A_326] : memref<10000x128xf32, #tpu.memory_space<hbm>> -> memref<10000x128xf32, #tpu.memory_space<hbm>>
        tpu.enqueue_indirect_dma source(%dma_start3A_327 : memref<10000x128xf32, #tpu.memory_space<hbm>>) target(%arg14 : memref<64x128xf32, #tpu.memory_space<vmem>>) offsets(%arg9 : memref<64xi32, #tpu.memory_space<vmem>>) semaphore(%arg20 : memref<!tpu.dma_semaphore, #tpu.memory_space<semaphore_mem>>)
        %add3A_328 = arith.constant 1 : i32
        %add3A_329 = arith.addi %add3A_231, %add3A_328 : i32
        %mul3A_330 = arith.constant 64 : i32
        %mul3A_331 = arith.muli %add3A_329, %mul3A_330 : i32
        %add3A_332 = arith.addi %mul3A_8, %mul3A_331 : i32
        %dma_start3A_333 = arith.constant 0 : i32
        %dma_start3A_334 = tpu.memref_slice %arg5[%add3A_332, %dma_start3A_333] : memref<135168x128xf32, #tpu.memory_space<hbm>> -> memref<64x128xf32, #tpu.memory_space<hbm>>
        %dma_start3A_335 = arith.constant 0 : i32
        %dma_start3A_336 = tpu.memref_slice %arg5[%add3A_332, %dma_start3A_335] : memref<135168x128xf32, #tpu.memory_space<hbm>> -> memref<64x128xf32, #tpu.memory_space<hbm>>
        tpu.enqueue_dma source(%dma_start3A_336 : memref<64x128xf32, #tpu.memory_space<hbm>>) target(%arg17 : memref<64x128xf32, #tpu.memory_space<vmem>>) target_semaphore(%arg23 : memref<!tpu.dma_semaphore, #tpu.memory_space<semaphore_mem>>)
        %ge3A_337 = arith.constant 1 : i32
        %ge3A_338 = arith.cmpi sge, %add3A_231, %ge3A_337 : i32
        %convert_element_type3A_339 = arith.extui %ge3A_338 : i1 to i32
        %cond3A_340 = arith.constant 0 : i32
        %cond3A_341 = arith.cmpi ne, %convert_element_type3A_339, %cond3A_340 : i32
        scf.if %cond3A_341 {
          %add3A_342 = arith.constant 1 : i32
          %add3A_343 = arith.addi %add3A_231, %add3A_342 : i32
          %mul3A_344 = arith.constant 64 : i32
          %mul3A_345 = arith.muli %add3A_343, %mul3A_344 : i32
          %add3A_346 = arith.addi %mul3A_8, %mul3A_345 : i32
          %dma_start3A_347 = tpu.memref_slice %arg4[%add3A_346] : memref<135168xi32, #tpu.memory_space<hbm>> -> memref<64xi32, #tpu.memory_space<hbm>>
          %dma_start3A_348 = tpu.memref_slice %arg4[%add3A_346] : memref<135168xi32, #tpu.memory_space<hbm>> -> memref<64xi32, #tpu.memory_space<hbm>>
          tpu.enqueue_dma source(%dma_start3A_348 : memref<64xi32, #tpu.memory_space<hbm>>) target(%arg12 : memref<64xi32, #tpu.memory_space<vmem>>) target_semaphore(%arg31 : memref<!tpu.dma_semaphore, #tpu.memory_space<semaphore_mem>>)
        } else {
        }
      } else {
      }
      %add3A_249 = arith.constant 2 : i32
      %add3A_250 = arith.addi %add3A_231, %add3A_249 : i32
      %lt3A_251 = arith.constant 66 : i32
      %lt3A_252 = arith.cmpi slt, %add3A_250, %lt3A_251 : i32
      %convert_element_type3A_253 = arith.extui %lt3A_252 : i1 to i32
      %cond3A_254 = arith.constant 0 : i32
      %cond3A_255 = arith.cmpi ne, %convert_element_type3A_253, %cond3A_254 : i32
      scf.if %cond3A_255 {
        %add3A_318 = arith.constant 2 : i32
        %add3A_319 = arith.addi %add3A_231, %add3A_318 : i32
        %mul3A_320 = arith.constant 64 : i32
        %mul3A_321 = arith.muli %add3A_319, %mul3A_320 : i32
        %add3A_322 = arith.addi %mul3A_8, %mul3A_321 : i32
        %dma_start3A_323 = tpu.memref_slice %arg3[%add3A_322] : memref<135168xi32, #tpu.memory_space<hbm>> -> memref<64xi32, #tpu.memory_space<hbm>>
        %dma_start3A_324 = tpu.memref_slice %arg3[%add3A_322] : memref<135168xi32, #tpu.memory_space<hbm>> -> memref<64xi32, #tpu.memory_space<hbm>>
        tpu.enqueue_dma source(%dma_start3A_324 : memref<64xi32, #tpu.memory_space<hbm>>) target(%arg8 : memref<64xi32, #tpu.memory_space<vmem>>) target_semaphore(%arg27 : memref<!tpu.dma_semaphore, #tpu.memory_space<semaphore_mem>>)
      } else {
      }
      %scan3A_256 = arith.constant 0 : i32
      %scan3A_257 = arith.constant 64 : i32
      %scan3A_258 = arith.addi %scan3A_256, %scan3A_257 : i32
      %scan3A_259 = arith.constant 1 : i32
      scf.for %scan3A_318 = %scan3A_256 to %scan3A_258 step %scan3A_259  : i32 {
        %mul3A_319 = arith.constant 1 : i32
        %mul3A_320 = arith.muli %scan3A_318, %mul3A_319 : i32
        %add3A_321 = arith.constant 0 : i32
        %add3A_322 = arith.addi %add3A_321, %mul3A_320 : i32
        %get3A = arith.index_cast %add3A_322 : i32 to index
        %get3A_323 = arith.constant 0 : index
        %get3A_324 = tpu.vector_load %arg16[%get3A, %get3A_323] {strides = array<i32>} : memref<64x128xf32, #tpu.memory_space<vmem>>, vector<1x16xf32>,
        %get3A_325 = vector.shape_cast %get3A_324 : vector<1x16xf32> to vector<16xf32>
        %get3A_326 = arith.index_cast %add3A_322 : i32 to index
        %get3A_327 = arith.constant 0 : index
        %get3A_328 = tpu.vector_load %arg13[%get3A_326, %get3A_327] {strides = array<i32>} : memref<64x128xf32, #tpu.memory_space<vmem>>, vector<1x16xf32>,
        %get3A_329 = vector.shape_cast %get3A_328 : vector<1x16xf32> to vector<16xf32>
        %add3A_330 = arith.addf %get3A_325, %get3A_329 : vector<16xf32>
        %max3A = arith.constant 0.000000e+00 : f32
        %max3A_331 = vector.broadcast %max3A : f32 to vector<16xf32>
        %max3A_332 = arith.maximumf %add3A_330, %max3A_331 : vector<16xf32>
        %swap3A = arith.index_cast %add3A_322 : i32 to index
        %swap3A_333 = arith.constant 0 : index
        %swap3A_334 = tpu.vector_load %arg16[%swap3A, %swap3A_333] {strides = array<i32>} : memref<64x128xf32, #tpu.memory_space<vmem>>, vector<1x16xf32>,
        %swap3A_335 = vector.shape_cast %swap3A_334 : vector<1x16xf32> to vector<16xf32>
        %swap3A_336 = vector.shape_cast %max3A_332 : vector<16xf32> to vector<1x16xf32>
        tpu.vector_store %arg16[%swap3A, %swap3A_333], %swap3A_336 {strides = array<i32>} : memref<64x128xf32, #tpu.memory_space<vmem>>, vector<1x16xf32>,
        %get3A_337 = arith.index_cast %add3A_322 : i32 to index
        %get3A_338 = arith.constant 16 : index
        %get3A_339 = tpu.vector_load %arg16[%get3A_337, %get3A_338] {strides = array<i32>} : memref<64x128xf32, #tpu.memory_space<vmem>>, vector<1x16xf32>,
        %get3A_340 = vector.shape_cast %get3A_339 : vector<1x16xf32> to vector<16xf32>
        %get3A_341 = arith.index_cast %add3A_322 : i32 to index
        %get3A_342 = arith.constant 16 : index
        %get3A_343 = tpu.vector_load %arg13[%get3A_341, %get3A_342] {strides = array<i32>} : memref<64x128xf32, #tpu.memory_space<vmem>>, vector<1x16xf32>,
        %get3A_344 = vector.shape_cast %get3A_343 : vector<1x16xf32> to vector<16xf32>
        %add3A_345 = arith.addf %get3A_340, %get3A_344 : vector<16xf32>
        %max3A_346 = arith.constant 0.000000e+00 : f32
        %max3A_347 = vector.broadcast %max3A_346 : f32 to vector<16xf32>
        %max3A_348 = arith.maximumf %add3A_345, %max3A_347 : vector<16xf32>
        %swap3A_349 = arith.index_cast %add3A_322 : i32 to index
        %swap3A_350 = arith.constant 16 : index
        %swap3A_351 = tpu.vector_load %arg16[%swap3A_349, %swap3A_350] {strides = array<i32>} : memref<64x128xf32, #tpu.memory_space<vmem>>, vector<1x16xf32>,
        %swap3A_352 = vector.shape_cast %swap3A_351 : vector<1x16xf32> to vector<16xf32>
        %swap3A_353 = vector.shape_cast %max3A_348 : vector<16xf32> to vector<1x16xf32>
        tpu.vector_store %arg16[%swap3A_349, %swap3A_350], %swap3A_353 {strides = array<i32>} : memref<64x128xf32, #tpu.memory_space<vmem>>, vector<1x16xf32>,
        %get3A_354 = arith.index_cast %add3A_322 : i32 to index
        %get3A_355 = arith.constant 32 : index
        %get3A_356 = tpu.vector_load %arg16[%get3A_354, %get3A_355] {strides = array<i32>} : memref<64x128xf32, #tpu.memory_space<vmem>>, vector<1x16xf32>,
        %get3A_357 = vector.shape_cast %get3A_356 : vector<1x16xf32> to vector<16xf32>
        %get3A_358 = arith.index_cast %add3A_322 : i32 to index
        %get3A_359 = arith.constant 32 : index
        %get3A_360 = tpu.vector_load %arg13[%get3A_358, %get3A_359] {strides = array<i32>} : memref<64x128xf32, #tpu.memory_space<vmem>>, vector<1x16xf32>,
        %get3A_361 = vector.shape_cast %get3A_360 : vector<1x16xf32> to vector<16xf32>
        %add3A_362 = arith.addf %get3A_357, %get3A_361 : vector<16xf32>
        %max3A_363 = arith.constant 0.000000e+00 : f32
        %max3A_364 = vector.broadcast %max3A_363 : f32 to vector<16xf32>
        %max3A_365 = arith.maximumf %add3A_362, %max3A_364 : vector<16xf32>
        %swap3A_366 = arith.index_cast %add3A_322 : i32 to index
        %swap3A_367 = arith.constant 32 : index
        %swap3A_368 = tpu.vector_load %arg16[%swap3A_366, %swap3A_367] {strides = array<i32>} : memref<64x128xf32, #tpu.memory_space<vmem>>, vector<1x16xf32>,
        %swap3A_369 = vector.shape_cast %swap3A_368 : vector<1x16xf32> to vector<16xf32>
        %swap3A_370 = vector.shape_cast %max3A_365 : vector<16xf32> to vector<1x16xf32>
        tpu.vector_store %arg16[%swap3A_366, %swap3A_367], %swap3A_370 {strides = array<i32>} : memref<64x128xf32, #tpu.memory_space<vmem>>, vector<1x16xf32>,
        %get3A_371 = arith.index_cast %add3A_322 : i32 to index
        %get3A_372 = arith.constant 48 : index
        %get3A_373 = tpu.vector_load %arg16[%get3A_371, %get3A_372] {strides = array<i32>} : memref<64x128xf32, #tpu.memory_space<vmem>>, vector<1x16xf32>,
        %get3A_374 = vector.shape_cast %get3A_373 : vector<1x16xf32> to vector<16xf32>
        %get3A_375 = arith.index_cast %add3A_322 : i32 to index
        %get3A_376 = arith.constant 48 : index
        %get3A_377 = tpu.vector_load %arg13[%get3A_375, %get3A_376] {strides = array<i32>} : memref<64x128xf32, #tpu.memory_space<vmem>>, vector<1x16xf32>,
        %get3A_378 = vector.shape_cast %get3A_377 : vector<1x16xf32> to vector<16xf32>
        %add3A_379 = arith.addf %get3A_374, %get3A_378 : vector<16xf32>
        %max3A_380 = arith.constant 0.000000e+00 : f32
        %max3A_381 = vector.broadcast %max3A_380 : f32 to vector<16xf32>
        %max3A_382 = arith.maximumf %add3A_379, %max3A_381 : vector<16xf32>
        %swap3A_383 = arith.index_cast %add3A_322 : i32 to index
        %swap3A_384 = arith.constant 48 : index
        %swap3A_385 = tpu.vector_load %arg16[%swap3A_383, %swap3A_384] {strides = array<i32>} : memref<64x128xf32, #tpu.memory_space<vmem>>, vector<1x16xf32>,
        %swap3A_386 = vector.shape_cast %swap3A_385 : vector<1x16xf32> to vector<16xf32>
        %swap3A_387 = vector.shape_cast %max3A_382 : vector<16xf32> to vector<1x16xf32>
        tpu.vector_store %arg16[%swap3A_383, %swap3A_384], %swap3A_387 {strides = array<i32>} : memref<64x128xf32, #tpu.memory_space<vmem>>, vector<1x16xf32>,
        %get3A_388 = arith.index_cast %add3A_322 : i32 to index
        %get3A_389 = arith.constant 64 : index
        %get3A_390 = tpu.vector_load %arg16[%get3A_388, %get3A_389] {strides = array<i32>} : memref<64x128xf32, #tpu.memory_space<vmem>>, vector<1x16xf32>,
        %get3A_391 = vector.shape_cast %get3A_390 : vector<1x16xf32> to vector<16xf32>
        %get3A_392 = arith.index_cast %add3A_322 : i32 to index
        %get3A_393 = arith.constant 64 : index
        %get3A_394 = tpu.vector_load %arg13[%get3A_392, %get3A_393] {strides = array<i32>} : memref<64x128xf32, #tpu.memory_space<vmem>>, vector<1x16xf32>,
        %get3A_395 = vector.shape_cast %get3A_394 : vector<1x16xf32> to vector<16xf32>
        %add3A_396 = arith.addf %get3A_391, %get3A_395 : vector<16xf32>
        %max3A_397 = arith.constant 0.000000e+00 : f32
        %max3A_398 = vector.broadcast %max3A_397 : f32 to vector<16xf32>
        %max3A_399 = arith.maximumf %add3A_396, %max3A_398 : vector<16xf32>
        %swap3A_400 = arith.index_cast %add3A_322 : i32 to index
        %swap3A_401 = arith.constant 64 : index
        %swap3A_402 = tpu.vector_load %arg16[%swap3A_400, %swap3A_401] {strides = array<i32>} : memref<64x128xf32, #tpu.memory_space<vmem>>, vector<1x16xf32>,
        %swap3A_403 = vector.shape_cast %swap3A_402 : vector<1x16xf32> to vector<16xf32>
        %swap3A_404 = vector.shape_cast %max3A_399 : vector<16xf32> to vector<1x16xf32>
        tpu.vector_store %arg16[%swap3A_400, %swap3A_401], %swap3A_404 {strides = array<i32>} : memref<64x128xf32, #tpu.memory_space<vmem>>, vector<1x16xf32>,
        %get3A_405 = arith.index_cast %add3A_322 : i32 to index
        %get3A_406 = arith.constant 80 : index
        %get3A_407 = tpu.vector_load %arg16[%get3A_405, %get3A_406] {strides = array<i32>} : memref<64x128xf32, #tpu.memory_space<vmem>>, vector<1x16xf32>,
        %get3A_408 = vector.shape_cast %get3A_407 : vector<1x16xf32> to vector<16xf32>
        %get3A_409 = arith.index_cast %add3A_322 : i32 to index
        %get3A_410 = arith.constant 80 : index
        %get3A_411 = tpu.vector_load %arg13[%get3A_409, %get3A_410] {strides = array<i32>} : memref<64x128xf32, #tpu.memory_space<vmem>>, vector<1x16xf32>,
        %get3A_412 = vector.shape_cast %get3A_411 : vector<1x16xf32> to vector<16xf32>
        %add3A_413 = arith.addf %get3A_408, %get3A_412 : vector<16xf32>
        %max3A_414 = arith.constant 0.000000e+00 : f32
        %max3A_415 = vector.broadcast %max3A_414 : f32 to vector<16xf32>
        %max3A_416 = arith.maximumf %add3A_413, %max3A_415 : vector<16xf32>
        %swap3A_417 = arith.index_cast %add3A_322 : i32 to index
        %swap3A_418 = arith.constant 80 : index
        %swap3A_419 = tpu.vector_load %arg16[%swap3A_417, %swap3A_418] {strides = array<i32>} : memref<64x128xf32, #tpu.memory_space<vmem>>, vector<1x16xf32>,
        %swap3A_420 = vector.shape_cast %swap3A_419 : vector<1x16xf32> to vector<16xf32>
        %swap3A_421 = vector.shape_cast %max3A_416 : vector<16xf32> to vector<1x16xf32>
        tpu.vector_store %arg16[%swap3A_417, %swap3A_418], %swap3A_421 {strides = array<i32>} : memref<64x128xf32, #tpu.memory_space<vmem>>, vector<1x16xf32>,
        %get3A_422 = arith.index_cast %add3A_322 : i32 to index
        %get3A_423 = arith.constant 96 : index
        %get3A_424 = tpu.vector_load %arg16[%get3A_422, %get3A_423] {strides = array<i32>} : memref<64x128xf32, #tpu.memory_space<vmem>>, vector<1x16xf32>,
        %get3A_425 = vector.shape_cast %get3A_424 : vector<1x16xf32> to vector<16xf32>
        %get3A_426 = arith.index_cast %add3A_322 : i32 to index
        %get3A_427 = arith.constant 96 : index
        %get3A_428 = tpu.vector_load %arg13[%get3A_426, %get3A_427] {strides = array<i32>} : memref<64x128xf32, #tpu.memory_space<vmem>>, vector<1x16xf32>,
        %get3A_429 = vector.shape_cast %get3A_428 : vector<1x16xf32> to vector<16xf32>
        %add3A_430 = arith.addf %get3A_425, %get3A_429 : vector<16xf32>
        %max3A_431 = arith.constant 0.000000e+00 : f32
        %max3A_432 = vector.broadcast %max3A_431 : f32 to vector<16xf32>
        %max3A_433 = arith.maximumf %add3A_430, %max3A_432 : vector<16xf32>
        %swap3A_434 = arith.index_cast %add3A_322 : i32 to index
        %swap3A_435 = arith.constant 96 : index
        %swap3A_436 = tpu.vector_load %arg16[%swap3A_434, %swap3A_435] {strides = array<i32>} : memref<64x128xf32, #tpu.memory_space<vmem>>, vector<1x16xf32>,
        %swap3A_437 = vector.shape_cast %swap3A_436 : vector<1x16xf32> to vector<16xf32>
        %swap3A_438 = vector.shape_cast %max3A_433 : vector<16xf32> to vector<1x16xf32>
        tpu.vector_store %arg16[%swap3A_434, %swap3A_435], %swap3A_438 {strides = array<i32>} : memref<64x128xf32, #tpu.memory_space<vmem>>, vector<1x16xf32>,
        %get3A_439 = arith.index_cast %add3A_322 : i32 to index
        %get3A_440 = arith.constant 112 : index
        %get3A_441 = tpu.vector_load %arg16[%get3A_439, %get3A_440] {strides = array<i32>} : memref<64x128xf32, #tpu.memory_space<vmem>>, vector<1x16xf32>,
        %get3A_442 = vector.shape_cast %get3A_441 : vector<1x16xf32> to vector<16xf32>
        %get3A_443 = arith.index_cast %add3A_322 : i32 to index
        %get3A_444 = arith.constant 112 : index
        %get3A_445 = tpu.vector_load %arg13[%get3A_443, %get3A_444] {strides = array<i32>} : memref<64x128xf32, #tpu.memory_space<vmem>>, vector<1x16xf32>,
        %get3A_446 = vector.shape_cast %get3A_445 : vector<1x16xf32> to vector<16xf32>
        %add3A_447 = arith.addf %get3A_442, %get3A_446 : vector<16xf32>
        %max3A_448 = arith.constant 0.000000e+00 : f32
        %max3A_449 = vector.broadcast %max3A_448 : f32 to vector<16xf32>
        %max3A_450 = arith.maximumf %add3A_447, %max3A_449 : vector<16xf32>
        %swap3A_451 = arith.index_cast %add3A_322 : i32 to index
        %swap3A_452 = arith.constant 112 : index
        %swap3A_453 = tpu.vector_load %arg16[%swap3A_451, %swap3A_452] {strides = array<i32>} : memref<64x128xf32, #tpu.memory_space<vmem>>, vector<1x16xf32>,
        %swap3A_454 = vector.shape_cast %swap3A_453 : vector<1x16xf32> to vector<16xf32>
        %swap3A_455 = vector.shape_cast %max3A_450 : vector<16xf32> to vector<1x16xf32>
        tpu.vector_store %arg16[%swap3A_451, %swap3A_452], %swap3A_455 {strides = array<i32>} : memref<64x128xf32, #tpu.memory_space<vmem>>, vector<1x16xf32>,
      }
      %scan3A_260 = arith.constant 64 : i32
      %mul3A_261 = arith.constant 64 : i32
      %mul3A_262 = arith.muli %add3A_231, %mul3A_261 : i32
      %add3A_263 = arith.addi %mul3A_8, %mul3A_262 : i32
      %dma_wait3A_264 = tpu.memref_slice %arg4[%add3A_263] : memref<135168xi32, #tpu.memory_space<hbm>> -> memref<64xi32, #tpu.memory_space<hbm>>
      %dma_wait3A_265 = tpu.memref_slice %arg4[%add3A_263] : memref<135168xi32, #tpu.memory_space<hbm>> -> memref<64xi32, #tpu.memory_space<hbm>>
      tpu.wait_dma2 semaphore(%arg30 : memref<!tpu.dma_semaphore, #tpu.memory_space<semaphore_mem>>) src(%dma_wait3A_265 : memref<64xi32, #tpu.memory_space<hbm>>) dst(%arg11 : memref<64xi32, #tpu.memory_space<vmem>>)
      %ge3A_266 = arith.constant 1 : i32
      %ge3A_267 = arith.cmpi sge, %add3A_231, %ge3A_266 : i32
      %convert_element_type3A_268 = arith.extui %ge3A_267 : i1 to i32
      %cond3A_269 = arith.constant 0 : i32
      %cond3A_270 = arith.cmpi ne, %convert_element_type3A_268, %cond3A_269 : i32
      scf.if %cond3A_270 {
        %dma_wait3A_318 = arith.constant 0 : i32
        %dma_wait3A_319 = arith.constant 0 : i32
        %dma_wait3A_320 = tpu.memref_slice %arg18[%dma_wait3A_318, %dma_wait3A_319] : memref<10240x128xf32, #tpu.memory_space<vmem_shared>> -> memref<10240x128xf32, #tpu.memory_space<vmem_shared>>
        tpu.wait_indirect_dma semaphore(%arg24 : memref<!tpu.dma_semaphore, #tpu.memory_space<semaphore_mem>>) src(%arg15 : memref<64x128xf32, #tpu.memory_space<vmem>>) dst(%dma_wait3A_320 : memref<10240x128xf32, #tpu.memory_space<vmem_shared>>)
      } else {
      }
      %dma_start3A_271 = arith.constant 0 : i32
      %dma_start3A_272 = arith.constant 0 : i32
      %dma_start3A_273 = tpu.memref_slice %arg18[%dma_start3A_271, %dma_start3A_272] : memref<10240x128xf32, #tpu.memory_space<vmem_shared>> -> memref<10240x128xf32, #tpu.memory_space<vmem_shared>>
      tpu.enqueue_indirect_dma source(%arg16 : memref<64x128xf32, #tpu.memory_space<vmem>>) target(%dma_start3A_273 : memref<10240x128xf32, #tpu.memory_space<vmem_shared>>) offsets(%arg11 : memref<64xi32, #tpu.memory_space<vmem>>) semaphore(%arg25 : memref<!tpu.dma_semaphore, #tpu.memory_space<semaphore_mem>>) {add = true}
      %add3A_274 = arith.constant 5 : i32
      %add3A_275 = arith.addi %add3A_54, %add3A_274 : i32
      %dma_wait3A_276 = arith.constant 0 : i32
      %dma_wait3A_277 = arith.constant 0 : i32
      %dma_wait3A_278 = tpu.memref_slice %arg2[%dma_wait3A_276, %dma_wait3A_277] : memref<10000x128xf32, #tpu.memory_space<hbm>> -> memref<10000x128xf32, #tpu.memory_space<hbm>>
      tpu.wait_indirect_dma semaphore(%arg20 : memref<!tpu.dma_semaphore, #tpu.memory_space<semaphore_mem>>) src(%dma_wait3A_278 : memref<10000x128xf32, #tpu.memory_space<hbm>>) dst(%arg14 : memref<64x128xf32, #tpu.memory_space<vmem>>)
      %mul3A_279 = arith.constant 64 : i32
      %mul3A_280 = arith.muli %add3A_275, %mul3A_279 : i32
      %add3A_281 = arith.addi %mul3A_8, %mul3A_280 : i32
      %dma_wait3A_282 = arith.constant 0 : i32
      %dma_wait3A_283 = tpu.memref_slice %arg5[%add3A_281, %dma_wait3A_282] : memref<135168x128xf32, #tpu.memory_space<hbm>> -> memref<64x128xf32, #tpu.memory_space<hbm>>
      %dma_wait3A_284 = arith.constant 0 : i32
      %dma_wait3A_285 = tpu.memref_slice %arg5[%add3A_281, %dma_wait3A_284] : memref<135168x128xf32, #tpu.memory_space<hbm>> -> memref<64x128xf32, #tpu.memory_space<hbm>>
      tpu.wait_dma2 semaphore(%arg23 : memref<!tpu.dma_semaphore, #tpu.memory_space<semaphore_mem>>) src(%dma_wait3A_285 : memref<64x128xf32, #tpu.memory_space<hbm>>) dst(%arg17 : memref<64x128xf32, #tpu.memory_space<vmem>>)
      %add3A_286 = arith.constant 1 : i32
      %add3A_287 = arith.addi %add3A_275, %add3A_286 : i32
      %lt3A_288 = arith.constant 66 : i32
      %lt3A_289 = arith.cmpi slt, %add3A_287, %lt3A_288 : i32
      %convert_element_type3A_290 = arith.extui %lt3A_289 : i1 to i32
      %cond3A_291 = arith.constant 0 : i32
      %cond3A_292 = arith.cmpi ne, %convert_element_type3A_290, %cond3A_291 : i32
      scf.if %cond3A_292 {
        %add3A_318 = arith.constant 1 : i32
        %add3A_319 = arith.addi %add3A_275, %add3A_318 : i32
        %mul3A_320 = arith.constant 64 : i32
        %mul3A_321 = arith.muli %add3A_319, %mul3A_320 : i32
        %add3A_322 = arith.addi %mul3A_8, %mul3A_321 : i32
        %dma_wait3A_323 = tpu.memref_slice %arg3[%add3A_322] : memref<135168xi32, #tpu.memory_space<hbm>> -> memref<64xi32, #tpu.memory_space<hbm>>
        %dma_wait3A_324 = tpu.memref_slice %arg3[%add3A_322] : memref<135168xi32, #tpu.memory_space<hbm>> -> memref<64xi32, #tpu.memory_space<hbm>>
        tpu.wait_dma2 semaphore(%arg27 : memref<!tpu.dma_semaphore, #tpu.memory_space<semaphore_mem>>) src(%dma_wait3A_324 : memref<64xi32, #tpu.memory_space<hbm>>) dst(%arg8 : memref<64xi32, #tpu.memory_space<vmem>>)
        %dma_start3A_325 = arith.constant 0 : i32
        %dma_start3A_326 = arith.constant 0 : i32
        %dma_start3A_327 = tpu.memref_slice %arg2[%dma_start3A_325, %dma_start3A_326] : memref<10000x128xf32, #tpu.memory_space<hbm>> -> memref<10000x128xf32, #tpu.memory_space<hbm>>
        tpu.enqueue_indirect_dma source(%dma_start3A_327 : memref<10000x128xf32, #tpu.memory_space<hbm>>) target(%arg13 : memref<64x128xf32, #tpu.memory_space<vmem>>) offsets(%arg8 : memref<64xi32, #tpu.memory_space<vmem>>) semaphore(%arg19 : memref<!tpu.dma_semaphore, #tpu.memory_space<semaphore_mem>>)
        %add3A_328 = arith.constant 1 : i32
        %add3A_329 = arith.addi %add3A_275, %add3A_328 : i32
        %mul3A_330 = arith.constant 64 : i32
        %mul3A_331 = arith.muli %add3A_329, %mul3A_330 : i32
        %add3A_332 = arith.addi %mul3A_8, %mul3A_331 : i32
        %dma_start3A_333 = arith.constant 0 : i32
        %dma_start3A_334 = tpu.memref_slice %arg5[%add3A_332, %dma_start3A_333] : memref<135168x128xf32, #tpu.memory_space<hbm>> -> memref<64x128xf32, #tpu.memory_space<hbm>>
        %dma_start3A_335 = arith.constant 0 : i32
        %dma_start3A_336 = tpu.memref_slice %arg5[%add3A_332, %dma_start3A_335] : memref<135168x128xf32, #tpu.memory_space<hbm>> -> memref<64x128xf32, #tpu.memory_space<hbm>>
        tpu.enqueue_dma source(%dma_start3A_336 : memref<64x128xf32, #tpu.memory_space<hbm>>) target(%arg15 : memref<64x128xf32, #tpu.memory_space<vmem>>) target_semaphore(%arg21 : memref<!tpu.dma_semaphore, #tpu.memory_space<semaphore_mem>>)
        %ge3A_337 = arith.constant 1 : i32
        %ge3A_338 = arith.cmpi sge, %add3A_275, %ge3A_337 : i32
        %convert_element_type3A_339 = arith.extui %ge3A_338 : i1 to i32
        %cond3A_340 = arith.constant 0 : i32
        %cond3A_341 = arith.cmpi ne, %convert_element_type3A_339, %cond3A_340 : i32
        scf.if %cond3A_341 {
          %add3A_342 = arith.constant 1 : i32
          %add3A_343 = arith.addi %add3A_275, %add3A_342 : i32
          %mul3A_344 = arith.constant 64 : i32
          %mul3A_345 = arith.muli %add3A_343, %mul3A_344 : i32
          %add3A_346 = arith.addi %mul3A_8, %mul3A_345 : i32
          %dma_start3A_347 = tpu.memref_slice %arg4[%add3A_346] : memref<135168xi32, #tpu.memory_space<hbm>> -> memref<64xi32, #tpu.memory_space<hbm>>
          %dma_start3A_348 = tpu.memref_slice %arg4[%add3A_346] : memref<135168xi32, #tpu.memory_space<hbm>> -> memref<64xi32, #tpu.memory_space<hbm>>
          tpu.enqueue_dma source(%dma_start3A_348 : memref<64xi32, #tpu.memory_space<hbm>>) target(%arg10 : memref<64xi32, #tpu.memory_space<vmem>>) target_semaphore(%arg29 : memref<!tpu.dma_semaphore, #tpu.memory_space<semaphore_mem>>)
        } else {
        }
      } else {
      }
      %add3A_293 = arith.constant 2 : i32
      %add3A_294 = arith.addi %add3A_275, %add3A_293 : i32
      %lt3A_295 = arith.constant 66 : i32
      %lt3A_296 = arith.cmpi slt, %add3A_294, %lt3A_295 : i32
      %convert_element_type3A_297 = arith.extui %lt3A_296 : i1 to i32
      %cond3A_298 = arith.constant 0 : i32
      %cond3A_299 = arith.cmpi ne, %convert_element_type3A_297, %cond3A_298 : i32
      scf.if %cond3A_299 {
        %add3A_318 = arith.constant 2 : i32
        %add3A_319 = arith.addi %add3A_275, %add3A_318 : i32
        %mul3A_320 = arith.constant 64 : i32
        %mul3A_321 = arith.muli %add3A_319, %mul3A_320 : i32
        %add3A_322 = arith.addi %mul3A_8, %mul3A_321 : i32
        %dma_start3A_323 = tpu.memref_slice %arg3[%add3A_322] : memref<135168xi32, #tpu.memory_space<hbm>> -> memref<64xi32, #tpu.memory_space<hbm>>
        %dma_start3A_324 = tpu.memref_slice %arg3[%add3A_322] : memref<135168xi32, #tpu.memory_space<hbm>> -> memref<64xi32, #tpu.memory_space<hbm>>
        tpu.enqueue_dma source(%dma_start3A_324 : memref<64xi32, #tpu.memory_space<hbm>>) target(%arg9 : memref<64xi32, #tpu.memory_space<vmem>>) target_semaphore(%arg28 : memref<!tpu.dma_semaphore, #tpu.memory_space<semaphore_mem>>)
      } else {
      }
      %scan3A_300 = arith.constant 0 : i32
      %scan3A_301 = arith.constant 64 : i32
      %scan3A_302 = arith.addi %scan3A_300, %scan3A_301 : i32
      %scan3A_303 = arith.constant 1 : i32
      scf.for %scan3A_318 = %scan3A_300 to %scan3A_302 step %scan3A_303  : i32 {
        %mul3A_319 = arith.constant 1 : i32
        %mul3A_320 = arith.muli %scan3A_318, %mul3A_319 : i32
        %add3A_321 = arith.constant 0 : i32
        %add3A_322 = arith.addi %add3A_321, %mul3A_320 : i32
        %get3A = arith.index_cast %add3A_322 : i32 to index
        %get3A_323 = arith.constant 0 : index
        %get3A_324 = tpu.vector_load %arg17[%get3A, %get3A_323] {strides = array<i32>} : memref<64x128xf32, #tpu.memory_space<vmem>>, vector<1x16xf32>,
        %get3A_325 = vector.shape_cast %get3A_324 : vector<1x16xf32> to vector<16xf32>
        %get3A_326 = arith.index_cast %add3A_322 : i32 to index
        %get3A_327 = arith.constant 0 : index
        %get3A_328 = tpu.vector_load %arg14[%get3A_326, %get3A_327] {strides = array<i32>} : memref<64x128xf32, #tpu.memory_space<vmem>>, vector<1x16xf32>,
        %get3A_329 = vector.shape_cast %get3A_328 : vector<1x16xf32> to vector<16xf32>
        %add3A_330 = arith.addf %get3A_325, %get3A_329 : vector<16xf32>
        %max3A = arith.constant 0.000000e+00 : f32
        %max3A_331 = vector.broadcast %max3A : f32 to vector<16xf32>
        %max3A_332 = arith.maximumf %add3A_330, %max3A_331 : vector<16xf32>
        %swap3A = arith.index_cast %add3A_322 : i32 to index
        %swap3A_333 = arith.constant 0 : index
        %swap3A_334 = tpu.vector_load %arg17[%swap3A, %swap3A_333] {strides = array<i32>} : memref<64x128xf32, #tpu.memory_space<vmem>>, vector<1x16xf32>,
        %swap3A_335 = vector.shape_cast %swap3A_334 : vector<1x16xf32> to vector<16xf32>
        %swap3A_336 = vector.shape_cast %max3A_332 : vector<16xf32> to vector<1x16xf32>
        tpu.vector_store %arg17[%swap3A, %swap3A_333], %swap3A_336 {strides = array<i32>} : memref<64x128xf32, #tpu.memory_space<vmem>>, vector<1x16xf32>,
        %get3A_337 = arith.index_cast %add3A_322 : i32 to index
        %get3A_338 = arith.constant 16 : index
        %get3A_339 = tpu.vector_load %arg17[%get3A_337, %get3A_338] {strides = array<i32>} : memref<64x128xf32, #tpu.memory_space<vmem>>, vector<1x16xf32>,
        %get3A_340 = vector.shape_cast %get3A_339 : vector<1x16xf32> to vector<16xf32>
        %get3A_341 = arith.index_cast %add3A_322 : i32 to index
        %get3A_342 = arith.constant 16 : index
        %get3A_343 = tpu.vector_load %arg14[%get3A_341, %get3A_342] {strides = array<i32>} : memref<64x128xf32, #tpu.memory_space<vmem>>, vector<1x16xf32>,
        %get3A_344 = vector.shape_cast %get3A_343 : vector<1x16xf32> to vector<16xf32>
        %add3A_345 = arith.addf %get3A_340, %get3A_344 : vector<16xf32>
        %max3A_346 = arith.constant 0.000000e+00 : f32
        %max3A_347 = vector.broadcast %max3A_346 : f32 to vector<16xf32>
        %max3A_348 = arith.maximumf %add3A_345, %max3A_347 : vector<16xf32>
        %swap3A_349 = arith.index_cast %add3A_322 : i32 to index
        %swap3A_350 = arith.constant 16 : index
        %swap3A_351 = tpu.vector_load %arg17[%swap3A_349, %swap3A_350] {strides = array<i32>} : memref<64x128xf32, #tpu.memory_space<vmem>>, vector<1x16xf32>,
        %swap3A_352 = vector.shape_cast %swap3A_351 : vector<1x16xf32> to vector<16xf32>
        %swap3A_353 = vector.shape_cast %max3A_348 : vector<16xf32> to vector<1x16xf32>
        tpu.vector_store %arg17[%swap3A_349, %swap3A_350], %swap3A_353 {strides = array<i32>} : memref<64x128xf32, #tpu.memory_space<vmem>>, vector<1x16xf32>,
        %get3A_354 = arith.index_cast %add3A_322 : i32 to index
        %get3A_355 = arith.constant 32 : index
        %get3A_356 = tpu.vector_load %arg17[%get3A_354, %get3A_355] {strides = array<i32>} : memref<64x128xf32, #tpu.memory_space<vmem>>, vector<1x16xf32>,
        %get3A_357 = vector.shape_cast %get3A_356 : vector<1x16xf32> to vector<16xf32>
        %get3A_358 = arith.index_cast %add3A_322 : i32 to index
        %get3A_359 = arith.constant 32 : index
        %get3A_360 = tpu.vector_load %arg14[%get3A_358, %get3A_359] {strides = array<i32>} : memref<64x128xf32, #tpu.memory_space<vmem>>, vector<1x16xf32>,
        %get3A_361 = vector.shape_cast %get3A_360 : vector<1x16xf32> to vector<16xf32>
        %add3A_362 = arith.addf %get3A_357, %get3A_361 : vector<16xf32>
        %max3A_363 = arith.constant 0.000000e+00 : f32
        %max3A_364 = vector.broadcast %max3A_363 : f32 to vector<16xf32>
        %max3A_365 = arith.maximumf %add3A_362, %max3A_364 : vector<16xf32>
        %swap3A_366 = arith.index_cast %add3A_322 : i32 to index
        %swap3A_367 = arith.constant 32 : index
        %swap3A_368 = tpu.vector_load %arg17[%swap3A_366, %swap3A_367] {strides = array<i32>} : memref<64x128xf32, #tpu.memory_space<vmem>>, vector<1x16xf32>,
        %swap3A_369 = vector.shape_cast %swap3A_368 : vector<1x16xf32> to vector<16xf32>
        %swap3A_370 = vector.shape_cast %max3A_365 : vector<16xf32> to vector<1x16xf32>
        tpu.vector_store %arg17[%swap3A_366, %swap3A_367], %swap3A_370 {strides = array<i32>} : memref<64x128xf32, #tpu.memory_space<vmem>>, vector<1x16xf32>,
        %get3A_371 = arith.index_cast %add3A_322 : i32 to index
        %get3A_372 = arith.constant 48 : index
        %get3A_373 = tpu.vector_load %arg17[%get3A_371, %get3A_372] {strides = array<i32>} : memref<64x128xf32, #tpu.memory_space<vmem>>, vector<1x16xf32>,
        %get3A_374 = vector.shape_cast %get3A_373 : vector<1x16xf32> to vector<16xf32>
        %get3A_375 = arith.index_cast %add3A_322 : i32 to index
        %get3A_376 = arith.constant 48 : index
        %get3A_377 = tpu.vector_load %arg14[%get3A_375, %get3A_376] {strides = array<i32>} : memref<64x128xf32, #tpu.memory_space<vmem>>, vector<1x16xf32>,
        %get3A_378 = vector.shape_cast %get3A_377 : vector<1x16xf32> to vector<16xf32>
        %add3A_379 = arith.addf %get3A_374, %get3A_378 : vector<16xf32>
        %max3A_380 = arith.constant 0.000000e+00 : f32
        %max3A_381 = vector.broadcast %max3A_380 : f32 to vector<16xf32>
        %max3A_382 = arith.maximumf %add3A_379, %max3A_381 : vector<16xf32>
        %swap3A_383 = arith.index_cast %add3A_322 : i32 to index
        %swap3A_384 = arith.constant 48 : index
        %swap3A_385 = tpu.vector_load %arg17[%swap3A_383, %swap3A_384] {strides = array<i32>} : memref<64x128xf32, #tpu.memory_space<vmem>>, vector<1x16xf32>,
        %swap3A_386 = vector.shape_cast %swap3A_385 : vector<1x16xf32> to vector<16xf32>
        %swap3A_387 = vector.shape_cast %max3A_382 : vector<16xf32> to vector<1x16xf32>
        tpu.vector_store %arg17[%swap3A_383, %swap3A_384], %swap3A_387 {strides = array<i32>} : memref<64x128xf32, #tpu.memory_space<vmem>>, vector<1x16xf32>,
        %get3A_388 = arith.index_cast %add3A_322 : i32 to index
        %get3A_389 = arith.constant 64 : index
        %get3A_390 = tpu.vector_load %arg17[%get3A_388, %get3A_389] {strides = array<i32>} : memref<64x128xf32, #tpu.memory_space<vmem>>, vector<1x16xf32>,
        %get3A_391 = vector.shape_cast %get3A_390 : vector<1x16xf32> to vector<16xf32>
        %get3A_392 = arith.index_cast %add3A_322 : i32 to index
        %get3A_393 = arith.constant 64 : index
        %get3A_394 = tpu.vector_load %arg14[%get3A_392, %get3A_393] {strides = array<i32>} : memref<64x128xf32, #tpu.memory_space<vmem>>, vector<1x16xf32>,
        %get3A_395 = vector.shape_cast %get3A_394 : vector<1x16xf32> to vector<16xf32>
        %add3A_396 = arith.addf %get3A_391, %get3A_395 : vector<16xf32>
        %max3A_397 = arith.constant 0.000000e+00 : f32
        %max3A_398 = vector.broadcast %max3A_397 : f32 to vector<16xf32>
        %max3A_399 = arith.maximumf %add3A_396, %max3A_398 : vector<16xf32>
        %swap3A_400 = arith.index_cast %add3A_322 : i32 to index
        %swap3A_401 = arith.constant 64 : index
        %swap3A_402 = tpu.vector_load %arg17[%swap3A_400, %swap3A_401] {strides = array<i32>} : memref<64x128xf32, #tpu.memory_space<vmem>>, vector<1x16xf32>,
        %swap3A_403 = vector.shape_cast %swap3A_402 : vector<1x16xf32> to vector<16xf32>
        %swap3A_404 = vector.shape_cast %max3A_399 : vector<16xf32> to vector<1x16xf32>
        tpu.vector_store %arg17[%swap3A_400, %swap3A_401], %swap3A_404 {strides = array<i32>} : memref<64x128xf32, #tpu.memory_space<vmem>>, vector<1x16xf32>,
        %get3A_405 = arith.index_cast %add3A_322 : i32 to index
        %get3A_406 = arith.constant 80 : index
        %get3A_407 = tpu.vector_load %arg17[%get3A_405, %get3A_406] {strides = array<i32>} : memref<64x128xf32, #tpu.memory_space<vmem>>, vector<1x16xf32>,
        %get3A_408 = vector.shape_cast %get3A_407 : vector<1x16xf32> to vector<16xf32>
        %get3A_409 = arith.index_cast %add3A_322 : i32 to index
        %get3A_410 = arith.constant 80 : index
        %get3A_411 = tpu.vector_load %arg14[%get3A_409, %get3A_410] {strides = array<i32>} : memref<64x128xf32, #tpu.memory_space<vmem>>, vector<1x16xf32>,
        %get3A_412 = vector.shape_cast %get3A_411 : vector<1x16xf32> to vector<16xf32>
        %add3A_413 = arith.addf %get3A_408, %get3A_412 : vector<16xf32>
        %max3A_414 = arith.constant 0.000000e+00 : f32
        %max3A_415 = vector.broadcast %max3A_414 : f32 to vector<16xf32>
        %max3A_416 = arith.maximumf %add3A_413, %max3A_415 : vector<16xf32>
        %swap3A_417 = arith.index_cast %add3A_322 : i32 to index
        %swap3A_418 = arith.constant 80 : index
        %swap3A_419 = tpu.vector_load %arg17[%swap3A_417, %swap3A_418] {strides = array<i32>} : memref<64x128xf32, #tpu.memory_space<vmem>>, vector<1x16xf32>,
        %swap3A_420 = vector.shape_cast %swap3A_419 : vector<1x16xf32> to vector<16xf32>
        %swap3A_421 = vector.shape_cast %max3A_416 : vector<16xf32> to vector<1x16xf32>
        tpu.vector_store %arg17[%swap3A_417, %swap3A_418], %swap3A_421 {strides = array<i32>} : memref<64x128xf32, #tpu.memory_space<vmem>>, vector<1x16xf32>,
        %get3A_422 = arith.index_cast %add3A_322 : i32 to index
        %get3A_423 = arith.constant 96 : index
        %get3A_424 = tpu.vector_load %arg17[%get3A_422, %get3A_423] {strides = array<i32>} : memref<64x128xf32, #tpu.memory_space<vmem>>, vector<1x16xf32>,
        %get3A_425 = vector.shape_cast %get3A_424 : vector<1x16xf32> to vector<16xf32>
        %get3A_426 = arith.index_cast %add3A_322 : i32 to index
        %get3A_427 = arith.constant 96 : index
        %get3A_428 = tpu.vector_load %arg14[%get3A_426, %get3A_427] {strides = array<i32>} : memref<64x128xf32, #tpu.memory_space<vmem>>, vector<1x16xf32>,
        %get3A_429 = vector.shape_cast %get3A_428 : vector<1x16xf32> to vector<16xf32>
        %add3A_430 = arith.addf %get3A_425, %get3A_429 : vector<16xf32>
        %max3A_431 = arith.constant 0.000000e+00 : f32
        %max3A_432 = vector.broadcast %max3A_431 : f32 to vector<16xf32>
        %max3A_433 = arith.maximumf %add3A_430, %max3A_432 : vector<16xf32>
        %swap3A_434 = arith.index_cast %add3A_322 : i32 to index
        %swap3A_435 = arith.constant 96 : index
        %swap3A_436 = tpu.vector_load %arg17[%swap3A_434, %swap3A_435] {strides = array<i32>} : memref<64x128xf32, #tpu.memory_space<vmem>>, vector<1x16xf32>,
        %swap3A_437 = vector.shape_cast %swap3A_436 : vector<1x16xf32> to vector<16xf32>
        %swap3A_438 = vector.shape_cast %max3A_433 : vector<16xf32> to vector<1x16xf32>
        tpu.vector_store %arg17[%swap3A_434, %swap3A_435], %swap3A_438 {strides = array<i32>} : memref<64x128xf32, #tpu.memory_space<vmem>>, vector<1x16xf32>,
        %get3A_439 = arith.index_cast %add3A_322 : i32 to index
        %get3A_440 = arith.constant 112 : index
        %get3A_441 = tpu.vector_load %arg17[%get3A_439, %get3A_440] {strides = array<i32>} : memref<64x128xf32, #tpu.memory_space<vmem>>, vector<1x16xf32>,
        %get3A_442 = vector.shape_cast %get3A_441 : vector<1x16xf32> to vector<16xf32>
        %get3A_443 = arith.index_cast %add3A_322 : i32 to index
        %get3A_444 = arith.constant 112 : index
        %get3A_445 = tpu.vector_load %arg14[%get3A_443, %get3A_444] {strides = array<i32>} : memref<64x128xf32, #tpu.memory_space<vmem>>, vector<1x16xf32>,
        %get3A_446 = vector.shape_cast %get3A_445 : vector<1x16xf32> to vector<16xf32>
        %add3A_447 = arith.addf %get3A_442, %get3A_446 : vector<16xf32>
        %max3A_448 = arith.constant 0.000000e+00 : f32
        %max3A_449 = vector.broadcast %max3A_448 : f32 to vector<16xf32>
        %max3A_450 = arith.maximumf %add3A_447, %max3A_449 : vector<16xf32>
        %swap3A_451 = arith.index_cast %add3A_322 : i32 to index
        %swap3A_452 = arith.constant 112 : index
        %swap3A_453 = tpu.vector_load %arg17[%swap3A_451, %swap3A_452] {strides = array<i32>} : memref<64x128xf32, #tpu.memory_space<vmem>>, vector<1x16xf32>,
        %swap3A_454 = vector.shape_cast %swap3A_453 : vector<1x16xf32> to vector<16xf32>
        %swap3A_455 = vector.shape_cast %max3A_450 : vector<16xf32> to vector<1x16xf32>
        tpu.vector_store %arg17[%swap3A_451, %swap3A_452], %swap3A_455 {strides = array<i32>} : memref<64x128xf32, #tpu.memory_space<vmem>>, vector<1x16xf32>,
      }
      %scan3A_304 = arith.constant 64 : i32
      %mul3A_305 = arith.constant 64 : i32
      %mul3A_306 = arith.muli %add3A_275, %mul3A_305 : i32
      %add3A_307 = arith.addi %mul3A_8, %mul3A_306 : i32
      %dma_wait3A_308 = tpu.memref_slice %arg4[%add3A_307] : memref<135168xi32, #tpu.memory_space<hbm>> -> memref<64xi32, #tpu.memory_space<hbm>>
      %dma_wait3A_309 = tpu.memref_slice %arg4[%add3A_307] : memref<135168xi32, #tpu.memory_space<hbm>> -> memref<64xi32, #tpu.memory_space<hbm>>
      tpu.wait_dma2 semaphore(%arg31 : memref<!tpu.dma_semaphore, #tpu.memory_space<semaphore_mem>>) src(%dma_wait3A_309 : memref<64xi32, #tpu.memory_space<hbm>>) dst(%arg12 : memref<64xi32, #tpu.memory_space<vmem>>)
      %ge3A_310 = arith.constant 1 : i32
      %ge3A_311 = arith.cmpi sge, %add3A_275, %ge3A_310 : i32
      %convert_element_type3A_312 = arith.extui %ge3A_311 : i1 to i32
      %cond3A_313 = arith.constant 0 : i32
      %cond3A_314 = arith.cmpi ne, %convert_element_type3A_312, %cond3A_313 : i32
      scf.if %cond3A_314 {
        %dma_wait3A_318 = arith.constant 0 : i32
        %dma_wait3A_319 = arith.constant 0 : i32
        %dma_wait3A_320 = tpu.memref_slice %arg18[%dma_wait3A_318, %dma_wait3A_319] : memref<10240x128xf32, #tpu.memory_space<vmem_shared>> -> memref<10240x128xf32, #tpu.memory_space<vmem_shared>>
        tpu.wait_indirect_dma semaphore(%arg25 : memref<!tpu.dma_semaphore, #tpu.memory_space<semaphore_mem>>) src(%arg16 : memref<64x128xf32, #tpu.memory_space<vmem>>) dst(%dma_wait3A_320 : memref<10240x128xf32, #tpu.memory_space<vmem_shared>>)
      } else {
      }
      %dma_start3A_315 = arith.constant 0 : i32
      %dma_start3A_316 = arith.constant 0 : i32
      %dma_start3A_317 = tpu.memref_slice %arg18[%dma_start3A_315, %dma_start3A_316] : memref<10240x128xf32, #tpu.memory_space<vmem_shared>> -> memref<10240x128xf32, #tpu.memory_space<vmem_shared>>
      tpu.enqueue_indirect_dma source(%arg17 : memref<64x128xf32, #tpu.memory_space<vmem>>) target(%dma_start3A_317 : memref<10240x128xf32, #tpu.memory_space<vmem_shared>>) offsets(%arg12 : memref<64xi32, #tpu.memory_space<vmem>>) semaphore(%arg26 : memref<!tpu.dma_semaphore, #tpu.memory_space<semaphore_mem>>) {add = true}
    }
    %scan3A_39 = arith.constant 11 : i32
    %dma_wait3A_40 = arith.constant 0 : i32
    %dma_wait3A_41 = arith.constant 0 : i32
    %dma_wait3A_42 = tpu.memref_slice %arg18[%dma_wait3A_40, %dma_wait3A_41] : memref<10240x128xf32, #tpu.memory_space<vmem_shared>> -> memref<10240x128xf32, #tpu.memory_space<vmem_shared>>
    tpu.wait_indirect_dma semaphore(%arg26 : memref<!tpu.dma_semaphore, #tpu.memory_space<semaphore_mem>>) src(%arg17 : memref<64x128xf32, #tpu.memory_space<vmem>>) dst(%dma_wait3A_42 : memref<10240x128xf32, #tpu.memory_space<vmem_shared>>)
    %lt3A = arith.constant 0 : i32
    %lt3A_43 = arith.cmpi slt, %add3A, %lt3A : i32
    %convert_element_type3A = arith.extui %lt3A_43 : i1 to i32
    %cond3A = arith.constant 0 : i32
    %cond3A_44 = arith.cmpi ne, %convert_element_type3A, %cond3A : i32
    scf.if %cond3A_44 {
      %add3A_50 = arith.constant 2112 : i32
      %add3A_51 = arith.addi %add3A_50, %add3A : i32
      %mul3A_52 = arith.constant 64 : i32
      %mul3A_53 = arith.muli %add3A_51, %mul3A_52 : i32
      %dma_start3A_54 = tpu.memref_slice %arg3[%mul3A_53] : memref<135168xi32, #tpu.memory_space<hbm>> -> memref<64xi32, #tpu.memory_space<hbm>>
      %dma_start3A_55 = tpu.memref_slice %arg3[%mul3A_53] : memref<135168xi32, #tpu.memory_space<hbm>> -> memref<64xi32, #tpu.memory_space<hbm>>
      tpu.enqueue_dma source(%dma_start3A_55 : memref<64xi32, #tpu.memory_space<hbm>>) target(%arg8 : memref<64xi32, #tpu.memory_space<vmem>>) target_semaphore(%arg27 : memref<!tpu.dma_semaphore, #tpu.memory_space<semaphore_mem>>)
      %dma_start3A_56 = tpu.memref_slice %arg4[%mul3A_53] : memref<135168xi32, #tpu.memory_space<hbm>> -> memref<64xi32, #tpu.memory_space<hbm>>
      %dma_start3A_57 = tpu.memref_slice %arg4[%mul3A_53] : memref<135168xi32, #tpu.memory_space<hbm>> -> memref<64xi32, #tpu.memory_space<hbm>>
      tpu.enqueue_dma source(%dma_start3A_57 : memref<64xi32, #tpu.memory_space<hbm>>) target(%arg10 : memref<64xi32, #tpu.memory_space<vmem>>) target_semaphore(%arg29 : memref<!tpu.dma_semaphore, #tpu.memory_space<semaphore_mem>>)
      %dma_wait3A_58 = tpu.memref_slice %arg3[%mul3A_53] : memref<135168xi32, #tpu.memory_space<hbm>> -> memref<64xi32, #tpu.memory_space<hbm>>
      %dma_wait3A_59 = tpu.memref_slice %arg3[%mul3A_53] : memref<135168xi32, #tpu.memory_space<hbm>> -> memref<64xi32, #tpu.memory_space<hbm>>
      tpu.wait_dma2 semaphore(%arg27 : memref<!tpu.dma_semaphore, #tpu.memory_space<semaphore_mem>>) src(%dma_wait3A_59 : memref<64xi32, #tpu.memory_space<hbm>>) dst(%arg8 : memref<64xi32, #tpu.memory_space<vmem>>)
      %dma_start3A_60 = arith.constant 0 : i32
      %dma_start3A_61 = arith.constant 0 : i32
      %dma_start3A_62 = tpu.memref_slice %arg2[%dma_start3A_60, %dma_start3A_61] : memref<10000x128xf32, #tpu.memory_space<hbm>> -> memref<10000x128xf32, #tpu.memory_space<hbm>>
      tpu.enqueue_indirect_dma source(%dma_start3A_62 : memref<10000x128xf32, #tpu.memory_space<hbm>>) target(%arg13 : memref<64x128xf32, #tpu.memory_space<vmem>>) offsets(%arg8 : memref<64xi32, #tpu.memory_space<vmem>>) semaphore(%arg19 : memref<!tpu.dma_semaphore, #tpu.memory_space<semaphore_mem>>)
      %dma_start3A_63 = arith.constant 0 : i32
      %dma_start3A_64 = tpu.memref_slice %arg5[%mul3A_53, %dma_start3A_63] : memref<135168x128xf32, #tpu.memory_space<hbm>> -> memref<64x128xf32, #tpu.memory_space<hbm>>
      %dma_start3A_65 = arith.constant 0 : i32
      %dma_start3A_66 = tpu.memref_slice %arg5[%mul3A_53, %dma_start3A_65] : memref<135168x128xf32, #tpu.memory_space<hbm>> -> memref<64x128xf32, #tpu.memory_space<hbm>>
      tpu.enqueue_dma source(%dma_start3A_66 : memref<64x128xf32, #tpu.memory_space<hbm>>) target(%arg15 : memref<64x128xf32, #tpu.memory_space<vmem>>) target_semaphore(%arg21 : memref<!tpu.dma_semaphore, #tpu.memory_space<semaphore_mem>>)
      %dma_wait3A_67 = arith.constant 0 : i32
      %dma_wait3A_68 = arith.constant 0 : i32
      %dma_wait3A_69 = tpu.memref_slice %arg2[%dma_wait3A_67, %dma_wait3A_68] : memref<10000x128xf32, #tpu.memory_space<hbm>> -> memref<10000x128xf32, #tpu.memory_space<hbm>>
      tpu.wait_indirect_dma semaphore(%arg19 : memref<!tpu.dma_semaphore, #tpu.memory_space<semaphore_mem>>) src(%dma_wait3A_69 : memref<10000x128xf32, #tpu.memory_space<hbm>>) dst(%arg13 : memref<64x128xf32, #tpu.memory_space<vmem>>)
      %dma_wait3A_70 = arith.constant 0 : i32
      %dma_wait3A_71 = tpu.memref_slice %arg5[%mul3A_53, %dma_wait3A_70] : memref<135168x128xf32, #tpu.memory_space<hbm>> -> memref<64x128xf32, #tpu.memory_space<hbm>>
      %dma_wait3A_72 = arith.constant 0 : i32
      %dma_wait3A_73 = tpu.memref_slice %arg5[%mul3A_53, %dma_wait3A_72] : memref<135168x128xf32, #tpu.memory_space<hbm>> -> memref<64x128xf32, #tpu.memory_space<hbm>>
      tpu.wait_dma2 semaphore(%arg21 : memref<!tpu.dma_semaphore, #tpu.memory_space<semaphore_mem>>) src(%dma_wait3A_73 : memref<64x128xf32, #tpu.memory_space<hbm>>) dst(%arg15 : memref<64x128xf32, #tpu.memory_space<vmem>>)
      %scan3A_74 = arith.constant 0 : i32
      %scan3A_75 = arith.constant 64 : i32
      %scan3A_76 = arith.addi %scan3A_74, %scan3A_75 : i32
      %scan3A_77 = arith.constant 1 : i32
      scf.for %scan3A_87 = %scan3A_74 to %scan3A_76 step %scan3A_77  : i32 {
        %mul3A_88 = arith.constant 1 : i32
        %mul3A_89 = arith.muli %scan3A_87, %mul3A_88 : i32
        %add3A_90 = arith.constant 0 : i32
        %add3A_91 = arith.addi %add3A_90, %mul3A_89 : i32
        %get3A = arith.index_cast %add3A_91 : i32 to index
        %get3A_92 = arith.constant 0 : index
        %get3A_93 = tpu.vector_load %arg15[%get3A, %get3A_92] {strides = array<i32>} : memref<64x128xf32, #tpu.memory_space<vmem>>, vector<1x16xf32>,
        %get3A_94 = vector.shape_cast %get3A_93 : vector<1x16xf32> to vector<16xf32>
        %get3A_95 = arith.index_cast %add3A_91 : i32 to index
        %get3A_96 = arith.constant 0 : index
        %get3A_97 = tpu.vector_load %arg13[%get3A_95, %get3A_96] {strides = array<i32>} : memref<64x128xf32, #tpu.memory_space<vmem>>, vector<1x16xf32>,
        %get3A_98 = vector.shape_cast %get3A_97 : vector<1x16xf32> to vector<16xf32>
        %add3A_99 = arith.addf %get3A_94, %get3A_98 : vector<16xf32>
        %max3A = arith.constant 0.000000e+00 : f32
        %max3A_100 = vector.broadcast %max3A : f32 to vector<16xf32>
        %max3A_101 = arith.maximumf %add3A_99, %max3A_100 : vector<16xf32>
        %swap3A = arith.index_cast %add3A_91 : i32 to index
        %swap3A_102 = arith.constant 0 : index
        %swap3A_103 = tpu.vector_load %arg15[%swap3A, %swap3A_102] {strides = array<i32>} : memref<64x128xf32, #tpu.memory_space<vmem>>, vector<1x16xf32>,
        %swap3A_104 = vector.shape_cast %swap3A_103 : vector<1x16xf32> to vector<16xf32>
        %swap3A_105 = vector.shape_cast %max3A_101 : vector<16xf32> to vector<1x16xf32>
        tpu.vector_store %arg15[%swap3A, %swap3A_102], %swap3A_105 {strides = array<i32>} : memref<64x128xf32, #tpu.memory_space<vmem>>, vector<1x16xf32>,
        %get3A_106 = arith.index_cast %add3A_91 : i32 to index
        %get3A_107 = arith.constant 16 : index
        %get3A_108 = tpu.vector_load %arg15[%get3A_106, %get3A_107] {strides = array<i32>} : memref<64x128xf32, #tpu.memory_space<vmem>>, vector<1x16xf32>,
        %get3A_109 = vector.shape_cast %get3A_108 : vector<1x16xf32> to vector<16xf32>
        %get3A_110 = arith.index_cast %add3A_91 : i32 to index
        %get3A_111 = arith.constant 16 : index
        %get3A_112 = tpu.vector_load %arg13[%get3A_110, %get3A_111] {strides = array<i32>} : memref<64x128xf32, #tpu.memory_space<vmem>>, vector<1x16xf32>,
        %get3A_113 = vector.shape_cast %get3A_112 : vector<1x16xf32> to vector<16xf32>
        %add3A_114 = arith.addf %get3A_109, %get3A_113 : vector<16xf32>
        %max3A_115 = arith.constant 0.000000e+00 : f32
        %max3A_116 = vector.broadcast %max3A_115 : f32 to vector<16xf32>
        %max3A_117 = arith.maximumf %add3A_114, %max3A_116 : vector<16xf32>
        %swap3A_118 = arith.index_cast %add3A_91 : i32 to index
        %swap3A_119 = arith.constant 16 : index
        %swap3A_120 = tpu.vector_load %arg15[%swap3A_118, %swap3A_119] {strides = array<i32>} : memref<64x128xf32, #tpu.memory_space<vmem>>, vector<1x16xf32>,
        %swap3A_121 = vector.shape_cast %swap3A_120 : vector<1x16xf32> to vector<16xf32>
        %swap3A_122 = vector.shape_cast %max3A_117 : vector<16xf32> to vector<1x16xf32>
        tpu.vector_store %arg15[%swap3A_118, %swap3A_119], %swap3A_122 {strides = array<i32>} : memref<64x128xf32, #tpu.memory_space<vmem>>, vector<1x16xf32>,
        %get3A_123 = arith.index_cast %add3A_91 : i32 to index
        %get3A_124 = arith.constant 32 : index
        %get3A_125 = tpu.vector_load %arg15[%get3A_123, %get3A_124] {strides = array<i32>} : memref<64x128xf32, #tpu.memory_space<vmem>>, vector<1x16xf32>,
        %get3A_126 = vector.shape_cast %get3A_125 : vector<1x16xf32> to vector<16xf32>
        %get3A_127 = arith.index_cast %add3A_91 : i32 to index
        %get3A_128 = arith.constant 32 : index
        %get3A_129 = tpu.vector_load %arg13[%get3A_127, %get3A_128] {strides = array<i32>} : memref<64x128xf32, #tpu.memory_space<vmem>>, vector<1x16xf32>,
        %get3A_130 = vector.shape_cast %get3A_129 : vector<1x16xf32> to vector<16xf32>
        %add3A_131 = arith.addf %get3A_126, %get3A_130 : vector<16xf32>
        %max3A_132 = arith.constant 0.000000e+00 : f32
        %max3A_133 = vector.broadcast %max3A_132 : f32 to vector<16xf32>
        %max3A_134 = arith.maximumf %add3A_131, %max3A_133 : vector<16xf32>
        %swap3A_135 = arith.index_cast %add3A_91 : i32 to index
        %swap3A_136 = arith.constant 32 : index
        %swap3A_137 = tpu.vector_load %arg15[%swap3A_135, %swap3A_136] {strides = array<i32>} : memref<64x128xf32, #tpu.memory_space<vmem>>, vector<1x16xf32>,
        %swap3A_138 = vector.shape_cast %swap3A_137 : vector<1x16xf32> to vector<16xf32>
        %swap3A_139 = vector.shape_cast %max3A_134 : vector<16xf32> to vector<1x16xf32>
        tpu.vector_store %arg15[%swap3A_135, %swap3A_136], %swap3A_139 {strides = array<i32>} : memref<64x128xf32, #tpu.memory_space<vmem>>, vector<1x16xf32>,
        %get3A_140 = arith.index_cast %add3A_91 : i32 to index
        %get3A_141 = arith.constant 48 : index
        %get3A_142 = tpu.vector_load %arg15[%get3A_140, %get3A_141] {strides = array<i32>} : memref<64x128xf32, #tpu.memory_space<vmem>>, vector<1x16xf32>,
        %get3A_143 = vector.shape_cast %get3A_142 : vector<1x16xf32> to vector<16xf32>
        %get3A_144 = arith.index_cast %add3A_91 : i32 to index
        %get3A_145 = arith.constant 48 : index
        %get3A_146 = tpu.vector_load %arg13[%get3A_144, %get3A_145] {strides = array<i32>} : memref<64x128xf32, #tpu.memory_space<vmem>>, vector<1x16xf32>,
        %get3A_147 = vector.shape_cast %get3A_146 : vector<1x16xf32> to vector<16xf32>
        %add3A_148 = arith.addf %get3A_143, %get3A_147 : vector<16xf32>
        %max3A_149 = arith.constant 0.000000e+00 : f32
        %max3A_150 = vector.broadcast %max3A_149 : f32 to vector<16xf32>
        %max3A_151 = arith.maximumf %add3A_148, %max3A_150 : vector<16xf32>
        %swap3A_152 = arith.index_cast %add3A_91 : i32 to index
        %swap3A_153 = arith.constant 48 : index
        %swap3A_154 = tpu.vector_load %arg15[%swap3A_152, %swap3A_153] {strides = array<i32>} : memref<64x128xf32, #tpu.memory_space<vmem>>, vector<1x16xf32>,
        %swap3A_155 = vector.shape_cast %swap3A_154 : vector<1x16xf32> to vector<16xf32>
        %swap3A_156 = vector.shape_cast %max3A_151 : vector<16xf32> to vector<1x16xf32>
        tpu.vector_store %arg15[%swap3A_152, %swap3A_153], %swap3A_156 {strides = array<i32>} : memref<64x128xf32, #tpu.memory_space<vmem>>, vector<1x16xf32>,
        %get3A_157 = arith.index_cast %add3A_91 : i32 to index
        %get3A_158 = arith.constant 64 : index
        %get3A_159 = tpu.vector_load %arg15[%get3A_157, %get3A_158] {strides = array<i32>} : memref<64x128xf32, #tpu.memory_space<vmem>>, vector<1x16xf32>,
        %get3A_160 = vector.shape_cast %get3A_159 : vector<1x16xf32> to vector<16xf32>
        %get3A_161 = arith.index_cast %add3A_91 : i32 to index
        %get3A_162 = arith.constant 64 : index
        %get3A_163 = tpu.vector_load %arg13[%get3A_161, %get3A_162] {strides = array<i32>} : memref<64x128xf32, #tpu.memory_space<vmem>>, vector<1x16xf32>,
        %get3A_164 = vector.shape_cast %get3A_163 : vector<1x16xf32> to vector<16xf32>
        %add3A_165 = arith.addf %get3A_160, %get3A_164 : vector<16xf32>
        %max3A_166 = arith.constant 0.000000e+00 : f32
        %max3A_167 = vector.broadcast %max3A_166 : f32 to vector<16xf32>
        %max3A_168 = arith.maximumf %add3A_165, %max3A_167 : vector<16xf32>
        %swap3A_169 = arith.index_cast %add3A_91 : i32 to index
        %swap3A_170 = arith.constant 64 : index
        %swap3A_171 = tpu.vector_load %arg15[%swap3A_169, %swap3A_170] {strides = array<i32>} : memref<64x128xf32, #tpu.memory_space<vmem>>, vector<1x16xf32>,
        %swap3A_172 = vector.shape_cast %swap3A_171 : vector<1x16xf32> to vector<16xf32>
        %swap3A_173 = vector.shape_cast %max3A_168 : vector<16xf32> to vector<1x16xf32>
        tpu.vector_store %arg15[%swap3A_169, %swap3A_170], %swap3A_173 {strides = array<i32>} : memref<64x128xf32, #tpu.memory_space<vmem>>, vector<1x16xf32>,
        %get3A_174 = arith.index_cast %add3A_91 : i32 to index
        %get3A_175 = arith.constant 80 : index
        %get3A_176 = tpu.vector_load %arg15[%get3A_174, %get3A_175] {strides = array<i32>} : memref<64x128xf32, #tpu.memory_space<vmem>>, vector<1x16xf32>,
        %get3A_177 = vector.shape_cast %get3A_176 : vector<1x16xf32> to vector<16xf32>
        %get3A_178 = arith.index_cast %add3A_91 : i32 to index
        %get3A_179 = arith.constant 80 : index
        %get3A_180 = tpu.vector_load %arg13[%get3A_178, %get3A_179] {strides = array<i32>} : memref<64x128xf32, #tpu.memory_space<vmem>>, vector<1x16xf32>,
        %get3A_181 = vector.shape_cast %get3A_180 : vector<1x16xf32> to vector<16xf32>
        %add3A_182 = arith.addf %get3A_177, %get3A_181 : vector<16xf32>
        %max3A_183 = arith.constant 0.000000e+00 : f32
        %max3A_184 = vector.broadcast %max3A_183 : f32 to vector<16xf32>
        %max3A_185 = arith.maximumf %add3A_182, %max3A_184 : vector<16xf32>
        %swap3A_186 = arith.index_cast %add3A_91 : i32 to index
        %swap3A_187 = arith.constant 80 : index
        %swap3A_188 = tpu.vector_load %arg15[%swap3A_186, %swap3A_187] {strides = array<i32>} : memref<64x128xf32, #tpu.memory_space<vmem>>, vector<1x16xf32>,
        %swap3A_189 = vector.shape_cast %swap3A_188 : vector<1x16xf32> to vector<16xf32>
        %swap3A_190 = vector.shape_cast %max3A_185 : vector<16xf32> to vector<1x16xf32>
        tpu.vector_store %arg15[%swap3A_186, %swap3A_187], %swap3A_190 {strides = array<i32>} : memref<64x128xf32, #tpu.memory_space<vmem>>, vector<1x16xf32>,
        %get3A_191 = arith.index_cast %add3A_91 : i32 to index
        %get3A_192 = arith.constant 96 : index
        %get3A_193 = tpu.vector_load %arg15[%get3A_191, %get3A_192] {strides = array<i32>} : memref<64x128xf32, #tpu.memory_space<vmem>>, vector<1x16xf32>,
        %get3A_194 = vector.shape_cast %get3A_193 : vector<1x16xf32> to vector<16xf32>
        %get3A_195 = arith.index_cast %add3A_91 : i32 to index
        %get3A_196 = arith.constant 96 : index
        %get3A_197 = tpu.vector_load %arg13[%get3A_195, %get3A_196] {strides = array<i32>} : memref<64x128xf32, #tpu.memory_space<vmem>>, vector<1x16xf32>,
        %get3A_198 = vector.shape_cast %get3A_197 : vector<1x16xf32> to vector<16xf32>
        %add3A_199 = arith.addf %get3A_194, %get3A_198 : vector<16xf32>
        %max3A_200 = arith.constant 0.000000e+00 : f32
        %max3A_201 = vector.broadcast %max3A_200 : f32 to vector<16xf32>
        %max3A_202 = arith.maximumf %add3A_199, %max3A_201 : vector<16xf32>
        %swap3A_203 = arith.index_cast %add3A_91 : i32 to index
        %swap3A_204 = arith.constant 96 : index
        %swap3A_205 = tpu.vector_load %arg15[%swap3A_203, %swap3A_204] {strides = array<i32>} : memref<64x128xf32, #tpu.memory_space<vmem>>, vector<1x16xf32>,
        %swap3A_206 = vector.shape_cast %swap3A_205 : vector<1x16xf32> to vector<16xf32>
        %swap3A_207 = vector.shape_cast %max3A_202 : vector<16xf32> to vector<1x16xf32>
        tpu.vector_store %arg15[%swap3A_203, %swap3A_204], %swap3A_207 {strides = array<i32>} : memref<64x128xf32, #tpu.memory_space<vmem>>, vector<1x16xf32>,
        %get3A_208 = arith.index_cast %add3A_91 : i32 to index
        %get3A_209 = arith.constant 112 : index
        %get3A_210 = tpu.vector_load %arg15[%get3A_208, %get3A_209] {strides = array<i32>} : memref<64x128xf32, #tpu.memory_space<vmem>>, vector<1x16xf32>,
        %get3A_211 = vector.shape_cast %get3A_210 : vector<1x16xf32> to vector<16xf32>
        %get3A_212 = arith.index_cast %add3A_91 : i32 to index
        %get3A_213 = arith.constant 112 : index
        %get3A_214 = tpu.vector_load %arg13[%get3A_212, %get3A_213] {strides = array<i32>} : memref<64x128xf32, #tpu.memory_space<vmem>>, vector<1x16xf32>,
        %get3A_215 = vector.shape_cast %get3A_214 : vector<1x16xf32> to vector<16xf32>
        %add3A_216 = arith.addf %get3A_211, %get3A_215 : vector<16xf32>
        %max3A_217 = arith.constant 0.000000e+00 : f32
        %max3A_218 = vector.broadcast %max3A_217 : f32 to vector<16xf32>
        %max3A_219 = arith.maximumf %add3A_216, %max3A_218 : vector<16xf32>
        %swap3A_220 = arith.index_cast %add3A_91 : i32 to index
        %swap3A_221 = arith.constant 112 : index
        %swap3A_222 = tpu.vector_load %arg15[%swap3A_220, %swap3A_221] {strides = array<i32>} : memref<64x128xf32, #tpu.memory_space<vmem>>, vector<1x16xf32>,
        %swap3A_223 = vector.shape_cast %swap3A_222 : vector<1x16xf32> to vector<16xf32>
        %swap3A_224 = vector.shape_cast %max3A_219 : vector<16xf32> to vector<1x16xf32>
        tpu.vector_store %arg15[%swap3A_220, %swap3A_221], %swap3A_224 {strides = array<i32>} : memref<64x128xf32, #tpu.memory_space<vmem>>, vector<1x16xf32>,
      }
      %scan3A_78 = arith.constant 64 : i32
      %dma_wait3A_79 = tpu.memref_slice %arg4[%mul3A_53] : memref<135168xi32, #tpu.memory_space<hbm>> -> memref<64xi32, #tpu.memory_space<hbm>>
      %dma_wait3A_80 = tpu.memref_slice %arg4[%mul3A_53] : memref<135168xi32, #tpu.memory_space<hbm>> -> memref<64xi32, #tpu.memory_space<hbm>>
      tpu.wait_dma2 semaphore(%arg29 : memref<!tpu.dma_semaphore, #tpu.memory_space<semaphore_mem>>) src(%dma_wait3A_80 : memref<64xi32, #tpu.memory_space<hbm>>) dst(%arg10 : memref<64xi32, #tpu.memory_space<vmem>>)
      %dma_start3A_81 = arith.constant 0 : i32
      %dma_start3A_82 = arith.constant 0 : i32
      %dma_start3A_83 = tpu.memref_slice %arg18[%dma_start3A_81, %dma_start3A_82] : memref<10240x128xf32, #tpu.memory_space<vmem_shared>> -> memref<10240x128xf32, #tpu.memory_space<vmem_shared>>
      tpu.enqueue_indirect_dma source(%arg15 : memref<64x128xf32, #tpu.memory_space<vmem>>) target(%dma_start3A_83 : memref<10240x128xf32, #tpu.memory_space<vmem_shared>>) offsets(%arg10 : memref<64xi32, #tpu.memory_space<vmem>>) semaphore(%arg24 : memref<!tpu.dma_semaphore, #tpu.memory_space<semaphore_mem>>) {add = true}
      %dma_wait3A_84 = arith.constant 0 : i32
      %dma_wait3A_85 = arith.constant 0 : i32
      %dma_wait3A_86 = tpu.memref_slice %arg18[%dma_wait3A_84, %dma_wait3A_85] : memref<10240x128xf32, #tpu.memory_space<vmem_shared>> -> memref<10240x128xf32, #tpu.memory_space<vmem_shared>>
      tpu.wait_indirect_dma semaphore(%arg24 : memref<!tpu.dma_semaphore, #tpu.memory_space<semaphore_mem>>) src(%arg15 : memref<64x128xf32, #tpu.memory_space<vmem>>) dst(%dma_wait3A_86 : memref<10240x128xf32, #tpu.memory_space<vmem_shared>>)
    } else {
    }
    %barrier3A_45 = arith.constant 0 : index
    tpu.barrier barrier_id(%barrier3A_45)
    %mul3A_46 = arith.constant 640 : i32
    %mul3A_47 = arith.muli %arg1, %mul3A_46 : i32
    %mul3A_48 = arith.constant 640 : i32
    %mul3A_49 = arith.muli %arg1, %mul3A_48 : i32
    "tpu.region"() ({
      %run_scoped3A = tpu.sem_alloc : memref<!tpu.dma_semaphore, #tpu.memory_space<semaphore_mem>>
      %dma_start3A_50 = arith.constant 0 : i32
      %dma_start3A_51 = tpu.memref_slice %arg7[%arg0, %mul3A_49, %dma_start3A_50] : memref<2x10240x128xf32, #tpu.memory_space<hbm>> -> memref<1x640x128xf32, #tpu.memory_space<hbm>>
      %dma_start3A_52 = tpu.memref_squeeze %dma_start3A_51 : memref<1x640x128xf32, #tpu.memory_space<hbm>> -> memref<640x128xf32, #tpu.memory_space<hbm>>
      %dma_start3A_53 = arith.constant 0 : i32
      %dma_start3A_54 = tpu.memref_slice %arg18[%mul3A_47, %dma_start3A_53] : memref<10240x128xf32, #tpu.memory_space<vmem_shared>> -> memref<640x128xf32, #tpu.memory_space<vmem_shared>>
      tpu.enqueue_dma source(%dma_start3A_54 : memref<640x128xf32, #tpu.memory_space<vmem_shared>>) target(%dma_start3A_52 : memref<640x128xf32, #tpu.memory_space<hbm>>) target_semaphore(%run_scoped3A : memref<!tpu.dma_semaphore, #tpu.memory_space<semaphore_mem>>)
      %dma_wait3A_55 = arith.constant 0 : i32
      %dma_wait3A_56 = tpu.memref_slice %arg7[%arg0, %mul3A_49, %dma_wait3A_55] : memref<2x10240x128xf32, #tpu.memory_space<hbm>> -> memref<1x640x128xf32, #tpu.memory_space<hbm>>
      %dma_wait3A_57 = tpu.memref_squeeze %dma_wait3A_56 : memref<1x640x128xf32, #tpu.memory_space<hbm>> -> memref<640x128xf32, #tpu.memory_space<hbm>>
      %dma_wait3A_58 = arith.constant 0 : i32
      %dma_wait3A_59 = tpu.memref_slice %arg18[%mul3A_47, %dma_wait3A_58] : memref<10240x128xf32, #tpu.memory_space<vmem_shared>> -> memref<640x128xf32, #tpu.memory_space<vmem_shared>>
      tpu.wait_dma2 semaphore(%run_scoped3A : memref<!tpu.dma_semaphore, #tpu.memory_space<semaphore_mem>>) src(%dma_wait3A_59 : memref<640x128xf32, #tpu.memory_space<vmem_shared>>) dst(%dma_wait3A_57 : memref<640x128xf32, #tpu.memory_space<hbm>>)
      tpu.yield
    }) : () -> ()
    return
  }
}

module attributes {stable_mosaic.version = 14 : i64} {
  func.func @_proj_body(%arg0: i32, %arg1: memref<8448x16xf32, #tpu.memory_space<vmem>>, %arg2: memref<16x128xf32, #tpu.memory_space<vmem>>, %arg3: memref<1x128xf32, #tpu.memory_space<vmem>>, %arg4: memref<8448x128xf32, #tpu.memory_space<vmem>>) attributes {dimension_semantics = [#tpu.dimension_semantics<arbitrary>], iteration_bounds = array<i64: 16>, scalar_prefetch = 0 : i64, scratch_operands = 0 : i64, tpu.core_type = #tpu.core_type<tc>, window_params = [{transform_indices = @transform_0, window_bounds = array<i64: 8448, 16>}, {pipeline_mode = #tpu.pipeline_mode<synchronous>, transform_indices = @transform_1, window_bounds = array<i64: 16, 128>}, {pipeline_mode = #tpu.pipeline_mode<synchronous>, transform_indices = @transform_2, window_bounds = array<i64: 1, 128>}, {transform_indices = @transform_3, window_bounds = array<i64: 8448, 128>}]} {
    %get3A = arith.constant 0 : index
    %get3A_0 = arith.constant 0 : index
    %get3A_1 = vector.load %arg1[%get3A, %get3A_0] : memref<8448x16xf32, #tpu.memory_space<vmem>>, vector<8448x16xf32>
    %get3A_2 = arith.constant 0 : index
    %get3A_3 = arith.constant 0 : index
    %get3A_4 = vector.load %arg2[%get3A_2, %get3A_3] : memref<16x128xf32, #tpu.memory_space<vmem>>, vector<16x128xf32>
    %dot_general3A = arith.constant dense<0.000000e+00> : vector<8448x128xf32>
    %dot_general3A_5 = tpu.matmul %get3A_1, %get3A_4, %dot_general3A {dimension_numbers = #tpu.dot_dimension_numbers<[1], [0], [0], [1], [0, 0, 1, 1], [], []>, transpose_lhs_hint = false} : vector<8448x16xf32>, vector<16x128xf32>, vector<8448x128xf32> -> vector<8448x128xf32>
    %get3A_6 = arith.constant 0 : index
    %get3A_7 = arith.constant 0 : index
    %get3A_8 = vector.load %arg3[%get3A_6, %get3A_7] : memref<1x128xf32, #tpu.memory_space<vmem>>, vector<1x128xf32>
    %add3A = vector.broadcast %get3A_8 : vector<1x128xf32> to vector<8448x128xf32>
    %add3A_9 = arith.addf %dot_general3A_5, %add3A : vector<8448x128xf32>
    %swap3A = arith.constant 0 : index
    %swap3A_10 = arith.constant 0 : index
    %swap3A_11 = vector.load %arg4[%swap3A, %swap3A_10] : memref<8448x128xf32, #tpu.memory_space<vmem>>, vector<8448x128xf32>
    tpu.vector_store %arg4[%swap3A, %swap3A_10], %add3A_9 {strides = array<i32>} : memref<8448x128xf32, #tpu.memory_space<vmem>>, vector<8448x128xf32>,
    return
  }
  func.func @transform_0(%arg0: i32) -> (i32, i32) {
    %c0_i32 = arith.constant 0 : i32
    %c0_i32_0 = arith.constant 0 : i32
    return %arg0, %c0_i32 : i32, i32
  }
  func.func @transform_1(%arg0: i32) -> (i32, i32) {
    %c0_i32 = arith.constant 0 : i32
    %c0_i32_0 = arith.constant 0 : i32
    %c0_i32_1 = arith.constant 0 : i32
    return %c0_i32, %c0_i32_0 : i32, i32
  }
  func.func @transform_2(%arg0: i32) -> (i32, i32) {
    %c0_i32 = arith.constant 0 : i32
    %c0_i32_0 = arith.constant 0 : i32
    %c0_i32_1 = arith.constant 0 : i32
    return %c0_i32, %c0_i32_0 : i32, i32
  }
  func.func @transform_3(%arg0: i32) -> (i32, i32) {
    %c0_i32 = arith.constant 0 : i32
    %c0_i32_0 = arith.constant 0 : i32
    return %arg0, %c0_i32 : i32, i32
  }
}

module attributes {stable_mosaic.version = 14 : i64} {
  func.func @_proj_body(%arg0: i32, %arg1: memref<5776x16xf32, #tpu.memory_space<vmem>>, %arg2: memref<16x128xf32, #tpu.memory_space<vmem>>, %arg3: memref<1x128xf32, #tpu.memory_space<vmem>>, %arg4: memref<5776x128xf32, #tpu.memory_space<vmem>>) attributes {dimension_semantics = [#tpu.dimension_semantics<arbitrary>], iteration_bounds = array<i64: 32>, scalar_prefetch = 0 : i64, scratch_operands = 0 : i64, tpu.core_type = #tpu.core_type<tc>, window_params = [{transform_indices = @transform_0, window_bounds = array<i64: 5776, 16>}, {pipeline_mode = #tpu.pipeline_mode<synchronous>, transform_indices = @transform_1, window_bounds = array<i64: 16, 128>}, {pipeline_mode = #tpu.pipeline_mode<synchronous>, transform_indices = @transform_2, window_bounds = array<i64: 1, 128>}, {transform_indices = @transform_3, window_bounds = array<i64: 5776, 128>}]} {
    %get3A = arith.constant 0 : index
    %get3A_0 = arith.constant 0 : index
    %get3A_1 = vector.load %arg1[%get3A, %get3A_0] : memref<5776x16xf32, #tpu.memory_space<vmem>>, vector<5776x16xf32>
    %get3A_2 = arith.constant 0 : index
    %get3A_3 = arith.constant 0 : index
    %get3A_4 = vector.load %arg2[%get3A_2, %get3A_3] : memref<16x128xf32, #tpu.memory_space<vmem>>, vector<16x128xf32>
    %dot_general3A = arith.constant dense<0.000000e+00> : vector<5776x128xf32>
    %dot_general3A_5 = tpu.matmul %get3A_1, %get3A_4, %dot_general3A {dimension_numbers = #tpu.dot_dimension_numbers<[1], [0], [0], [1], [0, 0, 1, 1], [], []>, transpose_lhs_hint = false} : vector<5776x16xf32>, vector<16x128xf32>, vector<5776x128xf32> -> vector<5776x128xf32>
    %get3A_6 = arith.constant 0 : index
    %get3A_7 = arith.constant 0 : index
    %get3A_8 = vector.load %arg3[%get3A_6, %get3A_7] : memref<1x128xf32, #tpu.memory_space<vmem>>, vector<1x128xf32>
    %add3A = vector.broadcast %get3A_8 : vector<1x128xf32> to vector<5776x128xf32>
    %add3A_9 = arith.addf %dot_general3A_5, %add3A : vector<5776x128xf32>
    %swap3A = arith.constant 0 : index
    %swap3A_10 = arith.constant 0 : index
    %swap3A_11 = vector.load %arg4[%swap3A, %swap3A_10] : memref<5776x128xf32, #tpu.memory_space<vmem>>, vector<5776x128xf32>
    tpu.vector_store %arg4[%swap3A, %swap3A_10], %add3A_9 {strides = array<i32>} : memref<5776x128xf32, #tpu.memory_space<vmem>>, vector<5776x128xf32>,
    return
  }
  func.func @transform_0(%arg0: i32) -> (i32, i32) {
    %c0_i32 = arith.constant 0 : i32
    %c0_i32_0 = arith.constant 0 : i32
    return %arg0, %c0_i32 : i32, i32
  }
  func.func @transform_1(%arg0: i32) -> (i32, i32) {
    %c0_i32 = arith.constant 0 : i32
    %c0_i32_0 = arith.constant 0 : i32
    %c0_i32_1 = arith.constant 0 : i32
    return %c0_i32, %c0_i32_0 : i32, i32
  }
  func.func @transform_2(%arg0: i32) -> (i32, i32) {
    %c0_i32 = arith.constant 0 : i32
    %c0_i32_0 = arith.constant 0 : i32
    %c0_i32_1 = arith.constant 0 : i32
    return %c0_i32, %c0_i32_0 : i32, i32
  }
  func.func @transform_3(%arg0: i32) -> (i32, i32) {
    %c0_i32 = arith.constant 0 : i32
    %c0_i32_0 = arith.constant 0 : i32
    return %arg0, %c0_i32 : i32, i32
  }
}

module attributes {stable_mosaic.version = 14 : i64} {
  func.func @_mlp_norm_body(%arg0: memref<10000x128xf32, #tpu.memory_space<vmem>>, %arg1: memref<2x10000x128xf32, #tpu.memory_space<vmem>>, %arg2: memref<128x128xf32, #tpu.memory_space<vmem>>, %arg3: memref<1x128xf32, #tpu.memory_space<vmem>>, %arg4: memref<128x128xf32, #tpu.memory_space<vmem>>, %arg5: memref<1x128xf32, #tpu.memory_space<vmem>>, %arg6: memref<1x128xf32, #tpu.memory_space<vmem>>, %arg7: memref<1x128xf32, #tpu.memory_space<vmem>>, %arg8: memref<1x128xf32, #tpu.memory_space<vmem>>, %arg9: memref<10000x128xf32, #tpu.memory_space<vmem>>) attributes {dimension_semantics = [], scalar_prefetch = 0 : i64, scratch_operands = 0 : i64, tpu.core_type = #tpu.core_type<tc>} {
    %get3A = arith.constant 0 : index
    %get3A_0 = arith.constant 0 : index
    %get3A_1 = vector.load %arg0[%get3A, %get3A_0] : memref<10000x128xf32, #tpu.memory_space<vmem>>, vector<10000x128xf32>
    %get3A_2 = arith.constant 0 : index
    %get3A_3 = arith.constant 0 : index
    %get3A_4 = arith.constant 0 : index
    %get3A_5 = vector.load %arg1[%get3A_2, %get3A_3, %get3A_4] : memref<2x10000x128xf32, #tpu.memory_space<vmem>>, vector<1x10000x128xf32>
    %get3A_6 = vector.shape_cast %get3A_5 : vector<1x10000x128xf32> to vector<10000x128xf32>
    %add3A = arith.addf %get3A_1, %get3A_6 : vector<10000x128xf32>
    %get3A_7 = arith.constant 1 : index
    %get3A_8 = arith.constant 0 : index
    %get3A_9 = arith.constant 0 : index
    %get3A_10 = vector.load %arg1[%get3A_7, %get3A_8, %get3A_9] : memref<2x10000x128xf32, #tpu.memory_space<vmem>>, vector<1x10000x128xf32>
    %get3A_11 = vector.shape_cast %get3A_10 : vector<1x10000x128xf32> to vector<10000x128xf32>
    %add3A_12 = arith.addf %add3A, %get3A_11 : vector<10000x128xf32>
    %get3A_13 = arith.constant 0 : index
    %get3A_14 = arith.constant 0 : index
    %get3A_15 = vector.load %arg2[%get3A_13, %get3A_14] : memref<128x128xf32, #tpu.memory_space<vmem>>, vector<128x128xf32>
    %dot_general3A = arith.constant dense<0.000000e+00> : vector<10000x128xf32>
    %dot_general3A_16 = tpu.matmul %add3A_12, %get3A_15, %dot_general3A {dimension_numbers = #tpu.dot_dimension_numbers<[1], [0], [0], [1], [0, 0, 1, 1], [], []>, transpose_lhs_hint = false} : vector<10000x128xf32>, vector<128x128xf32>, vector<10000x128xf32> -> vector<10000x128xf32>
    %get3A_17 = arith.constant 0 : index
    %get3A_18 = arith.constant 0 : index
    %get3A_19 = vector.load %arg3[%get3A_17, %get3A_18] : memref<1x128xf32, #tpu.memory_space<vmem>>, vector<1x128xf32>
    %add3A_20 = vector.broadcast %get3A_19 : vector<1x128xf32> to vector<10000x128xf32>
    %add3A_21 = arith.addf %dot_general3A_16, %add3A_20 : vector<10000x128xf32>
    %max3A = arith.constant 0.000000e+00 : f32
    %max3A_22 = vector.broadcast %max3A : f32 to vector<10000x128xf32>
    %max3A_23 = arith.maximumf %add3A_21, %max3A_22 : vector<10000x128xf32>
    %get3A_24 = arith.constant 0 : index
    %get3A_25 = arith.constant 0 : index
    %get3A_26 = vector.load %arg4[%get3A_24, %get3A_25] : memref<128x128xf32, #tpu.memory_space<vmem>>, vector<128x128xf32>
    %dot_general3A_27 = arith.constant dense<0.000000e+00> : vector<10000x128xf32>
    %dot_general3A_28 = tpu.matmul %max3A_23, %get3A_26, %dot_general3A_27 {dimension_numbers = #tpu.dot_dimension_numbers<[1], [0], [0], [1], [0, 0, 1, 1], [], []>, transpose_lhs_hint = false} : vector<10000x128xf32>, vector<128x128xf32>, vector<10000x128xf32> -> vector<10000x128xf32>
    %get3A_29 = arith.constant 0 : index
    %get3A_30 = arith.constant 0 : index
    %get3A_31 = vector.load %arg5[%get3A_29, %get3A_30] : memref<1x128xf32, #tpu.memory_space<vmem>>, vector<1x128xf32>
    %add3A_32 = vector.broadcast %get3A_31 : vector<1x128xf32> to vector<10000x128xf32>
    %add3A_33 = arith.addf %dot_general3A_28, %add3A_32 : vector<10000x128xf32>
    %reduce_sum3A = arith.constant dense<0.000000e+00> : vector<128xf32>
    %reduce_sum3A_34 = vector.multi_reduction <add>, %add3A_33, %reduce_sum3A [0] : vector<10000x128xf32> to vector<128xf32>
    %broadcast_in_dim3A = vector.shape_cast %reduce_sum3A_34 : vector<128xf32> to vector<1x128xf32>
    %div3A = arith.constant 1.000000e+04 : f32
    %div3A_35 = vector.broadcast %div3A : f32 to vector<1x128xf32>
    %div3A_36 = arith.divf %broadcast_in_dim3A, %div3A_35 : vector<1x128xf32>
    %get3A_37 = arith.constant 0 : index
    %get3A_38 = arith.constant 0 : index
    %get3A_39 = vector.load %arg8[%get3A_37, %get3A_38] : memref<1x128xf32, #tpu.memory_space<vmem>>, vector<1x128xf32>
    %mul3A = arith.mulf %get3A_39, %div3A_36 : vector<1x128xf32>
    %sub3A = vector.broadcast %mul3A : vector<1x128xf32> to vector<10000x128xf32>
    %sub3A_40 = arith.subf %add3A_33, %sub3A : vector<10000x128xf32>
    %mul3A_41 = arith.mulf %sub3A_40, %sub3A_40 : vector<10000x128xf32>
    %reduce_sum3A_42 = arith.constant dense<0.000000e+00> : vector<128xf32>
    %reduce_sum3A_43 = vector.multi_reduction <add>, %mul3A_41, %reduce_sum3A_42 [0] : vector<10000x128xf32> to vector<128xf32>
    %broadcast_in_dim3A_44 = vector.shape_cast %reduce_sum3A_43 : vector<128xf32> to vector<1x128xf32>
    %div3A_45 = arith.constant 1.000000e+04 : f32
    %div3A_46 = vector.broadcast %div3A_45 : f32 to vector<1x128xf32>
    %div3A_47 = arith.divf %broadcast_in_dim3A_44, %div3A_46 : vector<1x128xf32>
    %get3A_48 = arith.constant 0 : index
    %get3A_49 = arith.constant 0 : index
    %get3A_50 = vector.load %arg6[%get3A_48, %get3A_49] : memref<1x128xf32, #tpu.memory_space<vmem>>, vector<1x128xf32>
    %mul3A_51 = vector.broadcast %get3A_50 : vector<1x128xf32> to vector<10000x128xf32>
    %mul3A_52 = arith.mulf %mul3A_51, %sub3A_40 : vector<10000x128xf32>
    %add3A_53 = arith.constant 9.99999974E-6 : f32
    %add3A_54 = vector.broadcast %add3A_53 : f32 to vector<1x128xf32>
    %add3A_55 = arith.addf %div3A_47, %add3A_54 : vector<1x128xf32>
    %rsqrt3A = math.rsqrt %add3A_55 : vector<1x128xf32>
    %mul3A_56 = vector.broadcast %rsqrt3A : vector<1x128xf32> to vector<10000x128xf32>
    %mul3A_57 = arith.mulf %mul3A_52, %mul3A_56 : vector<10000x128xf32>
    %get3A_58 = arith.constant 0 : index
    %get3A_59 = arith.constant 0 : index
    %get3A_60 = vector.load %arg7[%get3A_58, %get3A_59] : memref<1x128xf32, #tpu.memory_space<vmem>>, vector<1x128xf32>
    %add3A_61 = vector.broadcast %get3A_60 : vector<1x128xf32> to vector<10000x128xf32>
    %add3A_62 = arith.addf %mul3A_57, %add3A_61 : vector<10000x128xf32>
    %max3A_63 = arith.constant 0.000000e+00 : f32
    %max3A_64 = vector.broadcast %max3A_63 : f32 to vector<10000x128xf32>
    %max3A_65 = arith.maximumf %add3A_62, %max3A_64 : vector<10000x128xf32>
    %swap3A = arith.constant 0 : index
    %swap3A_66 = arith.constant 0 : index
    %swap3A_67 = vector.load %arg9[%swap3A, %swap3A_66] : memref<10000x128xf32, #tpu.memory_space<vmem>>, vector<10000x128xf32>
    tpu.vector_store %arg9[%swap3A, %swap3A_66], %max3A_65 {strides = array<i32>} : memref<10000x128xf32, #tpu.memory_space<vmem>>, vector<10000x128xf32>,
    return
  }
}

</mosaic_0001>

<sc_bundles>
// kernel: kernel.10.cloned.1.call-start
scs
__scs_entry_jumppad:
0x0: {  	(pc) =	sbr.rel $0x88, $3  }
0x1: {  	(tag) =	ssettag $0x0;
	lr =	simm.s32 $0x1  }
0x2: {  	[smem:$0x3F95] =	sst lr;
	_ =	strace $0xD0000000  }
0x3: {  	_ = 	snop  }
0x4: {  	_ = 	snop  }
0x5: {  	_ = 	snop  }
0x6: {  	_ = 	snop  }
0x7: {  	_ = 	snop  }
__scs_overlays_trampoline_lowered:
0x8: {  	[smem:$0x3FA4] =	sst s0  }
0x9: {  	[smem:$0x3FA5] =	sst s1  }
0xa: {  	[smem:$0x3FA6] =	sst s2  }
0xb: {  	[smem:$0x3FA7] =	sst s3  }
0xc: {  	[smem:$0x3FA8] =	sst s4  }
0xd: {  	[smem:$0x3FA9] =	sst s5  }
0xe: {  	[smem:$0x3FAA] =	sst s6  }
0xf: {  	[smem:$0x3FAB] =	sst s7  }
0x10: {  	[smem:$0x3FAC] =	sst s8  }
0x11: {  	[smem:$0x3FAD] =	sst s9;
	s0 =	simm.s32 @!p0 $0x0  }
0x12: {  	s1 =	sld [smem:$0x3F93];
	s0 =	simm.s32 @p0 $0x1  }
0x13: {  	[smem:$0x3FAE] =	sst s0;
	s0 =	simm.s32 @!p1 $0x0  }
0x14: {  	s2 =	sld [smem:$0x3F92];
	s0 =	simm.s32 @p1 $0x1  }
0x15: {  	[smem:$0x3FAF] =	sst s0;
	s0 =	simm.s32 @!p2 $0x0  }
0x16: {  	s3 =	sld [smem:$0x3FDB];
	s0 =	simm.s32 @p2 $0x1  }
0x17: {  	s4 =	simm.s32 $0x1BF5;
	[smem:$0x3FB1] =	sst s0  }
0x18: {  	s0 =	sld [smem:$0x3F94];
	_ =	swait.ge [sflag:s4], $0x0  }
0x19: {  	s7 =	sld [smem:$0x3F95]  }
0x1a: {  	s8 =	sadd.s32 $0xFFFFE003, lr  }
0x1b: {  	s9 =	sadd.s32 $0xFFFFFEF7, lr;
	s5 =	simm.s32 $0xFFFFFFFF;
	p2 =	slt.u32 s8, $0xFFFFF086  }
0x1c: {  	p1 =	slt.u32 s9, $0xF7A;
	s5 =	simm.s32 @!p2 $0x0  }
0x1d: {  	s5 =	simm.s32 @p1 $0x1;
	p0 =	seq.s32 s7, s2  }
0x1e: {  	s7 =	smul.u32 @!p0 $0xF7A, s2;
	p2 =	seq.s32 @!p0 s5, $0x0  }
0x1f: {  	s9 =	smul.u32 $0xF7A, s1;
	s8 =	simm.s32 @!p0 $0x1BF5;
	p2 =	por !p2, p0  }
0x20: {  	[sflag:s8] =	ssyncset.s32 @!p0 $0xFFFFF086;
	s6 =	sadd.s32 @!p0 s3, s7;
	s7 =	simm.s32 @!p0 $0x108  }
0x21: {  	s3 =	sadd.s32 s3, s9;
	s6 =	sadd.s32 @!p0 $0x88, s6;
	s7 =	simm.s32 @p2 $0x1082  }
0x22: {  	[simem:s7], [sflag:s8] =	dma.local @!p0 [hbm:s6], $0xF7A  }
0x23: {  	s9 =	sor.u32 $0xD0000000, s2;
	s6 =	simm.s32 $0x108;
	_ =	swait.ge @!p0 [sflag:s8], $0x0  }
0x24: {  	s3 =	sadd.s32 $0x88, s3;
	s6 =	simm.s32 @!p1 $0x1082;
	[sflag:s4] =	ssyncset.s32 $0xFFFFF086  }
0x25: {  	[simem:s6], [sflag:s4] =	dma.local [hbm:s3], $0xF7A  }
0x26: {  	[smem:$0x3F95] =	sst s1;
	(tag) =	ssettag s2;
	_ =	strace s9  }
0x27: {  	s1 =	sld [smem:$0x3FA5]  }
0x28: {  	s2 =	sld [smem:$0x3FA6]  }
0x29: {  	s4 =	sld [smem:$0x3FA8]  }
0x2a: {  	p0 =	seq.s32 s5, $0x0;
	s5 =	sld [smem:$0x3FA9]  }
0x2b: {  	s6 =	sld [smem:$0x3FAA]  }
0x2c: {  	s7 =	sld [smem:$0x3FAB]  }
0x2d: {  	s3 =	simm.s32 $0x108;
	s8 =	sld [smem:$0x3FAC]  }
0x2e: {  	s3 =	simm.s32 @!p0 $0x1082;
	s9 =	sld [smem:$0x3FAD]  }
0x2f: {  	lr =	sadd.s32 s0, s3;
	s0 =	sld [smem:$0x3FA4]  }
0x30: {  	s3 =	sld [smem:$0x3FA7]  }
0x31: {  	[smem:$0x3FB0] =	sst s10  }
0x32: {  	s10 =	sld [smem:$0x3FAE];
	_ =	sdelay $0x3  }
0x33: {  	p0 =	seq.s32 s10, $0x1;
	s10 =	sld [smem:$0x3FB0];
	_ =	sdelay $0x3  }
0x34: {  	[smem:$0x3FB0] =	sst s10  }
0x35: {  	s10 =	sld [smem:$0x3FAF];
	_ =	sdelay $0x3  }
0x36: {  	p1 =	seq.s32 s10, $0x1;
	s10 =	sld [smem:$0x3FB0];
	_ =	sdelay $0x3  }
0x37: {  	[smem:$0x3FB0] =	sst s10  }
0x38: {  	s10 =	sld [smem:$0x3FB1]  }
0x39: {  	_ = 	snop;
	(pc) =	sbr.ind lr, $3  }
0x3a: {  	_ = 	snop  }
0x3b: {  	_ = 	snop  }
0x3c: {  	p2 =	seq.s32 s10, $0x1;
	s10 =	sld [smem:$0x3FB0]  }
0x3d: {  	_ =	shalt  }
0x3e: {  	_ =	shalt  }
0x3f: {  	_ =	shalt  }
0x40: {  	_ =	shalt  }
0x41: {  	_ =	shalt  }
0x42: {  	_ =	shalt  }
0x43: {  	_ =	shalt  }
0x44: {  	_ =	shalt  }
0x45: {  	_ =	shalt  }
0x46: {  	_ =	shalt  }
0x47: {  	_ =	shalt  }
0x48: {  	_ =	shalt  }
0x49: {  	_ =	shalt  }
0x4a: {  	_ =	shalt  }
0x4b: {  	_ =	shalt  }
0x4c: {  	_ =	shalt  }
0x4d: {  	_ =	shalt  }
0x4e: {  	_ =	shalt  }
0x4f: {  	_ =	shalt  }
0x50: {  	_ =	shalt  }
0x51: {  	_ =	shalt  }
0x52: {  	_ =	shalt  }
0x53: {  	_ =	shalt  }
0x54: {  	_ =	shalt  }
0x55: {  	_ =	shalt  }
0x56: {  	_ =	shalt  }
0x57: {  	_ =	shalt  }
0x58: {  	_ =	shalt  }
0x59: {  	_ =	shalt  }
0x5a: {  	_ =	shalt  }
0x5b: {  	_ =	shalt  }
0x5c: {  	_ =	shalt  }
0x5d: {  	_ =	shalt  }
0x5e: {  	_ =	shalt  }
0x5f: {  	_ =	shalt  }
0x60: {  	_ =	shalt  }
0x61: {  	_ =	shalt  }
0x62: {  	_ =	shalt  }
0x63: {  	_ =	shalt  }
0x64: {  	_ =	shalt  }
0x65: {  	_ =	shalt  }
0x66: {  	_ =	shalt  }
0x67: {  	_ =	shalt  }
0x68: {  	_ =	shalt  }
0x69: {  	_ =	shalt  }
0x6a: {  	_ =	shalt  }
0x6b: {  	_ =	shalt  }
0x6c: {  	_ =	shalt  }
0x6d: {  	_ =	shalt  }
0x6e: {  	_ =	shalt  }
0x6f: {  	_ =	shalt  }
0x70: {  	_ =	shalt  }
0x71: {  	_ =	shalt  }
0x72: {  	_ =	shalt  }
0x73: {  	_ =	shalt  }
0x74: {  	_ =	shalt  }
0x75: {  	_ =	shalt  }
0x76: {  	_ =	shalt  }
0x77: {  	_ =	shalt  }
0x78: {  	_ =	shalt  }
0x79: {  	_ =	shalt  }
0x7a: {  	_ =	shalt  }
0x7b: {  	_ =	shalt  }
0x7c: {  	_ =	shalt  }
0x7d: {  	_ =	shalt  }
0x7e: {  	_ =	shalt  }
0x7f: {  	_ =	shalt  }
0x80: {  	_ =	shalt  }
0x81: {  	_ =	shalt  }
0x82: {  	_ =	shalt  }
0x83: {  	_ =	shalt  }
0x84: {  	_ =	shalt  }
0x85: {  	_ =	shalt  }
0x86: {  	_ =	shalt  }
0x87: {  	_ =	shalt  }
.Lfunc_end0:
.L_simem_size_0:
called_computation.1_lowered:
.L_overlay_start_0:
0x88: {  	s2 =	sld [smem:$0x3FD9]  }
0x89: {  	s3 =	sld [smem:$0x3FFE];
	_ =	sdelay $0x1  }
0x8a: {  	s1 =	srdreg.scid  }
0x8b: {  	s0 =	sand.u32 $0x1, s1  }
0x8c: {  	s17 =	sshll.u32 s0, $0xA;
	s2 =	sadd.s32 s3, s2  }
0x8d: {  	s2 =	sadd.s32 s2, s17  }
0x8e: {  	[smem:$0x3FBC] =	sst s2  }
0x8f: {  	_ = 	snop  }
0x90: {  	s2 =	sld [smem:$0x3FC9]  }
0x91: {  	s18 =	sld [smem:$0x3FD0];
	(tm) =	ssettm $0x1  }
0x92: {  	s4 =	sld [smem:$0x3FFB];
	_ =	sdelay $0x3  }
0x93: {  	_ =	strace s4  }
0x94: {  	s4 =	sld [smem:$0x3FFC];
	_ =	sdelay $0x3  }
0x95: {  	_ =	strace s4  }
0x96: {  	s4 =	sld [smem:$0x3FFD];
	_ =	sdelay $0x3  }
0x97: {  	_ =	strace s4  }
0x98: {  	_ =	strace $0x8FFFFFFF  }
0x99: {  	s19 =	sld [smem:$0x3FDB];
	_ =	sdelay $0x1  }
0x9a: {  	s5 =	simm.s32 $_scs_section_size  }
0x9b: {  	s6 =	simm.s32 $_size__tile_overlayer_lowered;
	s7 =	simm.s32 $_tile_overlayer_lowered  }
0x9c: {  	s22 =	simm.s32 $0x1BFF;
	s21 =	sshll.u32 s7, $0x1;
	s4 =	sadd.s32 s5, s19  }
0x9d: {  	s8 =	simm.s32 $0x0;
	s20 =	sshll.u32 s6, $0x1;
	s6 =	sadd.s32 s21, s4  }
0x9e: {  	[timem:s8], [sflag:s22] =	dma.local [hbm:s6], s20  }
0x9f: {  	_ =	swait.ge [sflag:s22], s20  }
0xa0: {  	s5 =	ssub.s32 $0x0, s20;
	[sflag:s22] =	ssyncset.done $0x0  }
0xa1: {  	[sflag:s22] =	ssyncadd.s32 s5;
	_ =	sdelay $0x1  }
0xa2: {  	s23 =	simm.s32 $0x1B8B  }
0xa3: {  	_ =	swait.ge [sflag:s23], $0x1  }
0xa4: {  	[sflag:s23] =	ssyncset.done $0x0  }
0xa5: {  	s25 =	simm.s32 $0x1B8E;
	s24 =	sld [smem:$0x3FFE];
	[sflag:s23] =	ssyncadd.s32 $0xFFFFFFFF  }
0xa6: {  	s26 =	simm.s32 $execute0_lowered;
	[smem:$0x3FD2] =	sst s25  }
0xa7: {  	s6 =	sshll.u32 s26, $0x1;
	_ =	strace $0x80000049;
	[dreg:$0x1] =	wrdreg $0xFFFFFFFF  }
0xa8: {  	s28 =	simm.s32 $_size_execute0_lowered;
	s4 =	sadd.s32 s4, s6;
	[dreg:$0x0] =	wrdreg $0x0  }
0xa9: {  	s6 =	sshll.u32 s28, $0x1;
	[dreg:$0x2] =	wrdreg s4  }
0xaa: {  	[dreg:$0x3] =	wrdreg s6  }
0xab: {  	[dreg:$0x4] =	wrdreg $0xC0  }
0xac: {  	_ =	task [dreg:s8], $0x5FFFF  }
0xad: {  	[dreg:$0x1] =	wrdreg $0xFFFFFFFF  }
0xae: {  	[dreg:$0x0] =	wrdreg $0x60  }
0xaf: {  	[dreg:$0x2] =	wrdreg s2  }
0xb0: {  	[dreg:$0x3] =	wrdreg s18  }
0xb1: {  	[dreg:$0x4] =	wrdreg s24  }
0xb2: {  	[dreg:$0x5] =	wrdreg $0xA2800  }
0xb3: {  	[dreg:$0x6] =	wrdreg $0x9  }
0xb4: {  	_ =	task.clear_ibuf [dreg:s8], $0x7FFFF;
	_ =	strace $0x90000049  }
0xb5: {  	s29 =	simm.s32 $0x9;
	_ =	strace $0x8000004B  }
0xb6: {  	_ =	swait.ge [sflag:s29], $0x1  }
0xb7: {  	[sflag:s29] =	ssyncadd.s32 $0xFFFFFFFF  }
0xb8: {  	_ =	strace $0x9000004B  }
0xb9: {  	_ =	sfence  }
0xba: {  	s30 =	sld [smem:$0x0];
	_ =	sdelay $0x2  }
0xbb: {  	s31 =	sshll.u32 s1, $0xD;
	s1 =	sshrl.u32 s1, $0x2  }
0xbc: {  	s3 =	sand.u32 $0x4000, s31;
	s1 =	sadd.s32 s1, s30  }
0xbd: {  	s0 =	sor.u32 s3, s0;
	s1 =	sshll.u32 s1, $0x11  }
0xbe: {  	s0 =	sor.u32 s1, s0  }
0xbf: {  	s0 =	sadd.s32 $0x8F2B, s0  }
0xc0: {  	[sflag:s0] =	ssyncadd.remote.s32 $0x1  }
0xc1: {  	_ =	sfence.sel $0xFFFF  }
0xc2: {  	[dreg:$0x0] =	wrdreg $0xFFFFFFFF;
	(pc) =	sbr.abs _section_cstart, $3  }
0xc3: {  	[dreg:$0x1] =	wrdreg $0xFFFFFFFF  }
0xc4: {  	_ =	task.clear_ibuf [dreg:s8], $0x2FFFF;
	_ =	strace $0x9FFFFFFF  }
0xc5: {  	(tm) =	ssettm $0x7FFFFFFF  }
tec
execute0_lowered:
.L_overlay_start_1:
0x0: {  	(tag) =	ssettag $0x1  }
0x1: {  	s1 =	rddreg [dreg:$0x0]  }
0x2: {  	s2 =	rddreg [dreg:$0x1]  }
0x3: {  	s0 =	rddreg [dreg:$0x2]  }
0x4: {  	s3 =	rddreg [dreg:$0x3];
	s29 =	simm.s32 $0x0;
	s4 =	srdreg.scid  }
0x5: {  	s12 =	stileid.u32;
	s30 =	simm.s32 $0x80;
	s31 =	simm.s32 $0x9  }
0x6: {  	s28 =	simm.s32 $0x6;
	[smem:$0x7FF] =	sst s29;
	s4 =	sand.u32 $0x1, s4  }
0x7: {  	s8 =	smul.u32 $0x14000, s12;
	s6 =	sadd.s32 $0xA2600, s0;
	s7 =	sadd.s32 $0x6FCA00, s0  }
0x8: {  	s24 =	sshll.u32 s12, $0x1;
	s9 =	smul.u32 $0x50000, s12;
	p0 =	sgt.u32 s12, $0x3  }
0x9: {  	s5 =	smul.u32 $0x140000, s4;
	s10 =	ssub.s32 $0x2, s4;
	s4 =	sor.u32 s4, s24  }
0xa: {  	_ =	strace $0x8000004A;
	s11 =	sshrl.u32 s10, $0x1;
	s15 =	smul.u32 $0x16800, s4  }
0xb: {  	s9 =	sshrl.u32 s9, $0x2;
	s5 =	sadd.s32 s8, s5;
	s8 =	smul.u32 $0x1680, s4  }
0xc: {  	s25 =	ssub.s32 s10, s11;
	s9 =	sadd.s32 s9, s3;
	s10 =	sshll.u32 s12, $0x6  }
0xd: {  	s4 =	sshll.u32 s4, $0x6;
	s12 =	simm.s32 $0x0;
	s5 =	sshrl.u32 s5, $0x3  }
0xe: {  	[dreg:$0x5] =	wrdreg s9;
	s20 =	sor.u32 $0x1C0E, s10;
	s17 =	sadd.s32 s7, s15  }
0xf: {  	s4 =	sor.u32 $0x2D000, s4;
	s25 =	smax.u32 s25, $0x1;
	[dreg:$0xb] =	wrdreg s17  }
0x10: {  	s15 =	simm.s32 $0x2;
	s0 =	sadd.s32 s5, s0;
	[dreg:$0x15] =	wrdreg s25  }
0x11: {  	s11 =	sshrl.u32 s8, $0x3;
	s18 =	sadd.s32 $0x80, s8;
	[dreg:$0x7] =	wrdreg s20  }
0x12: {  	s19 =	sadd.s32 $0xC0, s8;
	s21 =	sadd.s32 $0x100, s8;
	[dreg:$0xd] =	wrdreg s18  }
0x13: {  	s22 =	sadd.s32 $0x140, s8;
	s23 =	sshrl.u32 s4, $0x3;
	[dreg:$0xe] =	wrdreg s19  }
0x14: {  	s4 =	sshll.u32 s4, $0x4;
	s5 =	simm.s32 $0xE;
	[dreg:$0xf] =	wrdreg s21  }
0x15: {  	s25 =	simm.s32 $0x200;
	s26 =	sadd.s32 $0x52600, s0;
	[dreg:$0x10] =	wrdreg s22  }
0x16: {  	s17 =	simm.s32 $0x5;
	s13 =	sadd.s32 s2, s11;
	[dreg:$0x6] =	wrdreg s26  }
0x17: {  	s14 =	sor.u32 $0x8, s11;
	s10 =	sadd.s32 s6, s11;
	[dreg:$0x8] =	wrdreg s13  }
0x18: {  	s24 =	sadd.s32 s2, s23;
	s4 =	sadd.s32 s7, s4;
	[dreg:$0x9] =	wrdreg s10  }
0x19: {  	s0 =	sadd.s32 $0x2600, s0;
	s11 =	simm.s32 $0xC;
	[dreg:$0x11] =	wrdreg s24  }
0x1a: {  	s18 =	simm.s32 $0xD;
	s19 =	simm.s32 $0x7;
	[dreg:$0x13] =	wrdreg s4  }
0x1b: {  	s16 =	sadd.s32 s2, s14;
	s9 =	sadd.s32 s6, s14;
	[dreg:$0x14] =	wrdreg s0  }
.Ltmp0:
0x1c: {  	s26 =	sadd.s32 $0x1C0, s8;
	s0 =	simm.s32 $0x40;
	(pc) =	sbr.rel .LBB2_1-.Ltmp0, $4  }
0x1d: {  	s10 =	simm.s32 $0xA;
	s13 =	simm.s32 $0x6280;
	[dreg:$0xa] =	wrdreg s16  }
0x1e: {  	s14 =	simm.s32 $0xB;
	s24 =	simm.s32 $0x8280;
	[dreg:$0xc] =	wrdreg s9  }
0x1f: {  	s9 =	sadd.s32 s6, s23;
	[dreg:$0x16] =	wrdreg s26;
	s23 =	simm.s32 $0x1  }
0x20: {  	s16 =	simm.s32 $0x4;
	[dreg:$0x12] =	wrdreg s9;
	s9 =	simm.s32 $0x3  }
.LBB2_19:
0x21: {  	[bflag:$0x0] =	sbarrier.arrive $0xFFFF  }
0x22: {  	s4 =	rddreg [dreg:$0x14]  }
0x23: {  	s5 =	rddreg [dreg:$0x18]  }
0x24: {  	[hbm:s4], [sflag:s20] =	dma.local [spmem:s5], $0x2800  }
0x25: {  	s5 =	simm.s32 $0xE  }
0x26: {  	_ =	swait.ge [sflag:s5], $0x2800  }
0x27: {  	s12 =	sadd.s32 $0x1, s12;
	s26 =	rddreg [dreg:$0x15]  }
0x28: {  	p1 =	sne.s32 s12, s26  }
.Ltmp1:
0x29: {  	_ = 	snop;
	(pc) =	sbr.rel @!p1 .LBB2_20-.Ltmp1, $3  }
0x2a: {  	_ =	sdelay $0x1  }
0x2b: {  	[sflag:s5] =	ssyncset.done $0x0  }
0x2c: {  	[sflag:s5] =	ssyncadd.s32 $0xFFFFD800  }
.LBB2_1:
0x2d: {  	[dreg:$0x17] =	wrdreg s12  }
0x2e: {  	s4 =	rddreg [dreg:$0x5]  }
0x2f: {  	s26 =	rddreg [dreg:$0x6];
	s22 =	sshrl.u32 s4, $0x3  }
0x30: {  	[dreg:$0x18] =	wrdreg s22  }
0x31: {  	[spmem:s22], [sflag:s20] =	dma.local [hbm:s26], $0x2800  }
0x32: {  	_ =	swait.ge [sflag:s5], $0x2800  }
0x33: {  	[sflag:s5] =	ssyncset.done $0x0  }
0x34: {  	[sflag:s5] =	ssyncadd.s32 $0xFFFFD800  }
0x35: {  	[bflag:$0x0] =	sbarrier.arrive $0xFFFF  }
0x36: {  	s21 =	rddreg [dreg:$0x8]  }
0x37: {  	[tilespmem:s29], [sflag:$0x9] =	stream.linear.gather [hbm4b:s21+s29], $0x40, $0x38;
	[tilespmem:$0x1E280] =	vst v63  }
0x38: {  	s26 =	simm.s32 $0x100;
	s22 =	rddreg [dreg:$0x9]  }
0x39: {  	[tilespmem:s26], [sflag:$0xB] =	stream.linear.gather [hbm4b:s22+s29], $0x40, $0x38;
	[tilespmem:$0x1E280] =	vst v63  }
0x3a: {  	s5 =	rddreg [dreg:$0xa]  }
0x3b: {  	[tilespmem:s30], [sflag:$0xA] =	stream.linear.gather [hbm4b:s5+s29], $0x40, $0x38;
	[tilespmem:$0x1E280] =	vst v63  }
0x3c: {  	_ =	swait.ge [sflag:s31], $0x40  }
0x3d: {  	[sflag:s31] =	ssyncset.done $0x0  }
0x3e: {  	s12 =	simm.s32 $0x280;
	[sflag:s31] =	ssyncadd.s32 $0xFFFFFFC0  }
0x3f: {  	[tilespmem:s12], [sflag:$0x1] =	stream.indirect.gather [hbm4b:s1+s0], $0x80, s29, s0, $0xb8;
	[tilespmem:$0x1E280] =	vst v63  }
0x40: {  	s21 =	simm.s32 $0x4280;
	s20 =	rddreg [dreg:$0xb]  }
0x41: {  	[tilespmem:s21], [sflag:$0x3] =	stream.linear.gather [hbm4b:s20+s29], $0x2000, $0x38;
	[tilespmem:$0x1E280] =	vst v63  }
0x42: {  	s26 =	simm.s32 $0x180;
	s22 =	rddreg [dreg:$0xc]  }
0x43: {  	[tilespmem:s26], [sflag:$0xC] =	stream.linear.gather [hbm4b:s22+s29], $0x40, $0x38;
	[tilespmem:$0x1E280] =	vst v63  }
0x44: {  	s26 =	simm.s32 $0x0  }
.LBB2_2:
0x45: {  	_ =	swait.ge [sflag:s23], $0x2000  }
0x46: {  	[sflag:s23] =	ssyncset.done $0x0  }
0x47: {  	[sflag:s23] =	ssyncadd.s32 $0xFFFFE000  }
0x48: {  	_ =	swait.ge [sflag:s9], $0x2000  }
0x49: {  	s4 =	smul.u32 $0x180, s26;
	[sflag:s9] =	ssyncset.done $0x0  }
0x4a: {  	[sflag:s9] =	ssyncadd.s32 $0xFFFFE000  }
0x4b: {  	s12 =	simm.s32 $0x2280;
	s5 =	sadd.s32 s4, s8;
	_ =	swait.ge [sflag:s10], $0x40  }
0x4c: {  	p1 =	seq.s32 s26, $0x0;
	s5 =	sadd.s32 $0x40, s5;
	[sflag:s10] =	ssyncset.done $0x0  }
0x4d: {  	s21 =	simm.s32 @!p1 $0x180;
	s22 =	sshll.u32 s5, $0x4;
	[sflag:s10] =	ssyncadd.s32 $0xFFFFFFC0  }
0x4e: {  	[tilespmem:s12], [sflag:$0x2] =	stream.indirect.gather [hbm4b:s1+s0], $0x80, s30, s0, $0xb8;
	[tilespmem:$0x1E280] =	vst v63  }
0x4f: {  	s5 =	sshrl.u32 @!p1 s5, $0x3;
	s20 =	rddreg [dreg:$0xd];
	s12 =	sadd.s32 s7, s22  }
0x50: {  	[tilespmem:s13], [sflag:$0x4] =	stream.linear.gather [hbm4b:s12+s29], $0x2000, $0x38;
	[tilespmem:$0x1E280] =	vst v63  }
0x51: {  	s5 =	sadd.s32 @!p1 s6, s5;
	s22 =	sadd.s32 s4, s20;
	s12 =	simm.s32 @!p1 $0x0  }
0x52: {  	[tilespmem:s21], [sflag:$0xC] =	stream.linear.gather @!p1 [hbm4b:s5+s12], $0x40, $0x38;
	[tilespmem:$0x1E280] =	vst v63  }
0x53: {  	s5 =	sshrl.u32 s22, $0x3  }
0x54: {  	s20 =	simm.s32 $0x0;
	s29 =	simm.s32 $0x0;
	s21 =	sadd.s32 s2, s5  }
0x55: {  	[tilespmem:s20], [sflag:$0x9] =	stream.linear.gather [hbm4b:s21+s20], $0x40, $0x38;
	[tilespmem:$0x1E280] =	vst v63  }
0x56: {  	v6 =	vld [tilespmem:s29+$0x280]  }
0x57: {  	v11 =	vld [tilespmem:s29+$0x290]  }
0x58: {  	v5 =	vld [tilespmem:s29+$0x2A0]  }
0x59: {  	v4 =	vld [tilespmem:s29+$0x2B0]  }
0x5a: {  	v3 =	vld [tilespmem:s29+$0x2C0]  }
0x5b: {  	v2 =	vld [tilespmem:s29+$0x2D0]  }
0x5c: {  	v1 =	vld [tilespmem:s29+$0x2E0]  }
0x5d: {  	v0 =	vld [tilespmem:s29+$0x2F0]  }
0x5e: {  	v12 =	vld [tilespmem:s29+$0x4280]  }
0x5f: {  	v13 =	vld [tilespmem:s29+$0x4290]  }
0x60: {  	v10 =	vld [tilespmem:s29+$0x42A0]  }
0x61: {  	v9 =	vld [tilespmem:s29+$0x42B0]  }
0x62: {  	v8 =	vld [tilespmem:s29+$0x42C0]  }
0x63: {  	v7 =	vld [tilespmem:s29+$0x42D0];
	v12 =	vadd.f32 v6, v12  }
0x64: {  	s12 =	smul.u32 $0x6, s26;
	s21 =	simm.s32 $0x200;
	v11 =	vadd.f32 v11, v13;
	v6 =	vld [tilespmem:s29+$0x42E0]  }
.LBB2_3:
0x65: {  	s20 =	sshra.s32 s21, $0x2;
	p2 =	sne.s32 s21, $0x7E00;
	v12 =	vmax.f32 v12, $0.0e+00;
	v5 =	vadd.f32 v5, v10;
	v10 =	vld [tilespmem:s29+$0x42F0]  }
0x66: {  	v13 =	vld [tilespmem:s20+$0x280];
	[tilespmem:s29+$0x4280] =	vst v12;
	v11 =	vmax.f32 v11, $0.0e+00;
	v4 =	vadd.f32 v4, v9  }
0x67: {  	v14 =	vld [tilespmem:s20+$0x290];
	[tilespmem:s29+$0x4290] =	vst v11;
	v9 =	vmax.f32 v5, $0.0e+00;
	v3 =	vadd.f32 v3, v8  }
0x68: {  	v5 =	vld [tilespmem:s20+$0x2A0];
	[tilespmem:s29+$0x42A0] =	vst v9;
	v8 =	vmax.f32 v4, $0.0e+00;
	v2 =	vadd.f32 v2, v7  }
0x69: {  	v4 =	vld [tilespmem:s20+$0x2B0];
	[tilespmem:s29+$0x42B0] =	vst v8;
	v7 =	vmax.f32 v3, $0.0e+00;
	v1 =	vadd.f32 v1, v6  }
0x6a: {  	v3 =	vld [tilespmem:s20+$0x2C0];
	[tilespmem:s29+$0x42C0] =	vst v7;
	v6 =	vmax.f32 v2, $0.0e+00;
	v0 =	vadd.f32 v0, v10  }
0x6b: {  	v2 =	vld [tilespmem:s20+$0x2D0];
	[tilespmem:s29+$0x42D0] =	vst v6;
	v6 =	vmax.f32 v1, $0.0e+00  }
0x6c: {  	v1 =	vld [tilespmem:s20+$0x2E0];
	[tilespmem:s29+$0x42E0] =	vst v6;
	v6 =	vmax.f32 v0, $0.0e+00  }
0x6d: {  	v0 =	vld [tilespmem:s20+$0x2F0];
	[tilespmem:s29+$0x42F0] =	vst v6;
	s29 =	smov.u32 s20  }
0x6e: {  	v6 =	vld [tilespmem:s29+$0x4280]  }
0x6f: {  	v11 =	vld [tilespmem:s29+$0x4290]  }
.Ltmp2:
0x70: {  	v10 =	vld [tilespmem:s29+$0x42A0];
	(pc) =	sbr.rel @p2 .LBB2_3-.Ltmp2, $4  }
0x71: {  	v9 =	vld [tilespmem:s29+$0x42B0]  }
0x72: {  	v8 =	vld [tilespmem:s29+$0x42C0]  }
0x73: {  	v12 =	vadd.f32 v13, v6;
	v7 =	vld [tilespmem:s29+$0x42D0]  }
0x74: {  	s21 =	sadd.s32 $0x200, s21;
	v11 =	vadd.f32 v14, v11;
	v6 =	vld [tilespmem:s29+$0x42E0]  }
0x75: {  	v12 =	vmax.f32 v12, $0.0e+00;
	v5 =	vadd.f32 v5, v10;
	v10 =	vld [tilespmem:s29+$0x42F0]  }
0x76: {  	[tilespmem:s29+$0x4280] =	vst v12;
	v11 =	vmax.f32 v11, $0.0e+00;
	v4 =	vadd.f32 v4, v9  }
0x77: {  	[tilespmem:s29+$0x4290] =	vst v11;
	v5 =	vmax.f32 v5, $0.0e+00;
	v3 =	vadd.f32 v3, v8  }
0x78: {  	[tilespmem:s29+$0x42A0] =	vst v5;
	v4 =	vmax.f32 v4, $0.0e+00;
	v2 =	vadd.f32 v2, v7  }
0x79: {  	[tilespmem:s29+$0x42B0] =	vst v4;
	v3 =	vmax.f32 v3, $0.0e+00;
	v1 =	vadd.f32 v1, v6  }
0x7a: {  	[tilespmem:s29+$0x42C0] =	vst v3;
	v2 =	vmax.f32 v2, $0.0e+00;
	v0 =	vadd.f32 v0, v10  }
0x7b: {  	[tilespmem:s29+$0x42D0] =	vst v2;
	v1 =	vmax.f32 v1, $0.0e+00  }
0x7c: {  	[tilespmem:s29+$0x42E0] =	vst v1;
	v0 =	vmax.f32 v0, $0.0e+00  }
0x7d: {  	[tilespmem:s29+$0x42F0] =	vst v0  }
0x7e: {  	_ =	swait.ge [sflag:s14], $0x40  }
0x7f: {  	[sflag:s14] =	ssyncset.done $0x0  }
0x80: {  	s20 =	simm.s32 @!p1 $0x8;
	[sflag:s14] =	ssyncadd.s32 $0xFFFFFFC0  }
0x81: {  	_ =	swait.ge @!p1 [sflag:s20], $0x2000  }
0x82: {  	[sflag:s20] =	ssyncset.done @!p1 $0x0  }
0x83: {  	s21 =	simm.s32 $0x4280;
	[sflag:s20] =	ssyncadd.s32 @!p1 $0xFFFFE000;
	s20 =	simm.s32 $0x100  }
0x84: {  	[spmem:s3] =	stream.indirect.scatter.add.f32 [tilespmem:s21], [sflag:$0x6], $0x80, s20, s0, $0xb8;
	[tilespmem:$0x1E280] =	vst v63  }
0x85: {  	_ =	swait.ge [sflag:s15], $0x2000  }
0x86: {  	[sflag:s15] =	ssyncset.done $0x0  }
0x87: {  	[sflag:s15] =	ssyncadd.s32 $0xFFFFE000  }
0x88: {  	_ =	swait.ge [sflag:s16], $0x2000  }
0x89: {  	[sflag:s16] =	ssyncset.done $0x0  }
0x8a: {  	[sflag:s16] =	ssyncadd.s32 $0xFFFFE000  }
0x8b: {  	_ =	swait.ge [sflag:s31], $0x40  }
0x8c: {  	s22 =	sshll.u32 s22, $0x4;
	[sflag:s31] =	ssyncset.done $0x0  }
0x8d: {  	s20 =	simm.s32 $0x0;
	s21 =	simm.s32 $0x280;
	[sflag:s31] =	ssyncadd.s32 $0xFFFFFFC0  }
0x8e: {  	[tilespmem:s21], [sflag:$0x1] =	stream.indirect.gather [hbm4b:s1+s0], $0x80, s20, s0, $0xb8;
	[tilespmem:$0x1E280] =	vst v63  }
0x8f: {  	s21 =	sadd.s32 s7, s22;
	s22 =	rddreg [dreg:$0xe]  }
0x90: {  	[tilespmem:s24], [sflag:$0x5] =	stream.linear.gather [hbm4b:s21+s20], $0x2000, $0x38;
	[tilespmem:$0x1E280] =	vst v63  }
0x91: {  	s5 =	sadd.s32 s6, s5;
	s22 =	sadd.s32 s4, s22  }
0x92: {  	[tilespmem:s25], [sflag:$0xD] =	stream.linear.gather [hbm4b:s5+s20], $0x40, $0x38;
	[tilespmem:$0x1E280] =	vst v63  }
0x93: {  	s5 =	sshrl.u32 s22, $0x3  }
0x94: {  	s29 =	simm.s32 $0x0;
	s21 =	sadd.s32 s2, s5  }
0x95: {  	[tilespmem:s30], [sflag:$0xA] =	stream.linear.gather [hbm4b:s21+s20], $0x40, $0x38;
	[tilespmem:$0x1E280] =	vst v63  }
0x96: {  	v6 =	vld [tilespmem:s29+$0x2280]  }
0x97: {  	v11 =	vld [tilespmem:s29+$0x2290]  }
0x98: {  	v5 =	vld [tilespmem:s29+$0x22A0]  }
0x99: {  	v4 =	vld [tilespmem:s29+$0x22B0]  }
0x9a: {  	v3 =	vld [tilespmem:s29+$0x22C0]  }
0x9b: {  	v2 =	vld [tilespmem:s29+$0x22D0]  }
0x9c: {  	v1 =	vld [tilespmem:s29+$0x22E0]  }
0x9d: {  	v0 =	vld [tilespmem:s29+$0x22F0]  }
0x9e: {  	v12 =	vld [tilespmem:s29+$0x6280]  }
0x9f: {  	v13 =	vld [tilespmem:s29+$0x6290]  }
0xa0: {  	v10 =	vld [tilespmem:s29+$0x62A0]  }
0xa1: {  	v9 =	vld [tilespmem:s29+$0x62B0]  }
0xa2: {  	v8 =	vld [tilespmem:s29+$0x62C0]  }
0xa3: {  	v7 =	vld [tilespmem:s29+$0x62D0];
	v12 =	vadd.f32 v6, v12  }
0xa4: {  	s21 =	simm.s32 $0x200;
	v11 =	vadd.f32 v11, v13;
	v6 =	vld [tilespmem:s29+$0x62E0]  }
.LBB2_5:
0xa5: {  	s20 =	sshra.s32 s21, $0x2;
	p1 =	sne.s32 s21, $0x7E00;
	v12 =	vmax.f32 v12, $0.0e+00;
	v5 =	vadd.f32 v5, v10;
	v10 =	vld [tilespmem:s29+$0x62F0]  }
0xa6: {  	v13 =	vld [tilespmem:s20+$0x2280];
	[tilespmem:s29+$0x6280] =	vst v12;
	v11 =	vmax.f32 v11, $0.0e+00;
	v4 =	vadd.f32 v4, v9  }
0xa7: {  	v14 =	vld [tilespmem:s20+$0x2290];
	[tilespmem:s29+$0x6290] =	vst v11;
	v9 =	vmax.f32 v5, $0.0e+00;
	v3 =	vadd.f32 v3, v8  }
0xa8: {  	v5 =	vld [tilespmem:s20+$0x22A0];
	[tilespmem:s29+$0x62A0] =	vst v9;
	v8 =	vmax.f32 v4, $0.0e+00;
	v2 =	vadd.f32 v2, v7  }
0xa9: {  	v4 =	vld [tilespmem:s20+$0x22B0];
	[tilespmem:s29+$0x62B0] =	vst v8;
	v7 =	vmax.f32 v3, $0.0e+00;
	v1 =	vadd.f32 v1, v6  }
0xaa: {  	v3 =	vld [tilespmem:s20+$0x22C0];
	[tilespmem:s29+$0x62C0] =	vst v7;
	v6 =	vmax.f32 v2, $0.0e+00;
	v0 =	vadd.f32 v0, v10  }
0xab: {  	v2 =	vld [tilespmem:s20+$0x22D0];
	[tilespmem:s29+$0x62D0] =	vst v6;
	v6 =	vmax.f32 v1, $0.0e+00  }
0xac: {  	v1 =	vld [tilespmem:s20+$0x22E0];
	[tilespmem:s29+$0x62E0] =	vst v6;
	v6 =	vmax.f32 v0, $0.0e+00  }
0xad: {  	v0 =	vld [tilespmem:s20+$0x22F0];
	[tilespmem:s29+$0x62F0] =	vst v6;
	s29 =	smov.u32 s20  }
0xae: {  	v6 =	vld [tilespmem:s29+$0x6280]  }
0xaf: {  	v11 =	vld [tilespmem:s29+$0x6290]  }
.Ltmp3:
0xb0: {  	v10 =	vld [tilespmem:s29+$0x62A0];
	(pc) =	sbr.rel @p1 .LBB2_5-.Ltmp3, $4  }
0xb1: {  	v9 =	vld [tilespmem:s29+$0x62B0]  }
0xb2: {  	v8 =	vld [tilespmem:s29+$0x62C0]  }
0xb3: {  	v12 =	vadd.f32 v13, v6;
	v7 =	vld [tilespmem:s29+$0x62D0]  }
0xb4: {  	s21 =	sadd.s32 $0x200, s21;
	v11 =	vadd.f32 v14, v11;
	v6 =	vld [tilespmem:s29+$0x62E0]  }
0xb5: {  	v12 =	vmax.f32 v12, $0.0e+00;
	v5 =	vadd.f32 v5, v10;
	v10 =	vld [tilespmem:s29+$0x62F0]  }
0xb6: {  	[tilespmem:s29+$0x6280] =	vst v12;
	v11 =	vmax.f32 v11, $0.0e+00;
	v4 =	vadd.f32 v4, v9  }
0xb7: {  	[tilespmem:s29+$0x6290] =	vst v11;
	v5 =	vmax.f32 v5, $0.0e+00;
	v3 =	vadd.f32 v3, v8  }
0xb8: {  	[tilespmem:s29+$0x62A0] =	vst v5;
	v4 =	vmax.f32 v4, $0.0e+00;
	v2 =	vadd.f32 v2, v7  }
0xb9: {  	[tilespmem:s29+$0x62B0] =	vst v4;
	v3 =	vmax.f32 v3, $0.0e+00;
	v1 =	vadd.f32 v1, v6  }
0xba: {  	[tilespmem:s29+$0x62C0] =	vst v3;
	v2 =	vmax.f32 v2, $0.0e+00;
	v0 =	vadd.f32 v0, v10  }
0xbb: {  	[tilespmem:s29+$0x62D0] =	vst v2;
	v1 =	vmax.f32 v1, $0.0e+00  }
0xbc: {  	[tilespmem:s29+$0x62E0] =	vst v1;
	v0 =	vmax.f32 v0, $0.0e+00  }
0xbd: {  	[tilespmem:s29+$0x62F0] =	vst v0  }
0xbe: {  	_ =	swait.ge [sflag:s11], $0x40  }
0xbf: {  	[sflag:s11] =	ssyncset.done $0x0  }
0xc0: {  	[sflag:s11] =	ssyncadd.s32 $0xFFFFFFC0  }
0xc1: {  	_ =	swait.ge [sflag:s28], $0x2000  }
0xc2: {  	[sflag:s28] =	ssyncset.done $0x0  }
0xc3: {  	s20 =	simm.s32 $0x180;
	[sflag:s28] =	ssyncadd.s32 $0xFFFFE000  }
0xc4: {  	[spmem:s3] =	stream.indirect.scatter.add.f32 [tilespmem:s13], [sflag:$0x7], $0x80, s20, s0, $0xb8;
	[tilespmem:$0x1E280] =	vst v63  }
0xc5: {  	_ =	swait.ge [sflag:s23], $0x2000  }
0xc6: {  	[sflag:s23] =	ssyncset.done $0x0  }
0xc7: {  	[sflag:s23] =	ssyncadd.s32 $0xFFFFE000  }
0xc8: {  	_ =	swait.ge [sflag:s17], $0x2000  }
0xc9: {  	[sflag:s17] =	ssyncset.done $0x0  }
0xca: {  	[sflag:s17] =	ssyncadd.s32 $0xFFFFE000  }
0xcb: {  	_ =	swait.ge [sflag:s10], $0x40  }
0xcc: {  	[sflag:s10] =	ssyncset.done $0x0  }
0xcd: {  	s21 =	simm.s32 $0x2280;
	[sflag:s10] =	ssyncadd.s32 $0xFFFFFFC0  }
0xce: {  	[tilespmem:s21], [sflag:$0x2] =	stream.indirect.gather [hbm4b:s1+s0], $0x80, s30, s0, $0xb8;
	[tilespmem:$0x1E280] =	vst v63  }
0xcf: {  	s21 =	sshll.u32 s22, $0x4  }
0xd0: {  	s22 =	simm.s32 $0x4280;
	s20 =	sadd.s32 s7, s21;
	s21 =	simm.s32 $0x0  }
0xd1: {  	[tilespmem:s22], [sflag:$0x3] =	stream.linear.gather [hbm4b:s20+s21], $0x2000, $0x38;
	[tilespmem:$0x1E280] =	vst v63  }
0xd2: {  	s5 =	sadd.s32 s6, s5;
	s22 =	simm.s32 $0x100  }
0xd3: {  	[tilespmem:s22], [sflag:$0xB] =	stream.linear.gather [hbm4b:s5+s21], $0x40, $0x38;
	[tilespmem:$0x1E280] =	vst v63  }
0xd4: {  	s22 =	rddreg [dreg:$0xf]  }
0xd5: {  	s22 =	sadd.s32 s4, s22  }
0xd6: {  	s5 =	sshrl.u32 s22, $0x3  }
0xd7: {  	s29 =	simm.s32 $0x0;
	s20 =	sadd.s32 s2, s5  }
0xd8: {  	[tilespmem:s21], [sflag:$0x9] =	stream.linear.gather [hbm4b:s20+s21], $0x40, $0x38;
	[tilespmem:$0x1E280] =	vst v63  }
0xd9: {  	v6 =	vld [tilespmem:s29+$0x280]  }
0xda: {  	v11 =	vld [tilespmem:s29+$0x290]  }
0xdb: {  	v5 =	vld [tilespmem:s29+$0x2A0]  }
0xdc: {  	v4 =	vld [tilespmem:s29+$0x2B0]  }
0xdd: {  	v3 =	vld [tilespmem:s29+$0x2C0]  }
0xde: {  	v2 =	vld [tilespmem:s29+$0x2D0]  }
0xdf: {  	v1 =	vld [tilespmem:s29+$0x2E0]  }
0xe0: {  	v0 =	vld [tilespmem:s29+$0x2F0]  }
0xe1: {  	v12 =	vld [tilespmem:s29+$0x8280]  }
0xe2: {  	v13 =	vld [tilespmem:s29+$0x8290]  }
0xe3: {  	v10 =	vld [tilespmem:s29+$0x82A0]  }
0xe4: {  	v9 =	vld [tilespmem:s29+$0x82B0]  }
0xe5: {  	v8 =	vld [tilespmem:s29+$0x82C0]  }
0xe6: {  	v7 =	vld [tilespmem:s29+$0x82D0];
	v12 =	vadd.f32 v6, v12  }
0xe7: {  	s21 =	simm.s32 $0x200;
	v11 =	vadd.f32 v11, v13;
	v6 =	vld [tilespmem:s29+$0x82E0]  }
.LBB2_7:
0xe8: {  	s20 =	sshra.s32 s21, $0x2;
	p1 =	sne.s32 s21, $0x7E00;
	v12 =	vmax.f32 v12, $0.0e+00;
	v5 =	vadd.f32 v5, v10;
	v10 =	vld [tilespmem:s29+$0x82F0]  }
0xe9: {  	v13 =	vld [tilespmem:s20+$0x280];
	[tilespmem:s29+$0x8280] =	vst v12;
	v11 =	vmax.f32 v11, $0.0e+00;
	v4 =	vadd.f32 v4, v9  }
0xea: {  	v14 =	vld [tilespmem:s20+$0x290];
	[tilespmem:s29+$0x8290] =	vst v11;
	v9 =	vmax.f32 v5, $0.0e+00;
	v3 =	vadd.f32 v3, v8  }
0xeb: {  	v5 =	vld [tilespmem:s20+$0x2A0];
	[tilespmem:s29+$0x82A0] =	vst v9;
	v8 =	vmax.f32 v4, $0.0e+00;
	v2 =	vadd.f32 v2, v7  }
0xec: {  	v4 =	vld [tilespmem:s20+$0x2B0];
	[tilespmem:s29+$0x82B0] =	vst v8;
	v7 =	vmax.f32 v3, $0.0e+00;
	v1 =	vadd.f32 v1, v6  }
0xed: {  	v3 =	vld [tilespmem:s20+$0x2C0];
	[tilespmem:s29+$0x82C0] =	vst v7;
	v6 =	vmax.f32 v2, $0.0e+00;
	v0 =	vadd.f32 v0, v10  }
0xee: {  	v2 =	vld [tilespmem:s20+$0x2D0];
	[tilespmem:s29+$0x82D0] =	vst v6;
	v6 =	vmax.f32 v1, $0.0e+00  }
0xef: {  	v1 =	vld [tilespmem:s20+$0x2E0];
	[tilespmem:s29+$0x82E0] =	vst v6;
	v6 =	vmax.f32 v0, $0.0e+00  }
0xf0: {  	v0 =	vld [tilespmem:s20+$0x2F0];
	[tilespmem:s29+$0x82F0] =	vst v6;
	s29 =	smov.u32 s20  }
0xf1: {  	v6 =	vld [tilespmem:s29+$0x8280]  }
0xf2: {  	v11 =	vld [tilespmem:s29+$0x8290]  }
.Ltmp4:
0xf3: {  	v10 =	vld [tilespmem:s29+$0x82A0];
	(pc) =	sbr.rel @p1 .LBB2_7-.Ltmp4, $4  }
0xf4: {  	v9 =	vld [tilespmem:s29+$0x82B0]  }
0xf5: {  	v8 =	vld [tilespmem:s29+$0x82C0]  }
0xf6: {  	v12 =	vadd.f32 v13, v6;
	v7 =	vld [tilespmem:s29+$0x82D0]  }
0xf7: {  	s21 =	sadd.s32 $0x200, s21;
	v11 =	vadd.f32 v14, v11;
	v6 =	vld [tilespmem:s29+$0x82E0]  }
0xf8: {  	v12 =	vmax.f32 v12, $0.0e+00;
	v5 =	vadd.f32 v5, v10;
	v10 =	vld [tilespmem:s29+$0x82F0]  }
0xf9: {  	[tilespmem:s29+$0x8280] =	vst v12;
	v11 =	vmax.f32 v11, $0.0e+00;
	v4 =	vadd.f32 v4, v9  }
0xfa: {  	[tilespmem:s29+$0x8290] =	vst v11;
	v5 =	vmax.f32 v5, $0.0e+00;
	v3 =	vadd.f32 v3, v8  }
0xfb: {  	[tilespmem:s29+$0x82A0] =	vst v5;
	v4 =	vmax.f32 v4, $0.0e+00;
	v2 =	vadd.f32 v2, v7  }
0xfc: {  	[tilespmem:s29+$0x82B0] =	vst v4;
	v3 =	vmax.f32 v3, $0.0e+00;
	v1 =	vadd.f32 v1, v6  }
0xfd: {  	[tilespmem:s29+$0x82C0] =	vst v3;
	v2 =	vmax.f32 v2, $0.0e+00;
	v0 =	vadd.f32 v0, v10  }
0xfe: {  	[tilespmem:s29+$0x82D0] =	vst v2;
	v1 =	vmax.f32 v1, $0.0e+00  }
0xff: {  	[tilespmem:s29+$0x82E0] =	vst v1;
	v0 =	vmax.f32 v0, $0.0e+00  }
0x100: {  	[tilespmem:s29+$0x82F0] =	vst v0  }
0x101: {  	_ =	swait.ge [sflag:s18], $0x40  }
0x102: {  	[sflag:s18] =	ssyncset.done $0x0  }
0x103: {  	[sflag:s18] =	ssyncadd.s32 $0xFFFFFFC0  }
0x104: {  	_ =	swait.ge [sflag:s19], $0x2000  }
0x105: {  	[sflag:s19] =	ssyncset.done $0x0  }
0x106: {  	[sflag:s19] =	ssyncadd.s32 $0xFFFFE000  }
0x107: {  	[spmem:s3] =	stream.indirect.scatter.add.f32 [tilespmem:s24], [sflag:$0x8], $0x80, s25, s0, $0xb8;
	[tilespmem:$0x1E280] =	vst v63  }
0x108: {  	_ =	swait.ge [sflag:s15], $0x2000  }
0x109: {  	[sflag:s15] =	ssyncset.done $0x0  }
0x10a: {  	[sflag:s15] =	ssyncadd.s32 $0xFFFFE000  }
0x10b: {  	_ =	swait.ge [sflag:s9], $0x2000  }
0x10c: {  	[sflag:s9] =	ssyncset.done $0x0  }
0x10d: {  	[sflag:s9] =	ssyncadd.s32 $0xFFFFE000  }
0x10e: {  	_ =	swait.ge [sflag:s31], $0x40  }
0x10f: {  	s20 =	simm.s32 $0x0;
	[sflag:s31] =	ssyncset.done $0x0  }
0x110: {  	s21 =	simm.s32 $0x280;
	s22 =	sshll.u32 s22, $0x4;
	[sflag:s31] =	ssyncadd.s32 $0xFFFFFFC0  }
0x111: {  	[tilespmem:s21], [sflag:$0x1] =	stream.indirect.gather [hbm4b:s1+s0], $0x80, s20, s0, $0xb8;
	[tilespmem:$0x1E280] =	vst v63  }
0x112: {  	s21 =	sadd.s32 s7, s22  }
0x113: {  	[tilespmem:s13], [sflag:$0x4] =	stream.linear.gather [hbm4b:s21+s20], $0x2000, $0x38;
	[tilespmem:$0x1E280] =	vst v63  }
0x114: {  	s5 =	sadd.s32 s6, s5;
	s22 =	simm.s32 $0x180  }
0x115: {  	[tilespmem:s22], [sflag:$0xC] =	stream.linear.gather [hbm4b:s5+s20], $0x40, $0x38;
	[tilespmem:$0x1E280] =	vst v63  }
0x116: {  	s22 =	rddreg [dreg:$0x10]  }
0x117: {  	s22 =	sadd.s32 s4, s22  }
0x118: {  	s5 =	sshrl.u32 s22, $0x3  }
0x119: {  	s29 =	simm.s32 $0x0;
	s21 =	sadd.s32 s2, s5  }
0x11a: {  	[tilespmem:s30], [sflag:$0xA] =	stream.linear.gather [hbm4b:s21+s20], $0x40, $0x38;
	[tilespmem:$0x1E280] =	vst v63  }
0x11b: {  	v6 =	vld [tilespmem:s29+$0x2280]  }
0x11c: {  	v11 =	vld [tilespmem:s29+$0x2290]  }
0x11d: {  	v5 =	vld [tilespmem:s29+$0x22A0]  }
0x11e: {  	v4 =	vld [tilespmem:s29+$0x22B0]  }
0x11f: {  	v3 =	vld [tilespmem:s29+$0x22C0]  }
0x120: {  	v2 =	vld [tilespmem:s29+$0x22D0]  }
0x121: {  	v1 =	vld [tilespmem:s29+$0x22E0]  }
0x122: {  	v0 =	vld [tilespmem:s29+$0x22F0]  }
0x123: {  	v12 =	vld [tilespmem:s29+$0x4280]  }
0x124: {  	v13 =	vld [tilespmem:s29+$0x4290]  }
0x125: {  	v10 =	vld [tilespmem:s29+$0x42A0]  }
0x126: {  	v9 =	vld [tilespmem:s29+$0x42B0]  }
0x127: {  	v8 =	vld [tilespmem:s29+$0x42C0]  }
0x128: {  	v7 =	vld [tilespmem:s29+$0x42D0];
	v12 =	vadd.f32 v6, v12  }
0x129: {  	s21 =	simm.s32 $0x200;
	v11 =	vadd.f32 v11, v13;
	v6 =	vld [tilespmem:s29+$0x42E0]  }
.LBB2_9:
0x12a: {  	s20 =	sshra.s32 s21, $0x2;
	p1 =	sne.s32 s21, $0x7E00;
	v12 =	vmax.f32 v12, $0.0e+00;
	v5 =	vadd.f32 v5, v10;
	v10 =	vld [tilespmem:s29+$0x42F0]  }
0x12b: {  	v13 =	vld [tilespmem:s20+$0x2280];
	[tilespmem:s29+$0x4280] =	vst v12;
	v11 =	vmax.f32 v11, $0.0e+00;
	v4 =	vadd.f32 v4, v9  }
0x12c: {  	v14 =	vld [tilespmem:s20+$0x2290];
	[tilespmem:s29+$0x4290] =	vst v11;
	v9 =	vmax.f32 v5, $0.0e+00;
	v3 =	vadd.f32 v3, v8  }
0x12d: {  	v5 =	vld [tilespmem:s20+$0x22A0];
	[tilespmem:s29+$0x42A0] =	vst v9;
	v8 =	vmax.f32 v4, $0.0e+00;
	v2 =	vadd.f32 v2, v7  }
0x12e: {  	v4 =	vld [tilespmem:s20+$0x22B0];
	[tilespmem:s29+$0x42B0] =	vst v8;
	v7 =	vmax.f32 v3, $0.0e+00;
	v1 =	vadd.f32 v1, v6  }
0x12f: {  	v3 =	vld [tilespmem:s20+$0x22C0];
	[tilespmem:s29+$0x42C0] =	vst v7;
	v6 =	vmax.f32 v2, $0.0e+00;
	v0 =	vadd.f32 v0, v10  }
0x130: {  	v2 =	vld [tilespmem:s20+$0x22D0];
	[tilespmem:s29+$0x42D0] =	vst v6;
	v6 =	vmax.f32 v1, $0.0e+00  }
0x131: {  	v1 =	vld [tilespmem:s20+$0x22E0];
	[tilespmem:s29+$0x42E0] =	vst v6;
	v6 =	vmax.f32 v0, $0.0e+00  }
0x132: {  	v0 =	vld [tilespmem:s20+$0x22F0];
	[tilespmem:s29+$0x42F0] =	vst v6;
	s29 =	smov.u32 s20  }
0x133: {  	v6 =	vld [tilespmem:s29+$0x4280]  }
0x134: {  	v11 =	vld [tilespmem:s29+$0x4290]  }
.Ltmp5:
0x135: {  	v10 =	vld [tilespmem:s29+$0x42A0];
	(pc) =	sbr.rel @p1 .LBB2_9-.Ltmp5, $4  }
0x136: {  	v9 =	vld [tilespmem:s29+$0x42B0]  }
0x137: {  	v8 =	vld [tilespmem:s29+$0x42C0]  }
0x138: {  	v12 =	vadd.f32 v13, v6;
	v7 =	vld [tilespmem:s29+$0x42D0]  }
0x139: {  	s21 =	sadd.s32 $0x200, s21;
	v11 =	vadd.f32 v14, v11;
	v6 =	vld [tilespmem:s29+$0x42E0]  }
0x13a: {  	v12 =	vmax.f32 v12, $0.0e+00;
	v5 =	vadd.f32 v5, v10;
	v10 =	vld [tilespmem:s29+$0x42F0]  }
0x13b: {  	[tilespmem:s29+$0x4280] =	vst v12;
	v11 =	vmax.f32 v11, $0.0e+00;
	v4 =	vadd.f32 v4, v9  }
0x13c: {  	[tilespmem:s29+$0x4290] =	vst v11;
	v5 =	vmax.f32 v5, $0.0e+00;
	v3 =	vadd.f32 v3, v8  }
0x13d: {  	[tilespmem:s29+$0x42A0] =	vst v5;
	v4 =	vmax.f32 v4, $0.0e+00;
	v2 =	vadd.f32 v2, v7  }
0x13e: {  	[tilespmem:s29+$0x42B0] =	vst v4;
	v3 =	vmax.f32 v3, $0.0e+00;
	v1 =	vadd.f32 v1, v6  }
0x13f: {  	[tilespmem:s29+$0x42C0] =	vst v3;
	v2 =	vmax.f32 v2, $0.0e+00;
	v0 =	vadd.f32 v0, v10  }
0x140: {  	[tilespmem:s29+$0x42D0] =	vst v2;
	v1 =	vmax.f32 v1, $0.0e+00  }
0x141: {  	[tilespmem:s29+$0x42E0] =	vst v1;
	v0 =	vmax.f32 v0, $0.0e+00  }
0x142: {  	[tilespmem:s29+$0x42F0] =	vst v0  }
0x143: {  	_ =	swait.ge [sflag:s14], $0x40  }
0x144: {  	[sflag:s14] =	ssyncset.done $0x0  }
0x145: {  	s20 =	simm.s32 $0x8;
	[sflag:s14] =	ssyncadd.s32 $0xFFFFFFC0  }
0x146: {  	_ =	swait.ge [sflag:s20], $0x2000  }
0x147: {  	[sflag:s20] =	ssyncset.done $0x0  }
0x148: {  	s21 =	simm.s32 $0x4280;
	[sflag:s20] =	ssyncadd.s32 $0xFFFFE000;
	s20 =	simm.s32 $0x100  }
0x149: {  	[spmem:s3] =	stream.indirect.scatter.add.f32 [tilespmem:s21], [sflag:$0x6], $0x80, s20, s0, $0xb8;
	[tilespmem:$0x1E280] =	vst v63  }
0x14a: {  	_ =	swait.ge [sflag:s23], $0x2000  }
0x14b: {  	[sflag:s23] =	ssyncset.done $0x0  }
0x14c: {  	[sflag:s23] =	ssyncadd.s32 $0xFFFFE000  }
0x14d: {  	_ =	swait.ge [sflag:s16], $0x2000  }
0x14e: {  	[sflag:s16] =	ssyncset.done $0x0  }
0x14f: {  	[sflag:s16] =	ssyncadd.s32 $0xFFFFE000  }
0x150: {  	_ =	swait.ge [sflag:s10], $0x40  }
0x151: {  	[sflag:s10] =	ssyncset.done $0x0  }
0x152: {  	s22 =	sshll.u32 s22, $0x4;
	s21 =	simm.s32 $0x2280;
	[sflag:s10] =	ssyncadd.s32 $0xFFFFFFC0  }
0x153: {  	[tilespmem:s21], [sflag:$0x2] =	stream.indirect.gather [hbm4b:s1+s0], $0x80, s30, s0, $0xb8;
	[tilespmem:$0x1E280] =	vst v63  }
0x154: {  	s29 =	simm.s32 $0x0;
	s20 =	sadd.s32 s7, s22  }
0x155: {  	[tilespmem:s24], [sflag:$0x5] =	stream.linear.gather [hbm4b:s20+s29], $0x2000, $0x38;
	[tilespmem:$0x1E280] =	vst v63  }
0x156: {  	s5 =	sadd.s32 s6, s5  }
0x157: {  	[tilespmem:s25], [sflag:$0xD] =	stream.linear.gather [hbm4b:s5+s29], $0x40, $0x38;
	[tilespmem:$0x1E280] =	vst v63  }
0x158: {  	p1 =	seq.s32 s26, $0xE;
	s5 =	sadd.s32 $0x6, s12  }
0x159: {  	s5 =	sshll.u32 @!p1 s5, $0x6  }
0x15a: {  	s5 =	sadd.s32 @!p1 s8, s5  }
0x15b: {  	s12 =	sshrl.u32 @!p1 s5, $0x3  }
0x15c: {  	s22 =	simm.s32 $0x0;
	s21 =	simm.s32 @!p1 $0x0;
	s20 =	sadd.s32 @!p1 s2, s12  }
0x15d: {  	[tilespmem:s21], [sflag:$0x9] =	stream.linear.gather @!p1 [hbm4b:s20+s21], $0x40, $0x38;
	[tilespmem:$0x1E280] =	vst v63  }
0x15e: {  	v6 =	vld [tilespmem:s22+$0x280]  }
0x15f: {  	v11 =	vld [tilespmem:s22+$0x290]  }
0x160: {  	v5 =	vld [tilespmem:s22+$0x2A0]  }
0x161: {  	v4 =	vld [tilespmem:s22+$0x2B0]  }
0x162: {  	v3 =	vld [tilespmem:s22+$0x2C0]  }
0x163: {  	v2 =	vld [tilespmem:s22+$0x2D0]  }
0x164: {  	v1 =	vld [tilespmem:s22+$0x2E0]  }
0x165: {  	v0 =	vld [tilespmem:s22+$0x2F0]  }
0x166: {  	v12 =	vld [tilespmem:s22+$0x6280]  }
0x167: {  	v13 =	vld [tilespmem:s22+$0x6290]  }
0x168: {  	v10 =	vld [tilespmem:s22+$0x62A0]  }
0x169: {  	v9 =	vld [tilespmem:s22+$0x62B0]  }
0x16a: {  	v8 =	vld [tilespmem:s22+$0x62C0]  }
0x16b: {  	v7 =	vld [tilespmem:s22+$0x62D0];
	v12 =	vadd.f32 v6, v12  }
0x16c: {  	s21 =	simm.s32 $0x200;
	v11 =	vadd.f32 v11, v13;
	v6 =	vld [tilespmem:s22+$0x62E0]  }
.LBB2_11:
0x16d: {  	s20 =	sshra.s32 s21, $0x2;
	p2 =	sne.s32 s21, $0x7E00;
	v12 =	vmax.f32 v12, $0.0e+00;
	v5 =	vadd.f32 v5, v10;
	v10 =	vld [tilespmem:s22+$0x62F0]  }
0x16e: {  	v13 =	vld [tilespmem:s20+$0x280];
	[tilespmem:s22+$0x6280] =	vst v12;
	v11 =	vmax.f32 v11, $0.0e+00;
	v4 =	vadd.f32 v4, v9  }
0x16f: {  	v14 =	vld [tilespmem:s20+$0x290];
	[tilespmem:s22+$0x6290] =	vst v11;
	v9 =	vmax.f32 v5, $0.0e+00;
	v3 =	vadd.f32 v3, v8  }
0x170: {  	v5 =	vld [tilespmem:s20+$0x2A0];
	[tilespmem:s22+$0x62A0] =	vst v9;
	v8 =	vmax.f32 v4, $0.0e+00;
	v2 =	vadd.f32 v2, v7  }
0x171: {  	v4 =	vld [tilespmem:s20+$0x2B0];
	[tilespmem:s22+$0x62B0] =	vst v8;
	v7 =	vmax.f32 v3, $0.0e+00;
	v1 =	vadd.f32 v1, v6  }
0x172: {  	v3 =	vld [tilespmem:s20+$0x2C0];
	[tilespmem:s22+$0x62C0] =	vst v7;
	v6 =	vmax.f32 v2, $0.0e+00;
	v0 =	vadd.f32 v0, v10  }
0x173: {  	v2 =	vld [tilespmem:s20+$0x2D0];
	[tilespmem:s22+$0x62D0] =	vst v6;
	v6 =	vmax.f32 v1, $0.0e+00  }
0x174: {  	v1 =	vld [tilespmem:s20+$0x2E0];
	[tilespmem:s22+$0x62E0] =	vst v6;
	v6 =	vmax.f32 v0, $0.0e+00  }
0x175: {  	v0 =	vld [tilespmem:s20+$0x2F0];
	[tilespmem:s22+$0x62F0] =	vst v6;
	s22 =	smov.u32 s20  }
0x176: {  	v6 =	vld [tilespmem:s22+$0x6280]  }
0x177: {  	v11 =	vld [tilespmem:s22+$0x6290]  }
.Ltmp6:
0x178: {  	v10 =	vld [tilespmem:s22+$0x62A0];
	(pc) =	sbr.rel @p2 .LBB2_11-.Ltmp6, $4  }
0x179: {  	v9 =	vld [tilespmem:s22+$0x62B0]  }
0x17a: {  	v8 =	vld [tilespmem:s22+$0x62C0]  }
0x17b: {  	v12 =	vadd.f32 v13, v6;
	v7 =	vld [tilespmem:s22+$0x62D0]  }
0x17c: {  	s21 =	sadd.s32 $0x200, s21;
	v11 =	vadd.f32 v14, v11;
	v6 =	vld [tilespmem:s22+$0x62E0]  }
0x17d: {  	v12 =	vmax.f32 v12, $0.0e+00;
	v5 =	vadd.f32 v5, v10;
	v10 =	vld [tilespmem:s22+$0x62F0]  }
0x17e: {  	[tilespmem:s22+$0x6280] =	vst v12;
	v11 =	vmax.f32 v11, $0.0e+00;
	v4 =	vadd.f32 v4, v9  }
0x17f: {  	[tilespmem:s22+$0x6290] =	vst v11;
	v5 =	vmax.f32 v5, $0.0e+00;
	v3 =	vadd.f32 v3, v8  }
0x180: {  	[tilespmem:s22+$0x62A0] =	vst v5;
	v4 =	vmax.f32 v4, $0.0e+00;
	v2 =	vadd.f32 v2, v7  }
0x181: {  	[tilespmem:s22+$0x62B0] =	vst v4;
	v3 =	vmax.f32 v3, $0.0e+00;
	v1 =	vadd.f32 v1, v6  }
0x182: {  	[tilespmem:s22+$0x62C0] =	vst v3;
	v2 =	vmax.f32 v2, $0.0e+00;
	v0 =	vadd.f32 v0, v10  }
0x183: {  	[tilespmem:s22+$0x62D0] =	vst v2;
	v1 =	vmax.f32 v1, $0.0e+00  }
0x184: {  	[tilespmem:s22+$0x62E0] =	vst v1;
	v0 =	vmax.f32 v0, $0.0e+00  }
0x185: {  	[tilespmem:s22+$0x62F0] =	vst v0  }
0x186: {  	_ =	swait.ge [sflag:s11], $0x40  }
0x187: {  	[sflag:s11] =	ssyncset.done $0x0  }
0x188: {  	[sflag:s11] =	ssyncadd.s32 $0xFFFFFFC0  }
0x189: {  	_ =	swait.ge [sflag:s28], $0x2000  }
0x18a: {  	[sflag:s28] =	ssyncset.done $0x0  }
0x18b: {  	s20 =	simm.s32 $0x180;
	[sflag:s28] =	ssyncadd.s32 $0xFFFFE000  }
0x18c: {  	[spmem:s3] =	stream.indirect.scatter.add.f32 [tilespmem:s13], [sflag:$0x7], $0x80, s20, s0, $0xb8;
	[tilespmem:$0x1E280] =	vst v63  }
0x18d: {  	_ =	swait.ge [sflag:s15], $0x2000  }
0x18e: {  	[sflag:s15] =	ssyncset.done $0x0  }
0x18f: {  	[sflag:s15] =	ssyncadd.s32 $0xFFFFE000  }
0x190: {  	_ =	swait.ge [sflag:s17], $0x2000  }
0x191: {  	[sflag:s17] =	ssyncset.done $0x0  }
0x192: {  	s20 =	simm.s32 @!p1 $0x9;
	[sflag:s17] =	ssyncadd.s32 $0xFFFFE000  }
0x193: {  	_ =	swait.ge @!p1 [sflag:s20], $0x40  }
0x194: {  	s21 =	simm.s32 @!p1 $0x0;
	s5 =	sshll.u32 @!p1 s5, $0x4;
	[sflag:s20] =	ssyncset.done @!p1 $0x0  }
0x195: {  	s22 =	simm.s32 @!p1 $0x280;
	[sflag:s20] =	ssyncadd.s32 @!p1 $0xFFFFFFC0;
	s20 =	simm.s32 @!p1 $0x40  }
0x196: {  	[tilespmem:s22], [sflag:$0x1] =	stream.indirect.gather @!p1 [hbm4b:s1+s20], $0x80, s21, s20, $0xb8;
	[tilespmem:$0x1E280] =	vst v63  }
0x197: {  	s5 =	sadd.s32 @!p1 s7, s5;
	s20 =	simm.s32 @!p1 $0x4280  }
0x198: {  	[tilespmem:s20], [sflag:$0x3] =	stream.linear.gather @!p1 [hbm4b:s5+s21], $0x2000, $0x38;
	[tilespmem:$0x1E280] =	vst v63  }
0x199: {  	s5 =	sadd.s32 @!p1 s6, s12;
	s12 =	simm.s32 @!p1 $0x100  }
0x19a: {  	[tilespmem:s12], [sflag:$0xB] =	stream.linear.gather @!p1 [hbm4b:s5+s21], $0x40, $0x38;
	[tilespmem:$0x1E280] =	vst v63  }
0x19b: {  	s5 =	rddreg [dreg:$0x16]  }
0x19c: {  	s4 =	sadd.s32 @!p1 s4, s5  }
0x19d: {  	s4 =	sshrl.u32 @!p1 s4, $0x3  }
0x19e: {  	s5 =	simm.s32 @!p1 $0x80;
	s4 =	sadd.s32 @!p1 s2, s4  }
0x19f: {  	[tilespmem:s5], [sflag:$0xA] =	stream.linear.gather @!p1 [hbm4b:s4+s21], $0x40, $0x38;
	[tilespmem:$0x1E280] =	vst v63  }
0x1a0: {  	s4 =	simm.s32 $0x0  }
0x1a1: {  	v6 =	vld [tilespmem:s4+$0x2280]  }
0x1a2: {  	v11 =	vld [tilespmem:s4+$0x2290]  }
0x1a3: {  	v5 =	vld [tilespmem:s4+$0x22A0]  }
0x1a4: {  	v4 =	vld [tilespmem:s4+$0x22B0]  }
0x1a5: {  	v3 =	vld [tilespmem:s4+$0x22C0]  }
0x1a6: {  	v2 =	vld [tilespmem:s4+$0x22D0]  }
0x1a7: {  	v1 =	vld [tilespmem:s4+$0x22E0]  }
0x1a8: {  	v0 =	vld [tilespmem:s4+$0x22F0]  }
0x1a9: {  	v12 =	vld [tilespmem:s4+$0x8280]  }
0x1aa: {  	v13 =	vld [tilespmem:s4+$0x8290]  }
0x1ab: {  	v10 =	vld [tilespmem:s4+$0x82A0]  }
0x1ac: {  	v9 =	vld [tilespmem:s4+$0x82B0]  }
0x1ad: {  	v8 =	vld [tilespmem:s4+$0x82C0]  }
0x1ae: {  	v7 =	vld [tilespmem:s4+$0x82D0];
	v12 =	vadd.f32 v6, v12  }
0x1af: {  	s5 =	simm.s32 $0x200;
	v11 =	vadd.f32 v11, v13;
	v6 =	vld [tilespmem:s4+$0x82E0]  }
.LBB2_13:
0x1b0: {  	s12 =	sshra.s32 s5, $0x2;
	p1 =	sne.s32 s5, $0x7E00;
	v12 =	vmax.f32 v12, $0.0e+00;
	v5 =	vadd.f32 v5, v10;
	v10 =	vld [tilespmem:s4+$0x82F0]  }
0x1b1: {  	v13 =	vld [tilespmem:s12+$0x2280];
	[tilespmem:s4+$0x8280] =	vst v12;
	v11 =	vmax.f32 v11, $0.0e+00;
	v4 =	vadd.f32 v4, v9  }
0x1b2: {  	v14 =	vld [tilespmem:s12+$0x2290];
	[tilespmem:s4+$0x8290] =	vst v11;
	v9 =	vmax.f32 v5, $0.0e+00;
	v3 =	vadd.f32 v3, v8  }
0x1b3: {  	v5 =	vld [tilespmem:s12+$0x22A0];
	[tilespmem:s4+$0x82A0] =	vst v9;
	v8 =	vmax.f32 v4, $0.0e+00;
	v2 =	vadd.f32 v2, v7  }
0x1b4: {  	v4 =	vld [tilespmem:s12+$0x22B0];
	[tilespmem:s4+$0x82B0] =	vst v8;
	v7 =	vmax.f32 v3, $0.0e+00;
	v1 =	vadd.f32 v1, v6  }
0x1b5: {  	v3 =	vld [tilespmem:s12+$0x22C0];
	[tilespmem:s4+$0x82C0] =	vst v7;
	v6 =	vmax.f32 v2, $0.0e+00;
	v0 =	vadd.f32 v0, v10  }
0x1b6: {  	v2 =	vld [tilespmem:s12+$0x22D0];
	[tilespmem:s4+$0x82D0] =	vst v6;
	v6 =	vmax.f32 v1, $0.0e+00  }
0x1b7: {  	v1 =	vld [tilespmem:s12+$0x22E0];
	[tilespmem:s4+$0x82E0] =	vst v6;
	v6 =	vmax.f32 v0, $0.0e+00  }
0x1b8: {  	v0 =	vld [tilespmem:s12+$0x22F0];
	[tilespmem:s4+$0x82F0] =	vst v6;
	s4 =	smov.u32 s12  }
0x1b9: {  	v6 =	vld [tilespmem:s4+$0x8280]  }
0x1ba: {  	v11 =	vld [tilespmem:s4+$0x8290]  }
.Ltmp7:
0x1bb: {  	v10 =	vld [tilespmem:s4+$0x82A0];
	(pc) =	sbr.rel @p1 .LBB2_13-.Ltmp7, $4  }
0x1bc: {  	v9 =	vld [tilespmem:s4+$0x82B0]  }
0x1bd: {  	v8 =	vld [tilespmem:s4+$0x82C0]  }
0x1be: {  	v12 =	vadd.f32 v13, v6;
	v7 =	vld [tilespmem:s4+$0x82D0]  }
0x1bf: {  	s5 =	sadd.s32 $0x200, s5;
	v11 =	vadd.f32 v14, v11;
	v6 =	vld [tilespmem:s4+$0x82E0]  }
0x1c0: {  	v12 =	vmax.f32 v12, $0.0e+00;
	v5 =	vadd.f32 v5, v10;
	v63 =	vld [tilespmem:s4+$0x82F0]  }
0x1c1: {  	[tilespmem:s4+$0x8280] =	vst v12;
	v11 =	vmax.f32 v11, $0.0e+00;
	v4 =	vadd.f32 v4, v9  }
0x1c2: {  	[tilespmem:s4+$0x8290] =	vst v11;
	v5 =	vmax.f32 v5, $0.0e+00;
	v3 =	vadd.f32 v3, v8  }
0x1c3: {  	[tilespmem:s4+$0x82A0] =	vst v5;
	v4 =	vmax.f32 v4, $0.0e+00;
	v2 =	vadd.f32 v2, v7  }
0x1c4: {  	[tilespmem:s4+$0x82B0] =	vst v4;
	v3 =	vmax.f32 v3, $0.0e+00;
	v1 =	vadd.f32 v1, v6  }
0x1c5: {  	[tilespmem:s4+$0x82C0] =	vst v3;
	v2 =	vmax.f32 v2, $0.0e+00;
	v0 =	vadd.f32 v0, v63  }
0x1c6: {  	[tilespmem:s4+$0x82D0] =	vst v2;
	v1 =	vmax.f32 v1, $0.0e+00  }
0x1c7: {  	[tilespmem:s4+$0x82E0] =	vst v1;
	v0 =	vmax.f32 v0, $0.0e+00  }
0x1c8: {  	[tilespmem:s4+$0x82F0] =	vst v0  }
0x1c9: {  	s26 =	sadd.s32 $0x1, s26;
	_ =	swait.ge [sflag:s18], $0x40  }
0x1ca: {  	p1 =	sne.s32 s26, $0xF;
	[sflag:s18] =	ssyncset.done $0x0  }
.Ltmp8:
0x1cb: {  	[sflag:s18] =	ssyncadd.s32 $0xFFFFFFC0;
	(pc) =	sbr.rel @p1 .LBB2_2-.Ltmp8, $4  }
0x1cc: {  	_ =	swait.ge [sflag:s19], $0x2000  }
0x1cd: {  	[sflag:s19] =	ssyncset.done $0x0  }
0x1ce: {  	[sflag:s19] =	ssyncadd.s32 $0xFFFFE000  }
0x1cf: {  	[spmem:s3] =	stream.indirect.scatter.add.f32 [tilespmem:s24], [sflag:$0x8], $0x80, s25, s0, $0xb8;
	[tilespmem:$0x1E280] =	vst v63  }
.Ltmp9:
0x1d0: {  	(pc) =	sbr.rel @p0 .LBB2_19-.Ltmp9, $4  }
0x1d1: {  	s4 =	simm.s32 $0x8  }
0x1d2: {  	_ =	swait.ge [sflag:s4], $0x2000  }
0x1d3: {  	[sflag:s4] =	ssyncset.done $0x0;
	s20 =	rddreg [dreg:$0x7]  }
0x1d4: {  	s12 =	rddreg [dreg:$0x17];
	[sflag:s4] =	ssyncadd.s32 $0xFFFFE000  }
0x1d5: {  	s4 =	simm.s32 $0x0;
	s5 =	rddreg [dreg:$0x11]  }
0x1d6: {  	[tilespmem:s4], [sflag:$0x9] =	stream.linear.gather [hbm4b:s5+s4], $0x40, $0x38;
	[tilespmem:$0x1E280] =	vst v63  }
0x1d7: {  	s26 =	rddreg [dreg:$0x12];
	s12 =	simm.s32 $0x100  }
0x1d8: {  	[tilespmem:s12], [sflag:$0xB] =	stream.linear.gather [hbm4b:s26+s4], $0x40, $0x38;
	[tilespmem:$0x1E280] =	vst v63  }
0x1d9: {  	_ =	swait.ge [sflag:s31], $0x40  }
0x1da: {  	[sflag:s31] =	ssyncset.done $0x0  }
0x1db: {  	s21 =	simm.s32 $0x280;
	[sflag:s31] =	ssyncadd.s32 $0xFFFFFFC0  }
0x1dc: {  	[tilespmem:s21], [sflag:$0x1] =	stream.indirect.gather [hbm4b:s1+s0], $0x80, s4, s0, $0xb8;
	[tilespmem:$0x1E280] =	vst v63  }
0x1dd: {  	s26 =	simm.s32 $0x4280;
	s22 =	rddreg [dreg:$0x13]  }
0x1de: {  	[tilespmem:s26], [sflag:$0x3] =	stream.linear.gather [hbm4b:s22+s4], $0x2000, $0x38;
	[tilespmem:$0x1E280] =	vst v63  }
0x1df: {  	_ =	swait.ge [sflag:s23], $0x2000  }
0x1e0: {  	[sflag:s23] =	ssyncset.done $0x0  }
0x1e1: {  	[sflag:s23] =	ssyncadd.s32 $0xFFFFE000  }
0x1e2: {  	_ =	swait.ge [sflag:s9], $0x2000  }
0x1e3: {  	[sflag:s9] =	ssyncset.done $0x0  }
0x1e4: {  	s4 =	simm.s32 $0x0;
	[sflag:s9] =	ssyncadd.s32 $0xFFFFE000  }
0x1e5: {  	v6 =	vld [tilespmem:s4+$0x280]  }
0x1e6: {  	v11 =	vld [tilespmem:s4+$0x290]  }
0x1e7: {  	v5 =	vld [tilespmem:s4+$0x2A0]  }
0x1e8: {  	v4 =	vld [tilespmem:s4+$0x2B0]  }
0x1e9: {  	v3 =	vld [tilespmem:s4+$0x2C0]  }
0x1ea: {  	v2 =	vld [tilespmem:s4+$0x2D0]  }
0x1eb: {  	v1 =	vld [tilespmem:s4+$0x2E0]  }
0x1ec: {  	v0 =	vld [tilespmem:s4+$0x2F0]  }
0x1ed: {  	v12 =	vld [tilespmem:s4+$0x4280]  }
0x1ee: {  	v13 =	vld [tilespmem:s4+$0x4290]  }
0x1ef: {  	v10 =	vld [tilespmem:s4+$0x42A0]  }
0x1f0: {  	v9 =	vld [tilespmem:s4+$0x42B0]  }
0x1f1: {  	v8 =	vld [tilespmem:s4+$0x42C0]  }
0x1f2: {  	v7 =	vld [tilespmem:s4+$0x42D0];
	v12 =	vadd.f32 v6, v12  }
0x1f3: {  	s5 =	simm.s32 $0x200;
	v11 =	vadd.f32 v11, v13;
	v6 =	vld [tilespmem:s4+$0x42E0]  }
.LBB2_17:
0x1f4: {  	s12 =	sshra.s32 s5, $0x2;
	p1 =	sne.s32 s5, $0x7E00;
	v12 =	vmax.f32 v12, $0.0e+00;
	v5 =	vadd.f32 v5, v10;
	v10 =	vld [tilespmem:s4+$0x42F0]  }
0x1f5: {  	v13 =	vld [tilespmem:s12+$0x280];
	[tilespmem:s4+$0x4280] =	vst v12;
	v11 =	vmax.f32 v11, $0.0e+00;
	v4 =	vadd.f32 v4, v9  }
0x1f6: {  	v14 =	vld [tilespmem:s12+$0x290];
	[tilespmem:s4+$0x4290] =	vst v11;
	v9 =	vmax.f32 v5, $0.0e+00;
	v3 =	vadd.f32 v3, v8  }
0x1f7: {  	v5 =	vld [tilespmem:s12+$0x2A0];
	[tilespmem:s4+$0x42A0] =	vst v9;
	v8 =	vmax.f32 v4, $0.0e+00;
	v2 =	vadd.f32 v2, v7  }
0x1f8: {  	v4 =	vld [tilespmem:s12+$0x2B0];
	[tilespmem:s4+$0x42B0] =	vst v8;
	v7 =	vmax.f32 v3, $0.0e+00;
	v1 =	vadd.f32 v1, v6  }
0x1f9: {  	v3 =	vld [tilespmem:s12+$0x2C0];
	[tilespmem:s4+$0x42C0] =	vst v7;
	v6 =	vmax.f32 v2, $0.0e+00;
	v0 =	vadd.f32 v0, v10  }
0x1fa: {  	v2 =	vld [tilespmem:s12+$0x2D0];
	[tilespmem:s4+$0x42D0] =	vst v6;
	v6 =	vmax.f32 v1, $0.0e+00  }
0x1fb: {  	v1 =	vld [tilespmem:s12+$0x2E0];
	[tilespmem:s4+$0x42E0] =	vst v6;
	v6 =	vmax.f32 v0, $0.0e+00  }
0x1fc: {  	v0 =	vld [tilespmem:s12+$0x2F0];
	[tilespmem:s4+$0x42F0] =	vst v6;
	s4 =	smov.u32 s12  }
0x1fd: {  	v6 =	vld [tilespmem:s4+$0x4280]  }
0x1fe: {  	v11 =	vld [tilespmem:s4+$0x4290]  }
.Ltmp10:
0x1ff: {  	v10 =	vld [tilespmem:s4+$0x42A0];
	(pc) =	sbr.rel @p1 .LBB2_17-.Ltmp10, $4  }
0x200: {  	v9 =	vld [tilespmem:s4+$0x42B0]  }
0x201: {  	v8 =	vld [tilespmem:s4+$0x42C0]  }
0x202: {  	v12 =	vadd.f32 v13, v6;
	v7 =	vld [tilespmem:s4+$0x42D0]  }
0x203: {  	s5 =	sadd.s32 $0x200, s5;
	v11 =	vadd.f32 v14, v11;
	v6 =	vld [tilespmem:s4+$0x42E0]  }
0x204: {  	v12 =	vmax.f32 v12, $0.0e+00;
	v5 =	vadd.f32 v5, v10;
	v63 =	vld [tilespmem:s4+$0x42F0]  }
0x205: {  	[tilespmem:s4+$0x4280] =	vst v12;
	v11 =	vmax.f32 v11, $0.0e+00;
	v4 =	vadd.f32 v4, v9  }
0x206: {  	[tilespmem:s4+$0x4290] =	vst v11;
	v5 =	vmax.f32 v5, $0.0e+00;
	v3 =	vadd.f32 v3, v8  }
0x207: {  	[tilespmem:s4+$0x42A0] =	vst v5;
	v4 =	vmax.f32 v4, $0.0e+00;
	v2 =	vadd.f32 v2, v7  }
0x208: {  	[tilespmem:s4+$0x42B0] =	vst v4;
	v3 =	vmax.f32 v3, $0.0e+00;
	v1 =	vadd.f32 v1, v6  }
0x209: {  	[tilespmem:s4+$0x42C0] =	vst v3;
	v2 =	vmax.f32 v2, $0.0e+00;
	v0 =	vadd.f32 v0, v63  }
0x20a: {  	[tilespmem:s4+$0x42D0] =	vst v2;
	v1 =	vmax.f32 v1, $0.0e+00  }
0x20b: {  	[tilespmem:s4+$0x42E0] =	vst v1;
	v0 =	vmax.f32 v0, $0.0e+00  }
0x20c: {  	[tilespmem:s4+$0x42F0] =	vst v0  }
0x20d: {  	_ =	swait.ge [sflag:s14], $0x40  }
0x20e: {  	s26 =	simm.s32 $0x100;
	[sflag:s14] =	ssyncset.done $0x0  }
.Ltmp11:
0x20f: {  	s5 =	simm.s32 $0x4280;
	[sflag:s14] =	ssyncadd.s32 $0xFFFFFFC0;
	(pc) =	sbr.rel .LBB2_19-.Ltmp11, $4  }
0x210: {  	[spmem:s3] =	stream.indirect.scatter.add.f32 [tilespmem:s5], [sflag:$0x6], $0x80, s26, s0, $0xb8;
	[tilespmem:$0x1E280] =	vst v63  }
0x211: {  	_ =	swait.ge [sflag:s28], $0x2000  }
0x212: {  	[sflag:s28] =	ssyncset.done $0x0  }
0x213: {  	s12 =	rddreg [dreg:$0x17];
	[sflag:s28] =	ssyncadd.s32 $0xFFFFE000  }
.LBB2_20:
0x214: {  	_ =	sfence.sel $0x180000  }
0x215: {  	[bflag:$0x0] =	sbarrier.arrive $0xFFFF  }
0x216: {  	_ =	strace $0x9000004A  }
0x217: {  	s0 =	stileid.u32;
	[bflag:$0x2] =	sbarrier.arrive $0xFFFF  }
0x218: {  	p0 =	sne.s32 s0, $0x0;
	s0 =	rddreg [dreg:$0x4]  }
0x219: {  	s0 =	sadd.s32 @!p0 $0x100000, s0  }
0x21a: {  	[sflag:s0] =	ssyncadd.tile.s32 @!p0 $0x1;
	_ =	shalt  }
.Lfunc_end2:
_tile_overlayer_lowered:
.L_overlay_start_2:
0x21b: {  	(tag) =	ssettag $0x2  }
0x21c: {  	s0 =	rddreg [dreg:$0x0];
	s2 =	stileid.u32  }
0x21d: {  	s1 =	rddreg [dreg:$0x1];
	p0 =	sne.s32 s2, $0x0  }
0x21e: {  	s3 =	rddreg [dreg:$0x2];
	[bflag:$0x3] =	sbarrier.arrive $0xFFFF;
	s2 =	simm.s32 @!p0 $0x1C0E  }
0x21f: {  	[timem:s3], [sflag:s2] =	dma.local @!p0 [hbm:s0], s1  }
0x220: {  	s0 =	simm.s32 @!p0 $0xE  }
0x221: {  	_ =	swait.ge @!p0 [sflag:s0], s1  }
0x222: {  	s1 =	ssub.s32 @!p0 $0x0, s1;
	[sflag:s0] =	ssyncset.done @!p0 $0x0  }
0x223: {  	[sflag:s0] =	ssyncadd.s32 @!p0 s1  }
0x224: {  	[bflag:$0x3] =	sbarrier.arrive $0xFFFF  }
0x225: {  	_ =	shalt  }

// kernel: kernel.7.cloned.1.call-start
scs
__scs_entry_jumppad:
0x0: {  	(pc) =	sbr.rel $0x88, $3  }
0x1: {  	(tag) =	ssettag $0x0;
	lr =	simm.s32 $0x1  }
0x2: {  	[smem:$0x3F95] =	sst lr;
	_ =	strace $0xD0000000  }
0x3: {  	_ = 	snop  }
0x4: {  	_ = 	snop  }
0x5: {  	_ = 	snop  }
0x6: {  	_ = 	snop  }
0x7: {  	_ = 	snop  }
__scs_overlays_trampoline_lowered:
0x8: {  	[smem:$0x3FA4] =	sst s0  }
0x9: {  	[smem:$0x3FA5] =	sst s1  }
0xa: {  	[smem:$0x3FA6] =	sst s2  }
0xb: {  	[smem:$0x3FA7] =	sst s3  }
0xc: {  	[smem:$0x3FA8] =	sst s4  }
0xd: {  	[smem:$0x3FA9] =	sst s5  }
0xe: {  	[smem:$0x3FAA] =	sst s6  }
0xf: {  	[smem:$0x3FAB] =	sst s7  }
0x10: {  	[smem:$0x3FAC] =	sst s8  }
0x11: {  	[smem:$0x3FAD] =	sst s9;
	s0 =	simm.s32 @!p0 $0x0  }
0x12: {  	s1 =	sld [smem:$0x3F93];
	s0 =	simm.s32 @p0 $0x1  }
0x13: {  	[smem:$0x3FAE] =	sst s0;
	s0 =	simm.s32 @!p1 $0x0  }
0x14: {  	s2 =	sld [smem:$0x3F92];
	s0 =	simm.s32 @p1 $0x1  }
0x15: {  	[smem:$0x3FAF] =	sst s0;
	s0 =	simm.s32 @!p2 $0x0  }
0x16: {  	s3 =	sld [smem:$0x3FDB];
	s0 =	simm.s32 @p2 $0x1  }
0x17: {  	s4 =	simm.s32 $0x1BF5;
	[smem:$0x3FB1] =	sst s0  }
0x18: {  	s0 =	sld [smem:$0x3F94];
	_ =	swait.ge [sflag:s4], $0x0  }
0x19: {  	s7 =	sld [smem:$0x3F95]  }
0x1a: {  	s8 =	sadd.s32 $0xFFFFE003, lr  }
0x1b: {  	s9 =	sadd.s32 $0xFFFFFEF7, lr;
	s5 =	simm.s32 $0xFFFFFFFF;
	p2 =	slt.u32 s8, $0xFFFFF086  }
0x1c: {  	p1 =	slt.u32 s9, $0xF7A;
	s5 =	simm.s32 @!p2 $0x0  }
0x1d: {  	s5 =	simm.s32 @p1 $0x1;
	p0 =	seq.s32 s7, s2  }
0x1e: {  	s7 =	smul.u32 @!p0 $0xF7A, s2;
	p2 =	seq.s32 @!p0 s5, $0x0  }
0x1f: {  	s9 =	smul.u32 $0xF7A, s1;
	s8 =	simm.s32 @!p0 $0x1BF5;
	p2 =	por !p2, p0  }
0x20: {  	[sflag:s8] =	ssyncset.s32 @!p0 $0xFFFFF086;
	s6 =	sadd.s32 @!p0 s3, s7;
	s7 =	simm.s32 @!p0 $0x108  }
0x21: {  	s3 =	sadd.s32 s3, s9;
	s6 =	sadd.s32 @!p0 $0x88, s6;
	s7 =	simm.s32 @p2 $0x1082  }
0x22: {  	[simem:s7], [sflag:s8] =	dma.local @!p0 [hbm:s6], $0xF7A  }
0x23: {  	s9 =	sor.u32 $0xD0000000, s2;
	s6 =	simm.s32 $0x108;
	_ =	swait.ge @!p0 [sflag:s8], $0x0  }
0x24: {  	s3 =	sadd.s32 $0x88, s3;
	s6 =	simm.s32 @!p1 $0x1082;
	[sflag:s4] =	ssyncset.s32 $0xFFFFF086  }
0x25: {  	[simem:s6], [sflag:s4] =	dma.local [hbm:s3], $0xF7A  }
0x26: {  	[smem:$0x3F95] =	sst s1;
	(tag) =	ssettag s2;
	_ =	strace s9  }
0x27: {  	s1 =	sld [smem:$0x3FA5]  }
0x28: {  	s2 =	sld [smem:$0x3FA6]  }
0x29: {  	s4 =	sld [smem:$0x3FA8]  }
0x2a: {  	p0 =	seq.s32 s5, $0x0;
	s5 =	sld [smem:$0x3FA9]  }
0x2b: {  	s6 =	sld [smem:$0x3FAA]  }
0x2c: {  	s7 =	sld [smem:$0x3FAB]  }
0x2d: {  	s3 =	simm.s32 $0x108;
	s8 =	sld [smem:$0x3FAC]  }
0x2e: {  	s3 =	simm.s32 @!p0 $0x1082;
	s9 =	sld [smem:$0x3FAD]  }
0x2f: {  	lr =	sadd.s32 s0, s3;
	s0 =	sld [smem:$0x3FA4]  }
0x30: {  	s3 =	sld [smem:$0x3FA7]  }
0x31: {  	[smem:$0x3FB0] =	sst s10  }
0x32: {  	s10 =	sld [smem:$0x3FAE];
	_ =	sdelay $0x3  }
0x33: {  	p0 =	seq.s32 s10, $0x1;
	s10 =	sld [smem:$0x3FB0];
	_ =	sdelay $0x3  }
0x34: {  	[smem:$0x3FB0] =	sst s10  }
0x35: {  	s10 =	sld [smem:$0x3FAF];
	_ =	sdelay $0x3  }
0x36: {  	p1 =	seq.s32 s10, $0x1;
	s10 =	sld [smem:$0x3FB0];
	_ =	sdelay $0x3  }
0x37: {  	[smem:$0x3FB0] =	sst s10  }
0x38: {  	s10 =	sld [smem:$0x3FB1]  }
0x39: {  	_ = 	snop;
	(pc) =	sbr.ind lr, $3  }
0x3a: {  	_ = 	snop  }
0x3b: {  	_ = 	snop  }
0x3c: {  	p2 =	seq.s32 s10, $0x1;
	s10 =	sld [smem:$0x3FB0]  }
0x3d: {  	_ =	shalt  }
0x3e: {  	_ =	shalt  }
0x3f: {  	_ =	shalt  }
0x40: {  	_ =	shalt  }
0x41: {  	_ =	shalt  }
0x42: {  	_ =	shalt  }
0x43: {  	_ =	shalt  }
0x44: {  	_ =	shalt  }
0x45: {  	_ =	shalt  }
0x46: {  	_ =	shalt  }
0x47: {  	_ =	shalt  }
0x48: {  	_ =	shalt  }
0x49: {  	_ =	shalt  }
0x4a: {  	_ =	shalt  }
0x4b: {  	_ =	shalt  }
0x4c: {  	_ =	shalt  }
0x4d: {  	_ =	shalt  }
0x4e: {  	_ =	shalt  }
0x4f: {  	_ =	shalt  }
0x50: {  	_ =	shalt  }
0x51: {  	_ =	shalt  }
0x52: {  	_ =	shalt  }
0x53: {  	_ =	shalt  }
0x54: {  	_ =	shalt  }
0x55: {  	_ =	shalt  }
0x56: {  	_ =	shalt  }
0x57: {  	_ =	shalt  }
0x58: {  	_ =	shalt  }
0x59: {  	_ =	shalt  }
0x5a: {  	_ =	shalt  }
0x5b: {  	_ =	shalt  }
0x5c: {  	_ =	shalt  }
0x5d: {  	_ =	shalt  }
0x5e: {  	_ =	shalt  }
0x5f: {  	_ =	shalt  }
0x60: {  	_ =	shalt  }
0x61: {  	_ =	shalt  }
0x62: {  	_ =	shalt  }
0x63: {  	_ =	shalt  }
0x64: {  	_ =	shalt  }
0x65: {  	_ =	shalt  }
0x66: {  	_ =	shalt  }
0x67: {  	_ =	shalt  }
0x68: {  	_ =	shalt  }
0x69: {  	_ =	shalt  }
0x6a: {  	_ =	shalt  }
0x6b: {  	_ =	shalt  }
0x6c: {  	_ =	shalt  }
0x6d: {  	_ =	shalt  }
0x6e: {  	_ =	shalt  }
0x6f: {  	_ =	shalt  }
0x70: {  	_ =	shalt  }
0x71: {  	_ =	shalt  }
0x72: {  	_ =	shalt  }
0x73: {  	_ =	shalt  }
0x74: {  	_ =	shalt  }
0x75: {  	_ =	shalt  }
0x76: {  	_ =	shalt  }
0x77: {  	_ =	shalt  }
0x78: {  	_ =	shalt  }
0x79: {  	_ =	shalt  }
0x7a: {  	_ =	shalt  }
0x7b: {  	_ =	shalt  }
0x7c: {  	_ =	shalt  }
0x7d: {  	_ =	shalt  }
0x7e: {  	_ =	shalt  }
0x7f: {  	_ =	shalt  }
0x80: {  	_ =	shalt  }
0x81: {  	_ =	shalt  }
0x82: {  	_ =	shalt  }
0x83: {  	_ =	shalt  }
0x84: {  	_ =	shalt  }
0x85: {  	_ =	shalt  }
0x86: {  	_ =	shalt  }
0x87: {  	_ =	shalt  }
.Lfunc_end0:
.L_simem_size_0:
called_computation_lowered:
.L_overlay_start_0:
0x88: {  	s2 =	sld [smem:$0x3FD9]  }
0x89: {  	s3 =	sld [smem:$0x3FFE];
	_ =	sdelay $0x1  }
0x8a: {  	s1 =	srdreg.scid  }
0x8b: {  	s0 =	sand.u32 $0x1, s1  }
0x8c: {  	s17 =	sshll.u32 s0, $0xA;
	s2 =	sadd.s32 s3, s2  }
0x8d: {  	s2 =	sadd.s32 s2, s17  }
0x8e: {  	[smem:$0x3FBC] =	sst s2  }
0x8f: {  	_ = 	snop  }
0x90: {  	s2 =	sld [smem:$0x3FC9];
	(tm) =	ssettm $0x1  }
0x91: {  	s18 =	sld [smem:$0x3FFB];
	_ =	sdelay $0x3  }
0x92: {  	_ =	strace s18  }
0x93: {  	s3 =	sld [smem:$0x3FFC];
	_ =	sdelay $0x3  }
0x94: {  	_ =	strace s3  }
0x95: {  	s3 =	sld [smem:$0x3FFD];
	_ =	sdelay $0x3  }
0x96: {  	_ =	strace s3  }
0x97: {  	_ =	strace $0x8FFFFFFF  }
0x98: {  	s19 =	sld [smem:$0x3FDB];
	_ =	sdelay $0x1  }
0x99: {  	s4 =	simm.s32 $_scs_section_size  }
0x9a: {  	s5 =	simm.s32 $_size__tile_overlayer_lowered;
	s6 =	simm.s32 $_tile_overlayer_lowered  }
0x9b: {  	s22 =	simm.s32 $0x1BFF;
	s21 =	sshll.u32 s6, $0x1;
	s3 =	sadd.s32 s4, s19  }
0x9c: {  	s7 =	simm.s32 $0x0;
	s20 =	sshll.u32 s5, $0x1;
	s5 =	sadd.s32 s21, s3  }
0x9d: {  	[timem:s7], [sflag:s22] =	dma.local [hbm:s5], s20  }
0x9e: {  	_ =	swait.ge [sflag:s22], s20  }
0x9f: {  	s4 =	ssub.s32 $0x0, s20;
	[sflag:s22] =	ssyncset.done $0x0  }
0xa0: {  	[sflag:s22] =	ssyncadd.s32 s4;
	_ =	sdelay $0x1  }
0xa1: {  	s23 =	simm.s32 $0x1B8B  }
0xa2: {  	_ =	swait.ge [sflag:s23], $0x1  }
0xa3: {  	[sflag:s23] =	ssyncset.done $0x0  }
0xa4: {  	s25 =	simm.s32 $0x1B8E;
	s24 =	sld [smem:$0x3FFE];
	[sflag:s23] =	ssyncadd.s32 $0xFFFFFFFF  }
0xa5: {  	s26 =	simm.s32 $execute0_lowered;
	[smem:$0x3FD2] =	sst s25  }
0xa6: {  	s5 =	sshll.u32 s26, $0x1;
	_ =	strace $0x80000046;
	[dreg:$0x1] =	wrdreg $0xFFFFFFFF  }
0xa7: {  	s28 =	simm.s32 $_size_execute0_lowered;
	s3 =	sadd.s32 s3, s5;
	[dreg:$0x0] =	wrdreg $0x0  }
0xa8: {  	s5 =	sshll.u32 s28, $0x1;
	[dreg:$0x2] =	wrdreg s3  }
0xa9: {  	[dreg:$0x3] =	wrdreg s5  }
0xaa: {  	[dreg:$0x4] =	wrdreg $0xC0  }
0xab: {  	_ =	task [dreg:s7], $0x5FFFF  }
0xac: {  	[dreg:$0x1] =	wrdreg $0xFFFFFFFF  }
0xad: {  	[dreg:$0x0] =	wrdreg $0x60  }
0xae: {  	[dreg:$0x2] =	wrdreg s2  }
0xaf: {  	[dreg:$0x3] =	wrdreg s24  }
0xb0: {  	[dreg:$0x4] =	wrdreg $0xA2800  }
0xb1: {  	[dreg:$0x5] =	wrdreg $0x9  }
0xb2: {  	_ =	task.clear_ibuf [dreg:s7], $0x6FFFF;
	_ =	strace $0x90000046  }
0xb3: {  	s29 =	simm.s32 $0x9;
	_ =	strace $0x80000048  }
0xb4: {  	_ =	swait.ge [sflag:s29], $0x1  }
0xb5: {  	[sflag:s29] =	ssyncadd.s32 $0xFFFFFFFF  }
0xb6: {  	_ =	strace $0x90000048  }
0xb7: {  	_ =	sfence  }
0xb8: {  	s30 =	sld [smem:$0x0];
	_ =	sdelay $0x2  }
0xb9: {  	s31 =	sshll.u32 s1, $0xD;
	s1 =	sshrl.u32 s1, $0x2  }
0xba: {  	s3 =	sand.u32 $0x4000, s31;
	s1 =	sadd.s32 s1, s30  }
0xbb: {  	s0 =	sor.u32 s3, s0;
	s1 =	sshll.u32 s1, $0x11  }
0xbc: {  	s0 =	sor.u32 s1, s0  }
0xbd: {  	s0 =	sadd.s32 $0x8F2B, s0  }
0xbe: {  	[sflag:s0] =	ssyncadd.remote.s32 $0x1  }
0xbf: {  	_ =	sfence.sel $0xFFFF  }
0xc0: {  	[dreg:$0x0] =	wrdreg $0xFFFFFFFF;
	(pc) =	sbr.abs _section_cstart, $3  }
0xc1: {  	[dreg:$0x1] =	wrdreg $0xFFFFFFFF  }
0xc2: {  	_ =	task.clear_ibuf [dreg:s7], $0x2FFFF;
	_ =	strace $0x9FFFFFFF  }
0xc3: {  	(tm) =	ssettm $0x7FFFFFFF  }
tec
execute0_lowered:
.L_overlay_start_1:
0x0: {  	(tag) =	ssettag $0x1  }
0x1: {  	s1 =	rddreg [dreg:$0x0]  }
0x2: {  	s0 =	rddreg [dreg:$0x1]  }
0x3: {  	s2 =	rddreg [dreg:$0x2]  }
0x4: {  	s3 =	srdreg.scid;
	s31 =	simm.s32 $0x0;
	s11 =	stileid.u32  }
0x5: {  	s28 =	simm.s32 $0x9;
	s29 =	simm.s32 $0x40;
	s3 =	sand.u32 $0x1, s3  }
0x6: {  	[smem:$0x7FF] =	sst s31;
	s8 =	smul.u32 $0x14000, s11;
	s5 =	sadd.s32 $0x216800, s0  }
0x7: {  	s6 =	sadd.s32 $0x212600, s0;
	s7 =	sadd.s32 $0x21AA00, s0;
	s13 =	sshll.u32 s11, $0x1  }
0x8: {  	s9 =	smul.u32 $0x50000, s11;
	s16 =	sshll.u32 s11, $0x6;
	s11 =	simm.s32 $0xC  }
0x9: {  	s4 =	smul.u32 $0x140000, s3;
	_ =	strace $0x80000047;
	s14 =	ssub.s32 $0x2, s3  }
0xa: {  	s3 =	sor.u32 s3, s13;
	s12 =	sor.u32 $0x1C0E, s16;
	s13 =	simm.s32 $0x6280  }
0xb: {  	s16 =	simm.s32 $0x4;
	s10 =	sshrl.u32 s14, $0x1;
	s9 =	sshrl.u32 s9, $0x2  }
0xc: {  	[dreg:$0x6] =	wrdreg s12;
	s4 =	sadd.s32 s8, s4;
	s8 =	smul.u32 $0x1080, s3  }
0xd: {  	s9 =	sadd.s32 s9, s2;
	s3 =	smul.u32 $0x10800, s3;
	s4 =	sshrl.u32 s4, $0x3  }
0xe: {  	[dreg:$0x4] =	wrdreg s9;
	s9 =	simm.s32 $0x3;
	s0 =	sadd.s32 s4, s0  }
0xf: {  	s4 =	ssub.s32 s14, s10;
	s17 =	sshrl.u32 s8, $0x3;
	s3 =	sadd.s32 s7, s3  }
0x10: {  	s22 =	sadd.s32 $0x80, s8;
	s23 =	sadd.s32 $0xC0, s8;
	[dreg:$0xa] =	wrdreg s3  }
0x11: {  	s24 =	sadd.s32 $0x100, s8;
	s25 =	sadd.s32 $0x140, s8;
	[dreg:$0xc] =	wrdreg s22  }
0x12: {  	s26 =	sadd.s32 $0x1C0, s8;
	s14 =	simm.s32 $0xB;
	[dreg:$0xd] =	wrdreg s23  }
0x13: {  	s15 =	sadd.s32 $0x2600, s0;
	s18 =	sadd.s32 s5, s17;
	[dreg:$0xe] =	wrdreg s24  }
0x14: {  	s19 =	sor.u32 $0x8, s17;
	s10 =	sadd.s32 s6, s17;
	[dreg:$0xf] =	wrdreg s25  }
0x15: {  	[dreg:$0x10] =	wrdreg s26;
	s0 =	sadd.s32 $0x52600, s0;
	s30 =	smax.u32 s4, $0x1  }
0x16: {  	s4 =	simm.s32 $0xE;
	s26 =	simm.s32 $0x80;
	[dreg:$0x5] =	wrdreg s15  }
0x17: {  	s3 =	simm.s32 $0x1;
	s22 =	simm.s32 $0x8280;
	[dreg:$0x7] =	wrdreg s18  }
0x18: {  	s23 =	simm.s32 $0x200;
	s24 =	simm.s32 $0x6;
	[dreg:$0x8] =	wrdreg s10  }
0x19: {  	s17 =	simm.s32 $0x5;
	s20 =	sadd.s32 s5, s19;
	[dreg:$0x11] =	wrdreg s0  }
0x1a: {  	s21 =	sadd.s32 s6, s19;
	[dreg:$0x12] =	wrdreg s30;
	s10 =	simm.s32 $0xA  }
0x1b: {  	s15 =	simm.s32 $0x2;
	s18 =	simm.s32 $0xD;
	[dreg:$0x9] =	wrdreg s20  }
0x1c: {  	s19 =	simm.s32 $0x7;
	[dreg:$0xb] =	wrdreg s21;
	s20 =	simm.s32 $0x0  }
.LBB2_1:
0x1d: {  	[dreg:$0x13] =	wrdreg s20  }
0x1e: {  	s0 =	rddreg [dreg:$0x4]  }
0x1f: {  	s30 =	rddreg [dreg:$0x5];
	s25 =	sshrl.u32 s0, $0x3  }
0x20: {  	[dreg:$0x14] =	wrdreg s25  }
0x21: {  	[spmem:s25], [sflag:s12] =	dma.local [hbm:s30], $0x2800  }
0x22: {  	_ =	swait.ge [sflag:s4], $0x2800  }
0x23: {  	[sflag:s4] =	ssyncset.done $0x0  }
0x24: {  	[sflag:s4] =	ssyncadd.s32 $0xFFFFD800  }
0x25: {  	[bflag:$0x0] =	sbarrier.arrive $0xFFFF  }
0x26: {  	s21 =	rddreg [dreg:$0x7]  }
0x27: {  	[tilespmem:s31], [sflag:$0x9] =	stream.linear.gather [hbm4b:s21+s31], $0x40, $0x38;
	[tilespmem:$0x1E280] =	vst v63  }
0x28: {  	s30 =	simm.s32 $0x100;
	s25 =	rddreg [dreg:$0x8]  }
0x29: {  	[tilespmem:s30], [sflag:$0xB] =	stream.linear.gather [hbm4b:s25+s31], $0x40, $0x38;
	[tilespmem:$0x1E280] =	vst v63  }
0x2a: {  	s4 =	rddreg [dreg:$0x9]  }
0x2b: {  	[tilespmem:s26], [sflag:$0xA] =	stream.linear.gather [hbm4b:s4+s31], $0x40, $0x38;
	[tilespmem:$0x1E280] =	vst v63  }
0x2c: {  	_ =	swait.ge [sflag:s28], $0x40  }
0x2d: {  	[sflag:s28] =	ssyncset.done $0x0  }
0x2e: {  	s12 =	simm.s32 $0x280;
	[sflag:s28] =	ssyncadd.s32 $0xFFFFFFC0  }
0x2f: {  	[tilespmem:s12], [sflag:$0x1] =	stream.indirect.gather [hbm4b:s1+s29], $0x80, s31, s29, $0xb8;
	[tilespmem:$0x1E280] =	vst v63  }
0x30: {  	s21 =	simm.s32 $0x4280;
	s20 =	rddreg [dreg:$0xa]  }
0x31: {  	[tilespmem:s21], [sflag:$0x3] =	stream.linear.gather [hbm4b:s20+s31], $0x2000, $0x38;
	[tilespmem:$0x1E280] =	vst v63  }
0x32: {  	s30 =	simm.s32 $0x180;
	s25 =	rddreg [dreg:$0xb];
	s21 =	simm.s32 $0x0  }
0x33: {  	[tilespmem:s30], [sflag:$0xC] =	stream.linear.gather [hbm4b:s25+s31], $0x40, $0x38;
	[tilespmem:$0x1E280] =	vst v63  }
.LBB2_2:
0x34: {  	_ =	swait.ge [sflag:s3], $0x2000  }
0x35: {  	[sflag:s3] =	ssyncset.done $0x0  }
0x36: {  	[sflag:s3] =	ssyncadd.s32 $0xFFFFE000  }
0x37: {  	_ =	swait.ge [sflag:s9], $0x2000  }
0x38: {  	s30 =	smul.u32 $0x180, s21;
	[sflag:s9] =	ssyncset.done $0x0  }
0x39: {  	[sflag:s9] =	ssyncadd.s32 $0xFFFFE000  }
0x3a: {  	s0 =	sadd.s32 s30, s8;
	_ =	swait.ge [sflag:s10], $0x40  }
0x3b: {  	s4 =	simm.s32 $0x2280;
	s0 =	sadd.s32 $0x40, s0;
	[sflag:s10] =	ssyncset.done $0x0  }
0x3c: {  	p0 =	seq.s32 s21, $0x0;
	s25 =	sshll.u32 s0, $0x4;
	[sflag:s10] =	ssyncadd.s32 $0xFFFFFFC0  }
0x3d: {  	[tilespmem:s4], [sflag:$0x2] =	stream.indirect.gather [hbm4b:s1+s29], $0x80, s26, s29, $0xb8;
	[tilespmem:$0x1E280] =	vst v63  }
0x3e: {  	s0 =	sshrl.u32 @!p0 s0, $0x3;
	s4 =	sadd.s32 s7, s25  }
0x3f: {  	[tilespmem:s13], [sflag:$0x4] =	stream.linear.gather [hbm4b:s4+s31], $0x2000, $0x38;
	[tilespmem:$0x1E280] =	vst v63  }
0x40: {  	s12 =	simm.s32 @!p0 $0x180;
	s0 =	sadd.s32 @!p0 s6, s0;
	s4 =	simm.s32 @!p0 $0x0  }
0x41: {  	[tilespmem:s12], [sflag:$0xC] =	stream.linear.gather @!p0 [hbm4b:s0+s4], $0x40, $0x38;
	[tilespmem:$0x1E280] =	vst v63  }
0x42: {  	s12 =	rddreg [dreg:$0xc]  }
0x43: {  	s31 =	sadd.s32 s30, s12  }
0x44: {  	s12 =	sshrl.u32 s31, $0x3  }
0x45: {  	s25 =	simm.s32 $0x0;
	s0 =	simm.s32 $0x0;
	s20 =	sadd.s32 s5, s12  }
0x46: {  	[tilespmem:s25], [sflag:$0x9] =	stream.linear.gather [hbm4b:s20+s25], $0x40, $0x38;
	[tilespmem:$0x1E280] =	vst v63  }
0x47: {  	v6 =	vld [tilespmem:s0+$0x280]  }
0x48: {  	v11 =	vld [tilespmem:s0+$0x290]  }
0x49: {  	v5 =	vld [tilespmem:s0+$0x2A0]  }
0x4a: {  	v4 =	vld [tilespmem:s0+$0x2B0]  }
0x4b: {  	v3 =	vld [tilespmem:s0+$0x2C0]  }
0x4c: {  	v2 =	vld [tilespmem:s0+$0x2D0]  }
0x4d: {  	v1 =	vld [tilespmem:s0+$0x2E0]  }
0x4e: {  	v0 =	vld [tilespmem:s0+$0x2F0]  }
0x4f: {  	v12 =	vld [tilespmem:s0+$0x4280]  }
0x50: {  	v13 =	vld [tilespmem:s0+$0x4290]  }
0x51: {  	v10 =	vld [tilespmem:s0+$0x42A0]  }
0x52: {  	v9 =	vld [tilespmem:s0+$0x42B0]  }
0x53: {  	v8 =	vld [tilespmem:s0+$0x42C0]  }
0x54: {  	v7 =	vld [tilespmem:s0+$0x42D0];
	v12 =	vadd.f32 v6, v12  }
0x55: {  	s4 =	simm.s32 $0x200;
	s25 =	smul.u32 $0x6, s21;
	v11 =	vadd.f32 v11, v13;
	v6 =	vld [tilespmem:s0+$0x42E0]  }
.LBB2_3:
0x56: {  	s20 =	sshra.s32 s4, $0x2;
	p1 =	sne.s32 s4, $0x7E00;
	v12 =	vmax.f32 v12, $0.0e+00;
	v5 =	vadd.f32 v5, v10;
	v10 =	vld [tilespmem:s0+$0x42F0]  }
0x57: {  	v13 =	vld [tilespmem:s20+$0x280];
	[tilespmem:s0+$0x4280] =	vst v12;
	v11 =	vmax.f32 v11, $0.0e+00;
	v4 =	vadd.f32 v4, v9  }
0x58: {  	v14 =	vld [tilespmem:s20+$0x290];
	[tilespmem:s0+$0x4290] =	vst v11;
	v9 =	vmax.f32 v5, $0.0e+00;
	v3 =	vadd.f32 v3, v8  }
0x59: {  	v5 =	vld [tilespmem:s20+$0x2A0];
	[tilespmem:s0+$0x42A0] =	vst v9;
	v8 =	vmax.f32 v4, $0.0e+00;
	v2 =	vadd.f32 v2, v7  }
0x5a: {  	v4 =	vld [tilespmem:s20+$0x2B0];
	[tilespmem:s0+$0x42B0] =	vst v8;
	v7 =	vmax.f32 v3, $0.0e+00;
	v1 =	vadd.f32 v1, v6  }
0x5b: {  	v3 =	vld [tilespmem:s20+$0x2C0];
	[tilespmem:s0+$0x42C0] =	vst v7;
	v6 =	vmax.f32 v2, $0.0e+00;
	v0 =	vadd.f32 v0, v10  }
0x5c: {  	v2 =	vld [tilespmem:s20+$0x2D0];
	[tilespmem:s0+$0x42D0] =	vst v6;
	v6 =	vmax.f32 v1, $0.0e+00  }
0x5d: {  	v1 =	vld [tilespmem:s20+$0x2E0];
	[tilespmem:s0+$0x42E0] =	vst v6;
	v6 =	vmax.f32 v0, $0.0e+00  }
0x5e: {  	v0 =	vld [tilespmem:s20+$0x2F0];
	[tilespmem:s0+$0x42F0] =	vst v6;
	s0 =	smov.u32 s20  }
0x5f: {  	v6 =	vld [tilespmem:s0+$0x4280]  }
0x60: {  	v11 =	vld [tilespmem:s0+$0x4290]  }
.Ltmp0:
0x61: {  	v10 =	vld [tilespmem:s0+$0x42A0];
	(pc) =	sbr.rel @p1 .LBB2_3-.Ltmp0, $4  }
0x62: {  	v9 =	vld [tilespmem:s0+$0x42B0]  }
0x63: {  	v8 =	vld [tilespmem:s0+$0x42C0]  }
0x64: {  	v12 =	vadd.f32 v13, v6;
	v7 =	vld [tilespmem:s0+$0x42D0]  }
0x65: {  	s4 =	sadd.s32 $0x200, s4;
	v11 =	vadd.f32 v14, v11;
	v6 =	vld [tilespmem:s0+$0x42E0]  }
0x66: {  	v12 =	vmax.f32 v12, $0.0e+00;
	v5 =	vadd.f32 v5, v10;
	v10 =	vld [tilespmem:s0+$0x42F0]  }
0x67: {  	[tilespmem:s0+$0x4280] =	vst v12;
	v11 =	vmax.f32 v11, $0.0e+00;
	v4 =	vadd.f32 v4, v9  }
0x68: {  	[tilespmem:s0+$0x4290] =	vst v11;
	v5 =	vmax.f32 v5, $0.0e+00;
	v3 =	vadd.f32 v3, v8  }
0x69: {  	[tilespmem:s0+$0x42A0] =	vst v5;
	v4 =	vmax.f32 v4, $0.0e+00;
	v2 =	vadd.f32 v2, v7  }
0x6a: {  	[tilespmem:s0+$0x42B0] =	vst v4;
	v3 =	vmax.f32 v3, $0.0e+00;
	v1 =	vadd.f32 v1, v6  }
0x6b: {  	[tilespmem:s0+$0x42C0] =	vst v3;
	v2 =	vmax.f32 v2, $0.0e+00;
	v0 =	vadd.f32 v0, v10  }
0x6c: {  	[tilespmem:s0+$0x42D0] =	vst v2;
	v1 =	vmax.f32 v1, $0.0e+00  }
0x6d: {  	[tilespmem:s0+$0x42E0] =	vst v1;
	v0 =	vmax.f32 v0, $0.0e+00  }
0x6e: {  	[tilespmem:s0+$0x42F0] =	vst v0  }
0x6f: {  	_ =	swait.ge [sflag:s14], $0x40  }
0x70: {  	[sflag:s14] =	ssyncset.done $0x0  }
0x71: {  	s0 =	simm.s32 @!p0 $0x8;
	[sflag:s14] =	ssyncadd.s32 $0xFFFFFFC0  }
0x72: {  	_ =	swait.ge @!p0 [sflag:s0], $0x2000  }
0x73: {  	[sflag:s0] =	ssyncset.done @!p0 $0x0  }
0x74: {  	s20 =	simm.s32 $0x100;
	s4 =	simm.s32 $0x4280;
	[sflag:s0] =	ssyncadd.s32 @!p0 $0xFFFFE000  }
0x75: {  	[spmem:s2] =	stream.indirect.scatter.add.f32 [tilespmem:s4], [sflag:$0x6], $0x80, s20, s29, $0xb8;
	[tilespmem:$0x1E280] =	vst v63  }
0x76: {  	_ =	swait.ge [sflag:s15], $0x2000  }
0x77: {  	[sflag:s15] =	ssyncset.done $0x0  }
0x78: {  	[sflag:s15] =	ssyncadd.s32 $0xFFFFE000  }
0x79: {  	_ =	swait.ge [sflag:s16], $0x2000  }
0x7a: {  	[sflag:s16] =	ssyncset.done $0x0  }
0x7b: {  	[sflag:s16] =	ssyncadd.s32 $0xFFFFE000  }
0x7c: {  	_ =	swait.ge [sflag:s28], $0x40  }
0x7d: {  	[sflag:s28] =	ssyncset.done $0x0  }
0x7e: {  	s0 =	simm.s32 $0x0;
	s20 =	simm.s32 $0x280;
	[sflag:s28] =	ssyncadd.s32 $0xFFFFFFC0  }
0x7f: {  	[tilespmem:s20], [sflag:$0x1] =	stream.indirect.gather [hbm4b:s1+s29], $0x80, s0, s29, $0xb8;
	[tilespmem:$0x1E280] =	vst v63  }
0x80: {  	s20 =	sshll.u32 s31, $0x4  }
0x81: {  	s4 =	sadd.s32 s7, s20;
	s20 =	sadd.s32 s6, s12;
	s12 =	rddreg [dreg:$0xd]  }
0x82: {  	[tilespmem:s22], [sflag:$0x5] =	stream.linear.gather [hbm4b:s4+s0], $0x2000, $0x38;
	[tilespmem:$0x1E280] =	vst v63  }
0x83: {  	s31 =	sadd.s32 s30, s12  }
0x84: {  	s12 =	sshrl.u32 s31, $0x3  }
0x85: {  	[tilespmem:s23], [sflag:$0xD] =	stream.linear.gather [hbm4b:s20+s0], $0x40, $0x38;
	[tilespmem:$0x1E280] =	vst v63  }
0x86: {  	s20 =	sadd.s32 s5, s12  }
0x87: {  	[tilespmem:s26], [sflag:$0xA] =	stream.linear.gather [hbm4b:s20+s0], $0x40, $0x38;
	[tilespmem:$0x1E280] =	vst v63  }
0x88: {  	s0 =	simm.s32 $0x0  }
0x89: {  	v6 =	vld [tilespmem:s0+$0x2280]  }
0x8a: {  	v11 =	vld [tilespmem:s0+$0x2290]  }
0x8b: {  	v5 =	vld [tilespmem:s0+$0x22A0]  }
0x8c: {  	v4 =	vld [tilespmem:s0+$0x22B0]  }
0x8d: {  	v3 =	vld [tilespmem:s0+$0x22C0]  }
0x8e: {  	v2 =	vld [tilespmem:s0+$0x22D0]  }
0x8f: {  	v1 =	vld [tilespmem:s0+$0x22E0]  }
0x90: {  	v0 =	vld [tilespmem:s0+$0x22F0]  }
0x91: {  	v12 =	vld [tilespmem:s0+$0x6280]  }
0x92: {  	v13 =	vld [tilespmem:s0+$0x6290]  }
0x93: {  	v10 =	vld [tilespmem:s0+$0x62A0]  }
0x94: {  	v9 =	vld [tilespmem:s0+$0x62B0]  }
0x95: {  	v8 =	vld [tilespmem:s0+$0x62C0]  }
0x96: {  	v7 =	vld [tilespmem:s0+$0x62D0];
	v12 =	vadd.f32 v6, v12  }
0x97: {  	s4 =	simm.s32 $0x200;
	v11 =	vadd.f32 v11, v13;
	v6 =	vld [tilespmem:s0+$0x62E0]  }
.LBB2_5:
0x98: {  	s20 =	sshra.s32 s4, $0x2;
	p0 =	sne.s32 s4, $0x7E00;
	v12 =	vmax.f32 v12, $0.0e+00;
	v5 =	vadd.f32 v5, v10;
	v10 =	vld [tilespmem:s0+$0x62F0]  }
0x99: {  	v13 =	vld [tilespmem:s20+$0x2280];
	[tilespmem:s0+$0x6280] =	vst v12;
	v11 =	vmax.f32 v11, $0.0e+00;
	v4 =	vadd.f32 v4, v9  }
0x9a: {  	v14 =	vld [tilespmem:s20+$0x2290];
	[tilespmem:s0+$0x6290] =	vst v11;
	v9 =	vmax.f32 v5, $0.0e+00;
	v3 =	vadd.f32 v3, v8  }
0x9b: {  	v5 =	vld [tilespmem:s20+$0x22A0];
	[tilespmem:s0+$0x62A0] =	vst v9;
	v8 =	vmax.f32 v4, $0.0e+00;
	v2 =	vadd.f32 v2, v7  }
0x9c: {  	v4 =	vld [tilespmem:s20+$0x22B0];
	[tilespmem:s0+$0x62B0] =	vst v8;
	v7 =	vmax.f32 v3, $0.0e+00;
	v1 =	vadd.f32 v1, v6  }
0x9d: {  	v3 =	vld [tilespmem:s20+$0x22C0];
	[tilespmem:s0+$0x62C0] =	vst v7;
	v6 =	vmax.f32 v2, $0.0e+00;
	v0 =	vadd.f32 v0, v10  }
0x9e: {  	v2 =	vld [tilespmem:s20+$0x22D0];
	[tilespmem:s0+$0x62D0] =	vst v6;
	v6 =	vmax.f32 v1, $0.0e+00  }
0x9f: {  	v1 =	vld [tilespmem:s20+$0x22E0];
	[tilespmem:s0+$0x62E0] =	vst v6;
	v6 =	vmax.f32 v0, $0.0e+00  }
0xa0: {  	v0 =	vld [tilespmem:s20+$0x22F0];
	[tilespmem:s0+$0x62F0] =	vst v6;
	s0 =	smov.u32 s20  }
0xa1: {  	v6 =	vld [tilespmem:s0+$0x6280]  }
0xa2: {  	v11 =	vld [tilespmem:s0+$0x6290]  }
.Ltmp1:
0xa3: {  	v10 =	vld [tilespmem:s0+$0x62A0];
	(pc) =	sbr.rel @p0 .LBB2_5-.Ltmp1, $4  }
0xa4: {  	v9 =	vld [tilespmem:s0+$0x62B0]  }
0xa5: {  	v8 =	vld [tilespmem:s0+$0x62C0]  }
0xa6: {  	v12 =	vadd.f32 v13, v6;
	v7 =	vld [tilespmem:s0+$0x62D0]  }
0xa7: {  	s4 =	sadd.s32 $0x200, s4;
	v11 =	vadd.f32 v14, v11;
	v6 =	vld [tilespmem:s0+$0x62E0]  }
0xa8: {  	v12 =	vmax.f32 v12, $0.0e+00;
	v5 =	vadd.f32 v5, v10;
	v10 =	vld [tilespmem:s0+$0x62F0]  }
0xa9: {  	[tilespmem:s0+$0x6280] =	vst v12;
	v11 =	vmax.f32 v11, $0.0e+00;
	v4 =	vadd.f32 v4, v9  }
0xaa: {  	[tilespmem:s0+$0x6290] =	vst v11;
	v5 =	vmax.f32 v5, $0.0e+00;
	v3 =	vadd.f32 v3, v8  }
0xab: {  	[tilespmem:s0+$0x62A0] =	vst v5;
	v4 =	vmax.f32 v4, $0.0e+00;
	v2 =	vadd.f32 v2, v7  }
0xac: {  	[tilespmem:s0+$0x62B0] =	vst v4;
	v3 =	vmax.f32 v3, $0.0e+00;
	v1 =	vadd.f32 v1, v6  }
0xad: {  	[tilespmem:s0+$0x62C0] =	vst v3;
	v2 =	vmax.f32 v2, $0.0e+00;
	v0 =	vadd.f32 v0, v10  }
0xae: {  	[tilespmem:s0+$0x62D0] =	vst v2;
	v1 =	vmax.f32 v1, $0.0e+00  }
0xaf: {  	[tilespmem:s0+$0x62E0] =	vst v1;
	v0 =	vmax.f32 v0, $0.0e+00  }
0xb0: {  	[tilespmem:s0+$0x62F0] =	vst v0  }
0xb1: {  	_ =	swait.ge [sflag:s11], $0x40  }
0xb2: {  	[sflag:s11] =	ssyncset.done $0x0  }
0xb3: {  	[sflag:s11] =	ssyncadd.s32 $0xFFFFFFC0  }
0xb4: {  	_ =	swait.ge [sflag:s24], $0x2000  }
0xb5: {  	[sflag:s24] =	ssyncset.done $0x0  }
0xb6: {  	s4 =	simm.s32 $0x180;
	[sflag:s24] =	ssyncadd.s32 $0xFFFFE000  }
0xb7: {  	[spmem:s2] =	stream.indirect.scatter.add.f32 [tilespmem:s13], [sflag:$0x7], $0x80, s4, s29, $0xb8;
	[tilespmem:$0x1E280] =	vst v63  }
0xb8: {  	_ =	swait.ge [sflag:s3], $0x2000  }
0xb9: {  	[sflag:s3] =	ssyncset.done $0x0  }
0xba: {  	[sflag:s3] =	ssyncadd.s32 $0xFFFFE000  }
0xbb: {  	_ =	swait.ge [sflag:s17], $0x2000  }
0xbc: {  	[sflag:s17] =	ssyncset.done $0x0  }
0xbd: {  	[sflag:s17] =	ssyncadd.s32 $0xFFFFE000  }
0xbe: {  	_ =	swait.ge [sflag:s10], $0x40  }
0xbf: {  	[sflag:s10] =	ssyncset.done $0x0  }
0xc0: {  	s20 =	simm.s32 $0x2280;
	s4 =	sshll.u32 s31, $0x4;
	[sflag:s10] =	ssyncadd.s32 $0xFFFFFFC0  }
0xc1: {  	[tilespmem:s20], [sflag:$0x2] =	stream.indirect.gather [hbm4b:s1+s29], $0x80, s26, s29, $0xb8;
	[tilespmem:$0x1E280] =	vst v63  }
0xc2: {  	s0 =	sadd.s32 s7, s4;
	s4 =	simm.s32 $0x0;
	s20 =	simm.s32 $0x4280  }
0xc3: {  	[tilespmem:s20], [sflag:$0x3] =	stream.linear.gather [hbm4b:s0+s4], $0x2000, $0x38;
	[tilespmem:$0x1E280] =	vst v63  }
0xc4: {  	s12 =	sadd.s32 s6, s12;
	s20 =	simm.s32 $0x100  }
0xc5: {  	[tilespmem:s20], [sflag:$0xB] =	stream.linear.gather [hbm4b:s12+s4], $0x40, $0x38;
	[tilespmem:$0x1E280] =	vst v63  }
0xc6: {  	s12 =	rddreg [dreg:$0xe]  }
0xc7: {  	s31 =	sadd.s32 s30, s12  }
0xc8: {  	s12 =	sshrl.u32 s31, $0x3  }
0xc9: {  	s0 =	simm.s32 $0x0;
	s20 =	sadd.s32 s5, s12  }
0xca: {  	[tilespmem:s4], [sflag:$0x9] =	stream.linear.gather [hbm4b:s20+s4], $0x40, $0x38;
	[tilespmem:$0x1E280] =	vst v63  }
0xcb: {  	v6 =	vld [tilespmem:s0+$0x280]  }
0xcc: {  	v11 =	vld [tilespmem:s0+$0x290]  }
0xcd: {  	v5 =	vld [tilespmem:s0+$0x2A0]  }
0xce: {  	v4 =	vld [tilespmem:s0+$0x2B0]  }
0xcf: {  	v3 =	vld [tilespmem:s0+$0x2C0]  }
0xd0: {  	v2 =	vld [tilespmem:s0+$0x2D0]  }
0xd1: {  	v1 =	vld [tilespmem:s0+$0x2E0]  }
0xd2: {  	v0 =	vld [tilespmem:s0+$0x2F0]  }
0xd3: {  	v12 =	vld [tilespmem:s0+$0x8280]  }
0xd4: {  	v13 =	vld [tilespmem:s0+$0x8290]  }
0xd5: {  	v10 =	vld [tilespmem:s0+$0x82A0]  }
0xd6: {  	v9 =	vld [tilespmem:s0+$0x82B0]  }
0xd7: {  	v8 =	vld [tilespmem:s0+$0x82C0]  }
0xd8: {  	v7 =	vld [tilespmem:s0+$0x82D0];
	v12 =	vadd.f32 v6, v12  }
0xd9: {  	s4 =	simm.s32 $0x200;
	v11 =	vadd.f32 v11, v13;
	v6 =	vld [tilespmem:s0+$0x82E0]  }
.LBB2_7:
0xda: {  	s20 =	sshra.s32 s4, $0x2;
	p0 =	sne.s32 s4, $0x7E00;
	v12 =	vmax.f32 v12, $0.0e+00;
	v5 =	vadd.f32 v5, v10;
	v10 =	vld [tilespmem:s0+$0x82F0]  }
0xdb: {  	v13 =	vld [tilespmem:s20+$0x280];
	[tilespmem:s0+$0x8280] =	vst v12;
	v11 =	vmax.f32 v11, $0.0e+00;
	v4 =	vadd.f32 v4, v9  }
0xdc: {  	v14 =	vld [tilespmem:s20+$0x290];
	[tilespmem:s0+$0x8290] =	vst v11;
	v9 =	vmax.f32 v5, $0.0e+00;
	v3 =	vadd.f32 v3, v8  }
0xdd: {  	v5 =	vld [tilespmem:s20+$0x2A0];
	[tilespmem:s0+$0x82A0] =	vst v9;
	v8 =	vmax.f32 v4, $0.0e+00;
	v2 =	vadd.f32 v2, v7  }
0xde: {  	v4 =	vld [tilespmem:s20+$0x2B0];
	[tilespmem:s0+$0x82B0] =	vst v8;
	v7 =	vmax.f32 v3, $0.0e+00;
	v1 =	vadd.f32 v1, v6  }
0xdf: {  	v3 =	vld [tilespmem:s20+$0x2C0];
	[tilespmem:s0+$0x82C0] =	vst v7;
	v6 =	vmax.f32 v2, $0.0e+00;
	v0 =	vadd.f32 v0, v10  }
0xe0: {  	v2 =	vld [tilespmem:s20+$0x2D0];
	[tilespmem:s0+$0x82D0] =	vst v6;
	v6 =	vmax.f32 v1, $0.0e+00  }
0xe1: {  	v1 =	vld [tilespmem:s20+$0x2E0];
	[tilespmem:s0+$0x82E0] =	vst v6;
	v6 =	vmax.f32 v0, $0.0e+00  }
0xe2: {  	v0 =	vld [tilespmem:s20+$0x2F0];
	[tilespmem:s0+$0x82F0] =	vst v6;
	s0 =	smov.u32 s20  }
0xe3: {  	v6 =	vld [tilespmem:s0+$0x8280]  }
0xe4: {  	v11 =	vld [tilespmem:s0+$0x8290]  }
.Ltmp2:
0xe5: {  	v10 =	vld [tilespmem:s0+$0x82A0];
	(pc) =	sbr.rel @p0 .LBB2_7-.Ltmp2, $4  }
0xe6: {  	v9 =	vld [tilespmem:s0+$0x82B0]  }
0xe7: {  	v8 =	vld [tilespmem:s0+$0x82C0]  }
0xe8: {  	v12 =	vadd.f32 v13, v6;
	v7 =	vld [tilespmem:s0+$0x82D0]  }
0xe9: {  	s4 =	sadd.s32 $0x200, s4;
	v11 =	vadd.f32 v14, v11;
	v6 =	vld [tilespmem:s0+$0x82E0]  }
0xea: {  	v12 =	vmax.f32 v12, $0.0e+00;
	v5 =	vadd.f32 v5, v10;
	v10 =	vld [tilespmem:s0+$0x82F0]  }
0xeb: {  	[tilespmem:s0+$0x8280] =	vst v12;
	v11 =	vmax.f32 v11, $0.0e+00;
	v4 =	vadd.f32 v4, v9  }
0xec: {  	[tilespmem:s0+$0x8290] =	vst v11;
	v5 =	vmax.f32 v5, $0.0e+00;
	v3 =	vadd.f32 v3, v8  }
0xed: {  	[tilespmem:s0+$0x82A0] =	vst v5;
	v4 =	vmax.f32 v4, $0.0e+00;
	v2 =	vadd.f32 v2, v7  }
0xee: {  	[tilespmem:s0+$0x82B0] =	vst v4;
	v3 =	vmax.f32 v3, $0.0e+00;
	v1 =	vadd.f32 v1, v6  }
0xef: {  	[tilespmem:s0+$0x82C0] =	vst v3;
	v2 =	vmax.f32 v2, $0.0e+00;
	v0 =	vadd.f32 v0, v10  }
0xf0: {  	[tilespmem:s0+$0x82D0] =	vst v2;
	v1 =	vmax.f32 v1, $0.0e+00  }
0xf1: {  	[tilespmem:s0+$0x82E0] =	vst v1;
	v0 =	vmax.f32 v0, $0.0e+00  }
0xf2: {  	[tilespmem:s0+$0x82F0] =	vst v0  }
0xf3: {  	_ =	swait.ge [sflag:s18], $0x40  }
0xf4: {  	[sflag:s18] =	ssyncset.done $0x0  }
0xf5: {  	[sflag:s18] =	ssyncadd.s32 $0xFFFFFFC0  }
0xf6: {  	_ =	swait.ge [sflag:s19], $0x2000  }
0xf7: {  	[sflag:s19] =	ssyncset.done $0x0  }
0xf8: {  	[sflag:s19] =	ssyncadd.s32 $0xFFFFE000  }
0xf9: {  	[spmem:s2] =	stream.indirect.scatter.add.f32 [tilespmem:s22], [sflag:$0x8], $0x80, s23, s29, $0xb8;
	[tilespmem:$0x1E280] =	vst v63  }
0xfa: {  	_ =	swait.ge [sflag:s15], $0x2000  }
0xfb: {  	[sflag:s15] =	ssyncset.done $0x0  }
0xfc: {  	[sflag:s15] =	ssyncadd.s32 $0xFFFFE000  }
0xfd: {  	_ =	swait.ge [sflag:s9], $0x2000  }
0xfe: {  	[sflag:s9] =	ssyncset.done $0x0  }
0xff: {  	[sflag:s9] =	ssyncadd.s32 $0xFFFFE000  }
0x100: {  	_ =	swait.ge [sflag:s28], $0x40  }
0x101: {  	s4 =	simm.s32 $0x280;
	[sflag:s28] =	ssyncset.done $0x0  }
0x102: {  	s20 =	sshll.u32 s31, $0x4;
	s0 =	simm.s32 $0x0;
	[sflag:s28] =	ssyncadd.s32 $0xFFFFFFC0  }
0x103: {  	[tilespmem:s4], [sflag:$0x1] =	stream.indirect.gather [hbm4b:s1+s29], $0x80, s0, s29, $0xb8;
	[tilespmem:$0x1E280] =	vst v63  }
0x104: {  	s4 =	sadd.s32 s7, s20  }
0x105: {  	[tilespmem:s13], [sflag:$0x4] =	stream.linear.gather [hbm4b:s4+s0], $0x2000, $0x38;
	[tilespmem:$0x1E280] =	vst v63  }
0x106: {  	s12 =	sadd.s32 s6, s12;
	s20 =	simm.s32 $0x180  }
0x107: {  	[tilespmem:s20], [sflag:$0xC] =	stream.linear.gather [hbm4b:s12+s0], $0x40, $0x38;
	[tilespmem:$0x1E280] =	vst v63  }
0x108: {  	s12 =	rddreg [dreg:$0xf]  }
0x109: {  	s31 =	sadd.s32 s30, s12  }
0x10a: {  	s12 =	sshrl.u32 s31, $0x3  }
0x10b: {  	s20 =	sadd.s32 s5, s12  }
0x10c: {  	[tilespmem:s26], [sflag:$0xA] =	stream.linear.gather [hbm4b:s20+s0], $0x40, $0x38;
	[tilespmem:$0x1E280] =	vst v63  }
0x10d: {  	s0 =	simm.s32 $0x0  }
0x10e: {  	v6 =	vld [tilespmem:s0+$0x2280]  }
0x10f: {  	v11 =	vld [tilespmem:s0+$0x2290]  }
0x110: {  	v5 =	vld [tilespmem:s0+$0x22A0]  }
0x111: {  	v4 =	vld [tilespmem:s0+$0x22B0]  }
0x112: {  	v3 =	vld [tilespmem:s0+$0x22C0]  }
0x113: {  	v2 =	vld [tilespmem:s0+$0x22D0]  }
0x114: {  	v1 =	vld [tilespmem:s0+$0x22E0]  }
0x115: {  	v0 =	vld [tilespmem:s0+$0x22F0]  }
0x116: {  	v12 =	vld [tilespmem:s0+$0x4280]  }
0x117: {  	v13 =	vld [tilespmem:s0+$0x4290]  }
0x118: {  	v10 =	vld [tilespmem:s0+$0x42A0]  }
0x119: {  	v9 =	vld [tilespmem:s0+$0x42B0]  }
0x11a: {  	v8 =	vld [tilespmem:s0+$0x42C0]  }
0x11b: {  	v7 =	vld [tilespmem:s0+$0x42D0];
	v12 =	vadd.f32 v6, v12  }
0x11c: {  	s4 =	simm.s32 $0x200;
	v11 =	vadd.f32 v11, v13;
	v6 =	vld [tilespmem:s0+$0x42E0]  }
.LBB2_9:
0x11d: {  	s20 =	sshra.s32 s4, $0x2;
	p0 =	sne.s32 s4, $0x7E00;
	v12 =	vmax.f32 v12, $0.0e+00;
	v5 =	vadd.f32 v5, v10;
	v10 =	vld [tilespmem:s0+$0x42F0]  }
0x11e: {  	v13 =	vld [tilespmem:s20+$0x2280];
	[tilespmem:s0+$0x4280] =	vst v12;
	v11 =	vmax.f32 v11, $0.0e+00;
	v4 =	vadd.f32 v4, v9  }
0x11f: {  	v14 =	vld [tilespmem:s20+$0x2290];
	[tilespmem:s0+$0x4290] =	vst v11;
	v9 =	vmax.f32 v5, $0.0e+00;
	v3 =	vadd.f32 v3, v8  }
0x120: {  	v5 =	vld [tilespmem:s20+$0x22A0];
	[tilespmem:s0+$0x42A0] =	vst v9;
	v8 =	vmax.f32 v4, $0.0e+00;
	v2 =	vadd.f32 v2, v7  }
0x121: {  	v4 =	vld [tilespmem:s20+$0x22B0];
	[tilespmem:s0+$0x42B0] =	vst v8;
	v7 =	vmax.f32 v3, $0.0e+00;
	v1 =	vadd.f32 v1, v6  }
0x122: {  	v3 =	vld [tilespmem:s20+$0x22C0];
	[tilespmem:s0+$0x42C0] =	vst v7;
	v6 =	vmax.f32 v2, $0.0e+00;
	v0 =	vadd.f32 v0, v10  }
0x123: {  	v2 =	vld [tilespmem:s20+$0x22D0];
	[tilespmem:s0+$0x42D0] =	vst v6;
	v6 =	vmax.f32 v1, $0.0e+00  }
0x124: {  	v1 =	vld [tilespmem:s20+$0x22E0];
	[tilespmem:s0+$0x42E0] =	vst v6;
	v6 =	vmax.f32 v0, $0.0e+00  }
0x125: {  	v0 =	vld [tilespmem:s20+$0x22F0];
	[tilespmem:s0+$0x42F0] =	vst v6;
	s0 =	smov.u32 s20  }
0x126: {  	v6 =	vld [tilespmem:s0+$0x4280]  }
0x127: {  	v11 =	vld [tilespmem:s0+$0x4290]  }
.Ltmp3:
0x128: {  	v10 =	vld [tilespmem:s0+$0x42A0];
	(pc) =	sbr.rel @p0 .LBB2_9-.Ltmp3, $4  }
0x129: {  	v9 =	vld [tilespmem:s0+$0x42B0]  }
0x12a: {  	v8 =	vld [tilespmem:s0+$0x42C0]  }
0x12b: {  	v12 =	vadd.f32 v13, v6;
	v7 =	vld [tilespmem:s0+$0x42D0]  }
0x12c: {  	s4 =	sadd.s32 $0x200, s4;
	v11 =	vadd.f32 v14, v11;
	v6 =	vld [tilespmem:s0+$0x42E0]  }
0x12d: {  	v12 =	vmax.f32 v12, $0.0e+00;
	v5 =	vadd.f32 v5, v10;
	v10 =	vld [tilespmem:s0+$0x42F0]  }
0x12e: {  	[tilespmem:s0+$0x4280] =	vst v12;
	v11 =	vmax.f32 v11, $0.0e+00;
	v4 =	vadd.f32 v4, v9  }
0x12f: {  	[tilespmem:s0+$0x4290] =	vst v11;
	v5 =	vmax.f32 v5, $0.0e+00;
	v3 =	vadd.f32 v3, v8  }
0x130: {  	[tilespmem:s0+$0x42A0] =	vst v5;
	v4 =	vmax.f32 v4, $0.0e+00;
	v2 =	vadd.f32 v2, v7  }
0x131: {  	[tilespmem:s0+$0x42B0] =	vst v4;
	v3 =	vmax.f32 v3, $0.0e+00;
	v1 =	vadd.f32 v1, v6  }
0x132: {  	[tilespmem:s0+$0x42C0] =	vst v3;
	v2 =	vmax.f32 v2, $0.0e+00;
	v0 =	vadd.f32 v0, v10  }
0x133: {  	[tilespmem:s0+$0x42D0] =	vst v2;
	v1 =	vmax.f32 v1, $0.0e+00  }
0x134: {  	[tilespmem:s0+$0x42E0] =	vst v1;
	v0 =	vmax.f32 v0, $0.0e+00  }
0x135: {  	[tilespmem:s0+$0x42F0] =	vst v0  }
0x136: {  	_ =	swait.ge [sflag:s14], $0x40  }
0x137: {  	[sflag:s14] =	ssyncset.done $0x0  }
0x138: {  	s4 =	simm.s32 $0x8;
	[sflag:s14] =	ssyncadd.s32 $0xFFFFFFC0  }
0x139: {  	_ =	swait.ge [sflag:s4], $0x2000  }
0x13a: {  	[sflag:s4] =	ssyncset.done $0x0  }
0x13b: {  	s20 =	simm.s32 $0x100;
	[sflag:s4] =	ssyncadd.s32 $0xFFFFE000;
	s4 =	simm.s32 $0x4280  }
0x13c: {  	[spmem:s2] =	stream.indirect.scatter.add.f32 [tilespmem:s4], [sflag:$0x6], $0x80, s20, s29, $0xb8;
	[tilespmem:$0x1E280] =	vst v63  }
0x13d: {  	_ =	swait.ge [sflag:s3], $0x2000  }
0x13e: {  	[sflag:s3] =	ssyncset.done $0x0  }
0x13f: {  	[sflag:s3] =	ssyncadd.s32 $0xFFFFE000  }
0x140: {  	_ =	swait.ge [sflag:s16], $0x2000  }
0x141: {  	[sflag:s16] =	ssyncset.done $0x0  }
0x142: {  	[sflag:s16] =	ssyncadd.s32 $0xFFFFE000  }
0x143: {  	_ =	swait.ge [sflag:s10], $0x40  }
0x144: {  	[sflag:s10] =	ssyncset.done $0x0  }
0x145: {  	s20 =	simm.s32 $0x2280;
	s4 =	sshll.u32 s31, $0x4;
	[sflag:s10] =	ssyncadd.s32 $0xFFFFFFC0  }
0x146: {  	[tilespmem:s20], [sflag:$0x2] =	stream.indirect.gather [hbm4b:s1+s29], $0x80, s26, s29, $0xb8;
	[tilespmem:$0x1E280] =	vst v63  }
0x147: {  	s31 =	simm.s32 $0x0;
	s0 =	sadd.s32 s7, s4  }
0x148: {  	[tilespmem:s22], [sflag:$0x5] =	stream.linear.gather [hbm4b:s0+s31], $0x2000, $0x38;
	[tilespmem:$0x1E280] =	vst v63  }
0x149: {  	p0 =	seq.s32 s21, $0xA;
	s0 =	sadd.s32 $0x6, s25  }
0x14a: {  	s20 =	sadd.s32 s6, s12;
	s0 =	sshll.u32 @!p0 s0, $0x6  }
0x14b: {  	[tilespmem:s23], [sflag:$0xD] =	stream.linear.gather [hbm4b:s20+s31], $0x40, $0x38;
	[tilespmem:$0x1E280] =	vst v63  }
0x14c: {  	s12 =	sadd.s32 @!p0 s8, s0  }
0x14d: {  	s25 =	sshrl.u32 @!p0 s12, $0x3  }
0x14e: {  	s4 =	simm.s32 @!p0 $0x0;
	s0 =	sadd.s32 @!p0 s5, s25  }
0x14f: {  	[tilespmem:s4], [sflag:$0x9] =	stream.linear.gather @!p0 [hbm4b:s0+s4], $0x40, $0x38;
	[tilespmem:$0x1E280] =	vst v63  }
0x150: {  	s0 =	simm.s32 $0x0  }
0x151: {  	v6 =	vld [tilespmem:s0+$0x280]  }
0x152: {  	v11 =	vld [tilespmem:s0+$0x290]  }
0x153: {  	v5 =	vld [tilespmem:s0+$0x2A0]  }
0x154: {  	v4 =	vld [tilespmem:s0+$0x2B0]  }
0x155: {  	v3 =	vld [tilespmem:s0+$0x2C0]  }
0x156: {  	v2 =	vld [tilespmem:s0+$0x2D0]  }
0x157: {  	v1 =	vld [tilespmem:s0+$0x2E0]  }
0x158: {  	v0 =	vld [tilespmem:s0+$0x2F0]  }
0x159: {  	v12 =	vld [tilespmem:s0+$0x6280]  }
0x15a: {  	v13 =	vld [tilespmem:s0+$0x6290]  }
0x15b: {  	v10 =	vld [tilespmem:s0+$0x62A0]  }
0x15c: {  	v9 =	vld [tilespmem:s0+$0x62B0]  }
0x15d: {  	v8 =	vld [tilespmem:s0+$0x62C0]  }
0x15e: {  	v7 =	vld [tilespmem:s0+$0x62D0];
	v12 =	vadd.f32 v6, v12  }
0x15f: {  	s4 =	simm.s32 $0x200;
	v11 =	vadd.f32 v11, v13;
	v6 =	vld [tilespmem:s0+$0x62E0]  }
.LBB2_11:
0x160: {  	s20 =	sshra.s32 s4, $0x2;
	p1 =	sne.s32 s4, $0x7E00;
	v12 =	vmax.f32 v12, $0.0e+00;
	v5 =	vadd.f32 v5, v10;
	v10 =	vld [tilespmem:s0+$0x62F0]  }
0x161: {  	v13 =	vld [tilespmem:s20+$0x280];
	[tilespmem:s0+$0x6280] =	vst v12;
	v11 =	vmax.f32 v11, $0.0e+00;
	v4 =	vadd.f32 v4, v9  }
0x162: {  	v14 =	vld [tilespmem:s20+$0x290];
	[tilespmem:s0+$0x6290] =	vst v11;
	v9 =	vmax.f32 v5, $0.0e+00;
	v3 =	vadd.f32 v3, v8  }
0x163: {  	v5 =	vld [tilespmem:s20+$0x2A0];
	[tilespmem:s0+$0x62A0] =	vst v9;
	v8 =	vmax.f32 v4, $0.0e+00;
	v2 =	vadd.f32 v2, v7  }
0x164: {  	v4 =	vld [tilespmem:s20+$0x2B0];
	[tilespmem:s0+$0x62B0] =	vst v8;
	v7 =	vmax.f32 v3, $0.0e+00;
	v1 =	vadd.f32 v1, v6  }
0x165: {  	v3 =	vld [tilespmem:s20+$0x2C0];
	[tilespmem:s0+$0x62C0] =	vst v7;
	v6 =	vmax.f32 v2, $0.0e+00;
	v0 =	vadd.f32 v0, v10  }
0x166: {  	v2 =	vld [tilespmem:s20+$0x2D0];
	[tilespmem:s0+$0x62D0] =	vst v6;
	v6 =	vmax.f32 v1, $0.0e+00  }
0x167: {  	v1 =	vld [tilespmem:s20+$0x2E0];
	[tilespmem:s0+$0x62E0] =	vst v6;
	v6 =	vmax.f32 v0, $0.0e+00  }
0x168: {  	v0 =	vld [tilespmem:s20+$0x2F0];
	[tilespmem:s0+$0x62F0] =	vst v6;
	s0 =	smov.u32 s20  }
0x169: {  	v6 =	vld [tilespmem:s0+$0x6280]  }
0x16a: {  	v11 =	vld [tilespmem:s0+$0x6290]  }
.Ltmp4:
0x16b: {  	v10 =	vld [tilespmem:s0+$0x62A0];
	(pc) =	sbr.rel @p1 .LBB2_11-.Ltmp4, $4  }
0x16c: {  	v9 =	vld [tilespmem:s0+$0x62B0]  }
0x16d: {  	v8 =	vld [tilespmem:s0+$0x62C0]  }
0x16e: {  	v12 =	vadd.f32 v13, v6;
	v7 =	vld [tilespmem:s0+$0x62D0]  }
0x16f: {  	s4 =	sadd.s32 $0x200, s4;
	v11 =	vadd.f32 v14, v11;
	v6 =	vld [tilespmem:s0+$0x62E0]  }
0x170: {  	v12 =	vmax.f32 v12, $0.0e+00;
	v5 =	vadd.f32 v5, v10;
	v10 =	vld [tilespmem:s0+$0x62F0]  }
0x171: {  	[tilespmem:s0+$0x6280] =	vst v12;
	v11 =	vmax.f32 v11, $0.0e+00;
	v4 =	vadd.f32 v4, v9  }
0x172: {  	[tilespmem:s0+$0x6290] =	vst v11;
	v5 =	vmax.f32 v5, $0.0e+00;
	v3 =	vadd.f32 v3, v8  }
0x173: {  	[tilespmem:s0+$0x62A0] =	vst v5;
	v4 =	vmax.f32 v4, $0.0e+00;
	v2 =	vadd.f32 v2, v7  }
0x174: {  	[tilespmem:s0+$0x62B0] =	vst v4;
	v3 =	vmax.f32 v3, $0.0e+00;
	v1 =	vadd.f32 v1, v6  }
0x175: {  	[tilespmem:s0+$0x62C0] =	vst v3;
	v2 =	vmax.f32 v2, $0.0e+00;
	v0 =	vadd.f32 v0, v10  }
0x176: {  	[tilespmem:s0+$0x62D0] =	vst v2;
	v1 =	vmax.f32 v1, $0.0e+00  }
0x177: {  	[tilespmem:s0+$0x62E0] =	vst v1;
	v0 =	vmax.f32 v0, $0.0e+00  }
0x178: {  	[tilespmem:s0+$0x62F0] =	vst v0  }
0x179: {  	_ =	swait.ge [sflag:s11], $0x40  }
0x17a: {  	[sflag:s11] =	ssyncset.done $0x0  }
0x17b: {  	[sflag:s11] =	ssyncadd.s32 $0xFFFFFFC0  }
0x17c: {  	_ =	swait.ge [sflag:s24], $0x2000  }
0x17d: {  	[sflag:s24] =	ssyncset.done $0x0  }
0x17e: {  	s20 =	simm.s32 $0x180;
	[sflag:s24] =	ssyncadd.s32 $0xFFFFE000  }
0x17f: {  	[spmem:s2] =	stream.indirect.scatter.add.f32 [tilespmem:s13], [sflag:$0x7], $0x80, s20, s29, $0xb8;
	[tilespmem:$0x1E280] =	vst v63  }
0x180: {  	_ =	swait.ge [sflag:s15], $0x2000  }
0x181: {  	[sflag:s15] =	ssyncset.done $0x0  }
0x182: {  	[sflag:s15] =	ssyncadd.s32 $0xFFFFE000  }
0x183: {  	_ =	swait.ge [sflag:s17], $0x2000  }
0x184: {  	[sflag:s17] =	ssyncset.done $0x0  }
0x185: {  	s0 =	simm.s32 @!p0 $0x9;
	[sflag:s17] =	ssyncadd.s32 $0xFFFFE000  }
0x186: {  	_ =	swait.ge @!p0 [sflag:s0], $0x40  }
0x187: {  	s4 =	simm.s32 @!p0 $0x0;
	[sflag:s0] =	ssyncset.done @!p0 $0x0  }
0x188: {  	s20 =	simm.s32 @!p0 $0x280;
	[sflag:s0] =	ssyncadd.s32 @!p0 $0xFFFFFFC0;
	s0 =	simm.s32 @!p0 $0x40  }
0x189: {  	[tilespmem:s20], [sflag:$0x1] =	stream.indirect.gather @!p0 [hbm4b:s1+s0], $0x80, s4, s0, $0xb8;
	[tilespmem:$0x1E280] =	vst v63  }
0x18a: {  	s0 =	sshll.u32 @!p0 s12, $0x4  }
0x18b: {  	s12 =	simm.s32 @!p0 $0x4280;
	s0 =	sadd.s32 @!p0 s7, s0  }
0x18c: {  	[tilespmem:s12], [sflag:$0x3] =	stream.linear.gather @!p0 [hbm4b:s0+s4], $0x2000, $0x38;
	[tilespmem:$0x1E280] =	vst v63  }
0x18d: {  	s0 =	sadd.s32 @!p0 s6, s25;
	s12 =	simm.s32 @!p0 $0x100  }
0x18e: {  	[tilespmem:s12], [sflag:$0xB] =	stream.linear.gather @!p0 [hbm4b:s0+s4], $0x40, $0x38;
	[tilespmem:$0x1E280] =	vst v63  }
0x18f: {  	s0 =	rddreg [dreg:$0x10]  }
0x190: {  	s0 =	sadd.s32 @!p0 s30, s0  }
0x191: {  	s0 =	sshrl.u32 @!p0 s0, $0x3  }
0x192: {  	s12 =	simm.s32 @!p0 $0x80;
	s0 =	sadd.s32 @!p0 s5, s0  }
0x193: {  	[tilespmem:s12], [sflag:$0xA] =	stream.linear.gather @!p0 [hbm4b:s0+s4], $0x40, $0x38;
	[tilespmem:$0x1E280] =	vst v63  }
0x194: {  	s0 =	simm.s32 $0x0  }
0x195: {  	v6 =	vld [tilespmem:s0+$0x2280]  }
0x196: {  	v11 =	vld [tilespmem:s0+$0x2290]  }
0x197: {  	v5 =	vld [tilespmem:s0+$0x22A0]  }
0x198: {  	v4 =	vld [tilespmem:s0+$0x22B0]  }
0x199: {  	v3 =	vld [tilespmem:s0+$0x22C0]  }
0x19a: {  	v2 =	vld [tilespmem:s0+$0x22D0]  }
0x19b: {  	v1 =	vld [tilespmem:s0+$0x22E0]  }
0x19c: {  	v0 =	vld [tilespmem:s0+$0x22F0]  }
0x19d: {  	v12 =	vld [tilespmem:s0+$0x8280]  }
0x19e: {  	v13 =	vld [tilespmem:s0+$0x8290]  }
0x19f: {  	v10 =	vld [tilespmem:s0+$0x82A0]  }
0x1a0: {  	v9 =	vld [tilespmem:s0+$0x82B0]  }
0x1a1: {  	v8 =	vld [tilespmem:s0+$0x82C0]  }
0x1a2: {  	v7 =	vld [tilespmem:s0+$0x82D0];
	v12 =	vadd.f32 v6, v12  }
0x1a3: {  	s4 =	simm.s32 $0x200;
	v11 =	vadd.f32 v11, v13;
	v6 =	vld [tilespmem:s0+$0x82E0]  }
.LBB2_13:
0x1a4: {  	s12 =	sshra.s32 s4, $0x2;
	p0 =	sne.s32 s4, $0x7E00;
	v12 =	vmax.f32 v12, $0.0e+00;
	v5 =	vadd.f32 v5, v10;
	v10 =	vld [tilespmem:s0+$0x82F0]  }
0x1a5: {  	v13 =	vld [tilespmem:s12+$0x2280];
	[tilespmem:s0+$0x8280] =	vst v12;
	v11 =	vmax.f32 v11, $0.0e+00;
	v4 =	vadd.f32 v4, v9  }
0x1a6: {  	v14 =	vld [tilespmem:s12+$0x2290];
	[tilespmem:s0+$0x8290] =	vst v11;
	v9 =	vmax.f32 v5, $0.0e+00;
	v3 =	vadd.f32 v3, v8  }
0x1a7: {  	v5 =	vld [tilespmem:s12+$0x22A0];
	[tilespmem:s0+$0x82A0] =	vst v9;
	v8 =	vmax.f32 v4, $0.0e+00;
	v2 =	vadd.f32 v2, v7  }
0x1a8: {  	v4 =	vld [tilespmem:s12+$0x22B0];
	[tilespmem:s0+$0x82B0] =	vst v8;
	v7 =	vmax.f32 v3, $0.0e+00;
	v1 =	vadd.f32 v1, v6  }
0x1a9: {  	v3 =	vld [tilespmem:s12+$0x22C0];
	[tilespmem:s0+$0x82C0] =	vst v7;
	v6 =	vmax.f32 v2, $0.0e+00;
	v0 =	vadd.f32 v0, v10  }
0x1aa: {  	v2 =	vld [tilespmem:s12+$0x22D0];
	[tilespmem:s0+$0x82D0] =	vst v6;
	v6 =	vmax.f32 v1, $0.0e+00  }
0x1ab: {  	v1 =	vld [tilespmem:s12+$0x22E0];
	[tilespmem:s0+$0x82E0] =	vst v6;
	v6 =	vmax.f32 v0, $0.0e+00  }
0x1ac: {  	v0 =	vld [tilespmem:s12+$0x22F0];
	[tilespmem:s0+$0x82F0] =	vst v6;
	s0 =	smov.u32 s12  }
0x1ad: {  	v6 =	vld [tilespmem:s0+$0x8280]  }
0x1ae: {  	v11 =	vld [tilespmem:s0+$0x8290]  }
.Ltmp5:
0x1af: {  	v10 =	vld [tilespmem:s0+$0x82A0];
	(pc) =	sbr.rel @p0 .LBB2_13-.Ltmp5, $4  }
0x1b0: {  	v9 =	vld [tilespmem:s0+$0x82B0]  }
0x1b1: {  	v8 =	vld [tilespmem:s0+$0x82C0]  }
0x1b2: {  	v12 =	vadd.f32 v13, v6;
	v7 =	vld [tilespmem:s0+$0x82D0]  }
0x1b3: {  	s4 =	sadd.s32 $0x200, s4;
	v11 =	vadd.f32 v14, v11;
	v6 =	vld [tilespmem:s0+$0x82E0]  }
0x1b4: {  	v12 =	vmax.f32 v12, $0.0e+00;
	v5 =	vadd.f32 v5, v10;
	v63 =	vld [tilespmem:s0+$0x82F0]  }
0x1b5: {  	[tilespmem:s0+$0x8280] =	vst v12;
	v11 =	vmax.f32 v11, $0.0e+00;
	v4 =	vadd.f32 v4, v9  }
0x1b6: {  	[tilespmem:s0+$0x8290] =	vst v11;
	v5 =	vmax.f32 v5, $0.0e+00;
	v3 =	vadd.f32 v3, v8  }
0x1b7: {  	[tilespmem:s0+$0x82A0] =	vst v5;
	v4 =	vmax.f32 v4, $0.0e+00;
	v2 =	vadd.f32 v2, v7  }
0x1b8: {  	[tilespmem:s0+$0x82B0] =	vst v4;
	v3 =	vmax.f32 v3, $0.0e+00;
	v1 =	vadd.f32 v1, v6  }
0x1b9: {  	[tilespmem:s0+$0x82C0] =	vst v3;
	v2 =	vmax.f32 v2, $0.0e+00;
	v0 =	vadd.f32 v0, v63  }
0x1ba: {  	[tilespmem:s0+$0x82D0] =	vst v2;
	v1 =	vmax.f32 v1, $0.0e+00  }
0x1bb: {  	[tilespmem:s0+$0x82E0] =	vst v1;
	v0 =	vmax.f32 v0, $0.0e+00  }
0x1bc: {  	[tilespmem:s0+$0x82F0] =	vst v0  }
0x1bd: {  	s21 =	sadd.s32 $0x1, s21;
	_ =	swait.ge [sflag:s18], $0x40  }
0x1be: {  	p0 =	sne.s32 s21, $0xB;
	[sflag:s18] =	ssyncset.done $0x0  }
.Ltmp6:
0x1bf: {  	[sflag:s18] =	ssyncadd.s32 $0xFFFFFFC0;
	(pc) =	sbr.rel @p0 .LBB2_2-.Ltmp6, $4  }
0x1c0: {  	_ =	swait.ge [sflag:s19], $0x2000  }
0x1c1: {  	[sflag:s19] =	ssyncset.done $0x0  }
0x1c2: {  	[sflag:s19] =	ssyncadd.s32 $0xFFFFE000  }
0x1c3: {  	[spmem:s2] =	stream.indirect.scatter.add.f32 [tilespmem:s22], [sflag:$0x8], $0x80, s23, s29, $0xb8;
	[tilespmem:$0x1E280] =	vst v63  }
0x1c4: {  	s0 =	simm.s32 $0x8  }
0x1c5: {  	_ =	swait.ge [sflag:s0], $0x2000  }
0x1c6: {  	[sflag:s0] =	ssyncset.done $0x0  }
0x1c7: {  	[sflag:s0] =	ssyncadd.s32 $0xFFFFE000  }
0x1c8: {  	[bflag:$0x0] =	sbarrier.arrive $0xFFFF  }
0x1c9: {  	s12 =	rddreg [dreg:$0x6]  }
0x1ca: {  	s25 =	rddreg [dreg:$0x11]  }
0x1cb: {  	s4 =	rddreg [dreg:$0x14]  }
0x1cc: {  	[hbm:s25], [sflag:s12] =	dma.local [spmem:s4], $0x2800  }
0x1cd: {  	s4 =	simm.s32 $0xE  }
0x1ce: {  	_ =	swait.ge [sflag:s4], $0x2800  }
0x1cf: {  	s20 =	rddreg [dreg:$0x13]  }
0x1d0: {  	s30 =	rddreg [dreg:$0x12];
	s20 =	sadd.s32 $0x1, s20  }
0x1d1: {  	p0 =	sne.s32 s20, s30  }
.Ltmp7:
0x1d2: {  	_ = 	snop;
	(pc) =	sbr.rel @p0 .LBB2_1-.Ltmp7, $3  }
0x1d3: {  	_ =	sdelay $0x1  }
0x1d4: {  	[sflag:s4] =	ssyncset.done $0x0  }
0x1d5: {  	[sflag:s4] =	ssyncadd.s32 $0xFFFFD800  }
0x1d6: {  	_ =	sfence.sel $0x180000  }
0x1d7: {  	[bflag:$0x0] =	sbarrier.arrive $0xFFFF  }
0x1d8: {  	_ =	strace $0x90000047  }
0x1d9: {  	s0 =	stileid.u32;
	[bflag:$0x2] =	sbarrier.arrive $0xFFFF  }
0x1da: {  	p0 =	sne.s32 s0, $0x0;
	s0 =	rddreg [dreg:$0x3]  }
0x1db: {  	s0 =	sadd.s32 @!p0 $0x100000, s0  }
0x1dc: {  	[sflag:s0] =	ssyncadd.tile.s32 @!p0 $0x1;
	_ =	shalt  }
.Lfunc_end2:
_tile_overlayer_lowered:
.L_overlay_start_2:
0x1dd: {  	(tag) =	ssettag $0x2  }
0x1de: {  	s0 =	rddreg [dreg:$0x0];
	s2 =	stileid.u32  }
0x1df: {  	s1 =	rddreg [dreg:$0x1];
	p0 =	sne.s32 s2, $0x0  }
0x1e0: {  	s3 =	rddreg [dreg:$0x2];
	[bflag:$0x3] =	sbarrier.arrive $0xFFFF;
	s2 =	simm.s32 @!p0 $0x1C0E  }
0x1e1: {  	[timem:s3], [sflag:s2] =	dma.local @!p0 [hbm:s0], s1  }
0x1e2: {  	s0 =	simm.s32 @!p0 $0xE  }
0x1e3: {  	_ =	swait.ge @!p0 [sflag:s0], s1  }
0x1e4: {  	s1 =	ssub.s32 @!p0 $0x0, s1;
	[sflag:s0] =	ssyncset.done @!p0 $0x0  }
0x1e5: {  	[sflag:s0] =	ssyncadd.s32 @!p0 s1  }
0x1e6: {  	[bflag:$0x3] =	sbarrier.arrive $0xFFFF  }
0x1e7: {  	_ =	shalt  }

</sc_bundles>
